<compile_context>
chip_gen: v7x
topology: tpu7x:2x2x1
jax: 0.10.2.dev20260603
libtpu: 0.0.44.dev20260713+nightly
codegen_flags: <defaults>
</compile_context>

<pallas_src>
import functools

import jax
import jax.numpy as jnp
from jax import lax
from jax.experimental import pallas as pl
from jax.experimental.pallas import tpu as pltpu
from jax.experimental.pallas import tpu_sc as plsc

BATCH = 16384
EMBED_DIM = 32
L = 16
K = 4
NBUF = 6


@functools.lru_cache(maxsize=None)
def _build_gather():
    info = plsc.get_sparse_core_info()
    nw = info.num_cores * info.num_subcores
    bpw = BATCH // nw
    nblk = bpw // L
    mesh = plsc.VectorSubcoreMesh(core_axis_name="c", subcore_axis_name="s")

    @functools.partial(
        pl.kernel,
        out_type=jax.ShapeDtypeStruct((EMBED_DIM, BATCH), jnp.float32),
        mesh=mesh,
        compiler_params=pltpu.CompilerParams(needs_layout_passes=False),
        scratch_types=[
            pltpu.VMEM((bpw + L,), jnp.int32),
            pltpu.VMEM((NBUF, K, EMBED_DIM, 128), jnp.float32),
            pltpu.VMEM((EMBED_DIM, bpw), jnp.float32),
        ] + [pltpu.SemaphoreType.DMA] * NBUF,
    )
    def gather(idx_hbm, table_hbm, out_hbm, idx_v, ring_v, outT_v, *sems):
        wid = lax.axis_index("s") * info.num_cores + lax.axis_index("c")
        base = pl.multiple_of(wid * bpw, 128)
        pltpu.sync_copy(idx_hbm.at[pl.ds(base, bpw)], idx_v.at[pl.ds(0, bpw)])
        iota = lax.iota(jnp.int32, L)

        def fire(g, buf):
            v = idx_v[pl.ds(g * K, L)]
            handles = []
            for j in range(K):
                ct = pl.multiple_of(
                    lax.shift_left(lax.shift_right_logical(v[j], 7), 7), 128
                )
                handles.append(
                    pltpu.async_copy(
                        table_hbm.at[pl.ds(0, EMBED_DIM), pl.ds(ct, 128)],
                        ring_v.at[buf].at[j],
                        sems[buf],
                    )
                )
            return handles

        def drain_extract(g, buf):
            v = idx_v[pl.ds(g * K, L)]
            u = v & 127
            for j in range(K):
                pltpu.make_async_copy(
                    table_hbm.at[pl.ds(0, EMBED_DIM), pl.ds(0, 128)],
                    ring_v.at[buf].at[j],
                    sems[buf],
                ).wait()
            for j in range(K):
                uv = jnp.full((L,), u[j], jnp.int32)
                iv = jnp.full((L,), g * K + j, jnp.int32)
                blk = ring_v.at[buf].at[j]
                lo = plsc.load_gather(blk, [iota, uv])
                hi = plsc.load_gather(blk, [iota + L, uv])
                plsc.store_scatter(outT_v, [iota, iv], lo)
                plsc.store_scatter(outT_v, [iota + L, iv], hi)

        ngrp = bpw // K
        ahead = NBUF - 1
        for p in range(ahead):
            fire(p, p)

        def body(gg, carry):
            for s in range(NBUF):
                g = gg * NBUF + s

                @pl.when(g + ahead < ngrp)
                def _():
                    fire(g + ahead, (s + ahead) % NBUF)

                @pl.when(g < ngrp)
                def _():
                    drain_extract(g, s)

            return carry

        lax.fori_loop(0, (ngrp + NBUF - 1) // NBUF, body, 0)
        pltpu.sync_copy(
            outT_v, out_hbm.at[pl.ds(0, EMBED_DIM), pl.ds(base, bpw)]
        )

    return gather


def kernel(user_inputs, userEmbedding):
    idx = user_inputs.astype(jnp.int32)
    outT = _build_gather()(idx, userEmbedding.T)
    return outT.T

# --- scband reference (transcript-rebuilt; emitter-appended) ---
"""Pipeline reference for scband-mf-user-embedding-39857296507227 (READ-ONLY COPY).

The authoritative reference and input builder live on the scoring server;
editing this copy changes nothing except your own understanding.
"""

import jax, jax.numpy as jnp
import numpy as np

NUM_USERS = 1000000
EMBED_DIM = 32
BATCH = 16384

def setup_inputs(seed: int = 0) -> dict:
    key = jax.random.key(seed)
    k1, k2 = jax.random.split(key)
    user_inputs = jax.random.randint(k1, (BATCH,), 0, NUM_USERS, dtype=jnp.int64 if jax.config.jax_enable_x64 else jnp.int32)
    userEmbedding = jax.random.normal(k2, (NUM_USERS, EMBED_DIM), dtype=jnp.float32)
    return {"user_inputs": user_inputs, "userEmbedding": userEmbedding}

def reference(user_inputs, userEmbedding):
    # nn.Embedding lookup: gather rows of the table
    user_embeds = jnp.take(userEmbedding, user_inputs, axis=0)
    return user_embeds

if __name__ == "__main__":
    import jax
    _d = setup_inputs()
    print(jax.jit(kernel)(*tuple(_d.values())))

</pallas_src>

<mosaic_0001>
#map = affine_map<(d0, d1) -> (0)>
#map1 = affine_map<(d0, d1) -> (0, 0)>
module attributes {stable_mosaic.version = 14 : i64} {
  func.func @gather(%arg0: i32, %arg1: i32, %arg2: memref<16384xi32, #tpu.memory_space<hbm>>, %arg3: memref<32x1000000xf32, #tpu.memory_space<hbm>>, %arg4: memref<32x16384xf32, #tpu.memory_space<hbm>>, %arg5: memref<528xi32, #tpu.memory_space<vmem>>, %arg6: memref<6x4x32x128xf32, #tpu.memory_space<vmem>>, %arg7: memref<32x512xf32, #tpu.memory_space<vmem>>, %arg8: memref<!tpu.dma_semaphore, #tpu.memory_space<semaphore_mem>>, %arg9: memref<!tpu.dma_semaphore, #tpu.memory_space<semaphore_mem>>, %arg10: memref<!tpu.dma_semaphore, #tpu.memory_space<semaphore_mem>>, %arg11: memref<!tpu.dma_semaphore, #tpu.memory_space<semaphore_mem>>, %arg12: memref<!tpu.dma_semaphore, #tpu.memory_space<semaphore_mem>>, %arg13: memref<!tpu.dma_semaphore, #tpu.memory_space<semaphore_mem>>) attributes {dimension_semantics = [#tpu.dimension_semantics<core_parallel>, #tpu.dimension_semantics<subcore_parallel>], iteration_bounds = array<i64: 2, 16>, scalar_prefetch = 0 : i64, scratch_operands = 9 : i64, tpu.core_type = #tpu.core_type<sc_vector_subcore>, window_params = [{transform_indices = #map}, {transform_indices = #map1}, {transform_indices = #map1}]} {
    %mul3A = arith.constant 2 : i32
    %mul3A_0 = arith.muli %arg1, %mul3A : i32
    %add3A = arith.addi %mul3A_0, %arg0 : i32
    %mul3A_1 = arith.constant 512 : i32
    %mul3A_2 = arith.muli %add3A, %mul3A_1 : i32
    %multiple_of3A = tpu.assume_multiple %mul3A_2, 128 : i32
    "tpu.region"() ({
      %run_scoped3A = tpu.sem_alloc : memref<!tpu.dma_semaphore, #tpu.memory_space<semaphore_mem>>
      %dma_start3A_632 = arith.constant 0 : i32
      %dma_start3A_633 = tpu.memref_slice %arg5[%dma_start3A_632] : memref<528xi32, #tpu.memory_space<vmem>> -> memref<512xi32, #tpu.memory_space<vmem>>
      %dma_start3A_634 = tpu.memref_slice %arg2[%multiple_of3A] : memref<16384xi32, #tpu.memory_space<hbm>> -> memref<512xi32, #tpu.memory_space<hbm>>
      %dma_start3A_635 = arith.constant 0 : i32
      %dma_start3A_636 = tpu.memref_slice %arg5[%dma_start3A_635] : memref<528xi32, #tpu.memory_space<vmem>> -> memref<512xi32, #tpu.memory_space<vmem>>
      %dma_start3A_637 = tpu.memref_slice %arg2[%multiple_of3A] : memref<16384xi32, #tpu.memory_space<hbm>> -> memref<512xi32, #tpu.memory_space<hbm>>
      tpu.enqueue_dma source(%dma_start3A_637 : memref<512xi32, #tpu.memory_space<hbm>>) target(%dma_start3A_636 : memref<512xi32, #tpu.memory_space<vmem>>) target_semaphore(%run_scoped3A : memref<!tpu.dma_semaphore, #tpu.memory_space<semaphore_mem>>)
      %dma_wait3A = arith.constant 0 : i32
      %dma_wait3A_638 = tpu.memref_slice %arg5[%dma_wait3A] : memref<528xi32, #tpu.memory_space<vmem>> -> memref<512xi32, #tpu.memory_space<vmem>>
      %dma_wait3A_639 = tpu.memref_slice %arg2[%multiple_of3A] : memref<16384xi32, #tpu.memory_space<hbm>> -> memref<512xi32, #tpu.memory_space<hbm>>
      %dma_wait3A_640 = arith.constant 0 : i32
      %dma_wait3A_641 = tpu.memref_slice %arg5[%dma_wait3A_640] : memref<528xi32, #tpu.memory_space<vmem>> -> memref<512xi32, #tpu.memory_space<vmem>>
      %dma_wait3A_642 = tpu.memref_slice %arg2[%multiple_of3A] : memref<16384xi32, #tpu.memory_space<hbm>> -> memref<512xi32, #tpu.memory_space<hbm>>
      tpu.wait_dma2 semaphore(%run_scoped3A : memref<!tpu.dma_semaphore, #tpu.memory_space<semaphore_mem>>) src(%dma_wait3A_642 : memref<512xi32, #tpu.memory_space<hbm>>) dst(%dma_wait3A_641 : memref<512xi32, #tpu.memory_space<vmem>>)
      tpu.yield
    }) : () -> ()
    %iota3A = tpu.iota {dimensions = array<i32: 0>} : vector<16xi32>
    %get3A = arith.constant 0 : index
    %get3A_3 = tpu.vector_load %arg5[%get3A] {strides = array<i32>} : memref<528xi32, #tpu.memory_space<vmem>>, vector<16xi32>,
    %slice3A = vector.extract_strided_slice %get3A_3 {offsets = [0], sizes = [1], strides = [1]} : vector<16xi32> to vector<1xi32>
    %squeeze3A = vector.extract %slice3A[0] : i32 from vector<1xi32>
    %shift_right_logical3A = arith.constant 7 : i32
    %shift_right_logical3A_4 = arith.shrui %squeeze3A, %shift_right_logical3A : i32
    %shift_left3A = arith.constant 7 : i32
    %shift_left3A_5 = arith.shli %shift_right_logical3A_4, %shift_left3A : i32
    %multiple_of3A_6 = tpu.assume_multiple %shift_left3A_5, 128 : i32
    %dma_start3A = arith.constant 0 : i32
    %dma_start3A_7 = arith.constant 0 : i32
    %dma_start3A_8 = arith.constant 0 : i32
    %dma_start3A_9 = arith.constant 0 : i32
    %dma_start3A_10 = arith.constant 0 : i32
    %dma_start3A_11 = tpu.memref_slice %arg6[%dma_start3A, %dma_start3A_8, %dma_start3A_9, %dma_start3A_10] : memref<6x4x32x128xf32, #tpu.memory_space<vmem>> -> memref<1x4x32x128xf32, #tpu.memory_space<vmem>>
    %dma_start3A_12 = tpu.memref_squeeze %dma_start3A_11 : memref<1x4x32x128xf32, #tpu.memory_space<vmem>> -> memref<4x32x128xf32, #tpu.memory_space<vmem>>
    %dma_start3A_13 = arith.constant 0 : i32
    %dma_start3A_14 = arith.constant 0 : i32
    %dma_start3A_15 = tpu.memref_slice %dma_start3A_12[%dma_start3A_7, %dma_start3A_13, %dma_start3A_14] : memref<4x32x128xf32, #tpu.memory_space<vmem>> -> memref<1x32x128xf32, #tpu.memory_space<vmem>>
    %dma_start3A_16 = tpu.memref_squeeze %dma_start3A_15 : memref<1x32x128xf32, #tpu.memory_space<vmem>> -> memref<32x128xf32, #tpu.memory_space<vmem>>
    %dma_start3A_17 = arith.constant 0 : i32
    %dma_start3A_18 = tpu.memref_slice %arg3[%dma_start3A_17, %multiple_of3A_6] : memref<32x1000000xf32, #tpu.memory_space<hbm>> -> memref<32x128xf32, #tpu.memory_space<hbm>>
    %dma_start3A_19 = arith.constant 0 : i32
    %dma_start3A_20 = arith.constant 0 : i32
    %dma_start3A_21 = arith.constant 0 : i32
    %dma_start3A_22 = tpu.memref_slice %arg6[%dma_start3A, %dma_start3A_19, %dma_start3A_20, %dma_start3A_21] : memref<6x4x32x128xf32, #tpu.memory_space<vmem>> -> memref<1x4x32x128xf32, #tpu.memory_space<vmem>>
    %dma_start3A_23 = tpu.memref_squeeze %dma_start3A_22 : memref<1x4x32x128xf32, #tpu.memory_space<vmem>> -> memref<4x32x128xf32, #tpu.memory_space<vmem>>
    %dma_start3A_24 = arith.constant 0 : i32
    %dma_start3A_25 = arith.constant 0 : i32
    %dma_start3A_26 = tpu.memref_slice %dma_start3A_23[%dma_start3A_7, %dma_start3A_24, %dma_start3A_25] : memref<4x32x128xf32, #tpu.memory_space<vmem>> -> memref<1x32x128xf32, #tpu.memory_space<vmem>>
    %dma_start3A_27 = tpu.memref_squeeze %dma_start3A_26 : memref<1x32x128xf32, #tpu.memory_space<vmem>> -> memref<32x128xf32, #tpu.memory_space<vmem>>
    %dma_start3A_28 = arith.constant 0 : i32
    %dma_start3A_29 = tpu.memref_slice %arg3[%dma_start3A_28, %multiple_of3A_6] : memref<32x1000000xf32, #tpu.memory_space<hbm>> -> memref<32x128xf32, #tpu.memory_space<hbm>>
    tpu.enqueue_dma source(%dma_start3A_29 : memref<32x128xf32, #tpu.memory_space<hbm>>) target(%dma_start3A_27 : memref<32x128xf32, #tpu.memory_space<vmem>>) target_semaphore(%arg8 : memref<!tpu.dma_semaphore, #tpu.memory_space<semaphore_mem>>)
    %slice3A_30 = vector.extract_strided_slice %get3A_3 {offsets = [1], sizes = [1], strides = [1]} : vector<16xi32> to vector<1xi32>
    %squeeze3A_31 = vector.extract %slice3A_30[0] : i32 from vector<1xi32>
    %shift_right_logical3A_32 = arith.constant 7 : i32
    %shift_right_logical3A_33 = arith.shrui %squeeze3A_31, %shift_right_logical3A_32 : i32
    %shift_left3A_34 = arith.constant 7 : i32
    %shift_left3A_35 = arith.shli %shift_right_logical3A_33, %shift_left3A_34 : i32
    %multiple_of3A_36 = tpu.assume_multiple %shift_left3A_35, 128 : i32
    %dma_start3A_37 = arith.constant 0 : i32
    %dma_start3A_38 = arith.constant 1 : i32
    %dma_start3A_39 = arith.constant 0 : i32
    %dma_start3A_40 = arith.constant 0 : i32
    %dma_start3A_41 = arith.constant 0 : i32
    %dma_start3A_42 = tpu.memref_slice %arg6[%dma_start3A_37, %dma_start3A_39, %dma_start3A_40, %dma_start3A_41] : memref<6x4x32x128xf32, #tpu.memory_space<vmem>> -> memref<1x4x32x128xf32, #tpu.memory_space<vmem>>
    %dma_start3A_43 = tpu.memref_squeeze %dma_start3A_42 : memref<1x4x32x128xf32, #tpu.memory_space<vmem>> -> memref<4x32x128xf32, #tpu.memory_space<vmem>>
    %dma_start3A_44 = arith.constant 0 : i32
    %dma_start3A_45 = arith.constant 0 : i32
    %dma_start3A_46 = tpu.memref_slice %dma_start3A_43[%dma_start3A_38, %dma_start3A_44, %dma_start3A_45] : memref<4x32x128xf32, #tpu.memory_space<vmem>> -> memref<1x32x128xf32, #tpu.memory_space<vmem>>
    %dma_start3A_47 = tpu.memref_squeeze %dma_start3A_46 : memref<1x32x128xf32, #tpu.memory_space<vmem>> -> memref<32x128xf32, #tpu.memory_space<vmem>>
    %dma_start3A_48 = arith.constant 0 : i32
    %dma_start3A_49 = tpu.memref_slice %arg3[%dma_start3A_48, %multiple_of3A_36] : memref<32x1000000xf32, #tpu.memory_space<hbm>> -> memref<32x128xf32, #tpu.memory_space<hbm>>
    %dma_start3A_50 = arith.constant 0 : i32
    %dma_start3A_51 = arith.constant 0 : i32
    %dma_start3A_52 = arith.constant 0 : i32
    %dma_start3A_53 = tpu.memref_slice %arg6[%dma_start3A_37, %dma_start3A_50, %dma_start3A_51, %dma_start3A_52] : memref<6x4x32x128xf32, #tpu.memory_space<vmem>> -> memref<1x4x32x128xf32, #tpu.memory_space<vmem>>
    %dma_start3A_54 = tpu.memref_squeeze %dma_start3A_53 : memref<1x4x32x128xf32, #tpu.memory_space<vmem>> -> memref<4x32x128xf32, #tpu.memory_space<vmem>>
    %dma_start3A_55 = arith.constant 0 : i32
    %dma_start3A_56 = arith.constant 0 : i32
    %dma_start3A_57 = tpu.memref_slice %dma_start3A_54[%dma_start3A_38, %dma_start3A_55, %dma_start3A_56] : memref<4x32x128xf32, #tpu.memory_space<vmem>> -> memref<1x32x128xf32, #tpu.memory_space<vmem>>
    %dma_start3A_58 = tpu.memref_squeeze %dma_start3A_57 : memref<1x32x128xf32, #tpu.memory_space<vmem>> -> memref<32x128xf32, #tpu.memory_space<vmem>>
    %dma_start3A_59 = arith.constant 0 : i32
    %dma_start3A_60 = tpu.memref_slice %arg3[%dma_start3A_59, %multiple_of3A_36] : memref<32x1000000xf32, #tpu.memory_space<hbm>> -> memref<32x128xf32, #tpu.memory_space<hbm>>
    tpu.enqueue_dma source(%dma_start3A_60 : memref<32x128xf32, #tpu.memory_space<hbm>>) target(%dma_start3A_58 : memref<32x128xf32, #tpu.memory_space<vmem>>) target_semaphore(%arg8 : memref<!tpu.dma_semaphore, #tpu.memory_space<semaphore_mem>>)
    %slice3A_61 = vector.extract_strided_slice %get3A_3 {offsets = [2], sizes = [1], strides = [1]} : vector<16xi32> to vector<1xi32>
    %squeeze3A_62 = vector.extract %slice3A_61[0] : i32 from vector<1xi32>
    %shift_right_logical3A_63 = arith.constant 7 : i32
    %shift_right_logical3A_64 = arith.shrui %squeeze3A_62, %shift_right_logical3A_63 : i32
    %shift_left3A_65 = arith.constant 7 : i32
    %shift_left3A_66 = arith.shli %shift_right_logical3A_64, %shift_left3A_65 : i32
    %multiple_of3A_67 = tpu.assume_multiple %shift_left3A_66, 128 : i32
    %dma_start3A_68 = arith.constant 0 : i32
    %dma_start3A_69 = arith.constant 2 : i32
    %dma_start3A_70 = arith.constant 0 : i32
    %dma_start3A_71 = arith.constant 0 : i32
    %dma_start3A_72 = arith.constant 0 : i32
    %dma_start3A_73 = tpu.memref_slice %arg6[%dma_start3A_68, %dma_start3A_70, %dma_start3A_71, %dma_start3A_72] : memref<6x4x32x128xf32, #tpu.memory_space<vmem>> -> memref<1x4x32x128xf32, #tpu.memory_space<vmem>>
    %dma_start3A_74 = tpu.memref_squeeze %dma_start3A_73 : memref<1x4x32x128xf32, #tpu.memory_space<vmem>> -> memref<4x32x128xf32, #tpu.memory_space<vmem>>
    %dma_start3A_75 = arith.constant 0 : i32
    %dma_start3A_76 = arith.constant 0 : i32
    %dma_start3A_77 = tpu.memref_slice %dma_start3A_74[%dma_start3A_69, %dma_start3A_75, %dma_start3A_76] : memref<4x32x128xf32, #tpu.memory_space<vmem>> -> memref<1x32x128xf32, #tpu.memory_space<vmem>>
    %dma_start3A_78 = tpu.memref_squeeze %dma_start3A_77 : memref<1x32x128xf32, #tpu.memory_space<vmem>> -> memref<32x128xf32, #tpu.memory_space<vmem>>
    %dma_start3A_79 = arith.constant 0 : i32
    %dma_start3A_80 = tpu.memref_slice %arg3[%dma_start3A_79, %multiple_of3A_67] : memref<32x1000000xf32, #tpu.memory_space<hbm>> -> memref<32x128xf32, #tpu.memory_space<hbm>>
    %dma_start3A_81 = arith.constant 0 : i32
    %dma_start3A_82 = arith.constant 0 : i32
    %dma_start3A_83 = arith.constant 0 : i32
    %dma_start3A_84 = tpu.memref_slice %arg6[%dma_start3A_68, %dma_start3A_81, %dma_start3A_82, %dma_start3A_83] : memref<6x4x32x128xf32, #tpu.memory_space<vmem>> -> memref<1x4x32x128xf32, #tpu.memory_space<vmem>>
    %dma_start3A_85 = tpu.memref_squeeze %dma_start3A_84 : memref<1x4x32x128xf32, #tpu.memory_space<vmem>> -> memref<4x32x128xf32, #tpu.memory_space<vmem>>
    %dma_start3A_86 = arith.constant 0 : i32
    %dma_start3A_87 = arith.constant 0 : i32
    %dma_start3A_88 = tpu.memref_slice %dma_start3A_85[%dma_start3A_69, %dma_start3A_86, %dma_start3A_87] : memref<4x32x128xf32, #tpu.memory_space<vmem>> -> memref<1x32x128xf32, #tpu.memory_space<vmem>>
    %dma_start3A_89 = tpu.memref_squeeze %dma_start3A_88 : memref<1x32x128xf32, #tpu.memory_space<vmem>> -> memref<32x128xf32, #tpu.memory_space<vmem>>
    %dma_start3A_90 = arith.constant 0 : i32
    %dma_start3A_91 = tpu.memref_slice %arg3[%dma_start3A_90, %multiple_of3A_67] : memref<32x1000000xf32, #tpu.memory_space<hbm>> -> memref<32x128xf32, #tpu.memory_space<hbm>>
    tpu.enqueue_dma source(%dma_start3A_91 : memref<32x128xf32, #tpu.memory_space<hbm>>) target(%dma_start3A_89 : memref<32x128xf32, #tpu.memory_space<vmem>>) target_semaphore(%arg8 : memref<!tpu.dma_semaphore, #tpu.memory_space<semaphore_mem>>)
    %slice3A_92 = vector.extract_strided_slice %get3A_3 {offsets = [3], sizes = [1], strides = [1]} : vector<16xi32> to vector<1xi32>
    %squeeze3A_93 = vector.extract %slice3A_92[0] : i32 from vector<1xi32>
    %shift_right_logical3A_94 = arith.constant 7 : i32
    %shift_right_logical3A_95 = arith.shrui %squeeze3A_93, %shift_right_logical3A_94 : i32
    %shift_left3A_96 = arith.constant 7 : i32
    %shift_left3A_97 = arith.shli %shift_right_logical3A_95, %shift_left3A_96 : i32
    %multiple_of3A_98 = tpu.assume_multiple %shift_left3A_97, 128 : i32
    %dma_start3A_99 = arith.constant 0 : i32
    %dma_start3A_100 = arith.constant 3 : i32
    %dma_start3A_101 = arith.constant 0 : i32
    %dma_start3A_102 = arith.constant 0 : i32
    %dma_start3A_103 = arith.constant 0 : i32
    %dma_start3A_104 = tpu.memref_slice %arg6[%dma_start3A_99, %dma_start3A_101, %dma_start3A_102, %dma_start3A_103] : memref<6x4x32x128xf32, #tpu.memory_space<vmem>> -> memref<1x4x32x128xf32, #tpu.memory_space<vmem>>
    %dma_start3A_105 = tpu.memref_squeeze %dma_start3A_104 : memref<1x4x32x128xf32, #tpu.memory_space<vmem>> -> memref<4x32x128xf32, #tpu.memory_space<vmem>>
    %dma_start3A_106 = arith.constant 0 : i32
    %dma_start3A_107 = arith.constant 0 : i32
    %dma_start3A_108 = tpu.memref_slice %dma_start3A_105[%dma_start3A_100, %dma_start3A_106, %dma_start3A_107] : memref<4x32x128xf32, #tpu.memory_space<vmem>> -> memref<1x32x128xf32, #tpu.memory_space<vmem>>
    %dma_start3A_109 = tpu.memref_squeeze %dma_start3A_108 : memref<1x32x128xf32, #tpu.memory_space<vmem>> -> memref<32x128xf32, #tpu.memory_space<vmem>>
    %dma_start3A_110 = arith.constant 0 : i32
    %dma_start3A_111 = tpu.memref_slice %arg3[%dma_start3A_110, %multiple_of3A_98] : memref<32x1000000xf32, #tpu.memory_space<hbm>> -> memref<32x128xf32, #tpu.memory_space<hbm>>
    %dma_start3A_112 = arith.constant 0 : i32
    %dma_start3A_113 = arith.constant 0 : i32
    %dma_start3A_114 = arith.constant 0 : i32
    %dma_start3A_115 = tpu.memref_slice %arg6[%dma_start3A_99, %dma_start3A_112, %dma_start3A_113, %dma_start3A_114] : memref<6x4x32x128xf32, #tpu.memory_space<vmem>> -> memref<1x4x32x128xf32, #tpu.memory_space<vmem>>
    %dma_start3A_116 = tpu.memref_squeeze %dma_start3A_115 : memref<1x4x32x128xf32, #tpu.memory_space<vmem>> -> memref<4x32x128xf32, #tpu.memory_space<vmem>>
    %dma_start3A_117 = arith.constant 0 : i32
    %dma_start3A_118 = arith.constant 0 : i32
    %dma_start3A_119 = tpu.memref_slice %dma_start3A_116[%dma_start3A_100, %dma_start3A_117, %dma_start3A_118] : memref<4x32x128xf32, #tpu.memory_space<vmem>> -> memref<1x32x128xf32, #tpu.memory_space<vmem>>
    %dma_start3A_120 = tpu.memref_squeeze %dma_start3A_119 : memref<1x32x128xf32, #tpu.memory_space<vmem>> -> memref<32x128xf32, #tpu.memory_space<vmem>>
    %dma_start3A_121 = arith.constant 0 : i32
    %dma_start3A_122 = tpu.memref_slice %arg3[%dma_start3A_121, %multiple_of3A_98] : memref<32x1000000xf32, #tpu.memory_space<hbm>> -> memref<32x128xf32, #tpu.memory_space<hbm>>
    tpu.enqueue_dma source(%dma_start3A_122 : memref<32x128xf32, #tpu.memory_space<hbm>>) target(%dma_start3A_120 : memref<32x128xf32, #tpu.memory_space<vmem>>) target_semaphore(%arg8 : memref<!tpu.dma_semaphore, #tpu.memory_space<semaphore_mem>>)
    %get3A_123 = arith.constant 4 : index
    %get3A_124 = tpu.vector_load %arg5[%get3A_123] {strides = array<i32>} : memref<528xi32, #tpu.memory_space<vmem>>, vector<16xi32>,
    %slice3A_125 = vector.extract_strided_slice %get3A_124 {offsets = [0], sizes = [1], strides = [1]} : vector<16xi32> to vector<1xi32>
    %squeeze3A_126 = vector.extract %slice3A_125[0] : i32 from vector<1xi32>
    %shift_right_logical3A_127 = arith.constant 7 : i32
    %shift_right_logical3A_128 = arith.shrui %squeeze3A_126, %shift_right_logical3A_127 : i32
    %shift_left3A_129 = arith.constant 7 : i32
    %shift_left3A_130 = arith.shli %shift_right_logical3A_128, %shift_left3A_129 : i32
    %multiple_of3A_131 = tpu.assume_multiple %shift_left3A_130, 128 : i32
    %dma_start3A_132 = arith.constant 1 : i32
    %dma_start3A_133 = arith.constant 0 : i32
    %dma_start3A_134 = arith.constant 0 : i32
    %dma_start3A_135 = arith.constant 0 : i32
    %dma_start3A_136 = arith.constant 0 : i32
    %dma_start3A_137 = tpu.memref_slice %arg6[%dma_start3A_132, %dma_start3A_134, %dma_start3A_135, %dma_start3A_136] : memref<6x4x32x128xf32, #tpu.memory_space<vmem>> -> memref<1x4x32x128xf32, #tpu.memory_space<vmem>>
    %dma_start3A_138 = tpu.memref_squeeze %dma_start3A_137 : memref<1x4x32x128xf32, #tpu.memory_space<vmem>> -> memref<4x32x128xf32, #tpu.memory_space<vmem>>
    %dma_start3A_139 = arith.constant 0 : i32
    %dma_start3A_140 = arith.constant 0 : i32
    %dma_start3A_141 = tpu.memref_slice %dma_start3A_138[%dma_start3A_133, %dma_start3A_139, %dma_start3A_140] : memref<4x32x128xf32, #tpu.memory_space<vmem>> -> memref<1x32x128xf32, #tpu.memory_space<vmem>>
    %dma_start3A_142 = tpu.memref_squeeze %dma_start3A_141 : memref<1x32x128xf32, #tpu.memory_space<vmem>> -> memref<32x128xf32, #tpu.memory_space<vmem>>
    %dma_start3A_143 = arith.constant 0 : i32
    %dma_start3A_144 = tpu.memref_slice %arg3[%dma_start3A_143, %multiple_of3A_131] : memref<32x1000000xf32, #tpu.memory_space<hbm>> -> memref<32x128xf32, #tpu.memory_space<hbm>>
    %dma_start3A_145 = arith.constant 0 : i32
    %dma_start3A_146 = arith.constant 0 : i32
    %dma_start3A_147 = arith.constant 0 : i32
    %dma_start3A_148 = tpu.memref_slice %arg6[%dma_start3A_132, %dma_start3A_145, %dma_start3A_146, %dma_start3A_147] : memref<6x4x32x128xf32, #tpu.memory_space<vmem>> -> memref<1x4x32x128xf32, #tpu.memory_space<vmem>>
    %dma_start3A_149 = tpu.memref_squeeze %dma_start3A_148 : memref<1x4x32x128xf32, #tpu.memory_space<vmem>> -> memref<4x32x128xf32, #tpu.memory_space<vmem>>
    %dma_start3A_150 = arith.constant 0 : i32
    %dma_start3A_151 = arith.constant 0 : i32
    %dma_start3A_152 = tpu.memref_slice %dma_start3A_149[%dma_start3A_133, %dma_start3A_150, %dma_start3A_151] : memref<4x32x128xf32, #tpu.memory_space<vmem>> -> memref<1x32x128xf32, #tpu.memory_space<vmem>>
    %dma_start3A_153 = tpu.memref_squeeze %dma_start3A_152 : memref<1x32x128xf32, #tpu.memory_space<vmem>> -> memref<32x128xf32, #tpu.memory_space<vmem>>
    %dma_start3A_154 = arith.constant 0 : i32
    %dma_start3A_155 = tpu.memref_slice %arg3[%dma_start3A_154, %multiple_of3A_131] : memref<32x1000000xf32, #tpu.memory_space<hbm>> -> memref<32x128xf32, #tpu.memory_space<hbm>>
    tpu.enqueue_dma source(%dma_start3A_155 : memref<32x128xf32, #tpu.memory_space<hbm>>) target(%dma_start3A_153 : memref<32x128xf32, #tpu.memory_space<vmem>>) target_semaphore(%arg9 : memref<!tpu.dma_semaphore, #tpu.memory_space<semaphore_mem>>)
    %slice3A_156 = vector.extract_strided_slice %get3A_124 {offsets = [1], sizes = [1], strides = [1]} : vector<16xi32> to vector<1xi32>
    %squeeze3A_157 = vector.extract %slice3A_156[0] : i32 from vector<1xi32>
    %shift_right_logical3A_158 = arith.constant 7 : i32
    %shift_right_logical3A_159 = arith.shrui %squeeze3A_157, %shift_right_logical3A_158 : i32
    %shift_left3A_160 = arith.constant 7 : i32
    %shift_left3A_161 = arith.shli %shift_right_logical3A_159, %shift_left3A_160 : i32
    %multiple_of3A_162 = tpu.assume_multiple %shift_left3A_161, 128 : i32
    %dma_start3A_163 = arith.constant 1 : i32
    %dma_start3A_164 = arith.constant 1 : i32
    %dma_start3A_165 = arith.constant 0 : i32
    %dma_start3A_166 = arith.constant 0 : i32
    %dma_start3A_167 = arith.constant 0 : i32
    %dma_start3A_168 = tpu.memref_slice %arg6[%dma_start3A_163, %dma_start3A_165, %dma_start3A_166, %dma_start3A_167] : memref<6x4x32x128xf32, #tpu.memory_space<vmem>> -> memref<1x4x32x128xf32, #tpu.memory_space<vmem>>
    %dma_start3A_169 = tpu.memref_squeeze %dma_start3A_168 : memref<1x4x32x128xf32, #tpu.memory_space<vmem>> -> memref<4x32x128xf32, #tpu.memory_space<vmem>>
    %dma_start3A_170 = arith.constant 0 : i32
    %dma_start3A_171 = arith.constant 0 : i32
    %dma_start3A_172 = tpu.memref_slice %dma_start3A_169[%dma_start3A_164, %dma_start3A_170, %dma_start3A_171] : memref<4x32x128xf32, #tpu.memory_space<vmem>> -> memref<1x32x128xf32, #tpu.memory_space<vmem>>
    %dma_start3A_173 = tpu.memref_squeeze %dma_start3A_172 : memref<1x32x128xf32, #tpu.memory_space<vmem>> -> memref<32x128xf32, #tpu.memory_space<vmem>>
    %dma_start3A_174 = arith.constant 0 : i32
    %dma_start3A_175 = tpu.memref_slice %arg3[%dma_start3A_174, %multiple_of3A_162] : memref<32x1000000xf32, #tpu.memory_space<hbm>> -> memref<32x128xf32, #tpu.memory_space<hbm>>
    %dma_start3A_176 = arith.constant 0 : i32
    %dma_start3A_177 = arith.constant 0 : i32
    %dma_start3A_178 = arith.constant 0 : i32
    %dma_start3A_179 = tpu.memref_slice %arg6[%dma_start3A_163, %dma_start3A_176, %dma_start3A_177, %dma_start3A_178] : memref<6x4x32x128xf32, #tpu.memory_space<vmem>> -> memref<1x4x32x128xf32, #tpu.memory_space<vmem>>
    %dma_start3A_180 = tpu.memref_squeeze %dma_start3A_179 : memref<1x4x32x128xf32, #tpu.memory_space<vmem>> -> memref<4x32x128xf32, #tpu.memory_space<vmem>>
    %dma_start3A_181 = arith.constant 0 : i32
    %dma_start3A_182 = arith.constant 0 : i32
    %dma_start3A_183 = tpu.memref_slice %dma_start3A_180[%dma_start3A_164, %dma_start3A_181, %dma_start3A_182] : memref<4x32x128xf32, #tpu.memory_space<vmem>> -> memref<1x32x128xf32, #tpu.memory_space<vmem>>
    %dma_start3A_184 = tpu.memref_squeeze %dma_start3A_183 : memref<1x32x128xf32, #tpu.memory_space<vmem>> -> memref<32x128xf32, #tpu.memory_space<vmem>>
    %dma_start3A_185 = arith.constant 0 : i32
    %dma_start3A_186 = tpu.memref_slice %arg3[%dma_start3A_185, %multiple_of3A_162] : memref<32x1000000xf32, #tpu.memory_space<hbm>> -> memref<32x128xf32, #tpu.memory_space<hbm>>
    tpu.enqueue_dma source(%dma_start3A_186 : memref<32x128xf32, #tpu.memory_space<hbm>>) target(%dma_start3A_184 : memref<32x128xf32, #tpu.memory_space<vmem>>) target_semaphore(%arg9 : memref<!tpu.dma_semaphore, #tpu.memory_space<semaphore_mem>>)
    %slice3A_187 = vector.extract_strided_slice %get3A_124 {offsets = [2], sizes = [1], strides = [1]} : vector<16xi32> to vector<1xi32>
    %squeeze3A_188 = vector.extract %slice3A_187[0] : i32 from vector<1xi32>
    %shift_right_logical3A_189 = arith.constant 7 : i32
    %shift_right_logical3A_190 = arith.shrui %squeeze3A_188, %shift_right_logical3A_189 : i32
    %shift_left3A_191 = arith.constant 7 : i32
    %shift_left3A_192 = arith.shli %shift_right_logical3A_190, %shift_left3A_191 : i32
    %multiple_of3A_193 = tpu.assume_multiple %shift_left3A_192, 128 : i32
    %dma_start3A_194 = arith.constant 1 : i32
    %dma_start3A_195 = arith.constant 2 : i32
    %dma_start3A_196 = arith.constant 0 : i32
    %dma_start3A_197 = arith.constant 0 : i32
    %dma_start3A_198 = arith.constant 0 : i32
    %dma_start3A_199 = tpu.memref_slice %arg6[%dma_start3A_194, %dma_start3A_196, %dma_start3A_197, %dma_start3A_198] : memref<6x4x32x128xf32, #tpu.memory_space<vmem>> -> memref<1x4x32x128xf32, #tpu.memory_space<vmem>>
    %dma_start3A_200 = tpu.memref_squeeze %dma_start3A_199 : memref<1x4x32x128xf32, #tpu.memory_space<vmem>> -> memref<4x32x128xf32, #tpu.memory_space<vmem>>
    %dma_start3A_201 = arith.constant 0 : i32
    %dma_start3A_202 = arith.constant 0 : i32
    %dma_start3A_203 = tpu.memref_slice %dma_start3A_200[%dma_start3A_195, %dma_start3A_201, %dma_start3A_202] : memref<4x32x128xf32, #tpu.memory_space<vmem>> -> memref<1x32x128xf32, #tpu.memory_space<vmem>>
    %dma_start3A_204 = tpu.memref_squeeze %dma_start3A_203 : memref<1x32x128xf32, #tpu.memory_space<vmem>> -> memref<32x128xf32, #tpu.memory_space<vmem>>
    %dma_start3A_205 = arith.constant 0 : i32
    %dma_start3A_206 = tpu.memref_slice %arg3[%dma_start3A_205, %multiple_of3A_193] : memref<32x1000000xf32, #tpu.memory_space<hbm>> -> memref<32x128xf32, #tpu.memory_space<hbm>>
    %dma_start3A_207 = arith.constant 0 : i32
    %dma_start3A_208 = arith.constant 0 : i32
    %dma_start3A_209 = arith.constant 0 : i32
    %dma_start3A_210 = tpu.memref_slice %arg6[%dma_start3A_194, %dma_start3A_207, %dma_start3A_208, %dma_start3A_209] : memref<6x4x32x128xf32, #tpu.memory_space<vmem>> -> memref<1x4x32x128xf32, #tpu.memory_space<vmem>>
    %dma_start3A_211 = tpu.memref_squeeze %dma_start3A_210 : memref<1x4x32x128xf32, #tpu.memory_space<vmem>> -> memref<4x32x128xf32, #tpu.memory_space<vmem>>
    %dma_start3A_212 = arith.constant 0 : i32
    %dma_start3A_213 = arith.constant 0 : i32
    %dma_start3A_214 = tpu.memref_slice %dma_start3A_211[%dma_start3A_195, %dma_start3A_212, %dma_start3A_213] : memref<4x32x128xf32, #tpu.memory_space<vmem>> -> memref<1x32x128xf32, #tpu.memory_space<vmem>>
    %dma_start3A_215 = tpu.memref_squeeze %dma_start3A_214 : memref<1x32x128xf32, #tpu.memory_space<vmem>> -> memref<32x128xf32, #tpu.memory_space<vmem>>
    %dma_start3A_216 = arith.constant 0 : i32
    %dma_start3A_217 = tpu.memref_slice %arg3[%dma_start3A_216, %multiple_of3A_193] : memref<32x1000000xf32, #tpu.memory_space<hbm>> -> memref<32x128xf32, #tpu.memory_space<hbm>>
    tpu.enqueue_dma source(%dma_start3A_217 : memref<32x128xf32, #tpu.memory_space<hbm>>) target(%dma_start3A_215 : memref<32x128xf32, #tpu.memory_space<vmem>>) target_semaphore(%arg9 : memref<!tpu.dma_semaphore, #tpu.memory_space<semaphore_mem>>)
    %slice3A_218 = vector.extract_strided_slice %get3A_124 {offsets = [3], sizes = [1], strides = [1]} : vector<16xi32> to vector<1xi32>
    %squeeze3A_219 = vector.extract %slice3A_218[0] : i32 from vector<1xi32>
    %shift_right_logical3A_220 = arith.constant 7 : i32
    %shift_right_logical3A_221 = arith.shrui %squeeze3A_219, %shift_right_logical3A_220 : i32
    %shift_left3A_222 = arith.constant 7 : i32
    %shift_left3A_223 = arith.shli %shift_right_logical3A_221, %shift_left3A_222 : i32
    %multiple_of3A_224 = tpu.assume_multiple %shift_left3A_223, 128 : i32
    %dma_start3A_225 = arith.constant 1 : i32
    %dma_start3A_226 = arith.constant 3 : i32
    %dma_start3A_227 = arith.constant 0 : i32
    %dma_start3A_228 = arith.constant 0 : i32
    %dma_start3A_229 = arith.constant 0 : i32
    %dma_start3A_230 = tpu.memref_slice %arg6[%dma_start3A_225, %dma_start3A_227, %dma_start3A_228, %dma_start3A_229] : memref<6x4x32x128xf32, #tpu.memory_space<vmem>> -> memref<1x4x32x128xf32, #tpu.memory_space<vmem>>
    %dma_start3A_231 = tpu.memref_squeeze %dma_start3A_230 : memref<1x4x32x128xf32, #tpu.memory_space<vmem>> -> memref<4x32x128xf32, #tpu.memory_space<vmem>>
    %dma_start3A_232 = arith.constant 0 : i32
    %dma_start3A_233 = arith.constant 0 : i32
    %dma_start3A_234 = tpu.memref_slice %dma_start3A_231[%dma_start3A_226, %dma_start3A_232, %dma_start3A_233] : memref<4x32x128xf32, #tpu.memory_space<vmem>> -> memref<1x32x128xf32, #tpu.memory_space<vmem>>
    %dma_start3A_235 = tpu.memref_squeeze %dma_start3A_234 : memref<1x32x128xf32, #tpu.memory_space<vmem>> -> memref<32x128xf32, #tpu.memory_space<vmem>>
    %dma_start3A_236 = arith.constant 0 : i32
    %dma_start3A_237 = tpu.memref_slice %arg3[%dma_start3A_236, %multiple_of3A_224] : memref<32x1000000xf32, #tpu.memory_space<hbm>> -> memref<32x128xf32, #tpu.memory_space<hbm>>
    %dma_start3A_238 = arith.constant 0 : i32
    %dma_start3A_239 = arith.constant 0 : i32
    %dma_start3A_240 = arith.constant 0 : i32
    %dma_start3A_241 = tpu.memref_slice %arg6[%dma_start3A_225, %dma_start3A_238, %dma_start3A_239, %dma_start3A_240] : memref<6x4x32x128xf32, #tpu.memory_space<vmem>> -> memref<1x4x32x128xf32, #tpu.memory_space<vmem>>
    %dma_start3A_242 = tpu.memref_squeeze %dma_start3A_241 : memref<1x4x32x128xf32, #tpu.memory_space<vmem>> -> memref<4x32x128xf32, #tpu.memory_space<vmem>>
    %dma_start3A_243 = arith.constant 0 : i32
    %dma_start3A_244 = arith.constant 0 : i32
    %dma_start3A_245 = tpu.memref_slice %dma_start3A_242[%dma_start3A_226, %dma_start3A_243, %dma_start3A_244] : memref<4x32x128xf32, #tpu.memory_space<vmem>> -> memref<1x32x128xf32, #tpu.memory_space<vmem>>
    %dma_start3A_246 = tpu.memref_squeeze %dma_start3A_245 : memref<1x32x128xf32, #tpu.memory_space<vmem>> -> memref<32x128xf32, #tpu.memory_space<vmem>>
    %dma_start3A_247 = arith.constant 0 : i32
    %dma_start3A_248 = tpu.memref_slice %arg3[%dma_start3A_247, %multiple_of3A_224] : memref<32x1000000xf32, #tpu.memory_space<hbm>> -> memref<32x128xf32, #tpu.memory_space<hbm>>
    tpu.enqueue_dma source(%dma_start3A_248 : memref<32x128xf32, #tpu.memory_space<hbm>>) target(%dma_start3A_246 : memref<32x128xf32, #tpu.memory_space<vmem>>) target_semaphore(%arg9 : memref<!tpu.dma_semaphore, #tpu.memory_space<semaphore_mem>>)
    %get3A_249 = arith.constant 8 : index
    %get3A_250 = tpu.vector_load %arg5[%get3A_249] {strides = array<i32>} : memref<528xi32, #tpu.memory_space<vmem>>, vector<16xi32>,
    %slice3A_251 = vector.extract_strided_slice %get3A_250 {offsets = [0], sizes = [1], strides = [1]} : vector<16xi32> to vector<1xi32>
    %squeeze3A_252 = vector.extract %slice3A_251[0] : i32 from vector<1xi32>
    %shift_right_logical3A_253 = arith.constant 7 : i32
    %shift_right_logical3A_254 = arith.shrui %squeeze3A_252, %shift_right_logical3A_253 : i32
    %shift_left3A_255 = arith.constant 7 : i32
    %shift_left3A_256 = arith.shli %shift_right_logical3A_254, %shift_left3A_255 : i32
    %multiple_of3A_257 = tpu.assume_multiple %shift_left3A_256, 128 : i32
    %dma_start3A_258 = arith.constant 2 : i32
    %dma_start3A_259 = arith.constant 0 : i32
    %dma_start3A_260 = arith.constant 0 : i32
    %dma_start3A_261 = arith.constant 0 : i32
    %dma_start3A_262 = arith.constant 0 : i32
    %dma_start3A_263 = tpu.memref_slice %arg6[%dma_start3A_258, %dma_start3A_260, %dma_start3A_261, %dma_start3A_262] : memref<6x4x32x128xf32, #tpu.memory_space<vmem>> -> memref<1x4x32x128xf32, #tpu.memory_space<vmem>>
    %dma_start3A_264 = tpu.memref_squeeze %dma_start3A_263 : memref<1x4x32x128xf32, #tpu.memory_space<vmem>> -> memref<4x32x128xf32, #tpu.memory_space<vmem>>
    %dma_start3A_265 = arith.constant 0 : i32
    %dma_start3A_266 = arith.constant 0 : i32
    %dma_start3A_267 = tpu.memref_slice %dma_start3A_264[%dma_start3A_259, %dma_start3A_265, %dma_start3A_266] : memref<4x32x128xf32, #tpu.memory_space<vmem>> -> memref<1x32x128xf32, #tpu.memory_space<vmem>>
    %dma_start3A_268 = tpu.memref_squeeze %dma_start3A_267 : memref<1x32x128xf32, #tpu.memory_space<vmem>> -> memref<32x128xf32, #tpu.memory_space<vmem>>
    %dma_start3A_269 = arith.constant 0 : i32
    %dma_start3A_270 = tpu.memref_slice %arg3[%dma_start3A_269, %multiple_of3A_257] : memref<32x1000000xf32, #tpu.memory_space<hbm>> -> memref<32x128xf32, #tpu.memory_space<hbm>>
    %dma_start3A_271 = arith.constant 0 : i32
    %dma_start3A_272 = arith.constant 0 : i32
    %dma_start3A_273 = arith.constant 0 : i32
    %dma_start3A_274 = tpu.memref_slice %arg6[%dma_start3A_258, %dma_start3A_271, %dma_start3A_272, %dma_start3A_273] : memref<6x4x32x128xf32, #tpu.memory_space<vmem>> -> memref<1x4x32x128xf32, #tpu.memory_space<vmem>>
    %dma_start3A_275 = tpu.memref_squeeze %dma_start3A_274 : memref<1x4x32x128xf32, #tpu.memory_space<vmem>> -> memref<4x32x128xf32, #tpu.memory_space<vmem>>
    %dma_start3A_276 = arith.constant 0 : i32
    %dma_start3A_277 = arith.constant 0 : i32
    %dma_start3A_278 = tpu.memref_slice %dma_start3A_275[%dma_start3A_259, %dma_start3A_276, %dma_start3A_277] : memref<4x32x128xf32, #tpu.memory_space<vmem>> -> memref<1x32x128xf32, #tpu.memory_space<vmem>>
    %dma_start3A_279 = tpu.memref_squeeze %dma_start3A_278 : memref<1x32x128xf32, #tpu.memory_space<vmem>> -> memref<32x128xf32, #tpu.memory_space<vmem>>
    %dma_start3A_280 = arith.constant 0 : i32
    %dma_start3A_281 = tpu.memref_slice %arg3[%dma_start3A_280, %multiple_of3A_257] : memref<32x1000000xf32, #tpu.memory_space<hbm>> -> memref<32x128xf32, #tpu.memory_space<hbm>>
    tpu.enqueue_dma source(%dma_start3A_281 : memref<32x128xf32, #tpu.memory_space<hbm>>) target(%dma_start3A_279 : memref<32x128xf32, #tpu.memory_space<vmem>>) target_semaphore(%arg10 : memref<!tpu.dma_semaphore, #tpu.memory_space<semaphore_mem>>)
    %slice3A_282 = vector.extract_strided_slice %get3A_250 {offsets = [1], sizes = [1], strides = [1]} : vector<16xi32> to vector<1xi32>
    %squeeze3A_283 = vector.extract %slice3A_282[0] : i32 from vector<1xi32>
    %shift_right_logical3A_284 = arith.constant 7 : i32
    %shift_right_logical3A_285 = arith.shrui %squeeze3A_283, %shift_right_logical3A_284 : i32
    %shift_left3A_286 = arith.constant 7 : i32
    %shift_left3A_287 = arith.shli %shift_right_logical3A_285, %shift_left3A_286 : i32
    %multiple_of3A_288 = tpu.assume_multiple %shift_left3A_287, 128 : i32
    %dma_start3A_289 = arith.constant 2 : i32
    %dma_start3A_290 = arith.constant 1 : i32
    %dma_start3A_291 = arith.constant 0 : i32
    %dma_start3A_292 = arith.constant 0 : i32
    %dma_start3A_293 = arith.constant 0 : i32
    %dma_start3A_294 = tpu.memref_slice %arg6[%dma_start3A_289, %dma_start3A_291, %dma_start3A_292, %dma_start3A_293] : memref<6x4x32x128xf32, #tpu.memory_space<vmem>> -> memref<1x4x32x128xf32, #tpu.memory_space<vmem>>
    %dma_start3A_295 = tpu.memref_squeeze %dma_start3A_294 : memref<1x4x32x128xf32, #tpu.memory_space<vmem>> -> memref<4x32x128xf32, #tpu.memory_space<vmem>>
    %dma_start3A_296 = arith.constant 0 : i32
    %dma_start3A_297 = arith.constant 0 : i32
    %dma_start3A_298 = tpu.memref_slice %dma_start3A_295[%dma_start3A_290, %dma_start3A_296, %dma_start3A_297] : memref<4x32x128xf32, #tpu.memory_space<vmem>> -> memref<1x32x128xf32, #tpu.memory_space<vmem>>
    %dma_start3A_299 = tpu.memref_squeeze %dma_start3A_298 : memref<1x32x128xf32, #tpu.memory_space<vmem>> -> memref<32x128xf32, #tpu.memory_space<vmem>>
    %dma_start3A_300 = arith.constant 0 : i32
    %dma_start3A_301 = tpu.memref_slice %arg3[%dma_start3A_300, %multiple_of3A_288] : memref<32x1000000xf32, #tpu.memory_space<hbm>> -> memref<32x128xf32, #tpu.memory_space<hbm>>
    %dma_start3A_302 = arith.constant 0 : i32
    %dma_start3A_303 = arith.constant 0 : i32
    %dma_start3A_304 = arith.constant 0 : i32
    %dma_start3A_305 = tpu.memref_slice %arg6[%dma_start3A_289, %dma_start3A_302, %dma_start3A_303, %dma_start3A_304] : memref<6x4x32x128xf32, #tpu.memory_space<vmem>> -> memref<1x4x32x128xf32, #tpu.memory_space<vmem>>
    %dma_start3A_306 = tpu.memref_squeeze %dma_start3A_305 : memref<1x4x32x128xf32, #tpu.memory_space<vmem>> -> memref<4x32x128xf32, #tpu.memory_space<vmem>>
    %dma_start3A_307 = arith.constant 0 : i32
    %dma_start3A_308 = arith.constant 0 : i32
    %dma_start3A_309 = tpu.memref_slice %dma_start3A_306[%dma_start3A_290, %dma_start3A_307, %dma_start3A_308] : memref<4x32x128xf32, #tpu.memory_space<vmem>> -> memref<1x32x128xf32, #tpu.memory_space<vmem>>
    %dma_start3A_310 = tpu.memref_squeeze %dma_start3A_309 : memref<1x32x128xf32, #tpu.memory_space<vmem>> -> memref<32x128xf32, #tpu.memory_space<vmem>>
    %dma_start3A_311 = arith.constant 0 : i32
    %dma_start3A_312 = tpu.memref_slice %arg3[%dma_start3A_311, %multiple_of3A_288] : memref<32x1000000xf32, #tpu.memory_space<hbm>> -> memref<32x128xf32, #tpu.memory_space<hbm>>
    tpu.enqueue_dma source(%dma_start3A_312 : memref<32x128xf32, #tpu.memory_space<hbm>>) target(%dma_start3A_310 : memref<32x128xf32, #tpu.memory_space<vmem>>) target_semaphore(%arg10 : memref<!tpu.dma_semaphore, #tpu.memory_space<semaphore_mem>>)
    %slice3A_313 = vector.extract_strided_slice %get3A_250 {offsets = [2], sizes = [1], strides = [1]} : vector<16xi32> to vector<1xi32>
    %squeeze3A_314 = vector.extract %slice3A_313[0] : i32 from vector<1xi32>
    %shift_right_logical3A_315 = arith.constant 7 : i32
    %shift_right_logical3A_316 = arith.shrui %squeeze3A_314, %shift_right_logical3A_315 : i32
    %shift_left3A_317 = arith.constant 7 : i32
    %shift_left3A_318 = arith.shli %shift_right_logical3A_316, %shift_left3A_317 : i32
    %multiple_of3A_319 = tpu.assume_multiple %shift_left3A_318, 128 : i32
    %dma_start3A_320 = arith.constant 2 : i32
    %dma_start3A_321 = arith.constant 2 : i32
    %dma_start3A_322 = arith.constant 0 : i32
    %dma_start3A_323 = arith.constant 0 : i32
    %dma_start3A_324 = arith.constant 0 : i32
    %dma_start3A_325 = tpu.memref_slice %arg6[%dma_start3A_320, %dma_start3A_322, %dma_start3A_323, %dma_start3A_324] : memref<6x4x32x128xf32, #tpu.memory_space<vmem>> -> memref<1x4x32x128xf32, #tpu.memory_space<vmem>>
    %dma_start3A_326 = tpu.memref_squeeze %dma_start3A_325 : memref<1x4x32x128xf32, #tpu.memory_space<vmem>> -> memref<4x32x128xf32, #tpu.memory_space<vmem>>
    %dma_start3A_327 = arith.constant 0 : i32
    %dma_start3A_328 = arith.constant 0 : i32
    %dma_start3A_329 = tpu.memref_slice %dma_start3A_326[%dma_start3A_321, %dma_start3A_327, %dma_start3A_328] : memref<4x32x128xf32, #tpu.memory_space<vmem>> -> memref<1x32x128xf32, #tpu.memory_space<vmem>>
    %dma_start3A_330 = tpu.memref_squeeze %dma_start3A_329 : memref<1x32x128xf32, #tpu.memory_space<vmem>> -> memref<32x128xf32, #tpu.memory_space<vmem>>
    %dma_start3A_331 = arith.constant 0 : i32
    %dma_start3A_332 = tpu.memref_slice %arg3[%dma_start3A_331, %multiple_of3A_319] : memref<32x1000000xf32, #tpu.memory_space<hbm>> -> memref<32x128xf32, #tpu.memory_space<hbm>>
    %dma_start3A_333 = arith.constant 0 : i32
    %dma_start3A_334 = arith.constant 0 : i32
    %dma_start3A_335 = arith.constant 0 : i32
    %dma_start3A_336 = tpu.memref_slice %arg6[%dma_start3A_320, %dma_start3A_333, %dma_start3A_334, %dma_start3A_335] : memref<6x4x32x128xf32, #tpu.memory_space<vmem>> -> memref<1x4x32x128xf32, #tpu.memory_space<vmem>>
    %dma_start3A_337 = tpu.memref_squeeze %dma_start3A_336 : memref<1x4x32x128xf32, #tpu.memory_space<vmem>> -> memref<4x32x128xf32, #tpu.memory_space<vmem>>
    %dma_start3A_338 = arith.constant 0 : i32
    %dma_start3A_339 = arith.constant 0 : i32
    %dma_start3A_340 = tpu.memref_slice %dma_start3A_337[%dma_start3A_321, %dma_start3A_338, %dma_start3A_339] : memref<4x32x128xf32, #tpu.memory_space<vmem>> -> memref<1x32x128xf32, #tpu.memory_space<vmem>>
    %dma_start3A_341 = tpu.memref_squeeze %dma_start3A_340 : memref<1x32x128xf32, #tpu.memory_space<vmem>> -> memref<32x128xf32, #tpu.memory_space<vmem>>
    %dma_start3A_342 = arith.constant 0 : i32
    %dma_start3A_343 = tpu.memref_slice %arg3[%dma_start3A_342, %multiple_of3A_319] : memref<32x1000000xf32, #tpu.memory_space<hbm>> -> memref<32x128xf32, #tpu.memory_space<hbm>>
    tpu.enqueue_dma source(%dma_start3A_343 : memref<32x128xf32, #tpu.memory_space<hbm>>) target(%dma_start3A_341 : memref<32x128xf32, #tpu.memory_space<vmem>>) target_semaphore(%arg10 : memref<!tpu.dma_semaphore, #tpu.memory_space<semaphore_mem>>)
    %slice3A_344 = vector.extract_strided_slice %get3A_250 {offsets = [3], sizes = [1], strides = [1]} : vector<16xi32> to vector<1xi32>
    %squeeze3A_345 = vector.extract %slice3A_344[0] : i32 from vector<1xi32>
    %shift_right_logical3A_346 = arith.constant 7 : i32
    %shift_right_logical3A_347 = arith.shrui %squeeze3A_345, %shift_right_logical3A_346 : i32
    %shift_left3A_348 = arith.constant 7 : i32
    %shift_left3A_349 = arith.shli %shift_right_logical3A_347, %shift_left3A_348 : i32
    %multiple_of3A_350 = tpu.assume_multiple %shift_left3A_349, 128 : i32
    %dma_start3A_351 = arith.constant 2 : i32
    %dma_start3A_352 = arith.constant 3 : i32
    %dma_start3A_353 = arith.constant 0 : i32
    %dma_start3A_354 = arith.constant 0 : i32
    %dma_start3A_355 = arith.constant 0 : i32
    %dma_start3A_356 = tpu.memref_slice %arg6[%dma_start3A_351, %dma_start3A_353, %dma_start3A_354, %dma_start3A_355] : memref<6x4x32x128xf32, #tpu.memory_space<vmem>> -> memref<1x4x32x128xf32, #tpu.memory_space<vmem>>
    %dma_start3A_357 = tpu.memref_squeeze %dma_start3A_356 : memref<1x4x32x128xf32, #tpu.memory_space<vmem>> -> memref<4x32x128xf32, #tpu.memory_space<vmem>>
    %dma_start3A_358 = arith.constant 0 : i32
    %dma_start3A_359 = arith.constant 0 : i32
    %dma_start3A_360 = tpu.memref_slice %dma_start3A_357[%dma_start3A_352, %dma_start3A_358, %dma_start3A_359] : memref<4x32x128xf32, #tpu.memory_space<vmem>> -> memref<1x32x128xf32, #tpu.memory_space<vmem>>
    %dma_start3A_361 = tpu.memref_squeeze %dma_start3A_360 : memref<1x32x128xf32, #tpu.memory_space<vmem>> -> memref<32x128xf32, #tpu.memory_space<vmem>>
    %dma_start3A_362 = arith.constant 0 : i32
    %dma_start3A_363 = tpu.memref_slice %arg3[%dma_start3A_362, %multiple_of3A_350] : memref<32x1000000xf32, #tpu.memory_space<hbm>> -> memref<32x128xf32, #tpu.memory_space<hbm>>
    %dma_start3A_364 = arith.constant 0 : i32
    %dma_start3A_365 = arith.constant 0 : i32
    %dma_start3A_366 = arith.constant 0 : i32
    %dma_start3A_367 = tpu.memref_slice %arg6[%dma_start3A_351, %dma_start3A_364, %dma_start3A_365, %dma_start3A_366] : memref<6x4x32x128xf32, #tpu.memory_space<vmem>> -> memref<1x4x32x128xf32, #tpu.memory_space<vmem>>
    %dma_start3A_368 = tpu.memref_squeeze %dma_start3A_367 : memref<1x4x32x128xf32, #tpu.memory_space<vmem>> -> memref<4x32x128xf32, #tpu.memory_space<vmem>>
    %dma_start3A_369 = arith.constant 0 : i32
    %dma_start3A_370 = arith.constant 0 : i32
    %dma_start3A_371 = tpu.memref_slice %dma_start3A_368[%dma_start3A_352, %dma_start3A_369, %dma_start3A_370] : memref<4x32x128xf32, #tpu.memory_space<vmem>> -> memref<1x32x128xf32, #tpu.memory_space<vmem>>
    %dma_start3A_372 = tpu.memref_squeeze %dma_start3A_371 : memref<1x32x128xf32, #tpu.memory_space<vmem>> -> memref<32x128xf32, #tpu.memory_space<vmem>>
    %dma_start3A_373 = arith.constant 0 : i32
    %dma_start3A_374 = tpu.memref_slice %arg3[%dma_start3A_373, %multiple_of3A_350] : memref<32x1000000xf32, #tpu.memory_space<hbm>> -> memref<32x128xf32, #tpu.memory_space<hbm>>
    tpu.enqueue_dma source(%dma_start3A_374 : memref<32x128xf32, #tpu.memory_space<hbm>>) target(%dma_start3A_372 : memref<32x128xf32, #tpu.memory_space<vmem>>) target_semaphore(%arg10 : memref<!tpu.dma_semaphore, #tpu.memory_space<semaphore_mem>>)
    %get3A_375 = arith.constant 12 : index
    %get3A_376 = tpu.vector_load %arg5[%get3A_375] {strides = array<i32>} : memref<528xi32, #tpu.memory_space<vmem>>, vector<16xi32>,
    %slice3A_377 = vector.extract_strided_slice %get3A_376 {offsets = [0], sizes = [1], strides = [1]} : vector<16xi32> to vector<1xi32>
    %squeeze3A_378 = vector.extract %slice3A_377[0] : i32 from vector<1xi32>
    %shift_right_logical3A_379 = arith.constant 7 : i32
    %shift_right_logical3A_380 = arith.shrui %squeeze3A_378, %shift_right_logical3A_379 : i32
    %shift_left3A_381 = arith.constant 7 : i32
    %shift_left3A_382 = arith.shli %shift_right_logical3A_380, %shift_left3A_381 : i32
    %multiple_of3A_383 = tpu.assume_multiple %shift_left3A_382, 128 : i32
    %dma_start3A_384 = arith.constant 3 : i32
    %dma_start3A_385 = arith.constant 0 : i32
    %dma_start3A_386 = arith.constant 0 : i32
    %dma_start3A_387 = arith.constant 0 : i32
    %dma_start3A_388 = arith.constant 0 : i32
    %dma_start3A_389 = tpu.memref_slice %arg6[%dma_start3A_384, %dma_start3A_386, %dma_start3A_387, %dma_start3A_388] : memref<6x4x32x128xf32, #tpu.memory_space<vmem>> -> memref<1x4x32x128xf32, #tpu.memory_space<vmem>>
    %dma_start3A_390 = tpu.memref_squeeze %dma_start3A_389 : memref<1x4x32x128xf32, #tpu.memory_space<vmem>> -> memref<4x32x128xf32, #tpu.memory_space<vmem>>
    %dma_start3A_391 = arith.constant 0 : i32
    %dma_start3A_392 = arith.constant 0 : i32
    %dma_start3A_393 = tpu.memref_slice %dma_start3A_390[%dma_start3A_385, %dma_start3A_391, %dma_start3A_392] : memref<4x32x128xf32, #tpu.memory_space<vmem>> -> memref<1x32x128xf32, #tpu.memory_space<vmem>>
    %dma_start3A_394 = tpu.memref_squeeze %dma_start3A_393 : memref<1x32x128xf32, #tpu.memory_space<vmem>> -> memref<32x128xf32, #tpu.memory_space<vmem>>
    %dma_start3A_395 = arith.constant 0 : i32
    %dma_start3A_396 = tpu.memref_slice %arg3[%dma_start3A_395, %multiple_of3A_383] : memref<32x1000000xf32, #tpu.memory_space<hbm>> -> memref<32x128xf32, #tpu.memory_space<hbm>>
    %dma_start3A_397 = arith.constant 0 : i32
    %dma_start3A_398 = arith.constant 0 : i32
    %dma_start3A_399 = arith.constant 0 : i32
    %dma_start3A_400 = tpu.memref_slice %arg6[%dma_start3A_384, %dma_start3A_397, %dma_start3A_398, %dma_start3A_399] : memref<6x4x32x128xf32, #tpu.memory_space<vmem>> -> memref<1x4x32x128xf32, #tpu.memory_space<vmem>>
    %dma_start3A_401 = tpu.memref_squeeze %dma_start3A_400 : memref<1x4x32x128xf32, #tpu.memory_space<vmem>> -> memref<4x32x128xf32, #tpu.memory_space<vmem>>
    %dma_start3A_402 = arith.constant 0 : i32
    %dma_start3A_403 = arith.constant 0 : i32
    %dma_start3A_404 = tpu.memref_slice %dma_start3A_401[%dma_start3A_385, %dma_start3A_402, %dma_start3A_403] : memref<4x32x128xf32, #tpu.memory_space<vmem>> -> memref<1x32x128xf32, #tpu.memory_space<vmem>>
    %dma_start3A_405 = tpu.memref_squeeze %dma_start3A_404 : memref<1x32x128xf32, #tpu.memory_space<vmem>> -> memref<32x128xf32, #tpu.memory_space<vmem>>
    %dma_start3A_406 = arith.constant 0 : i32
    %dma_start3A_407 = tpu.memref_slice %arg3[%dma_start3A_406, %multiple_of3A_383] : memref<32x1000000xf32, #tpu.memory_space<hbm>> -> memref<32x128xf32, #tpu.memory_space<hbm>>
    tpu.enqueue_dma source(%dma_start3A_407 : memref<32x128xf32, #tpu.memory_space<hbm>>) target(%dma_start3A_405 : memref<32x128xf32, #tpu.memory_space<vmem>>) target_semaphore(%arg11 : memref<!tpu.dma_semaphore, #tpu.memory_space<semaphore_mem>>)
    %slice3A_408 = vector.extract_strided_slice %get3A_376 {offsets = [1], sizes = [1], strides = [1]} : vector<16xi32> to vector<1xi32>
    %squeeze3A_409 = vector.extract %slice3A_408[0] : i32 from vector<1xi32>
    %shift_right_logical3A_410 = arith.constant 7 : i32
    %shift_right_logical3A_411 = arith.shrui %squeeze3A_409, %shift_right_logical3A_410 : i32
    %shift_left3A_412 = arith.constant 7 : i32
    %shift_left3A_413 = arith.shli %shift_right_logical3A_411, %shift_left3A_412 : i32
    %multiple_of3A_414 = tpu.assume_multiple %shift_left3A_413, 128 : i32
    %dma_start3A_415 = arith.constant 3 : i32
    %dma_start3A_416 = arith.constant 1 : i32
    %dma_start3A_417 = arith.constant 0 : i32
    %dma_start3A_418 = arith.constant 0 : i32
    %dma_start3A_419 = arith.constant 0 : i32
    %dma_start3A_420 = tpu.memref_slice %arg6[%dma_start3A_415, %dma_start3A_417, %dma_start3A_418, %dma_start3A_419] : memref<6x4x32x128xf32, #tpu.memory_space<vmem>> -> memref<1x4x32x128xf32, #tpu.memory_space<vmem>>
    %dma_start3A_421 = tpu.memref_squeeze %dma_start3A_420 : memref<1x4x32x128xf32, #tpu.memory_space<vmem>> -> memref<4x32x128xf32, #tpu.memory_space<vmem>>
    %dma_start3A_422 = arith.constant 0 : i32
    %dma_start3A_423 = arith.constant 0 : i32
    %dma_start3A_424 = tpu.memref_slice %dma_start3A_421[%dma_start3A_416, %dma_start3A_422, %dma_start3A_423] : memref<4x32x128xf32, #tpu.memory_space<vmem>> -> memref<1x32x128xf32, #tpu.memory_space<vmem>>
    %dma_start3A_425 = tpu.memref_squeeze %dma_start3A_424 : memref<1x32x128xf32, #tpu.memory_space<vmem>> -> memref<32x128xf32, #tpu.memory_space<vmem>>
    %dma_start3A_426 = arith.constant 0 : i32
    %dma_start3A_427 = tpu.memref_slice %arg3[%dma_start3A_426, %multiple_of3A_414] : memref<32x1000000xf32, #tpu.memory_space<hbm>> -> memref<32x128xf32, #tpu.memory_space<hbm>>
    %dma_start3A_428 = arith.constant 0 : i32
    %dma_start3A_429 = arith.constant 0 : i32
    %dma_start3A_430 = arith.constant 0 : i32
    %dma_start3A_431 = tpu.memref_slice %arg6[%dma_start3A_415, %dma_start3A_428, %dma_start3A_429, %dma_start3A_430] : memref<6x4x32x128xf32, #tpu.memory_space<vmem>> -> memref<1x4x32x128xf32, #tpu.memory_space<vmem>>
    %dma_start3A_432 = tpu.memref_squeeze %dma_start3A_431 : memref<1x4x32x128xf32, #tpu.memory_space<vmem>> -> memref<4x32x128xf32, #tpu.memory_space<vmem>>
    %dma_start3A_433 = arith.constant 0 : i32
    %dma_start3A_434 = arith.constant 0 : i32
    %dma_start3A_435 = tpu.memref_slice %dma_start3A_432[%dma_start3A_416, %dma_start3A_433, %dma_start3A_434] : memref<4x32x128xf32, #tpu.memory_space<vmem>> -> memref<1x32x128xf32, #tpu.memory_space<vmem>>
    %dma_start3A_436 = tpu.memref_squeeze %dma_start3A_435 : memref<1x32x128xf32, #tpu.memory_space<vmem>> -> memref<32x128xf32, #tpu.memory_space<vmem>>
    %dma_start3A_437 = arith.constant 0 : i32
    %dma_start3A_438 = tpu.memref_slice %arg3[%dma_start3A_437, %multiple_of3A_414] : memref<32x1000000xf32, #tpu.memory_space<hbm>> -> memref<32x128xf32, #tpu.memory_space<hbm>>
    tpu.enqueue_dma source(%dma_start3A_438 : memref<32x128xf32, #tpu.memory_space<hbm>>) target(%dma_start3A_436 : memref<32x128xf32, #tpu.memory_space<vmem>>) target_semaphore(%arg11 : memref<!tpu.dma_semaphore, #tpu.memory_space<semaphore_mem>>)
    %slice3A_439 = vector.extract_strided_slice %get3A_376 {offsets = [2], sizes = [1], strides = [1]} : vector<16xi32> to vector<1xi32>
    %squeeze3A_440 = vector.extract %slice3A_439[0] : i32 from vector<1xi32>
    %shift_right_logical3A_441 = arith.constant 7 : i32
    %shift_right_logical3A_442 = arith.shrui %squeeze3A_440, %shift_right_logical3A_441 : i32
    %shift_left3A_443 = arith.constant 7 : i32
    %shift_left3A_444 = arith.shli %shift_right_logical3A_442, %shift_left3A_443 : i32
    %multiple_of3A_445 = tpu.assume_multiple %shift_left3A_444, 128 : i32
    %dma_start3A_446 = arith.constant 3 : i32
    %dma_start3A_447 = arith.constant 2 : i32
    %dma_start3A_448 = arith.constant 0 : i32
    %dma_start3A_449 = arith.constant 0 : i32
    %dma_start3A_450 = arith.constant 0 : i32
    %dma_start3A_451 = tpu.memref_slice %arg6[%dma_start3A_446, %dma_start3A_448, %dma_start3A_449, %dma_start3A_450] : memref<6x4x32x128xf32, #tpu.memory_space<vmem>> -> memref<1x4x32x128xf32, #tpu.memory_space<vmem>>
    %dma_start3A_452 = tpu.memref_squeeze %dma_start3A_451 : memref<1x4x32x128xf32, #tpu.memory_space<vmem>> -> memref<4x32x128xf32, #tpu.memory_space<vmem>>
    %dma_start3A_453 = arith.constant 0 : i32
    %dma_start3A_454 = arith.constant 0 : i32
    %dma_start3A_455 = tpu.memref_slice %dma_start3A_452[%dma_start3A_447, %dma_start3A_453, %dma_start3A_454] : memref<4x32x128xf32, #tpu.memory_space<vmem>> -> memref<1x32x128xf32, #tpu.memory_space<vmem>>
    %dma_start3A_456 = tpu.memref_squeeze %dma_start3A_455 : memref<1x32x128xf32, #tpu.memory_space<vmem>> -> memref<32x128xf32, #tpu.memory_space<vmem>>
    %dma_start3A_457 = arith.constant 0 : i32
    %dma_start3A_458 = tpu.memref_slice %arg3[%dma_start3A_457, %multiple_of3A_445] : memref<32x1000000xf32, #tpu.memory_space<hbm>> -> memref<32x128xf32, #tpu.memory_space<hbm>>
    %dma_start3A_459 = arith.constant 0 : i32
    %dma_start3A_460 = arith.constant 0 : i32
    %dma_start3A_461 = arith.constant 0 : i32
    %dma_start3A_462 = tpu.memref_slice %arg6[%dma_start3A_446, %dma_start3A_459, %dma_start3A_460, %dma_start3A_461] : memref<6x4x32x128xf32, #tpu.memory_space<vmem>> -> memref<1x4x32x128xf32, #tpu.memory_space<vmem>>
    %dma_start3A_463 = tpu.memref_squeeze %dma_start3A_462 : memref<1x4x32x128xf32, #tpu.memory_space<vmem>> -> memref<4x32x128xf32, #tpu.memory_space<vmem>>
    %dma_start3A_464 = arith.constant 0 : i32
    %dma_start3A_465 = arith.constant 0 : i32
    %dma_start3A_466 = tpu.memref_slice %dma_start3A_463[%dma_start3A_447, %dma_start3A_464, %dma_start3A_465] : memref<4x32x128xf32, #tpu.memory_space<vmem>> -> memref<1x32x128xf32, #tpu.memory_space<vmem>>
    %dma_start3A_467 = tpu.memref_squeeze %dma_start3A_466 : memref<1x32x128xf32, #tpu.memory_space<vmem>> -> memref<32x128xf32, #tpu.memory_space<vmem>>
    %dma_start3A_468 = arith.constant 0 : i32
    %dma_start3A_469 = tpu.memref_slice %arg3[%dma_start3A_468, %multiple_of3A_445] : memref<32x1000000xf32, #tpu.memory_space<hbm>> -> memref<32x128xf32, #tpu.memory_space<hbm>>
    tpu.enqueue_dma source(%dma_start3A_469 : memref<32x128xf32, #tpu.memory_space<hbm>>) target(%dma_start3A_467 : memref<32x128xf32, #tpu.memory_space<vmem>>) target_semaphore(%arg11 : memref<!tpu.dma_semaphore, #tpu.memory_space<semaphore_mem>>)
    %slice3A_470 = vector.extract_strided_slice %get3A_376 {offsets = [3], sizes = [1], strides = [1]} : vector<16xi32> to vector<1xi32>
    %squeeze3A_471 = vector.extract %slice3A_470[0] : i32 from vector<1xi32>
    %shift_right_logical3A_472 = arith.constant 7 : i32
    %shift_right_logical3A_473 = arith.shrui %squeeze3A_471, %shift_right_logical3A_472 : i32
    %shift_left3A_474 = arith.constant 7 : i32
    %shift_left3A_475 = arith.shli %shift_right_logical3A_473, %shift_left3A_474 : i32
    %multiple_of3A_476 = tpu.assume_multiple %shift_left3A_475, 128 : i32
    %dma_start3A_477 = arith.constant 3 : i32
    %dma_start3A_478 = arith.constant 3 : i32
    %dma_start3A_479 = arith.constant 0 : i32
    %dma_start3A_480 = arith.constant 0 : i32
    %dma_start3A_481 = arith.constant 0 : i32
    %dma_start3A_482 = tpu.memref_slice %arg6[%dma_start3A_477, %dma_start3A_479, %dma_start3A_480, %dma_start3A_481] : memref<6x4x32x128xf32, #tpu.memory_space<vmem>> -> memref<1x4x32x128xf32, #tpu.memory_space<vmem>>
    %dma_start3A_483 = tpu.memref_squeeze %dma_start3A_482 : memref<1x4x32x128xf32, #tpu.memory_space<vmem>> -> memref<4x32x128xf32, #tpu.memory_space<vmem>>
    %dma_start3A_484 = arith.constant 0 : i32
    %dma_start3A_485 = arith.constant 0 : i32
    %dma_start3A_486 = tpu.memref_slice %dma_start3A_483[%dma_start3A_478, %dma_start3A_484, %dma_start3A_485] : memref<4x32x128xf32, #tpu.memory_space<vmem>> -> memref<1x32x128xf32, #tpu.memory_space<vmem>>
    %dma_start3A_487 = tpu.memref_squeeze %dma_start3A_486 : memref<1x32x128xf32, #tpu.memory_space<vmem>> -> memref<32x128xf32, #tpu.memory_space<vmem>>
    %dma_start3A_488 = arith.constant 0 : i32
    %dma_start3A_489 = tpu.memref_slice %arg3[%dma_start3A_488, %multiple_of3A_476] : memref<32x1000000xf32, #tpu.memory_space<hbm>> -> memref<32x128xf32, #tpu.memory_space<hbm>>
    %dma_start3A_490 = arith.constant 0 : i32
    %dma_start3A_491 = arith.constant 0 : i32
    %dma_start3A_492 = arith.constant 0 : i32
    %dma_start3A_493 = tpu.memref_slice %arg6[%dma_start3A_477, %dma_start3A_490, %dma_start3A_491, %dma_start3A_492] : memref<6x4x32x128xf32, #tpu.memory_space<vmem>> -> memref<1x4x32x128xf32, #tpu.memory_space<vmem>>
    %dma_start3A_494 = tpu.memref_squeeze %dma_start3A_493 : memref<1x4x32x128xf32, #tpu.memory_space<vmem>> -> memref<4x32x128xf32, #tpu.memory_space<vmem>>
    %dma_start3A_495 = arith.constant 0 : i32
    %dma_start3A_496 = arith.constant 0 : i32
    %dma_start3A_497 = tpu.memref_slice %dma_start3A_494[%dma_start3A_478, %dma_start3A_495, %dma_start3A_496] : memref<4x32x128xf32, #tpu.memory_space<vmem>> -> memref<1x32x128xf32, #tpu.memory_space<vmem>>
    %dma_start3A_498 = tpu.memref_squeeze %dma_start3A_497 : memref<1x32x128xf32, #tpu.memory_space<vmem>> -> memref<32x128xf32, #tpu.memory_space<vmem>>
    %dma_start3A_499 = arith.constant 0 : i32
    %dma_start3A_500 = tpu.memref_slice %arg3[%dma_start3A_499, %multiple_of3A_476] : memref<32x1000000xf32, #tpu.memory_space<hbm>> -> memref<32x128xf32, #tpu.memory_space<hbm>>
    tpu.enqueue_dma source(%dma_start3A_500 : memref<32x128xf32, #tpu.memory_space<hbm>>) target(%dma_start3A_498 : memref<32x128xf32, #tpu.memory_space<vmem>>) target_semaphore(%arg11 : memref<!tpu.dma_semaphore, #tpu.memory_space<semaphore_mem>>)
    %get3A_501 = arith.constant 16 : index
    %get3A_502 = tpu.vector_load %arg5[%get3A_501] {strides = array<i32>} : memref<528xi32, #tpu.memory_space<vmem>>, vector<16xi32>,
    %slice3A_503 = vector.extract_strided_slice %get3A_502 {offsets = [0], sizes = [1], strides = [1]} : vector<16xi32> to vector<1xi32>
    %squeeze3A_504 = vector.extract %slice3A_503[0] : i32 from vector<1xi32>
    %shift_right_logical3A_505 = arith.constant 7 : i32
    %shift_right_logical3A_506 = arith.shrui %squeeze3A_504, %shift_right_logical3A_505 : i32
    %shift_left3A_507 = arith.constant 7 : i32
    %shift_left3A_508 = arith.shli %shift_right_logical3A_506, %shift_left3A_507 : i32
    %multiple_of3A_509 = tpu.assume_multiple %shift_left3A_508, 128 : i32
    %dma_start3A_510 = arith.constant 4 : i32
    %dma_start3A_511 = arith.constant 0 : i32
    %dma_start3A_512 = arith.constant 0 : i32
    %dma_start3A_513 = arith.constant 0 : i32
    %dma_start3A_514 = arith.constant 0 : i32
    %dma_start3A_515 = tpu.memref_slice %arg6[%dma_start3A_510, %dma_start3A_512, %dma_start3A_513, %dma_start3A_514] : memref<6x4x32x128xf32, #tpu.memory_space<vmem>> -> memref<1x4x32x128xf32, #tpu.memory_space<vmem>>
    %dma_start3A_516 = tpu.memref_squeeze %dma_start3A_515 : memref<1x4x32x128xf32, #tpu.memory_space<vmem>> -> memref<4x32x128xf32, #tpu.memory_space<vmem>>
    %dma_start3A_517 = arith.constant 0 : i32
    %dma_start3A_518 = arith.constant 0 : i32
    %dma_start3A_519 = tpu.memref_slice %dma_start3A_516[%dma_start3A_511, %dma_start3A_517, %dma_start3A_518] : memref<4x32x128xf32, #tpu.memory_space<vmem>> -> memref<1x32x128xf32, #tpu.memory_space<vmem>>
    %dma_start3A_520 = tpu.memref_squeeze %dma_start3A_519 : memref<1x32x128xf32, #tpu.memory_space<vmem>> -> memref<32x128xf32, #tpu.memory_space<vmem>>
    %dma_start3A_521 = arith.constant 0 : i32
    %dma_start3A_522 = tpu.memref_slice %arg3[%dma_start3A_521, %multiple_of3A_509] : memref<32x1000000xf32, #tpu.memory_space<hbm>> -> memref<32x128xf32, #tpu.memory_space<hbm>>
    %dma_start3A_523 = arith.constant 0 : i32
    %dma_start3A_524 = arith.constant 0 : i32
    %dma_start3A_525 = arith.constant 0 : i32
    %dma_start3A_526 = tpu.memref_slice %arg6[%dma_start3A_510, %dma_start3A_523, %dma_start3A_524, %dma_start3A_525] : memref<6x4x32x128xf32, #tpu.memory_space<vmem>> -> memref<1x4x32x128xf32, #tpu.memory_space<vmem>>
    %dma_start3A_527 = tpu.memref_squeeze %dma_start3A_526 : memref<1x4x32x128xf32, #tpu.memory_space<vmem>> -> memref<4x32x128xf32, #tpu.memory_space<vmem>>
    %dma_start3A_528 = arith.constant 0 : i32
    %dma_start3A_529 = arith.constant 0 : i32
    %dma_start3A_530 = tpu.memref_slice %dma_start3A_527[%dma_start3A_511, %dma_start3A_528, %dma_start3A_529] : memref<4x32x128xf32, #tpu.memory_space<vmem>> -> memref<1x32x128xf32, #tpu.memory_space<vmem>>
    %dma_start3A_531 = tpu.memref_squeeze %dma_start3A_530 : memref<1x32x128xf32, #tpu.memory_space<vmem>> -> memref<32x128xf32, #tpu.memory_space<vmem>>
    %dma_start3A_532 = arith.constant 0 : i32
    %dma_start3A_533 = tpu.memref_slice %arg3[%dma_start3A_532, %multiple_of3A_509] : memref<32x1000000xf32, #tpu.memory_space<hbm>> -> memref<32x128xf32, #tpu.memory_space<hbm>>
    tpu.enqueue_dma source(%dma_start3A_533 : memref<32x128xf32, #tpu.memory_space<hbm>>) target(%dma_start3A_531 : memref<32x128xf32, #tpu.memory_space<vmem>>) target_semaphore(%arg12 : memref<!tpu.dma_semaphore, #tpu.memory_space<semaphore_mem>>)
    %slice3A_534 = vector.extract_strided_slice %get3A_502 {offsets = [1], sizes = [1], strides = [1]} : vector<16xi32> to vector<1xi32>
    %squeeze3A_535 = vector.extract %slice3A_534[0] : i32 from vector<1xi32>
    %shift_right_logical3A_536 = arith.constant 7 : i32
    %shift_right_logical3A_537 = arith.shrui %squeeze3A_535, %shift_right_logical3A_536 : i32
    %shift_left3A_538 = arith.constant 7 : i32
    %shift_left3A_539 = arith.shli %shift_right_logical3A_537, %shift_left3A_538 : i32
    %multiple_of3A_540 = tpu.assume_multiple %shift_left3A_539, 128 : i32
    %dma_start3A_541 = arith.constant 4 : i32
    %dma_start3A_542 = arith.constant 1 : i32
    %dma_start3A_543 = arith.constant 0 : i32
    %dma_start3A_544 = arith.constant 0 : i32
    %dma_start3A_545 = arith.constant 0 : i32
    %dma_start3A_546 = tpu.memref_slice %arg6[%dma_start3A_541, %dma_start3A_543, %dma_start3A_544, %dma_start3A_545] : memref<6x4x32x128xf32, #tpu.memory_space<vmem>> -> memref<1x4x32x128xf32, #tpu.memory_space<vmem>>
    %dma_start3A_547 = tpu.memref_squeeze %dma_start3A_546 : memref<1x4x32x128xf32, #tpu.memory_space<vmem>> -> memref<4x32x128xf32, #tpu.memory_space<vmem>>
    %dma_start3A_548 = arith.constant 0 : i32
    %dma_start3A_549 = arith.constant 0 : i32
    %dma_start3A_550 = tpu.memref_slice %dma_start3A_547[%dma_start3A_542, %dma_start3A_548, %dma_start3A_549] : memref<4x32x128xf32, #tpu.memory_space<vmem>> -> memref<1x32x128xf32, #tpu.memory_space<vmem>>
    %dma_start3A_551 = tpu.memref_squeeze %dma_start3A_550 : memref<1x32x128xf32, #tpu.memory_space<vmem>> -> memref<32x128xf32, #tpu.memory_space<vmem>>
    %dma_start3A_552 = arith.constant 0 : i32
    %dma_start3A_553 = tpu.memref_slice %arg3[%dma_start3A_552, %multiple_of3A_540] : memref<32x1000000xf32, #tpu.memory_space<hbm>> -> memref<32x128xf32, #tpu.memory_space<hbm>>
    %dma_start3A_554 = arith.constant 0 : i32
    %dma_start3A_555 = arith.constant 0 : i32
    %dma_start3A_556 = arith.constant 0 : i32
    %dma_start3A_557 = tpu.memref_slice %arg6[%dma_start3A_541, %dma_start3A_554, %dma_start3A_555, %dma_start3A_556] : memref<6x4x32x128xf32, #tpu.memory_space<vmem>> -> memref<1x4x32x128xf32, #tpu.memory_space<vmem>>
    %dma_start3A_558 = tpu.memref_squeeze %dma_start3A_557 : memref<1x4x32x128xf32, #tpu.memory_space<vmem>> -> memref<4x32x128xf32, #tpu.memory_space<vmem>>
    %dma_start3A_559 = arith.constant 0 : i32
    %dma_start3A_560 = arith.constant 0 : i32
    %dma_start3A_561 = tpu.memref_slice %dma_start3A_558[%dma_start3A_542, %dma_start3A_559, %dma_start3A_560] : memref<4x32x128xf32, #tpu.memory_space<vmem>> -> memref<1x32x128xf32, #tpu.memory_space<vmem>>
    %dma_start3A_562 = tpu.memref_squeeze %dma_start3A_561 : memref<1x32x128xf32, #tpu.memory_space<vmem>> -> memref<32x128xf32, #tpu.memory_space<vmem>>
    %dma_start3A_563 = arith.constant 0 : i32
    %dma_start3A_564 = tpu.memref_slice %arg3[%dma_start3A_563, %multiple_of3A_540] : memref<32x1000000xf32, #tpu.memory_space<hbm>> -> memref<32x128xf32, #tpu.memory_space<hbm>>
    tpu.enqueue_dma source(%dma_start3A_564 : memref<32x128xf32, #tpu.memory_space<hbm>>) target(%dma_start3A_562 : memref<32x128xf32, #tpu.memory_space<vmem>>) target_semaphore(%arg12 : memref<!tpu.dma_semaphore, #tpu.memory_space<semaphore_mem>>)
    %slice3A_565 = vector.extract_strided_slice %get3A_502 {offsets = [2], sizes = [1], strides = [1]} : vector<16xi32> to vector<1xi32>
    %squeeze3A_566 = vector.extract %slice3A_565[0] : i32 from vector<1xi32>
    %shift_right_logical3A_567 = arith.constant 7 : i32
    %shift_right_logical3A_568 = arith.shrui %squeeze3A_566, %shift_right_logical3A_567 : i32
    %shift_left3A_569 = arith.constant 7 : i32
    %shift_left3A_570 = arith.shli %shift_right_logical3A_568, %shift_left3A_569 : i32
    %multiple_of3A_571 = tpu.assume_multiple %shift_left3A_570, 128 : i32
    %dma_start3A_572 = arith.constant 4 : i32
    %dma_start3A_573 = arith.constant 2 : i32
    %dma_start3A_574 = arith.constant 0 : i32
    %dma_start3A_575 = arith.constant 0 : i32
    %dma_start3A_576 = arith.constant 0 : i32
    %dma_start3A_577 = tpu.memref_slice %arg6[%dma_start3A_572, %dma_start3A_574, %dma_start3A_575, %dma_start3A_576] : memref<6x4x32x128xf32, #tpu.memory_space<vmem>> -> memref<1x4x32x128xf32, #tpu.memory_space<vmem>>
    %dma_start3A_578 = tpu.memref_squeeze %dma_start3A_577 : memref<1x4x32x128xf32, #tpu.memory_space<vmem>> -> memref<4x32x128xf32, #tpu.memory_space<vmem>>
    %dma_start3A_579 = arith.constant 0 : i32
    %dma_start3A_580 = arith.constant 0 : i32
    %dma_start3A_581 = tpu.memref_slice %dma_start3A_578[%dma_start3A_573, %dma_start3A_579, %dma_start3A_580] : memref<4x32x128xf32, #tpu.memory_space<vmem>> -> memref<1x32x128xf32, #tpu.memory_space<vmem>>
    %dma_start3A_582 = tpu.memref_squeeze %dma_start3A_581 : memref<1x32x128xf32, #tpu.memory_space<vmem>> -> memref<32x128xf32, #tpu.memory_space<vmem>>
    %dma_start3A_583 = arith.constant 0 : i32
    %dma_start3A_584 = tpu.memref_slice %arg3[%dma_start3A_583, %multiple_of3A_571] : memref<32x1000000xf32, #tpu.memory_space<hbm>> -> memref<32x128xf32, #tpu.memory_space<hbm>>
    %dma_start3A_585 = arith.constant 0 : i32
    %dma_start3A_586 = arith.constant 0 : i32
    %dma_start3A_587 = arith.constant 0 : i32
    %dma_start3A_588 = tpu.memref_slice %arg6[%dma_start3A_572, %dma_start3A_585, %dma_start3A_586, %dma_start3A_587] : memref<6x4x32x128xf32, #tpu.memory_space<vmem>> -> memref<1x4x32x128xf32, #tpu.memory_space<vmem>>
    %dma_start3A_589 = tpu.memref_squeeze %dma_start3A_588 : memref<1x4x32x128xf32, #tpu.memory_space<vmem>> -> memref<4x32x128xf32, #tpu.memory_space<vmem>>
    %dma_start3A_590 = arith.constant 0 : i32
    %dma_start3A_591 = arith.constant 0 : i32
    %dma_start3A_592 = tpu.memref_slice %dma_start3A_589[%dma_start3A_573, %dma_start3A_590, %dma_start3A_591] : memref<4x32x128xf32, #tpu.memory_space<vmem>> -> memref<1x32x128xf32, #tpu.memory_space<vmem>>
    %dma_start3A_593 = tpu.memref_squeeze %dma_start3A_592 : memref<1x32x128xf32, #tpu.memory_space<vmem>> -> memref<32x128xf32, #tpu.memory_space<vmem>>
    %dma_start3A_594 = arith.constant 0 : i32
    %dma_start3A_595 = tpu.memref_slice %arg3[%dma_start3A_594, %multiple_of3A_571] : memref<32x1000000xf32, #tpu.memory_space<hbm>> -> memref<32x128xf32, #tpu.memory_space<hbm>>
    tpu.enqueue_dma source(%dma_start3A_595 : memref<32x128xf32, #tpu.memory_space<hbm>>) target(%dma_start3A_593 : memref<32x128xf32, #tpu.memory_space<vmem>>) target_semaphore(%arg12 : memref<!tpu.dma_semaphore, #tpu.memory_space<semaphore_mem>>)
    %slice3A_596 = vector.extract_strided_slice %get3A_502 {offsets = [3], sizes = [1], strides = [1]} : vector<16xi32> to vector<1xi32>
    %squeeze3A_597 = vector.extract %slice3A_596[0] : i32 from vector<1xi32>
    %shift_right_logical3A_598 = arith.constant 7 : i32
    %shift_right_logical3A_599 = arith.shrui %squeeze3A_597, %shift_right_logical3A_598 : i32
    %shift_left3A_600 = arith.constant 7 : i32
    %shift_left3A_601 = arith.shli %shift_right_logical3A_599, %shift_left3A_600 : i32
    %multiple_of3A_602 = tpu.assume_multiple %shift_left3A_601, 128 : i32
    %dma_start3A_603 = arith.constant 4 : i32
    %dma_start3A_604 = arith.constant 3 : i32
    %dma_start3A_605 = arith.constant 0 : i32
    %dma_start3A_606 = arith.constant 0 : i32
    %dma_start3A_607 = arith.constant 0 : i32
    %dma_start3A_608 = tpu.memref_slice %arg6[%dma_start3A_603, %dma_start3A_605, %dma_start3A_606, %dma_start3A_607] : memref<6x4x32x128xf32, #tpu.memory_space<vmem>> -> memref<1x4x32x128xf32, #tpu.memory_space<vmem>>
    %dma_start3A_609 = tpu.memref_squeeze %dma_start3A_608 : memref<1x4x32x128xf32, #tpu.memory_space<vmem>> -> memref<4x32x128xf32, #tpu.memory_space<vmem>>
    %dma_start3A_610 = arith.constant 0 : i32
    %dma_start3A_611 = arith.constant 0 : i32
    %dma_start3A_612 = tpu.memref_slice %dma_start3A_609[%dma_start3A_604, %dma_start3A_610, %dma_start3A_611] : memref<4x32x128xf32, #tpu.memory_space<vmem>> -> memref<1x32x128xf32, #tpu.memory_space<vmem>>
    %dma_start3A_613 = tpu.memref_squeeze %dma_start3A_612 : memref<1x32x128xf32, #tpu.memory_space<vmem>> -> memref<32x128xf32, #tpu.memory_space<vmem>>
    %dma_start3A_614 = arith.constant 0 : i32
    %dma_start3A_615 = tpu.memref_slice %arg3[%dma_start3A_614, %multiple_of3A_602] : memref<32x1000000xf32, #tpu.memory_space<hbm>> -> memref<32x128xf32, #tpu.memory_space<hbm>>
    %dma_start3A_616 = arith.constant 0 : i32
    %dma_start3A_617 = arith.constant 0 : i32
    %dma_start3A_618 = arith.constant 0 : i32
    %dma_start3A_619 = tpu.memref_slice %arg6[%dma_start3A_603, %dma_start3A_616, %dma_start3A_617, %dma_start3A_618] : memref<6x4x32x128xf32, #tpu.memory_space<vmem>> -> memref<1x4x32x128xf32, #tpu.memory_space<vmem>>
    %dma_start3A_620 = tpu.memref_squeeze %dma_start3A_619 : memref<1x4x32x128xf32, #tpu.memory_space<vmem>> -> memref<4x32x128xf32, #tpu.memory_space<vmem>>
    %dma_start3A_621 = arith.constant 0 : i32
    %dma_start3A_622 = arith.constant 0 : i32
    %dma_start3A_623 = tpu.memref_slice %dma_start3A_620[%dma_start3A_604, %dma_start3A_621, %dma_start3A_622] : memref<4x32x128xf32, #tpu.memory_space<vmem>> -> memref<1x32x128xf32, #tpu.memory_space<vmem>>
    %dma_start3A_624 = tpu.memref_squeeze %dma_start3A_623 : memref<1x32x128xf32, #tpu.memory_space<vmem>> -> memref<32x128xf32, #tpu.memory_space<vmem>>
    %dma_start3A_625 = arith.constant 0 : i32
    %dma_start3A_626 = tpu.memref_slice %arg3[%dma_start3A_625, %multiple_of3A_602] : memref<32x1000000xf32, #tpu.memory_space<hbm>> -> memref<32x128xf32, #tpu.memory_space<hbm>>
    tpu.enqueue_dma source(%dma_start3A_626 : memref<32x128xf32, #tpu.memory_space<hbm>>) target(%dma_start3A_624 : memref<32x128xf32, #tpu.memory_space<vmem>>) target_semaphore(%arg12 : memref<!tpu.dma_semaphore, #tpu.memory_space<semaphore_mem>>)
    %scan3A = arith.constant 0 : i32
    %scan3A_627 = arith.constant 0 : i32
    %scan3A_628 = arith.constant 22 : i32
    %scan3A_629 = arith.addi %scan3A_627, %scan3A_628 : i32
    %scan3A_630 = arith.constant 1 : i32
    scf.for %scan3A_632 = %scan3A_627 to %scan3A_629 step %scan3A_630  : i32 {
      %mul3A_633 = arith.constant 6 : i32
      %mul3A_634 = arith.muli %scan3A_632, %mul3A_633 : i32
      %add3A_635 = arith.constant 0 : i32
      %add3A_636 = arith.addi %mul3A_634, %add3A_635 : i32
      %add3A_637 = arith.constant 5 : i32
      %add3A_638 = arith.addi %add3A_636, %add3A_637 : i32
      %lt3A = arith.constant 128 : i32
      %lt3A_639 = arith.cmpi slt, %add3A_638, %lt3A : i32
      %convert_element_type3A = arith.extui %lt3A_639 : i1 to i32
      %cond3A = arith.constant 0 : i32
      %cond3A_640 = arith.cmpi ne, %convert_element_type3A, %cond3A : i32
      scf.if %cond3A_640 {
        %add3A_726 = arith.constant 5 : i32
        %add3A_727 = arith.addi %add3A_636, %add3A_726 : i32
        %mul3A_728 = arith.constant 4 : i32
        %mul3A_729 = arith.muli %add3A_727, %mul3A_728 : i32
        %get3A_730 = arith.index_cast %mul3A_729 : i32 to index
        %get3A_731 = tpu.vector_load %arg5[%get3A_730] {strides = array<i32>} : memref<528xi32, #tpu.memory_space<vmem>>, vector<16xi32>,
        %slice3A_732 = vector.extract_strided_slice %get3A_731 {offsets = [0], sizes = [1], strides = [1]} : vector<16xi32> to vector<1xi32>
        %squeeze3A_733 = vector.extract %slice3A_732[0] : i32 from vector<1xi32>
        %shift_right_logical3A_734 = arith.constant 7 : i32
        %shift_right_logical3A_735 = arith.shrui %squeeze3A_733, %shift_right_logical3A_734 : i32
        %shift_left3A_736 = arith.constant 7 : i32
        %shift_left3A_737 = arith.shli %shift_right_logical3A_735, %shift_left3A_736 : i32
        %multiple_of3A_738 = tpu.assume_multiple %shift_left3A_737, 128 : i32
        %dma_start3A_739 = arith.constant 5 : i32
        %dma_start3A_740 = arith.constant 0 : i32
        %dma_start3A_741 = arith.constant 0 : i32
        %dma_start3A_742 = arith.constant 0 : i32
        %dma_start3A_743 = arith.constant 0 : i32
        %dma_start3A_744 = tpu.memref_slice %arg6[%dma_start3A_739, %dma_start3A_741, %dma_start3A_742, %dma_start3A_743] : memref<6x4x32x128xf32, #tpu.memory_space<vmem>> -> memref<1x4x32x128xf32, #tpu.memory_space<vmem>>
        %dma_start3A_745 = tpu.memref_squeeze %dma_start3A_744 : memref<1x4x32x128xf32, #tpu.memory_space<vmem>> -> memref<4x32x128xf32, #tpu.memory_space<vmem>>
        %dma_start3A_746 = arith.constant 0 : i32
        %dma_start3A_747 = arith.constant 0 : i32
        %dma_start3A_748 = tpu.memref_slice %dma_start3A_745[%dma_start3A_740, %dma_start3A_746, %dma_start3A_747] : memref<4x32x128xf32, #tpu.memory_space<vmem>> -> memref<1x32x128xf32, #tpu.memory_space<vmem>>
        %dma_start3A_749 = tpu.memref_squeeze %dma_start3A_748 : memref<1x32x128xf32, #tpu.memory_space<vmem>> -> memref<32x128xf32, #tpu.memory_space<vmem>>
        %dma_start3A_750 = arith.constant 0 : i32
        %dma_start3A_751 = tpu.memref_slice %arg3[%dma_start3A_750, %multiple_of3A_738] : memref<32x1000000xf32, #tpu.memory_space<hbm>> -> memref<32x128xf32, #tpu.memory_space<hbm>>
        %dma_start3A_752 = arith.constant 0 : i32
        %dma_start3A_753 = arith.constant 0 : i32
        %dma_start3A_754 = arith.constant 0 : i32
        %dma_start3A_755 = tpu.memref_slice %arg6[%dma_start3A_739, %dma_start3A_752, %dma_start3A_753, %dma_start3A_754] : memref<6x4x32x128xf32, #tpu.memory_space<vmem>> -> memref<1x4x32x128xf32, #tpu.memory_space<vmem>>
        %dma_start3A_756 = tpu.memref_squeeze %dma_start3A_755 : memref<1x4x32x128xf32, #tpu.memory_space<vmem>> -> memref<4x32x128xf32, #tpu.memory_space<vmem>>
        %dma_start3A_757 = arith.constant 0 : i32
        %dma_start3A_758 = arith.constant 0 : i32
        %dma_start3A_759 = tpu.memref_slice %dma_start3A_756[%dma_start3A_740, %dma_start3A_757, %dma_start3A_758] : memref<4x32x128xf32, #tpu.memory_space<vmem>> -> memref<1x32x128xf32, #tpu.memory_space<vmem>>
        %dma_start3A_760 = tpu.memref_squeeze %dma_start3A_759 : memref<1x32x128xf32, #tpu.memory_space<vmem>> -> memref<32x128xf32, #tpu.memory_space<vmem>>
        %dma_start3A_761 = arith.constant 0 : i32
        %dma_start3A_762 = tpu.memref_slice %arg3[%dma_start3A_761, %multiple_of3A_738] : memref<32x1000000xf32, #tpu.memory_space<hbm>> -> memref<32x128xf32, #tpu.memory_space<hbm>>
        tpu.enqueue_dma source(%dma_start3A_762 : memref<32x128xf32, #tpu.memory_space<hbm>>) target(%dma_start3A_760 : memref<32x128xf32, #tpu.memory_space<vmem>>) target_semaphore(%arg13 : memref<!tpu.dma_semaphore, #tpu.memory_space<semaphore_mem>>)
        %slice3A_763 = vector.extract_strided_slice %get3A_731 {offsets = [1], sizes = [1], strides = [1]} : vector<16xi32> to vector<1xi32>
        %squeeze3A_764 = vector.extract %slice3A_763[0] : i32 from vector<1xi32>
        %shift_right_logical3A_765 = arith.constant 7 : i32
        %shift_right_logical3A_766 = arith.shrui %squeeze3A_764, %shift_right_logical3A_765 : i32
        %shift_left3A_767 = arith.constant 7 : i32
        %shift_left3A_768 = arith.shli %shift_right_logical3A_766, %shift_left3A_767 : i32
        %multiple_of3A_769 = tpu.assume_multiple %shift_left3A_768, 128 : i32
        %dma_start3A_770 = arith.constant 5 : i32
        %dma_start3A_771 = arith.constant 1 : i32
        %dma_start3A_772 = arith.constant 0 : i32
        %dma_start3A_773 = arith.constant 0 : i32
        %dma_start3A_774 = arith.constant 0 : i32
        %dma_start3A_775 = tpu.memref_slice %arg6[%dma_start3A_770, %dma_start3A_772, %dma_start3A_773, %dma_start3A_774] : memref<6x4x32x128xf32, #tpu.memory_space<vmem>> -> memref<1x4x32x128xf32, #tpu.memory_space<vmem>>
        %dma_start3A_776 = tpu.memref_squeeze %dma_start3A_775 : memref<1x4x32x128xf32, #tpu.memory_space<vmem>> -> memref<4x32x128xf32, #tpu.memory_space<vmem>>
        %dma_start3A_777 = arith.constant 0 : i32
        %dma_start3A_778 = arith.constant 0 : i32
        %dma_start3A_779 = tpu.memref_slice %dma_start3A_776[%dma_start3A_771, %dma_start3A_777, %dma_start3A_778] : memref<4x32x128xf32, #tpu.memory_space<vmem>> -> memref<1x32x128xf32, #tpu.memory_space<vmem>>
        %dma_start3A_780 = tpu.memref_squeeze %dma_start3A_779 : memref<1x32x128xf32, #tpu.memory_space<vmem>> -> memref<32x128xf32, #tpu.memory_space<vmem>>
        %dma_start3A_781 = arith.constant 0 : i32
        %dma_start3A_782 = tpu.memref_slice %arg3[%dma_start3A_781, %multiple_of3A_769] : memref<32x1000000xf32, #tpu.memory_space<hbm>> -> memref<32x128xf32, #tpu.memory_space<hbm>>
        %dma_start3A_783 = arith.constant 0 : i32
        %dma_start3A_784 = arith.constant 0 : i32
        %dma_start3A_785 = arith.constant 0 : i32
        %dma_start3A_786 = tpu.memref_slice %arg6[%dma_start3A_770, %dma_start3A_783, %dma_start3A_784, %dma_start3A_785] : memref<6x4x32x128xf32, #tpu.memory_space<vmem>> -> memref<1x4x32x128xf32, #tpu.memory_space<vmem>>
        %dma_start3A_787 = tpu.memref_squeeze %dma_start3A_786 : memref<1x4x32x128xf32, #tpu.memory_space<vmem>> -> memref<4x32x128xf32, #tpu.memory_space<vmem>>
        %dma_start3A_788 = arith.constant 0 : i32
        %dma_start3A_789 = arith.constant 0 : i32
        %dma_start3A_790 = tpu.memref_slice %dma_start3A_787[%dma_start3A_771, %dma_start3A_788, %dma_start3A_789] : memref<4x32x128xf32, #tpu.memory_space<vmem>> -> memref<1x32x128xf32, #tpu.memory_space<vmem>>
        %dma_start3A_791 = tpu.memref_squeeze %dma_start3A_790 : memref<1x32x128xf32, #tpu.memory_space<vmem>> -> memref<32x128xf32, #tpu.memory_space<vmem>>
        %dma_start3A_792 = arith.constant 0 : i32
        %dma_start3A_793 = tpu.memref_slice %arg3[%dma_start3A_792, %multiple_of3A_769] : memref<32x1000000xf32, #tpu.memory_space<hbm>> -> memref<32x128xf32, #tpu.memory_space<hbm>>
        tpu.enqueue_dma source(%dma_start3A_793 : memref<32x128xf32, #tpu.memory_space<hbm>>) target(%dma_start3A_791 : memref<32x128xf32, #tpu.memory_space<vmem>>) target_semaphore(%arg13 : memref<!tpu.dma_semaphore, #tpu.memory_space<semaphore_mem>>)
        %slice3A_794 = vector.extract_strided_slice %get3A_731 {offsets = [2], sizes = [1], strides = [1]} : vector<16xi32> to vector<1xi32>
        %squeeze3A_795 = vector.extract %slice3A_794[0] : i32 from vector<1xi32>
        %shift_right_logical3A_796 = arith.constant 7 : i32
        %shift_right_logical3A_797 = arith.shrui %squeeze3A_795, %shift_right_logical3A_796 : i32
        %shift_left3A_798 = arith.constant 7 : i32
        %shift_left3A_799 = arith.shli %shift_right_logical3A_797, %shift_left3A_798 : i32
        %multiple_of3A_800 = tpu.assume_multiple %shift_left3A_799, 128 : i32
        %dma_start3A_801 = arith.constant 5 : i32
        %dma_start3A_802 = arith.constant 2 : i32
        %dma_start3A_803 = arith.constant 0 : i32
        %dma_start3A_804 = arith.constant 0 : i32
        %dma_start3A_805 = arith.constant 0 : i32
        %dma_start3A_806 = tpu.memref_slice %arg6[%dma_start3A_801, %dma_start3A_803, %dma_start3A_804, %dma_start3A_805] : memref<6x4x32x128xf32, #tpu.memory_space<vmem>> -> memref<1x4x32x128xf32, #tpu.memory_space<vmem>>
        %dma_start3A_807 = tpu.memref_squeeze %dma_start3A_806 : memref<1x4x32x128xf32, #tpu.memory_space<vmem>> -> memref<4x32x128xf32, #tpu.memory_space<vmem>>
        %dma_start3A_808 = arith.constant 0 : i32
        %dma_start3A_809 = arith.constant 0 : i32
        %dma_start3A_810 = tpu.memref_slice %dma_start3A_807[%dma_start3A_802, %dma_start3A_808, %dma_start3A_809] : memref<4x32x128xf32, #tpu.memory_space<vmem>> -> memref<1x32x128xf32, #tpu.memory_space<vmem>>
        %dma_start3A_811 = tpu.memref_squeeze %dma_start3A_810 : memref<1x32x128xf32, #tpu.memory_space<vmem>> -> memref<32x128xf32, #tpu.memory_space<vmem>>
        %dma_start3A_812 = arith.constant 0 : i32
        %dma_start3A_813 = tpu.memref_slice %arg3[%dma_start3A_812, %multiple_of3A_800] : memref<32x1000000xf32, #tpu.memory_space<hbm>> -> memref<32x128xf32, #tpu.memory_space<hbm>>
        %dma_start3A_814 = arith.constant 0 : i32
        %dma_start3A_815 = arith.constant 0 : i32
        %dma_start3A_816 = arith.constant 0 : i32
        %dma_start3A_817 = tpu.memref_slice %arg6[%dma_start3A_801, %dma_start3A_814, %dma_start3A_815, %dma_start3A_816] : memref<6x4x32x128xf32, #tpu.memory_space<vmem>> -> memref<1x4x32x128xf32, #tpu.memory_space<vmem>>
        %dma_start3A_818 = tpu.memref_squeeze %dma_start3A_817 : memref<1x4x32x128xf32, #tpu.memory_space<vmem>> -> memref<4x32x128xf32, #tpu.memory_space<vmem>>
        %dma_start3A_819 = arith.constant 0 : i32
        %dma_start3A_820 = arith.constant 0 : i32
        %dma_start3A_821 = tpu.memref_slice %dma_start3A_818[%dma_start3A_802, %dma_start3A_819, %dma_start3A_820] : memref<4x32x128xf32, #tpu.memory_space<vmem>> -> memref<1x32x128xf32, #tpu.memory_space<vmem>>
        %dma_start3A_822 = tpu.memref_squeeze %dma_start3A_821 : memref<1x32x128xf32, #tpu.memory_space<vmem>> -> memref<32x128xf32, #tpu.memory_space<vmem>>
        %dma_start3A_823 = arith.constant 0 : i32
        %dma_start3A_824 = tpu.memref_slice %arg3[%dma_start3A_823, %multiple_of3A_800] : memref<32x1000000xf32, #tpu.memory_space<hbm>> -> memref<32x128xf32, #tpu.memory_space<hbm>>
        tpu.enqueue_dma source(%dma_start3A_824 : memref<32x128xf32, #tpu.memory_space<hbm>>) target(%dma_start3A_822 : memref<32x128xf32, #tpu.memory_space<vmem>>) target_semaphore(%arg13 : memref<!tpu.dma_semaphore, #tpu.memory_space<semaphore_mem>>)
        %slice3A_825 = vector.extract_strided_slice %get3A_731 {offsets = [3], sizes = [1], strides = [1]} : vector<16xi32> to vector<1xi32>
        %squeeze3A_826 = vector.extract %slice3A_825[0] : i32 from vector<1xi32>
        %shift_right_logical3A_827 = arith.constant 7 : i32
        %shift_right_logical3A_828 = arith.shrui %squeeze3A_826, %shift_right_logical3A_827 : i32
        %shift_left3A_829 = arith.constant 7 : i32
        %shift_left3A_830 = arith.shli %shift_right_logical3A_828, %shift_left3A_829 : i32
        %multiple_of3A_831 = tpu.assume_multiple %shift_left3A_830, 128 : i32
        %dma_start3A_832 = arith.constant 5 : i32
        %dma_start3A_833 = arith.constant 3 : i32
        %dma_start3A_834 = arith.constant 0 : i32
        %dma_start3A_835 = arith.constant 0 : i32
        %dma_start3A_836 = arith.constant 0 : i32
        %dma_start3A_837 = tpu.memref_slice %arg6[%dma_start3A_832, %dma_start3A_834, %dma_start3A_835, %dma_start3A_836] : memref<6x4x32x128xf32, #tpu.memory_space<vmem>> -> memref<1x4x32x128xf32, #tpu.memory_space<vmem>>
        %dma_start3A_838 = tpu.memref_squeeze %dma_start3A_837 : memref<1x4x32x128xf32, #tpu.memory_space<vmem>> -> memref<4x32x128xf32, #tpu.memory_space<vmem>>
        %dma_start3A_839 = arith.constant 0 : i32
        %dma_start3A_840 = arith.constant 0 : i32
        %dma_start3A_841 = tpu.memref_slice %dma_start3A_838[%dma_start3A_833, %dma_start3A_839, %dma_start3A_840] : memref<4x32x128xf32, #tpu.memory_space<vmem>> -> memref<1x32x128xf32, #tpu.memory_space<vmem>>
        %dma_start3A_842 = tpu.memref_squeeze %dma_start3A_841 : memref<1x32x128xf32, #tpu.memory_space<vmem>> -> memref<32x128xf32, #tpu.memory_space<vmem>>
        %dma_start3A_843 = arith.constant 0 : i32
        %dma_start3A_844 = tpu.memref_slice %arg3[%dma_start3A_843, %multiple_of3A_831] : memref<32x1000000xf32, #tpu.memory_space<hbm>> -> memref<32x128xf32, #tpu.memory_space<hbm>>
        %dma_start3A_845 = arith.constant 0 : i32
        %dma_start3A_846 = arith.constant 0 : i32
        %dma_start3A_847 = arith.constant 0 : i32
        %dma_start3A_848 = tpu.memref_slice %arg6[%dma_start3A_832, %dma_start3A_845, %dma_start3A_846, %dma_start3A_847] : memref<6x4x32x128xf32, #tpu.memory_space<vmem>> -> memref<1x4x32x128xf32, #tpu.memory_space<vmem>>
        %dma_start3A_849 = tpu.memref_squeeze %dma_start3A_848 : memref<1x4x32x128xf32, #tpu.memory_space<vmem>> -> memref<4x32x128xf32, #tpu.memory_space<vmem>>
        %dma_start3A_850 = arith.constant 0 : i32
        %dma_start3A_851 = arith.constant 0 : i32
        %dma_start3A_852 = tpu.memref_slice %dma_start3A_849[%dma_start3A_833, %dma_start3A_850, %dma_start3A_851] : memref<4x32x128xf32, #tpu.memory_space<vmem>> -> memref<1x32x128xf32, #tpu.memory_space<vmem>>
        %dma_start3A_853 = tpu.memref_squeeze %dma_start3A_852 : memref<1x32x128xf32, #tpu.memory_space<vmem>> -> memref<32x128xf32, #tpu.memory_space<vmem>>
        %dma_start3A_854 = arith.constant 0 : i32
        %dma_start3A_855 = tpu.memref_slice %arg3[%dma_start3A_854, %multiple_of3A_831] : memref<32x1000000xf32, #tpu.memory_space<hbm>> -> memref<32x128xf32, #tpu.memory_space<hbm>>
        tpu.enqueue_dma source(%dma_start3A_855 : memref<32x128xf32, #tpu.memory_space<hbm>>) target(%dma_start3A_853 : memref<32x128xf32, #tpu.memory_space<vmem>>) target_semaphore(%arg13 : memref<!tpu.dma_semaphore, #tpu.memory_space<semaphore_mem>>)
      } else {
      }
      %lt3A_641 = arith.constant 128 : i32
      %lt3A_642 = arith.cmpi slt, %add3A_636, %lt3A_641 : i32
      %convert_element_type3A_643 = arith.extui %lt3A_642 : i1 to i32
      %cond3A_644 = arith.constant 0 : i32
      %cond3A_645 = arith.cmpi ne, %convert_element_type3A_643, %cond3A_644 : i32
      scf.if %cond3A_645 {
        %mul3A_726 = arith.constant 4 : i32
        %mul3A_727 = arith.muli %add3A_636, %mul3A_726 : i32
        %get3A_728 = arith.index_cast %mul3A_727 : i32 to index
        %get3A_729 = tpu.vector_load %arg5[%get3A_728] {strides = array<i32>} : memref<528xi32, #tpu.memory_space<vmem>>, vector<16xi32>,
        %and3A = arith.constant 127 : i32
        %and3A_730 = vector.broadcast %and3A : i32 to vector<16xi32>
        %and3A_731 = arith.andi %get3A_729, %and3A_730 : vector<16xi32>
        %dma_wait3A = arith.constant 0 : i32
        %dma_wait3A_732 = arith.constant 0 : i32
        %dma_wait3A_733 = arith.constant 0 : i32
        %dma_wait3A_734 = arith.constant 0 : i32
        %dma_wait3A_735 = arith.constant 0 : i32
        %dma_wait3A_736 = tpu.memref_slice %arg6[%dma_wait3A, %dma_wait3A_733, %dma_wait3A_734, %dma_wait3A_735] : memref<6x4x32x128xf32, #tpu.memory_space<vmem>> -> memref<1x4x32x128xf32, #tpu.memory_space<vmem>>
        %dma_wait3A_737 = tpu.memref_squeeze %dma_wait3A_736 : memref<1x4x32x128xf32, #tpu.memory_space<vmem>> -> memref<4x32x128xf32, #tpu.memory_space<vmem>>
        %dma_wait3A_738 = arith.constant 0 : i32
        %dma_wait3A_739 = arith.constant 0 : i32
        %dma_wait3A_740 = tpu.memref_slice %dma_wait3A_737[%dma_wait3A_732, %dma_wait3A_738, %dma_wait3A_739] : memref<4x32x128xf32, #tpu.memory_space<vmem>> -> memref<1x32x128xf32, #tpu.memory_space<vmem>>
        %dma_wait3A_741 = tpu.memref_squeeze %dma_wait3A_740 : memref<1x32x128xf32, #tpu.memory_space<vmem>> -> memref<32x128xf32, #tpu.memory_space<vmem>>
        %dma_wait3A_742 = arith.constant 0 : i32
        %dma_wait3A_743 = arith.constant 0 : i32
        %dma_wait3A_744 = tpu.memref_slice %arg3[%dma_wait3A_742, %dma_wait3A_743] : memref<32x1000000xf32, #tpu.memory_space<hbm>> -> memref<32x128xf32, #tpu.memory_space<hbm>>
        %dma_wait3A_745 = arith.constant 0 : i32
        %dma_wait3A_746 = arith.constant 0 : i32
        %dma_wait3A_747 = arith.constant 0 : i32
        %dma_wait3A_748 = tpu.memref_slice %arg6[%dma_wait3A, %dma_wait3A_745, %dma_wait3A_746, %dma_wait3A_747] : memref<6x4x32x128xf32, #tpu.memory_space<vmem>> -> memref<1x4x32x128xf32, #tpu.memory_space<vmem>>
        %dma_wait3A_749 = tpu.memref_squeeze %dma_wait3A_748 : memref<1x4x32x128xf32, #tpu.memory_space<vmem>> -> memref<4x32x128xf32, #tpu.memory_space<vmem>>
        %dma_wait3A_750 = arith.constant 0 : i32
        %dma_wait3A_751 = arith.constant 0 : i32
        %dma_wait3A_752 = tpu.memref_slice %dma_wait3A_749[%dma_wait3A_732, %dma_wait3A_750, %dma_wait3A_751] : memref<4x32x128xf32, #tpu.memory_space<vmem>> -> memref<1x32x128xf32, #tpu.memory_space<vmem>>
        %dma_wait3A_753 = tpu.memref_squeeze %dma_wait3A_752 : memref<1x32x128xf32, #tpu.memory_space<vmem>> -> memref<32x128xf32, #tpu.memory_space<vmem>>
        %dma_wait3A_754 = arith.constant 0 : i32
        %dma_wait3A_755 = arith.constant 0 : i32
        %dma_wait3A_756 = tpu.memref_slice %arg3[%dma_wait3A_754, %dma_wait3A_755] : memref<32x1000000xf32, #tpu.memory_space<hbm>> -> memref<32x128xf32, #tpu.memory_space<hbm>>
        tpu.wait_dma2 semaphore(%arg8 : memref<!tpu.dma_semaphore, #tpu.memory_space<semaphore_mem>>) src(%dma_wait3A_756 : memref<32x128xf32, #tpu.memory_space<hbm>>) dst(%dma_wait3A_753 : memref<32x128xf32, #tpu.memory_space<vmem>>)
        %dma_wait3A_757 = arith.constant 0 : i32
        %dma_wait3A_758 = arith.constant 1 : i32
        %dma_wait3A_759 = arith.constant 0 : i32
        %dma_wait3A_760 = arith.constant 0 : i32
        %dma_wait3A_761 = arith.constant 0 : i32
        %dma_wait3A_762 = tpu.memref_slice %arg6[%dma_wait3A_757, %dma_wait3A_759, %dma_wait3A_760, %dma_wait3A_761] : memref<6x4x32x128xf32, #tpu.memory_space<vmem>> -> memref<1x4x32x128xf32, #tpu.memory_space<vmem>>
        %dma_wait3A_763 = tpu.memref_squeeze %dma_wait3A_762 : memref<1x4x32x128xf32, #tpu.memory_space<vmem>> -> memref<4x32x128xf32, #tpu.memory_space<vmem>>
        %dma_wait3A_764 = arith.constant 0 : i32
        %dma_wait3A_765 = arith.constant 0 : i32
        %dma_wait3A_766 = tpu.memref_slice %dma_wait3A_763[%dma_wait3A_758, %dma_wait3A_764, %dma_wait3A_765] : memref<4x32x128xf32, #tpu.memory_space<vmem>> -> memref<1x32x128xf32, #tpu.memory_space<vmem>>
        %dma_wait3A_767 = tpu.memref_squeeze %dma_wait3A_766 : memref<1x32x128xf32, #tpu.memory_space<vmem>> -> memref<32x128xf32, #tpu.memory_space<vmem>>
        %dma_wait3A_768 = arith.constant 0 : i32
        %dma_wait3A_769 = arith.constant 0 : i32
        %dma_wait3A_770 = tpu.memref_slice %arg3[%dma_wait3A_768, %dma_wait3A_769] : memref<32x1000000xf32, #tpu.memory_space<hbm>> -> memref<32x128xf32, #tpu.memory_space<hbm>>
        %dma_wait3A_771 = arith.constant 0 : i32
        %dma_wait3A_772 = arith.constant 0 : i32
        %dma_wait3A_773 = arith.constant 0 : i32
        %dma_wait3A_774 = tpu.memref_slice %arg6[%dma_wait3A_757, %dma_wait3A_771, %dma_wait3A_772, %dma_wait3A_773] : memref<6x4x32x128xf32, #tpu.memory_space<vmem>> -> memref<1x4x32x128xf32, #tpu.memory_space<vmem>>
        %dma_wait3A_775 = tpu.memref_squeeze %dma_wait3A_774 : memref<1x4x32x128xf32, #tpu.memory_space<vmem>> -> memref<4x32x128xf32, #tpu.memory_space<vmem>>
        %dma_wait3A_776 = arith.constant 0 : i32
        %dma_wait3A_777 = arith.constant 0 : i32
        %dma_wait3A_778 = tpu.memref_slice %dma_wait3A_775[%dma_wait3A_758, %dma_wait3A_776, %dma_wait3A_777] : memref<4x32x128xf32, #tpu.memory_space<vmem>> -> memref<1x32x128xf32, #tpu.memory_space<vmem>>
        %dma_wait3A_779 = tpu.memref_squeeze %dma_wait3A_778 : memref<1x32x128xf32, #tpu.memory_space<vmem>> -> memref<32x128xf32, #tpu.memory_space<vmem>>
        %dma_wait3A_780 = arith.constant 0 : i32
        %dma_wait3A_781 = arith.constant 0 : i32
        %dma_wait3A_782 = tpu.memref_slice %arg3[%dma_wait3A_780, %dma_wait3A_781] : memref<32x1000000xf32, #tpu.memory_space<hbm>> -> memref<32x128xf32, #tpu.memory_space<hbm>>
        tpu.wait_dma2 semaphore(%arg8 : memref<!tpu.dma_semaphore, #tpu.memory_space<semaphore_mem>>) src(%dma_wait3A_782 : memref<32x128xf32, #tpu.memory_space<hbm>>) dst(%dma_wait3A_779 : memref<32x128xf32, #tpu.memory_space<vmem>>)
        %dma_wait3A_783 = arith.constant 0 : i32
        %dma_wait3A_784 = arith.constant 2 : i32
        %dma_wait3A_785 = arith.constant 0 : i32
        %dma_wait3A_786 = arith.constant 0 : i32
        %dma_wait3A_787 = arith.constant 0 : i32
        %dma_wait3A_788 = tpu.memref_slice %arg6[%dma_wait3A_783, %dma_wait3A_785, %dma_wait3A_786, %dma_wait3A_787] : memref<6x4x32x128xf32, #tpu.memory_space<vmem>> -> memref<1x4x32x128xf32, #tpu.memory_space<vmem>>
        %dma_wait3A_789 = tpu.memref_squeeze %dma_wait3A_788 : memref<1x4x32x128xf32, #tpu.memory_space<vmem>> -> memref<4x32x128xf32, #tpu.memory_space<vmem>>
        %dma_wait3A_790 = arith.constant 0 : i32
        %dma_wait3A_791 = arith.constant 0 : i32
        %dma_wait3A_792 = tpu.memref_slice %dma_wait3A_789[%dma_wait3A_784, %dma_wait3A_790, %dma_wait3A_791] : memref<4x32x128xf32, #tpu.memory_space<vmem>> -> memref<1x32x128xf32, #tpu.memory_space<vmem>>
        %dma_wait3A_793 = tpu.memref_squeeze %dma_wait3A_792 : memref<1x32x128xf32, #tpu.memory_space<vmem>> -> memref<32x128xf32, #tpu.memory_space<vmem>>
        %dma_wait3A_794 = arith.constant 0 : i32
        %dma_wait3A_795 = arith.constant 0 : i32
        %dma_wait3A_796 = tpu.memref_slice %arg3[%dma_wait3A_794, %dma_wait3A_795] : memref<32x1000000xf32, #tpu.memory_space<hbm>> -> memref<32x128xf32, #tpu.memory_space<hbm>>
        %dma_wait3A_797 = arith.constant 0 : i32
        %dma_wait3A_798 = arith.constant 0 : i32
        %dma_wait3A_799 = arith.constant 0 : i32
        %dma_wait3A_800 = tpu.memref_slice %arg6[%dma_wait3A_783, %dma_wait3A_797, %dma_wait3A_798, %dma_wait3A_799] : memref<6x4x32x128xf32, #tpu.memory_space<vmem>> -> memref<1x4x32x128xf32, #tpu.memory_space<vmem>>
        %dma_wait3A_801 = tpu.memref_squeeze %dma_wait3A_800 : memref<1x4x32x128xf32, #tpu.memory_space<vmem>> -> memref<4x32x128xf32, #tpu.memory_space<vmem>>
        %dma_wait3A_802 = arith.constant 0 : i32
        %dma_wait3A_803 = arith.constant 0 : i32
        %dma_wait3A_804 = tpu.memref_slice %dma_wait3A_801[%dma_wait3A_784, %dma_wait3A_802, %dma_wait3A_803] : memref<4x32x128xf32, #tpu.memory_space<vmem>> -> memref<1x32x128xf32, #tpu.memory_space<vmem>>
        %dma_wait3A_805 = tpu.memref_squeeze %dma_wait3A_804 : memref<1x32x128xf32, #tpu.memory_space<vmem>> -> memref<32x128xf32, #tpu.memory_space<vmem>>
        %dma_wait3A_806 = arith.constant 0 : i32
        %dma_wait3A_807 = arith.constant 0 : i32
        %dma_wait3A_808 = tpu.memref_slice %arg3[%dma_wait3A_806, %dma_wait3A_807] : memref<32x1000000xf32, #tpu.memory_space<hbm>> -> memref<32x128xf32, #tpu.memory_space<hbm>>
        tpu.wait_dma2 semaphore(%arg8 : memref<!tpu.dma_semaphore, #tpu.memory_space<semaphore_mem>>) src(%dma_wait3A_808 : memref<32x128xf32, #tpu.memory_space<hbm>>) dst(%dma_wait3A_805 : memref<32x128xf32, #tpu.memory_space<vmem>>)
        %dma_wait3A_809 = arith.constant 0 : i32
        %dma_wait3A_810 = arith.constant 3 : i32
        %dma_wait3A_811 = arith.constant 0 : i32
        %dma_wait3A_812 = arith.constant 0 : i32
        %dma_wait3A_813 = arith.constant 0 : i32
        %dma_wait3A_814 = tpu.memref_slice %arg6[%dma_wait3A_809, %dma_wait3A_811, %dma_wait3A_812, %dma_wait3A_813] : memref<6x4x32x128xf32, #tpu.memory_space<vmem>> -> memref<1x4x32x128xf32, #tpu.memory_space<vmem>>
        %dma_wait3A_815 = tpu.memref_squeeze %dma_wait3A_814 : memref<1x4x32x128xf32, #tpu.memory_space<vmem>> -> memref<4x32x128xf32, #tpu.memory_space<vmem>>
        %dma_wait3A_816 = arith.constant 0 : i32
        %dma_wait3A_817 = arith.constant 0 : i32
        %dma_wait3A_818 = tpu.memref_slice %dma_wait3A_815[%dma_wait3A_810, %dma_wait3A_816, %dma_wait3A_817] : memref<4x32x128xf32, #tpu.memory_space<vmem>> -> memref<1x32x128xf32, #tpu.memory_space<vmem>>
        %dma_wait3A_819 = tpu.memref_squeeze %dma_wait3A_818 : memref<1x32x128xf32, #tpu.memory_space<vmem>> -> memref<32x128xf32, #tpu.memory_space<vmem>>
        %dma_wait3A_820 = arith.constant 0 : i32
        %dma_wait3A_821 = arith.constant 0 : i32
        %dma_wait3A_822 = tpu.memref_slice %arg3[%dma_wait3A_820, %dma_wait3A_821] : memref<32x1000000xf32, #tpu.memory_space<hbm>> -> memref<32x128xf32, #tpu.memory_space<hbm>>
        %dma_wait3A_823 = arith.constant 0 : i32
        %dma_wait3A_824 = arith.constant 0 : i32
        %dma_wait3A_825 = arith.constant 0 : i32
        %dma_wait3A_826 = tpu.memref_slice %arg6[%dma_wait3A_809, %dma_wait3A_823, %dma_wait3A_824, %dma_wait3A_825] : memref<6x4x32x128xf32, #tpu.memory_space<vmem>> -> memref<1x4x32x128xf32, #tpu.memory_space<vmem>>
        %dma_wait3A_827 = tpu.memref_squeeze %dma_wait3A_826 : memref<1x4x32x128xf32, #tpu.memory_space<vmem>> -> memref<4x32x128xf32, #tpu.memory_space<vmem>>
        %dma_wait3A_828 = arith.constant 0 : i32
        %dma_wait3A_829 = arith.constant 0 : i32
        %dma_wait3A_830 = tpu.memref_slice %dma_wait3A_827[%dma_wait3A_810, %dma_wait3A_828, %dma_wait3A_829] : memref<4x32x128xf32, #tpu.memory_space<vmem>> -> memref<1x32x128xf32, #tpu.memory_space<vmem>>
        %dma_wait3A_831 = tpu.memref_squeeze %dma_wait3A_830 : memref<1x32x128xf32, #tpu.memory_space<vmem>> -> memref<32x128xf32, #tpu.memory_space<vmem>>
        %dma_wait3A_832 = arith.constant 0 : i32
        %dma_wait3A_833 = arith.constant 0 : i32
        %dma_wait3A_834 = tpu.memref_slice %arg3[%dma_wait3A_832, %dma_wait3A_833] : memref<32x1000000xf32, #tpu.memory_space<hbm>> -> memref<32x128xf32, #tpu.memory_space<hbm>>
        tpu.wait_dma2 semaphore(%arg8 : memref<!tpu.dma_semaphore, #tpu.memory_space<semaphore_mem>>) src(%dma_wait3A_834 : memref<32x128xf32, #tpu.memory_space<hbm>>) dst(%dma_wait3A_831 : memref<32x128xf32, #tpu.memory_space<vmem>>)
        %slice3A_835 = vector.extract_strided_slice %and3A_731 {offsets = [0], sizes = [1], strides = [1]} : vector<16xi32> to vector<1xi32>
        %squeeze3A_836 = vector.extract %slice3A_835[0] : i32 from vector<1xi32>
        %broadcast_in_dim3A = vector.broadcast %squeeze3A_836 : i32 to vector<16xi32>
        %mul3A_837 = arith.constant 4 : i32
        %mul3A_838 = arith.muli %add3A_636, %mul3A_837 : i32
        %add3A_839 = arith.constant 0 : i32
        %add3A_840 = arith.addi %mul3A_838, %add3A_839 : i32
        %broadcast_in_dim3A_841 = vector.broadcast %add3A_840 : i32 to vector<16xi32>
        %gather3A = arith.constant 0 : i32
        %gather3A_842 = arith.constant 0 : i32
        %gather3A_843 = arith.constant 0 : i32
        %gather3A_844 = arith.constant 0 : i32
        %gather3A_845 = arith.constant 0 : i32
        %gather3A_846 = tpu.memref_slice %arg6[%gather3A, %gather3A_843, %gather3A_844, %gather3A_845] : memref<6x4x32x128xf32, #tpu.memory_space<vmem>> -> memref<1x4x32x128xf32, #tpu.memory_space<vmem>>
        %gather3A_847 = tpu.memref_squeeze %gather3A_846 : memref<1x4x32x128xf32, #tpu.memory_space<vmem>> -> memref<4x32x128xf32, #tpu.memory_space<vmem>>
        %gather3A_848 = arith.constant 0 : i32
        %gather3A_849 = arith.constant 0 : i32
        %gather3A_850 = tpu.memref_slice %gather3A_847[%gather3A_842, %gather3A_848, %gather3A_849] : memref<4x32x128xf32, #tpu.memory_space<vmem>> -> memref<1x32x128xf32, #tpu.memory_space<vmem>>
        %gather3A_851 = tpu.memref_squeeze %gather3A_850 : memref<1x32x128xf32, #tpu.memory_space<vmem>> -> memref<32x128xf32, #tpu.memory_space<vmem>>
        %gather3A_852 = tpu.vector_load_idx %gather3A_851[%iota3A, %broadcast_in_dim3A] : memref<32x128xf32, #tpu.memory_space<vmem>>[vector<16xi32>, vector<16xi32>], vector<16xf32>,
        %add3A_853 = arith.constant 16 : i32
        %add3A_854 = vector.broadcast %add3A_853 : i32 to vector<16xi32>
        %add3A_855 = arith.addi %iota3A, %add3A_854 : vector<16xi32>
        %gather3A_856 = arith.constant 0 : i32
        %gather3A_857 = arith.constant 0 : i32
        %gather3A_858 = arith.constant 0 : i32
        %gather3A_859 = arith.constant 0 : i32
        %gather3A_860 = arith.constant 0 : i32
        %gather3A_861 = tpu.memref_slice %arg6[%gather3A_856, %gather3A_858, %gather3A_859, %gather3A_860] : memref<6x4x32x128xf32, #tpu.memory_space<vmem>> -> memref<1x4x32x128xf32, #tpu.memory_space<vmem>>
        %gather3A_862 = tpu.memref_squeeze %gather3A_861 : memref<1x4x32x128xf32, #tpu.memory_space<vmem>> -> memref<4x32x128xf32, #tpu.memory_space<vmem>>
        %gather3A_863 = arith.constant 0 : i32
        %gather3A_864 = arith.constant 0 : i32
        %gather3A_865 = tpu.memref_slice %gather3A_862[%gather3A_857, %gather3A_863, %gather3A_864] : memref<4x32x128xf32, #tpu.memory_space<vmem>> -> memref<1x32x128xf32, #tpu.memory_space<vmem>>
        %gather3A_866 = tpu.memref_squeeze %gather3A_865 : memref<1x32x128xf32, #tpu.memory_space<vmem>> -> memref<32x128xf32, #tpu.memory_space<vmem>>
        %gather3A_867 = tpu.vector_load_idx %gather3A_866[%add3A_855, %broadcast_in_dim3A] : memref<32x128xf32, #tpu.memory_space<vmem>>[vector<16xi32>, vector<16xi32>], vector<16xf32>,
        tpu.vector_store_idx %arg7[%iota3A, %broadcast_in_dim3A_841], %gather3A_852 : memref<32x512xf32, #tpu.memory_space<vmem>>[vector<16xi32>, vector<16xi32>], vector<16xf32>,
        %add3A_868 = arith.constant 16 : i32
        %add3A_869 = vector.broadcast %add3A_868 : i32 to vector<16xi32>
        %add3A_870 = arith.addi %iota3A, %add3A_869 : vector<16xi32>
        tpu.vector_store_idx %arg7[%add3A_870, %broadcast_in_dim3A_841], %gather3A_867 : memref<32x512xf32, #tpu.memory_space<vmem>>[vector<16xi32>, vector<16xi32>], vector<16xf32>,
        %slice3A_871 = vector.extract_strided_slice %and3A_731 {offsets = [1], sizes = [1], strides = [1]} : vector<16xi32> to vector<1xi32>
        %squeeze3A_872 = vector.extract %slice3A_871[0] : i32 from vector<1xi32>
        %broadcast_in_dim3A_873 = vector.broadcast %squeeze3A_872 : i32 to vector<16xi32>
        %mul3A_874 = arith.constant 4 : i32
        %mul3A_875 = arith.muli %add3A_636, %mul3A_874 : i32
        %add3A_876 = arith.constant 1 : i32
        %add3A_877 = arith.addi %mul3A_875, %add3A_876 : i32
        %broadcast_in_dim3A_878 = vector.broadcast %add3A_877 : i32 to vector<16xi32>
        %gather3A_879 = arith.constant 0 : i32
        %gather3A_880 = arith.constant 1 : i32
        %gather3A_881 = arith.constant 0 : i32
        %gather3A_882 = arith.constant 0 : i32
        %gather3A_883 = arith.constant 0 : i32
        %gather3A_884 = tpu.memref_slice %arg6[%gather3A_879, %gather3A_881, %gather3A_882, %gather3A_883] : memref<6x4x32x128xf32, #tpu.memory_space<vmem>> -> memref<1x4x32x128xf32, #tpu.memory_space<vmem>>
        %gather3A_885 = tpu.memref_squeeze %gather3A_884 : memref<1x4x32x128xf32, #tpu.memory_space<vmem>> -> memref<4x32x128xf32, #tpu.memory_space<vmem>>
        %gather3A_886 = arith.constant 0 : i32
        %gather3A_887 = arith.constant 0 : i32
        %gather3A_888 = tpu.memref_slice %gather3A_885[%gather3A_880, %gather3A_886, %gather3A_887] : memref<4x32x128xf32, #tpu.memory_space<vmem>> -> memref<1x32x128xf32, #tpu.memory_space<vmem>>
        %gather3A_889 = tpu.memref_squeeze %gather3A_888 : memref<1x32x128xf32, #tpu.memory_space<vmem>> -> memref<32x128xf32, #tpu.memory_space<vmem>>
        %gather3A_890 = tpu.vector_load_idx %gather3A_889[%iota3A, %broadcast_in_dim3A_873] : memref<32x128xf32, #tpu.memory_space<vmem>>[vector<16xi32>, vector<16xi32>], vector<16xf32>,
        %add3A_891 = arith.constant 16 : i32
        %add3A_892 = vector.broadcast %add3A_891 : i32 to vector<16xi32>
        %add3A_893 = arith.addi %iota3A, %add3A_892 : vector<16xi32>
        %gather3A_894 = arith.constant 0 : i32
        %gather3A_895 = arith.constant 1 : i32
        %gather3A_896 = arith.constant 0 : i32
        %gather3A_897 = arith.constant 0 : i32
        %gather3A_898 = arith.constant 0 : i32
        %gather3A_899 = tpu.memref_slice %arg6[%gather3A_894, %gather3A_896, %gather3A_897, %gather3A_898] : memref<6x4x32x128xf32, #tpu.memory_space<vmem>> -> memref<1x4x32x128xf32, #tpu.memory_space<vmem>>
        %gather3A_900 = tpu.memref_squeeze %gather3A_899 : memref<1x4x32x128xf32, #tpu.memory_space<vmem>> -> memref<4x32x128xf32, #tpu.memory_space<vmem>>
        %gather3A_901 = arith.constant 0 : i32
        %gather3A_902 = arith.constant 0 : i32
        %gather3A_903 = tpu.memref_slice %gather3A_900[%gather3A_895, %gather3A_901, %gather3A_902] : memref<4x32x128xf32, #tpu.memory_space<vmem>> -> memref<1x32x128xf32, #tpu.memory_space<vmem>>
        %gather3A_904 = tpu.memref_squeeze %gather3A_903 : memref<1x32x128xf32, #tpu.memory_space<vmem>> -> memref<32x128xf32, #tpu.memory_space<vmem>>
        %gather3A_905 = tpu.vector_load_idx %gather3A_904[%add3A_893, %broadcast_in_dim3A_873] : memref<32x128xf32, #tpu.memory_space<vmem>>[vector<16xi32>, vector<16xi32>], vector<16xf32>,
        tpu.vector_store_idx %arg7[%iota3A, %broadcast_in_dim3A_878], %gather3A_890 : memref<32x512xf32, #tpu.memory_space<vmem>>[vector<16xi32>, vector<16xi32>], vector<16xf32>,
        %add3A_906 = arith.constant 16 : i32
        %add3A_907 = vector.broadcast %add3A_906 : i32 to vector<16xi32>
        %add3A_908 = arith.addi %iota3A, %add3A_907 : vector<16xi32>
        tpu.vector_store_idx %arg7[%add3A_908, %broadcast_in_dim3A_878], %gather3A_905 : memref<32x512xf32, #tpu.memory_space<vmem>>[vector<16xi32>, vector<16xi32>], vector<16xf32>,
        %slice3A_909 = vector.extract_strided_slice %and3A_731 {offsets = [2], sizes = [1], strides = [1]} : vector<16xi32> to vector<1xi32>
        %squeeze3A_910 = vector.extract %slice3A_909[0] : i32 from vector<1xi32>
        %broadcast_in_dim3A_911 = vector.broadcast %squeeze3A_910 : i32 to vector<16xi32>
        %mul3A_912 = arith.constant 4 : i32
        %mul3A_913 = arith.muli %add3A_636, %mul3A_912 : i32
        %add3A_914 = arith.constant 2 : i32
        %add3A_915 = arith.addi %mul3A_913, %add3A_914 : i32
        %broadcast_in_dim3A_916 = vector.broadcast %add3A_915 : i32 to vector<16xi32>
        %gather3A_917 = arith.constant 0 : i32
        %gather3A_918 = arith.constant 2 : i32
        %gather3A_919 = arith.constant 0 : i32
        %gather3A_920 = arith.constant 0 : i32
        %gather3A_921 = arith.constant 0 : i32
        %gather3A_922 = tpu.memref_slice %arg6[%gather3A_917, %gather3A_919, %gather3A_920, %gather3A_921] : memref<6x4x32x128xf32, #tpu.memory_space<vmem>> -> memref<1x4x32x128xf32, #tpu.memory_space<vmem>>
        %gather3A_923 = tpu.memref_squeeze %gather3A_922 : memref<1x4x32x128xf32, #tpu.memory_space<vmem>> -> memref<4x32x128xf32, #tpu.memory_space<vmem>>
        %gather3A_924 = arith.constant 0 : i32
        %gather3A_925 = arith.constant 0 : i32
        %gather3A_926 = tpu.memref_slice %gather3A_923[%gather3A_918, %gather3A_924, %gather3A_925] : memref<4x32x128xf32, #tpu.memory_space<vmem>> -> memref<1x32x128xf32, #tpu.memory_space<vmem>>
        %gather3A_927 = tpu.memref_squeeze %gather3A_926 : memref<1x32x128xf32, #tpu.memory_space<vmem>> -> memref<32x128xf32, #tpu.memory_space<vmem>>
        %gather3A_928 = tpu.vector_load_idx %gather3A_927[%iota3A, %broadcast_in_dim3A_911] : memref<32x128xf32, #tpu.memory_space<vmem>>[vector<16xi32>, vector<16xi32>], vector<16xf32>,
        %add3A_929 = arith.constant 16 : i32
        %add3A_930 = vector.broadcast %add3A_929 : i32 to vector<16xi32>
        %add3A_931 = arith.addi %iota3A, %add3A_930 : vector<16xi32>
        %gather3A_932 = arith.constant 0 : i32
        %gather3A_933 = arith.constant 2 : i32
        %gather3A_934 = arith.constant 0 : i32
        %gather3A_935 = arith.constant 0 : i32
        %gather3A_936 = arith.constant 0 : i32
        %gather3A_937 = tpu.memref_slice %arg6[%gather3A_932, %gather3A_934, %gather3A_935, %gather3A_936] : memref<6x4x32x128xf32, #tpu.memory_space<vmem>> -> memref<1x4x32x128xf32, #tpu.memory_space<vmem>>
        %gather3A_938 = tpu.memref_squeeze %gather3A_937 : memref<1x4x32x128xf32, #tpu.memory_space<vmem>> -> memref<4x32x128xf32, #tpu.memory_space<vmem>>
        %gather3A_939 = arith.constant 0 : i32
        %gather3A_940 = arith.constant 0 : i32
        %gather3A_941 = tpu.memref_slice %gather3A_938[%gather3A_933, %gather3A_939, %gather3A_940] : memref<4x32x128xf32, #tpu.memory_space<vmem>> -> memref<1x32x128xf32, #tpu.memory_space<vmem>>
        %gather3A_942 = tpu.memref_squeeze %gather3A_941 : memref<1x32x128xf32, #tpu.memory_space<vmem>> -> memref<32x128xf32, #tpu.memory_space<vmem>>
        %gather3A_943 = tpu.vector_load_idx %gather3A_942[%add3A_931, %broadcast_in_dim3A_911] : memref<32x128xf32, #tpu.memory_space<vmem>>[vector<16xi32>, vector<16xi32>], vector<16xf32>,
        tpu.vector_store_idx %arg7[%iota3A, %broadcast_in_dim3A_916], %gather3A_928 : memref<32x512xf32, #tpu.memory_space<vmem>>[vector<16xi32>, vector<16xi32>], vector<16xf32>,
        %add3A_944 = arith.constant 16 : i32
        %add3A_945 = vector.broadcast %add3A_944 : i32 to vector<16xi32>
        %add3A_946 = arith.addi %iota3A, %add3A_945 : vector<16xi32>
        tpu.vector_store_idx %arg7[%add3A_946, %broadcast_in_dim3A_916], %gather3A_943 : memref<32x512xf32, #tpu.memory_space<vmem>>[vector<16xi32>, vector<16xi32>], vector<16xf32>,
        %slice3A_947 = vector.extract_strided_slice %and3A_731 {offsets = [3], sizes = [1], strides = [1]} : vector<16xi32> to vector<1xi32>
        %squeeze3A_948 = vector.extract %slice3A_947[0] : i32 from vector<1xi32>
        %broadcast_in_dim3A_949 = vector.broadcast %squeeze3A_948 : i32 to vector<16xi32>
        %mul3A_950 = arith.constant 4 : i32
        %mul3A_951 = arith.muli %add3A_636, %mul3A_950 : i32
        %add3A_952 = arith.constant 3 : i32
        %add3A_953 = arith.addi %mul3A_951, %add3A_952 : i32
        %broadcast_in_dim3A_954 = vector.broadcast %add3A_953 : i32 to vector<16xi32>
        %gather3A_955 = arith.constant 0 : i32
        %gather3A_956 = arith.constant 3 : i32
        %gather3A_957 = arith.constant 0 : i32
        %gather3A_958 = arith.constant 0 : i32
        %gather3A_959 = arith.constant 0 : i32
        %gather3A_960 = tpu.memref_slice %arg6[%gather3A_955, %gather3A_957, %gather3A_958, %gather3A_959] : memref<6x4x32x128xf32, #tpu.memory_space<vmem>> -> memref<1x4x32x128xf32, #tpu.memory_space<vmem>>
        %gather3A_961 = tpu.memref_squeeze %gather3A_960 : memref<1x4x32x128xf32, #tpu.memory_space<vmem>> -> memref<4x32x128xf32, #tpu.memory_space<vmem>>
        %gather3A_962 = arith.constant 0 : i32
        %gather3A_963 = arith.constant 0 : i32
        %gather3A_964 = tpu.memref_slice %gather3A_961[%gather3A_956, %gather3A_962, %gather3A_963] : memref<4x32x128xf32, #tpu.memory_space<vmem>> -> memref<1x32x128xf32, #tpu.memory_space<vmem>>
        %gather3A_965 = tpu.memref_squeeze %gather3A_964 : memref<1x32x128xf32, #tpu.memory_space<vmem>> -> memref<32x128xf32, #tpu.memory_space<vmem>>
        %gather3A_966 = tpu.vector_load_idx %gather3A_965[%iota3A, %broadcast_in_dim3A_949] : memref<32x128xf32, #tpu.memory_space<vmem>>[vector<16xi32>, vector<16xi32>], vector<16xf32>,
        %add3A_967 = arith.constant 16 : i32
        %add3A_968 = vector.broadcast %add3A_967 : i32 to vector<16xi32>
        %add3A_969 = arith.addi %iota3A, %add3A_968 : vector<16xi32>
        %gather3A_970 = arith.constant 0 : i32
        %gather3A_971 = arith.constant 3 : i32
        %gather3A_972 = arith.constant 0 : i32
        %gather3A_973 = arith.constant 0 : i32
        %gather3A_974 = arith.constant 0 : i32
        %gather3A_975 = tpu.memref_slice %arg6[%gather3A_970, %gather3A_972, %gather3A_973, %gather3A_974] : memref<6x4x32x128xf32, #tpu.memory_space<vmem>> -> memref<1x4x32x128xf32, #tpu.memory_space<vmem>>
        %gather3A_976 = tpu.memref_squeeze %gather3A_975 : memref<1x4x32x128xf32, #tpu.memory_space<vmem>> -> memref<4x32x128xf32, #tpu.memory_space<vmem>>
        %gather3A_977 = arith.constant 0 : i32
        %gather3A_978 = arith.constant 0 : i32
        %gather3A_979 = tpu.memref_slice %gather3A_976[%gather3A_971, %gather3A_977, %gather3A_978] : memref<4x32x128xf32, #tpu.memory_space<vmem>> -> memref<1x32x128xf32, #tpu.memory_space<vmem>>
        %gather3A_980 = tpu.memref_squeeze %gather3A_979 : memref<1x32x128xf32, #tpu.memory_space<vmem>> -> memref<32x128xf32, #tpu.memory_space<vmem>>
        %gather3A_981 = tpu.vector_load_idx %gather3A_980[%add3A_969, %broadcast_in_dim3A_949] : memref<32x128xf32, #tpu.memory_space<vmem>>[vector<16xi32>, vector<16xi32>], vector<16xf32>,
        tpu.vector_store_idx %arg7[%iota3A, %broadcast_in_dim3A_954], %gather3A_966 : memref<32x512xf32, #tpu.memory_space<vmem>>[vector<16xi32>, vector<16xi32>], vector<16xf32>,
        %add3A_982 = arith.constant 16 : i32
        %add3A_983 = vector.broadcast %add3A_982 : i32 to vector<16xi32>
        %add3A_984 = arith.addi %iota3A, %add3A_983 : vector<16xi32>
        tpu.vector_store_idx %arg7[%add3A_984, %broadcast_in_dim3A_954], %gather3A_981 : memref<32x512xf32, #tpu.memory_space<vmem>>[vector<16xi32>, vector<16xi32>], vector<16xf32>,
      } else {
      }
      %mul3A_646 = arith.constant 6 : i32
      %mul3A_647 = arith.muli %scan3A_632, %mul3A_646 : i32
      %add3A_648 = arith.constant 1 : i32
      %add3A_649 = arith.addi %mul3A_647, %add3A_648 : i32
      %add3A_650 = arith.constant 5 : i32
      %add3A_651 = arith.addi %add3A_649, %add3A_650 : i32
      %lt3A_652 = arith.constant 128 : i32
      %lt3A_653 = arith.cmpi slt, %add3A_651, %lt3A_652 : i32
      %convert_element_type3A_654 = arith.extui %lt3A_653 : i1 to i32
      %cond3A_655 = arith.constant 0 : i32
      %cond3A_656 = arith.cmpi ne, %convert_element_type3A_654, %cond3A_655 : i32
      scf.if %cond3A_656 {
        %add3A_726 = arith.constant 5 : i32
        %add3A_727 = arith.addi %add3A_649, %add3A_726 : i32
        %mul3A_728 = arith.constant 4 : i32
        %mul3A_729 = arith.muli %add3A_727, %mul3A_728 : i32
        %get3A_730 = arith.index_cast %mul3A_729 : i32 to index
        %get3A_731 = tpu.vector_load %arg5[%get3A_730] {strides = array<i32>} : memref<528xi32, #tpu.memory_space<vmem>>, vector<16xi32>,
        %slice3A_732 = vector.extract_strided_slice %get3A_731 {offsets = [0], sizes = [1], strides = [1]} : vector<16xi32> to vector<1xi32>
        %squeeze3A_733 = vector.extract %slice3A_732[0] : i32 from vector<1xi32>
        %shift_right_logical3A_734 = arith.constant 7 : i32
        %shift_right_logical3A_735 = arith.shrui %squeeze3A_733, %shift_right_logical3A_734 : i32
        %shift_left3A_736 = arith.constant 7 : i32
        %shift_left3A_737 = arith.shli %shift_right_logical3A_735, %shift_left3A_736 : i32
        %multiple_of3A_738 = tpu.assume_multiple %shift_left3A_737, 128 : i32
        %dma_start3A_739 = arith.constant 0 : i32
        %dma_start3A_740 = arith.constant 0 : i32
        %dma_start3A_741 = arith.constant 0 : i32
        %dma_start3A_742 = arith.constant 0 : i32
        %dma_start3A_743 = arith.constant 0 : i32
        %dma_start3A_744 = tpu.memref_slice %arg6[%dma_start3A_739, %dma_start3A_741, %dma_start3A_742, %dma_start3A_743] : memref<6x4x32x128xf32, #tpu.memory_space<vmem>> -> memref<1x4x32x128xf32, #tpu.memory_space<vmem>>
        %dma_start3A_745 = tpu.memref_squeeze %dma_start3A_744 : memref<1x4x32x128xf32, #tpu.memory_space<vmem>> -> memref<4x32x128xf32, #tpu.memory_space<vmem>>
        %dma_start3A_746 = arith.constant 0 : i32
        %dma_start3A_747 = arith.constant 0 : i32
        %dma_start3A_748 = tpu.memref_slice %dma_start3A_745[%dma_start3A_740, %dma_start3A_746, %dma_start3A_747] : memref<4x32x128xf32, #tpu.memory_space<vmem>> -> memref<1x32x128xf32, #tpu.memory_space<vmem>>
        %dma_start3A_749 = tpu.memref_squeeze %dma_start3A_748 : memref<1x32x128xf32, #tpu.memory_space<vmem>> -> memref<32x128xf32, #tpu.memory_space<vmem>>
        %dma_start3A_750 = arith.constant 0 : i32
        %dma_start3A_751 = tpu.memref_slice %arg3[%dma_start3A_750, %multiple_of3A_738] : memref<32x1000000xf32, #tpu.memory_space<hbm>> -> memref<32x128xf32, #tpu.memory_space<hbm>>
        %dma_start3A_752 = arith.constant 0 : i32
        %dma_start3A_753 = arith.constant 0 : i32
        %dma_start3A_754 = arith.constant 0 : i32
        %dma_start3A_755 = tpu.memref_slice %arg6[%dma_start3A_739, %dma_start3A_752, %dma_start3A_753, %dma_start3A_754] : memref<6x4x32x128xf32, #tpu.memory_space<vmem>> -> memref<1x4x32x128xf32, #tpu.memory_space<vmem>>
        %dma_start3A_756 = tpu.memref_squeeze %dma_start3A_755 : memref<1x4x32x128xf32, #tpu.memory_space<vmem>> -> memref<4x32x128xf32, #tpu.memory_space<vmem>>
        %dma_start3A_757 = arith.constant 0 : i32
        %dma_start3A_758 = arith.constant 0 : i32
        %dma_start3A_759 = tpu.memref_slice %dma_start3A_756[%dma_start3A_740, %dma_start3A_757, %dma_start3A_758] : memref<4x32x128xf32, #tpu.memory_space<vmem>> -> memref<1x32x128xf32, #tpu.memory_space<vmem>>
        %dma_start3A_760 = tpu.memref_squeeze %dma_start3A_759 : memref<1x32x128xf32, #tpu.memory_space<vmem>> -> memref<32x128xf32, #tpu.memory_space<vmem>>
        %dma_start3A_761 = arith.constant 0 : i32
        %dma_start3A_762 = tpu.memref_slice %arg3[%dma_start3A_761, %multiple_of3A_738] : memref<32x1000000xf32, #tpu.memory_space<hbm>> -> memref<32x128xf32, #tpu.memory_space<hbm>>
        tpu.enqueue_dma source(%dma_start3A_762 : memref<32x128xf32, #tpu.memory_space<hbm>>) target(%dma_start3A_760 : memref<32x128xf32, #tpu.memory_space<vmem>>) target_semaphore(%arg8 : memref<!tpu.dma_semaphore, #tpu.memory_space<semaphore_mem>>)
        %slice3A_763 = vector.extract_strided_slice %get3A_731 {offsets = [1], sizes = [1], strides = [1]} : vector<16xi32> to vector<1xi32>
        %squeeze3A_764 = vector.extract %slice3A_763[0] : i32 from vector<1xi32>
        %shift_right_logical3A_765 = arith.constant 7 : i32
        %shift_right_logical3A_766 = arith.shrui %squeeze3A_764, %shift_right_logical3A_765 : i32
        %shift_left3A_767 = arith.constant 7 : i32
        %shift_left3A_768 = arith.shli %shift_right_logical3A_766, %shift_left3A_767 : i32
        %multiple_of3A_769 = tpu.assume_multiple %shift_left3A_768, 128 : i32
        %dma_start3A_770 = arith.constant 0 : i32
        %dma_start3A_771 = arith.constant 1 : i32
        %dma_start3A_772 = arith.constant 0 : i32
        %dma_start3A_773 = arith.constant 0 : i32
        %dma_start3A_774 = arith.constant 0 : i32
        %dma_start3A_775 = tpu.memref_slice %arg6[%dma_start3A_770, %dma_start3A_772, %dma_start3A_773, %dma_start3A_774] : memref<6x4x32x128xf32, #tpu.memory_space<vmem>> -> memref<1x4x32x128xf32, #tpu.memory_space<vmem>>
        %dma_start3A_776 = tpu.memref_squeeze %dma_start3A_775 : memref<1x4x32x128xf32, #tpu.memory_space<vmem>> -> memref<4x32x128xf32, #tpu.memory_space<vmem>>
        %dma_start3A_777 = arith.constant 0 : i32
        %dma_start3A_778 = arith.constant 0 : i32
        %dma_start3A_779 = tpu.memref_slice %dma_start3A_776[%dma_start3A_771, %dma_start3A_777, %dma_start3A_778] : memref<4x32x128xf32, #tpu.memory_space<vmem>> -> memref<1x32x128xf32, #tpu.memory_space<vmem>>
        %dma_start3A_780 = tpu.memref_squeeze %dma_start3A_779 : memref<1x32x128xf32, #tpu.memory_space<vmem>> -> memref<32x128xf32, #tpu.memory_space<vmem>>
        %dma_start3A_781 = arith.constant 0 : i32
        %dma_start3A_782 = tpu.memref_slice %arg3[%dma_start3A_781, %multiple_of3A_769] : memref<32x1000000xf32, #tpu.memory_space<hbm>> -> memref<32x128xf32, #tpu.memory_space<hbm>>
        %dma_start3A_783 = arith.constant 0 : i32
        %dma_start3A_784 = arith.constant 0 : i32
        %dma_start3A_785 = arith.constant 0 : i32
        %dma_start3A_786 = tpu.memref_slice %arg6[%dma_start3A_770, %dma_start3A_783, %dma_start3A_784, %dma_start3A_785] : memref<6x4x32x128xf32, #tpu.memory_space<vmem>> -> memref<1x4x32x128xf32, #tpu.memory_space<vmem>>
        %dma_start3A_787 = tpu.memref_squeeze %dma_start3A_786 : memref<1x4x32x128xf32, #tpu.memory_space<vmem>> -> memref<4x32x128xf32, #tpu.memory_space<vmem>>
        %dma_start3A_788 = arith.constant 0 : i32
        %dma_start3A_789 = arith.constant 0 : i32
        %dma_start3A_790 = tpu.memref_slice %dma_start3A_787[%dma_start3A_771, %dma_start3A_788, %dma_start3A_789] : memref<4x32x128xf32, #tpu.memory_space<vmem>> -> memref<1x32x128xf32, #tpu.memory_space<vmem>>
        %dma_start3A_791 = tpu.memref_squeeze %dma_start3A_790 : memref<1x32x128xf32, #tpu.memory_space<vmem>> -> memref<32x128xf32, #tpu.memory_space<vmem>>
        %dma_start3A_792 = arith.constant 0 : i32
        %dma_start3A_793 = tpu.memref_slice %arg3[%dma_start3A_792, %multiple_of3A_769] : memref<32x1000000xf32, #tpu.memory_space<hbm>> -> memref<32x128xf32, #tpu.memory_space<hbm>>
        tpu.enqueue_dma source(%dma_start3A_793 : memref<32x128xf32, #tpu.memory_space<hbm>>) target(%dma_start3A_791 : memref<32x128xf32, #tpu.memory_space<vmem>>) target_semaphore(%arg8 : memref<!tpu.dma_semaphore, #tpu.memory_space<semaphore_mem>>)
        %slice3A_794 = vector.extract_strided_slice %get3A_731 {offsets = [2], sizes = [1], strides = [1]} : vector<16xi32> to vector<1xi32>
        %squeeze3A_795 = vector.extract %slice3A_794[0] : i32 from vector<1xi32>
        %shift_right_logical3A_796 = arith.constant 7 : i32
        %shift_right_logical3A_797 = arith.shrui %squeeze3A_795, %shift_right_logical3A_796 : i32
        %shift_left3A_798 = arith.constant 7 : i32
        %shift_left3A_799 = arith.shli %shift_right_logical3A_797, %shift_left3A_798 : i32
        %multiple_of3A_800 = tpu.assume_multiple %shift_left3A_799, 128 : i32
        %dma_start3A_801 = arith.constant 0 : i32
        %dma_start3A_802 = arith.constant 2 : i32
        %dma_start3A_803 = arith.constant 0 : i32
        %dma_start3A_804 = arith.constant 0 : i32
        %dma_start3A_805 = arith.constant 0 : i32
        %dma_start3A_806 = tpu.memref_slice %arg6[%dma_start3A_801, %dma_start3A_803, %dma_start3A_804, %dma_start3A_805] : memref<6x4x32x128xf32, #tpu.memory_space<vmem>> -> memref<1x4x32x128xf32, #tpu.memory_space<vmem>>
        %dma_start3A_807 = tpu.memref_squeeze %dma_start3A_806 : memref<1x4x32x128xf32, #tpu.memory_space<vmem>> -> memref<4x32x128xf32, #tpu.memory_space<vmem>>
        %dma_start3A_808 = arith.constant 0 : i32
        %dma_start3A_809 = arith.constant 0 : i32
        %dma_start3A_810 = tpu.memref_slice %dma_start3A_807[%dma_start3A_802, %dma_start3A_808, %dma_start3A_809] : memref<4x32x128xf32, #tpu.memory_space<vmem>> -> memref<1x32x128xf32, #tpu.memory_space<vmem>>
        %dma_start3A_811 = tpu.memref_squeeze %dma_start3A_810 : memref<1x32x128xf32, #tpu.memory_space<vmem>> -> memref<32x128xf32, #tpu.memory_space<vmem>>
        %dma_start3A_812 = arith.constant 0 : i32
        %dma_start3A_813 = tpu.memref_slice %arg3[%dma_start3A_812, %multiple_of3A_800] : memref<32x1000000xf32, #tpu.memory_space<hbm>> -> memref<32x128xf32, #tpu.memory_space<hbm>>
        %dma_start3A_814 = arith.constant 0 : i32
        %dma_start3A_815 = arith.constant 0 : i32
        %dma_start3A_816 = arith.constant 0 : i32
        %dma_start3A_817 = tpu.memref_slice %arg6[%dma_start3A_801, %dma_start3A_814, %dma_start3A_815, %dma_start3A_816] : memref<6x4x32x128xf32, #tpu.memory_space<vmem>> -> memref<1x4x32x128xf32, #tpu.memory_space<vmem>>
        %dma_start3A_818 = tpu.memref_squeeze %dma_start3A_817 : memref<1x4x32x128xf32, #tpu.memory_space<vmem>> -> memref<4x32x128xf32, #tpu.memory_space<vmem>>
        %dma_start3A_819 = arith.constant 0 : i32
        %dma_start3A_820 = arith.constant 0 : i32
        %dma_start3A_821 = tpu.memref_slice %dma_start3A_818[%dma_start3A_802, %dma_start3A_819, %dma_start3A_820] : memref<4x32x128xf32, #tpu.memory_space<vmem>> -> memref<1x32x128xf32, #tpu.memory_space<vmem>>
        %dma_start3A_822 = tpu.memref_squeeze %dma_start3A_821 : memref<1x32x128xf32, #tpu.memory_space<vmem>> -> memref<32x128xf32, #tpu.memory_space<vmem>>
        %dma_start3A_823 = arith.constant 0 : i32
        %dma_start3A_824 = tpu.memref_slice %arg3[%dma_start3A_823, %multiple_of3A_800] : memref<32x1000000xf32, #tpu.memory_space<hbm>> -> memref<32x128xf32, #tpu.memory_space<hbm>>
        tpu.enqueue_dma source(%dma_start3A_824 : memref<32x128xf32, #tpu.memory_space<hbm>>) target(%dma_start3A_822 : memref<32x128xf32, #tpu.memory_space<vmem>>) target_semaphore(%arg8 : memref<!tpu.dma_semaphore, #tpu.memory_space<semaphore_mem>>)
        %slice3A_825 = vector.extract_strided_slice %get3A_731 {offsets = [3], sizes = [1], strides = [1]} : vector<16xi32> to vector<1xi32>
        %squeeze3A_826 = vector.extract %slice3A_825[0] : i32 from vector<1xi32>
        %shift_right_logical3A_827 = arith.constant 7 : i32
        %shift_right_logical3A_828 = arith.shrui %squeeze3A_826, %shift_right_logical3A_827 : i32
        %shift_left3A_829 = arith.constant 7 : i32
        %shift_left3A_830 = arith.shli %shift_right_logical3A_828, %shift_left3A_829 : i32
        %multiple_of3A_831 = tpu.assume_multiple %shift_left3A_830, 128 : i32
        %dma_start3A_832 = arith.constant 0 : i32
        %dma_start3A_833 = arith.constant 3 : i32
        %dma_start3A_834 = arith.constant 0 : i32
        %dma_start3A_835 = arith.constant 0 : i32
        %dma_start3A_836 = arith.constant 0 : i32
        %dma_start3A_837 = tpu.memref_slice %arg6[%dma_start3A_832, %dma_start3A_834, %dma_start3A_835, %dma_start3A_836] : memref<6x4x32x128xf32, #tpu.memory_space<vmem>> -> memref<1x4x32x128xf32, #tpu.memory_space<vmem>>
        %dma_start3A_838 = tpu.memref_squeeze %dma_start3A_837 : memref<1x4x32x128xf32, #tpu.memory_space<vmem>> -> memref<4x32x128xf32, #tpu.memory_space<vmem>>
        %dma_start3A_839 = arith.constant 0 : i32
        %dma_start3A_840 = arith.constant 0 : i32
        %dma_start3A_841 = tpu.memref_slice %dma_start3A_838[%dma_start3A_833, %dma_start3A_839, %dma_start3A_840] : memref<4x32x128xf32, #tpu.memory_space<vmem>> -> memref<1x32x128xf32, #tpu.memory_space<vmem>>
        %dma_start3A_842 = tpu.memref_squeeze %dma_start3A_841 : memref<1x32x128xf32, #tpu.memory_space<vmem>> -> memref<32x128xf32, #tpu.memory_space<vmem>>
        %dma_start3A_843 = arith.constant 0 : i32
        %dma_start3A_844 = tpu.memref_slice %arg3[%dma_start3A_843, %multiple_of3A_831] : memref<32x1000000xf32, #tpu.memory_space<hbm>> -> memref<32x128xf32, #tpu.memory_space<hbm>>
        %dma_start3A_845 = arith.constant 0 : i32
        %dma_start3A_846 = arith.constant 0 : i32
        %dma_start3A_847 = arith.constant 0 : i32
        %dma_start3A_848 = tpu.memref_slice %arg6[%dma_start3A_832, %dma_start3A_845, %dma_start3A_846, %dma_start3A_847] : memref<6x4x32x128xf32, #tpu.memory_space<vmem>> -> memref<1x4x32x128xf32, #tpu.memory_space<vmem>>
        %dma_start3A_849 = tpu.memref_squeeze %dma_start3A_848 : memref<1x4x32x128xf32, #tpu.memory_space<vmem>> -> memref<4x32x128xf32, #tpu.memory_space<vmem>>
        %dma_start3A_850 = arith.constant 0 : i32
        %dma_start3A_851 = arith.constant 0 : i32
        %dma_start3A_852 = tpu.memref_slice %dma_start3A_849[%dma_start3A_833, %dma_start3A_850, %dma_start3A_851] : memref<4x32x128xf32, #tpu.memory_space<vmem>> -> memref<1x32x128xf32, #tpu.memory_space<vmem>>
        %dma_start3A_853 = tpu.memref_squeeze %dma_start3A_852 : memref<1x32x128xf32, #tpu.memory_space<vmem>> -> memref<32x128xf32, #tpu.memory_space<vmem>>
        %dma_start3A_854 = arith.constant 0 : i32
        %dma_start3A_855 = tpu.memref_slice %arg3[%dma_start3A_854, %multiple_of3A_831] : memref<32x1000000xf32, #tpu.memory_space<hbm>> -> memref<32x128xf32, #tpu.memory_space<hbm>>
        tpu.enqueue_dma source(%dma_start3A_855 : memref<32x128xf32, #tpu.memory_space<hbm>>) target(%dma_start3A_853 : memref<32x128xf32, #tpu.memory_space<vmem>>) target_semaphore(%arg8 : memref<!tpu.dma_semaphore, #tpu.memory_space<semaphore_mem>>)
      } else {
      }
      %lt3A_657 = arith.constant 128 : i32
      %lt3A_658 = arith.cmpi slt, %add3A_649, %lt3A_657 : i32
      %convert_element_type3A_659 = arith.extui %lt3A_658 : i1 to i32
      %cond3A_660 = arith.constant 0 : i32
      %cond3A_661 = arith.cmpi ne, %convert_element_type3A_659, %cond3A_660 : i32
      scf.if %cond3A_661 {
        %mul3A_726 = arith.constant 4 : i32
        %mul3A_727 = arith.muli %add3A_649, %mul3A_726 : i32
        %get3A_728 = arith.index_cast %mul3A_727 : i32 to index
        %get3A_729 = tpu.vector_load %arg5[%get3A_728] {strides = array<i32>} : memref<528xi32, #tpu.memory_space<vmem>>, vector<16xi32>,
        %and3A = arith.constant 127 : i32
        %and3A_730 = vector.broadcast %and3A : i32 to vector<16xi32>
        %and3A_731 = arith.andi %get3A_729, %and3A_730 : vector<16xi32>
        %dma_wait3A = arith.constant 1 : i32
        %dma_wait3A_732 = arith.constant 0 : i32
        %dma_wait3A_733 = arith.constant 0 : i32
        %dma_wait3A_734 = arith.constant 0 : i32
        %dma_wait3A_735 = arith.constant 0 : i32
        %dma_wait3A_736 = tpu.memref_slice %arg6[%dma_wait3A, %dma_wait3A_733, %dma_wait3A_734, %dma_wait3A_735] : memref<6x4x32x128xf32, #tpu.memory_space<vmem>> -> memref<1x4x32x128xf32, #tpu.memory_space<vmem>>
        %dma_wait3A_737 = tpu.memref_squeeze %dma_wait3A_736 : memref<1x4x32x128xf32, #tpu.memory_space<vmem>> -> memref<4x32x128xf32, #tpu.memory_space<vmem>>
        %dma_wait3A_738 = arith.constant 0 : i32
        %dma_wait3A_739 = arith.constant 0 : i32
        %dma_wait3A_740 = tpu.memref_slice %dma_wait3A_737[%dma_wait3A_732, %dma_wait3A_738, %dma_wait3A_739] : memref<4x32x128xf32, #tpu.memory_space<vmem>> -> memref<1x32x128xf32, #tpu.memory_space<vmem>>
        %dma_wait3A_741 = tpu.memref_squeeze %dma_wait3A_740 : memref<1x32x128xf32, #tpu.memory_space<vmem>> -> memref<32x128xf32, #tpu.memory_space<vmem>>
        %dma_wait3A_742 = arith.constant 0 : i32
        %dma_wait3A_743 = arith.constant 0 : i32
        %dma_wait3A_744 = tpu.memref_slice %arg3[%dma_wait3A_742, %dma_wait3A_743] : memref<32x1000000xf32, #tpu.memory_space<hbm>> -> memref<32x128xf32, #tpu.memory_space<hbm>>
        %dma_wait3A_745 = arith.constant 0 : i32
        %dma_wait3A_746 = arith.constant 0 : i32
        %dma_wait3A_747 = arith.constant 0 : i32
        %dma_wait3A_748 = tpu.memref_slice %arg6[%dma_wait3A, %dma_wait3A_745, %dma_wait3A_746, %dma_wait3A_747] : memref<6x4x32x128xf32, #tpu.memory_space<vmem>> -> memref<1x4x32x128xf32, #tpu.memory_space<vmem>>
        %dma_wait3A_749 = tpu.memref_squeeze %dma_wait3A_748 : memref<1x4x32x128xf32, #tpu.memory_space<vmem>> -> memref<4x32x128xf32, #tpu.memory_space<vmem>>
        %dma_wait3A_750 = arith.constant 0 : i32
        %dma_wait3A_751 = arith.constant 0 : i32
        %dma_wait3A_752 = tpu.memref_slice %dma_wait3A_749[%dma_wait3A_732, %dma_wait3A_750, %dma_wait3A_751] : memref<4x32x128xf32, #tpu.memory_space<vmem>> -> memref<1x32x128xf32, #tpu.memory_space<vmem>>
        %dma_wait3A_753 = tpu.memref_squeeze %dma_wait3A_752 : memref<1x32x128xf32, #tpu.memory_space<vmem>> -> memref<32x128xf32, #tpu.memory_space<vmem>>
        %dma_wait3A_754 = arith.constant 0 : i32
        %dma_wait3A_755 = arith.constant 0 : i32
        %dma_wait3A_756 = tpu.memref_slice %arg3[%dma_wait3A_754, %dma_wait3A_755] : memref<32x1000000xf32, #tpu.memory_space<hbm>> -> memref<32x128xf32, #tpu.memory_space<hbm>>
        tpu.wait_dma2 semaphore(%arg9 : memref<!tpu.dma_semaphore, #tpu.memory_space<semaphore_mem>>) src(%dma_wait3A_756 : memref<32x128xf32, #tpu.memory_space<hbm>>) dst(%dma_wait3A_753 : memref<32x128xf32, #tpu.memory_space<vmem>>)
        %dma_wait3A_757 = arith.constant 1 : i32
        %dma_wait3A_758 = arith.constant 1 : i32
        %dma_wait3A_759 = arith.constant 0 : i32
        %dma_wait3A_760 = arith.constant 0 : i32
        %dma_wait3A_761 = arith.constant 0 : i32
        %dma_wait3A_762 = tpu.memref_slice %arg6[%dma_wait3A_757, %dma_wait3A_759, %dma_wait3A_760, %dma_wait3A_761] : memref<6x4x32x128xf32, #tpu.memory_space<vmem>> -> memref<1x4x32x128xf32, #tpu.memory_space<vmem>>
        %dma_wait3A_763 = tpu.memref_squeeze %dma_wait3A_762 : memref<1x4x32x128xf32, #tpu.memory_space<vmem>> -> memref<4x32x128xf32, #tpu.memory_space<vmem>>
        %dma_wait3A_764 = arith.constant 0 : i32
        %dma_wait3A_765 = arith.constant 0 : i32
        %dma_wait3A_766 = tpu.memref_slice %dma_wait3A_763[%dma_wait3A_758, %dma_wait3A_764, %dma_wait3A_765] : memref<4x32x128xf32, #tpu.memory_space<vmem>> -> memref<1x32x128xf32, #tpu.memory_space<vmem>>
        %dma_wait3A_767 = tpu.memref_squeeze %dma_wait3A_766 : memref<1x32x128xf32, #tpu.memory_space<vmem>> -> memref<32x128xf32, #tpu.memory_space<vmem>>
        %dma_wait3A_768 = arith.constant 0 : i32
        %dma_wait3A_769 = arith.constant 0 : i32
        %dma_wait3A_770 = tpu.memref_slice %arg3[%dma_wait3A_768, %dma_wait3A_769] : memref<32x1000000xf32, #tpu.memory_space<hbm>> -> memref<32x128xf32, #tpu.memory_space<hbm>>
        %dma_wait3A_771 = arith.constant 0 : i32
        %dma_wait3A_772 = arith.constant 0 : i32
        %dma_wait3A_773 = arith.constant 0 : i32
        %dma_wait3A_774 = tpu.memref_slice %arg6[%dma_wait3A_757, %dma_wait3A_771, %dma_wait3A_772, %dma_wait3A_773] : memref<6x4x32x128xf32, #tpu.memory_space<vmem>> -> memref<1x4x32x128xf32, #tpu.memory_space<vmem>>
        %dma_wait3A_775 = tpu.memref_squeeze %dma_wait3A_774 : memref<1x4x32x128xf32, #tpu.memory_space<vmem>> -> memref<4x32x128xf32, #tpu.memory_space<vmem>>
        %dma_wait3A_776 = arith.constant 0 : i32
        %dma_wait3A_777 = arith.constant 0 : i32
        %dma_wait3A_778 = tpu.memref_slice %dma_wait3A_775[%dma_wait3A_758, %dma_wait3A_776, %dma_wait3A_777] : memref<4x32x128xf32, #tpu.memory_space<vmem>> -> memref<1x32x128xf32, #tpu.memory_space<vmem>>
        %dma_wait3A_779 = tpu.memref_squeeze %dma_wait3A_778 : memref<1x32x128xf32, #tpu.memory_space<vmem>> -> memref<32x128xf32, #tpu.memory_space<vmem>>
        %dma_wait3A_780 = arith.constant 0 : i32
        %dma_wait3A_781 = arith.constant 0 : i32
        %dma_wait3A_782 = tpu.memref_slice %arg3[%dma_wait3A_780, %dma_wait3A_781] : memref<32x1000000xf32, #tpu.memory_space<hbm>> -> memref<32x128xf32, #tpu.memory_space<hbm>>
        tpu.wait_dma2 semaphore(%arg9 : memref<!tpu.dma_semaphore, #tpu.memory_space<semaphore_mem>>) src(%dma_wait3A_782 : memref<32x128xf32, #tpu.memory_space<hbm>>) dst(%dma_wait3A_779 : memref<32x128xf32, #tpu.memory_space<vmem>>)
        %dma_wait3A_783 = arith.constant 1 : i32
        %dma_wait3A_784 = arith.constant 2 : i32
        %dma_wait3A_785 = arith.constant 0 : i32
        %dma_wait3A_786 = arith.constant 0 : i32
        %dma_wait3A_787 = arith.constant 0 : i32
        %dma_wait3A_788 = tpu.memref_slice %arg6[%dma_wait3A_783, %dma_wait3A_785, %dma_wait3A_786, %dma_wait3A_787] : memref<6x4x32x128xf32, #tpu.memory_space<vmem>> -> memref<1x4x32x128xf32, #tpu.memory_space<vmem>>
        %dma_wait3A_789 = tpu.memref_squeeze %dma_wait3A_788 : memref<1x4x32x128xf32, #tpu.memory_space<vmem>> -> memref<4x32x128xf32, #tpu.memory_space<vmem>>
        %dma_wait3A_790 = arith.constant 0 : i32
        %dma_wait3A_791 = arith.constant 0 : i32
        %dma_wait3A_792 = tpu.memref_slice %dma_wait3A_789[%dma_wait3A_784, %dma_wait3A_790, %dma_wait3A_791] : memref<4x32x128xf32, #tpu.memory_space<vmem>> -> memref<1x32x128xf32, #tpu.memory_space<vmem>>
        %dma_wait3A_793 = tpu.memref_squeeze %dma_wait3A_792 : memref<1x32x128xf32, #tpu.memory_space<vmem>> -> memref<32x128xf32, #tpu.memory_space<vmem>>
        %dma_wait3A_794 = arith.constant 0 : i32
        %dma_wait3A_795 = arith.constant 0 : i32
        %dma_wait3A_796 = tpu.memref_slice %arg3[%dma_wait3A_794, %dma_wait3A_795] : memref<32x1000000xf32, #tpu.memory_space<hbm>> -> memref<32x128xf32, #tpu.memory_space<hbm>>
        %dma_wait3A_797 = arith.constant 0 : i32
        %dma_wait3A_798 = arith.constant 0 : i32
        %dma_wait3A_799 = arith.constant 0 : i32
        %dma_wait3A_800 = tpu.memref_slice %arg6[%dma_wait3A_783, %dma_wait3A_797, %dma_wait3A_798, %dma_wait3A_799] : memref<6x4x32x128xf32, #tpu.memory_space<vmem>> -> memref<1x4x32x128xf32, #tpu.memory_space<vmem>>
        %dma_wait3A_801 = tpu.memref_squeeze %dma_wait3A_800 : memref<1x4x32x128xf32, #tpu.memory_space<vmem>> -> memref<4x32x128xf32, #tpu.memory_space<vmem>>
        %dma_wait3A_802 = arith.constant 0 : i32
        %dma_wait3A_803 = arith.constant 0 : i32
        %dma_wait3A_804 = tpu.memref_slice %dma_wait3A_801[%dma_wait3A_784, %dma_wait3A_802, %dma_wait3A_803] : memref<4x32x128xf32, #tpu.memory_space<vmem>> -> memref<1x32x128xf32, #tpu.memory_space<vmem>>
        %dma_wait3A_805 = tpu.memref_squeeze %dma_wait3A_804 : memref<1x32x128xf32, #tpu.memory_space<vmem>> -> memref<32x128xf32, #tpu.memory_space<vmem>>
        %dma_wait3A_806 = arith.constant 0 : i32
        %dma_wait3A_807 = arith.constant 0 : i32
        %dma_wait3A_808 = tpu.memref_slice %arg3[%dma_wait3A_806, %dma_wait3A_807] : memref<32x1000000xf32, #tpu.memory_space<hbm>> -> memref<32x128xf32, #tpu.memory_space<hbm>>
        tpu.wait_dma2 semaphore(%arg9 : memref<!tpu.dma_semaphore, #tpu.memory_space<semaphore_mem>>) src(%dma_wait3A_808 : memref<32x128xf32, #tpu.memory_space<hbm>>) dst(%dma_wait3A_805 : memref<32x128xf32, #tpu.memory_space<vmem>>)
        %dma_wait3A_809 = arith.constant 1 : i32
        %dma_wait3A_810 = arith.constant 3 : i32
        %dma_wait3A_811 = arith.constant 0 : i32
        %dma_wait3A_812 = arith.constant 0 : i32
        %dma_wait3A_813 = arith.constant 0 : i32
        %dma_wait3A_814 = tpu.memref_slice %arg6[%dma_wait3A_809, %dma_wait3A_811, %dma_wait3A_812, %dma_wait3A_813] : memref<6x4x32x128xf32, #tpu.memory_space<vmem>> -> memref<1x4x32x128xf32, #tpu.memory_space<vmem>>
        %dma_wait3A_815 = tpu.memref_squeeze %dma_wait3A_814 : memref<1x4x32x128xf32, #tpu.memory_space<vmem>> -> memref<4x32x128xf32, #tpu.memory_space<vmem>>
        %dma_wait3A_816 = arith.constant 0 : i32
        %dma_wait3A_817 = arith.constant 0 : i32
        %dma_wait3A_818 = tpu.memref_slice %dma_wait3A_815[%dma_wait3A_810, %dma_wait3A_816, %dma_wait3A_817] : memref<4x32x128xf32, #tpu.memory_space<vmem>> -> memref<1x32x128xf32, #tpu.memory_space<vmem>>
        %dma_wait3A_819 = tpu.memref_squeeze %dma_wait3A_818 : memref<1x32x128xf32, #tpu.memory_space<vmem>> -> memref<32x128xf32, #tpu.memory_space<vmem>>
        %dma_wait3A_820 = arith.constant 0 : i32
        %dma_wait3A_821 = arith.constant 0 : i32
        %dma_wait3A_822 = tpu.memref_slice %arg3[%dma_wait3A_820, %dma_wait3A_821] : memref<32x1000000xf32, #tpu.memory_space<hbm>> -> memref<32x128xf32, #tpu.memory_space<hbm>>
        %dma_wait3A_823 = arith.constant 0 : i32
        %dma_wait3A_824 = arith.constant 0 : i32
        %dma_wait3A_825 = arith.constant 0 : i32
        %dma_wait3A_826 = tpu.memref_slice %arg6[%dma_wait3A_809, %dma_wait3A_823, %dma_wait3A_824, %dma_wait3A_825] : memref<6x4x32x128xf32, #tpu.memory_space<vmem>> -> memref<1x4x32x128xf32, #tpu.memory_space<vmem>>
        %dma_wait3A_827 = tpu.memref_squeeze %dma_wait3A_826 : memref<1x4x32x128xf32, #tpu.memory_space<vmem>> -> memref<4x32x128xf32, #tpu.memory_space<vmem>>
        %dma_wait3A_828 = arith.constant 0 : i32
        %dma_wait3A_829 = arith.constant 0 : i32
        %dma_wait3A_830 = tpu.memref_slice %dma_wait3A_827[%dma_wait3A_810, %dma_wait3A_828, %dma_wait3A_829] : memref<4x32x128xf32, #tpu.memory_space<vmem>> -> memref<1x32x128xf32, #tpu.memory_space<vmem>>
        %dma_wait3A_831 = tpu.memref_squeeze %dma_wait3A_830 : memref<1x32x128xf32, #tpu.memory_space<vmem>> -> memref<32x128xf32, #tpu.memory_space<vmem>>
        %dma_wait3A_832 = arith.constant 0 : i32
        %dma_wait3A_833 = arith.constant 0 : i32
        %dma_wait3A_834 = tpu.memref_slice %arg3[%dma_wait3A_832, %dma_wait3A_833] : memref<32x1000000xf32, #tpu.memory_space<hbm>> -> memref<32x128xf32, #tpu.memory_space<hbm>>
        tpu.wait_dma2 semaphore(%arg9 : memref<!tpu.dma_semaphore, #tpu.memory_space<semaphore_mem>>) src(%dma_wait3A_834 : memref<32x128xf32, #tpu.memory_space<hbm>>) dst(%dma_wait3A_831 : memref<32x128xf32, #tpu.memory_space<vmem>>)
        %slice3A_835 = vector.extract_strided_slice %and3A_731 {offsets = [0], sizes = [1], strides = [1]} : vector<16xi32> to vector<1xi32>
        %squeeze3A_836 = vector.extract %slice3A_835[0] : i32 from vector<1xi32>
        %broadcast_in_dim3A = vector.broadcast %squeeze3A_836 : i32 to vector<16xi32>
        %mul3A_837 = arith.constant 4 : i32
        %mul3A_838 = arith.muli %add3A_649, %mul3A_837 : i32
        %add3A_839 = arith.constant 0 : i32
        %add3A_840 = arith.addi %mul3A_838, %add3A_839 : i32
        %broadcast_in_dim3A_841 = vector.broadcast %add3A_840 : i32 to vector<16xi32>
        %gather3A = arith.constant 1 : i32
        %gather3A_842 = arith.constant 0 : i32
        %gather3A_843 = arith.constant 0 : i32
        %gather3A_844 = arith.constant 0 : i32
        %gather3A_845 = arith.constant 0 : i32
        %gather3A_846 = tpu.memref_slice %arg6[%gather3A, %gather3A_843, %gather3A_844, %gather3A_845] : memref<6x4x32x128xf32, #tpu.memory_space<vmem>> -> memref<1x4x32x128xf32, #tpu.memory_space<vmem>>
        %gather3A_847 = tpu.memref_squeeze %gather3A_846 : memref<1x4x32x128xf32, #tpu.memory_space<vmem>> -> memref<4x32x128xf32, #tpu.memory_space<vmem>>
        %gather3A_848 = arith.constant 0 : i32
        %gather3A_849 = arith.constant 0 : i32
        %gather3A_850 = tpu.memref_slice %gather3A_847[%gather3A_842, %gather3A_848, %gather3A_849] : memref<4x32x128xf32, #tpu.memory_space<vmem>> -> memref<1x32x128xf32, #tpu.memory_space<vmem>>
        %gather3A_851 = tpu.memref_squeeze %gather3A_850 : memref<1x32x128xf32, #tpu.memory_space<vmem>> -> memref<32x128xf32, #tpu.memory_space<vmem>>
        %gather3A_852 = tpu.vector_load_idx %gather3A_851[%iota3A, %broadcast_in_dim3A] : memref<32x128xf32, #tpu.memory_space<vmem>>[vector<16xi32>, vector<16xi32>], vector<16xf32>,
        %add3A_853 = arith.constant 16 : i32
        %add3A_854 = vector.broadcast %add3A_853 : i32 to vector<16xi32>
        %add3A_855 = arith.addi %iota3A, %add3A_854 : vector<16xi32>
        %gather3A_856 = arith.constant 1 : i32
        %gather3A_857 = arith.constant 0 : i32
        %gather3A_858 = arith.constant 0 : i32
        %gather3A_859 = arith.constant 0 : i32
        %gather3A_860 = arith.constant 0 : i32
        %gather3A_861 = tpu.memref_slice %arg6[%gather3A_856, %gather3A_858, %gather3A_859, %gather3A_860] : memref<6x4x32x128xf32, #tpu.memory_space<vmem>> -> memref<1x4x32x128xf32, #tpu.memory_space<vmem>>
        %gather3A_862 = tpu.memref_squeeze %gather3A_861 : memref<1x4x32x128xf32, #tpu.memory_space<vmem>> -> memref<4x32x128xf32, #tpu.memory_space<vmem>>
        %gather3A_863 = arith.constant 0 : i32
        %gather3A_864 = arith.constant 0 : i32
        %gather3A_865 = tpu.memref_slice %gather3A_862[%gather3A_857, %gather3A_863, %gather3A_864] : memref<4x32x128xf32, #tpu.memory_space<vmem>> -> memref<1x32x128xf32, #tpu.memory_space<vmem>>
        %gather3A_866 = tpu.memref_squeeze %gather3A_865 : memref<1x32x128xf32, #tpu.memory_space<vmem>> -> memref<32x128xf32, #tpu.memory_space<vmem>>
        %gather3A_867 = tpu.vector_load_idx %gather3A_866[%add3A_855, %broadcast_in_dim3A] : memref<32x128xf32, #tpu.memory_space<vmem>>[vector<16xi32>, vector<16xi32>], vector<16xf32>,
        tpu.vector_store_idx %arg7[%iota3A, %broadcast_in_dim3A_841], %gather3A_852 : memref<32x512xf32, #tpu.memory_space<vmem>>[vector<16xi32>, vector<16xi32>], vector<16xf32>,
        %add3A_868 = arith.constant 16 : i32
        %add3A_869 = vector.broadcast %add3A_868 : i32 to vector<16xi32>
        %add3A_870 = arith.addi %iota3A, %add3A_869 : vector<16xi32>
        tpu.vector_store_idx %arg7[%add3A_870, %broadcast_in_dim3A_841], %gather3A_867 : memref<32x512xf32, #tpu.memory_space<vmem>>[vector<16xi32>, vector<16xi32>], vector<16xf32>,
        %slice3A_871 = vector.extract_strided_slice %and3A_731 {offsets = [1], sizes = [1], strides = [1]} : vector<16xi32> to vector<1xi32>
        %squeeze3A_872 = vector.extract %slice3A_871[0] : i32 from vector<1xi32>
        %broadcast_in_dim3A_873 = vector.broadcast %squeeze3A_872 : i32 to vector<16xi32>
        %mul3A_874 = arith.constant 4 : i32
        %mul3A_875 = arith.muli %add3A_649, %mul3A_874 : i32
        %add3A_876 = arith.constant 1 : i32
        %add3A_877 = arith.addi %mul3A_875, %add3A_876 : i32
        %broadcast_in_dim3A_878 = vector.broadcast %add3A_877 : i32 to vector<16xi32>
        %gather3A_879 = arith.constant 1 : i32
        %gather3A_880 = arith.constant 1 : i32
        %gather3A_881 = arith.constant 0 : i32
        %gather3A_882 = arith.constant 0 : i32
        %gather3A_883 = arith.constant 0 : i32
        %gather3A_884 = tpu.memref_slice %arg6[%gather3A_879, %gather3A_881, %gather3A_882, %gather3A_883] : memref<6x4x32x128xf32, #tpu.memory_space<vmem>> -> memref<1x4x32x128xf32, #tpu.memory_space<vmem>>
        %gather3A_885 = tpu.memref_squeeze %gather3A_884 : memref<1x4x32x128xf32, #tpu.memory_space<vmem>> -> memref<4x32x128xf32, #tpu.memory_space<vmem>>
        %gather3A_886 = arith.constant 0 : i32
        %gather3A_887 = arith.constant 0 : i32
        %gather3A_888 = tpu.memref_slice %gather3A_885[%gather3A_880, %gather3A_886, %gather3A_887] : memref<4x32x128xf32, #tpu.memory_space<vmem>> -> memref<1x32x128xf32, #tpu.memory_space<vmem>>
        %gather3A_889 = tpu.memref_squeeze %gather3A_888 : memref<1x32x128xf32, #tpu.memory_space<vmem>> -> memref<32x128xf32, #tpu.memory_space<vmem>>
        %gather3A_890 = tpu.vector_load_idx %gather3A_889[%iota3A, %broadcast_in_dim3A_873] : memref<32x128xf32, #tpu.memory_space<vmem>>[vector<16xi32>, vector<16xi32>], vector<16xf32>,
        %add3A_891 = arith.constant 16 : i32
        %add3A_892 = vector.broadcast %add3A_891 : i32 to vector<16xi32>
        %add3A_893 = arith.addi %iota3A, %add3A_892 : vector<16xi32>
        %gather3A_894 = arith.constant 1 : i32
        %gather3A_895 = arith.constant 1 : i32
        %gather3A_896 = arith.constant 0 : i32
        %gather3A_897 = arith.constant 0 : i32
        %gather3A_898 = arith.constant 0 : i32
        %gather3A_899 = tpu.memref_slice %arg6[%gather3A_894, %gather3A_896, %gather3A_897, %gather3A_898] : memref<6x4x32x128xf32, #tpu.memory_space<vmem>> -> memref<1x4x32x128xf32, #tpu.memory_space<vmem>>
        %gather3A_900 = tpu.memref_squeeze %gather3A_899 : memref<1x4x32x128xf32, #tpu.memory_space<vmem>> -> memref<4x32x128xf32, #tpu.memory_space<vmem>>
        %gather3A_901 = arith.constant 0 : i32
        %gather3A_902 = arith.constant 0 : i32
        %gather3A_903 = tpu.memref_slice %gather3A_900[%gather3A_895, %gather3A_901, %gather3A_902] : memref<4x32x128xf32, #tpu.memory_space<vmem>> -> memref<1x32x128xf32, #tpu.memory_space<vmem>>
        %gather3A_904 = tpu.memref_squeeze %gather3A_903 : memref<1x32x128xf32, #tpu.memory_space<vmem>> -> memref<32x128xf32, #tpu.memory_space<vmem>>
        %gather3A_905 = tpu.vector_load_idx %gather3A_904[%add3A_893, %broadcast_in_dim3A_873] : memref<32x128xf32, #tpu.memory_space<vmem>>[vector<16xi32>, vector<16xi32>], vector<16xf32>,
        tpu.vector_store_idx %arg7[%iota3A, %broadcast_in_dim3A_878], %gather3A_890 : memref<32x512xf32, #tpu.memory_space<vmem>>[vector<16xi32>, vector<16xi32>], vector<16xf32>,
        %add3A_906 = arith.constant 16 : i32
        %add3A_907 = vector.broadcast %add3A_906 : i32 to vector<16xi32>
        %add3A_908 = arith.addi %iota3A, %add3A_907 : vector<16xi32>
        tpu.vector_store_idx %arg7[%add3A_908, %broadcast_in_dim3A_878], %gather3A_905 : memref<32x512xf32, #tpu.memory_space<vmem>>[vector<16xi32>, vector<16xi32>], vector<16xf32>,
        %slice3A_909 = vector.extract_strided_slice %and3A_731 {offsets = [2], sizes = [1], strides = [1]} : vector<16xi32> to vector<1xi32>
        %squeeze3A_910 = vector.extract %slice3A_909[0] : i32 from vector<1xi32>
        %broadcast_in_dim3A_911 = vector.broadcast %squeeze3A_910 : i32 to vector<16xi32>
        %mul3A_912 = arith.constant 4 : i32
        %mul3A_913 = arith.muli %add3A_649, %mul3A_912 : i32
        %add3A_914 = arith.constant 2 : i32
        %add3A_915 = arith.addi %mul3A_913, %add3A_914 : i32
        %broadcast_in_dim3A_916 = vector.broadcast %add3A_915 : i32 to vector<16xi32>
        %gather3A_917 = arith.constant 1 : i32
        %gather3A_918 = arith.constant 2 : i32
        %gather3A_919 = arith.constant 0 : i32
        %gather3A_920 = arith.constant 0 : i32
        %gather3A_921 = arith.constant 0 : i32
        %gather3A_922 = tpu.memref_slice %arg6[%gather3A_917, %gather3A_919, %gather3A_920, %gather3A_921] : memref<6x4x32x128xf32, #tpu.memory_space<vmem>> -> memref<1x4x32x128xf32, #tpu.memory_space<vmem>>
        %gather3A_923 = tpu.memref_squeeze %gather3A_922 : memref<1x4x32x128xf32, #tpu.memory_space<vmem>> -> memref<4x32x128xf32, #tpu.memory_space<vmem>>
        %gather3A_924 = arith.constant 0 : i32
        %gather3A_925 = arith.constant 0 : i32
        %gather3A_926 = tpu.memref_slice %gather3A_923[%gather3A_918, %gather3A_924, %gather3A_925] : memref<4x32x128xf32, #tpu.memory_space<vmem>> -> memref<1x32x128xf32, #tpu.memory_space<vmem>>
        %gather3A_927 = tpu.memref_squeeze %gather3A_926 : memref<1x32x128xf32, #tpu.memory_space<vmem>> -> memref<32x128xf32, #tpu.memory_space<vmem>>
        %gather3A_928 = tpu.vector_load_idx %gather3A_927[%iota3A, %broadcast_in_dim3A_911] : memref<32x128xf32, #tpu.memory_space<vmem>>[vector<16xi32>, vector<16xi32>], vector<16xf32>,
        %add3A_929 = arith.constant 16 : i32
        %add3A_930 = vector.broadcast %add3A_929 : i32 to vector<16xi32>
        %add3A_931 = arith.addi %iota3A, %add3A_930 : vector<16xi32>
        %gather3A_932 = arith.constant 1 : i32
        %gather3A_933 = arith.constant 2 : i32
        %gather3A_934 = arith.constant 0 : i32
        %gather3A_935 = arith.constant 0 : i32
        %gather3A_936 = arith.constant 0 : i32
        %gather3A_937 = tpu.memref_slice %arg6[%gather3A_932, %gather3A_934, %gather3A_935, %gather3A_936] : memref<6x4x32x128xf32, #tpu.memory_space<vmem>> -> memref<1x4x32x128xf32, #tpu.memory_space<vmem>>
        %gather3A_938 = tpu.memref_squeeze %gather3A_937 : memref<1x4x32x128xf32, #tpu.memory_space<vmem>> -> memref<4x32x128xf32, #tpu.memory_space<vmem>>
        %gather3A_939 = arith.constant 0 : i32
        %gather3A_940 = arith.constant 0 : i32
        %gather3A_941 = tpu.memref_slice %gather3A_938[%gather3A_933, %gather3A_939, %gather3A_940] : memref<4x32x128xf32, #tpu.memory_space<vmem>> -> memref<1x32x128xf32, #tpu.memory_space<vmem>>
        %gather3A_942 = tpu.memref_squeeze %gather3A_941 : memref<1x32x128xf32, #tpu.memory_space<vmem>> -> memref<32x128xf32, #tpu.memory_space<vmem>>
        %gather3A_943 = tpu.vector_load_idx %gather3A_942[%add3A_931, %broadcast_in_dim3A_911] : memref<32x128xf32, #tpu.memory_space<vmem>>[vector<16xi32>, vector<16xi32>], vector<16xf32>,
        tpu.vector_store_idx %arg7[%iota3A, %broadcast_in_dim3A_916], %gather3A_928 : memref<32x512xf32, #tpu.memory_space<vmem>>[vector<16xi32>, vector<16xi32>], vector<16xf32>,
        %add3A_944 = arith.constant 16 : i32
        %add3A_945 = vector.broadcast %add3A_944 : i32 to vector<16xi32>
        %add3A_946 = arith.addi %iota3A, %add3A_945 : vector<16xi32>
        tpu.vector_store_idx %arg7[%add3A_946, %broadcast_in_dim3A_916], %gather3A_943 : memref<32x512xf32, #tpu.memory_space<vmem>>[vector<16xi32>, vector<16xi32>], vector<16xf32>,
        %slice3A_947 = vector.extract_strided_slice %and3A_731 {offsets = [3], sizes = [1], strides = [1]} : vector<16xi32> to vector<1xi32>
        %squeeze3A_948 = vector.extract %slice3A_947[0] : i32 from vector<1xi32>
        %broadcast_in_dim3A_949 = vector.broadcast %squeeze3A_948 : i32 to vector<16xi32>
        %mul3A_950 = arith.constant 4 : i32
        %mul3A_951 = arith.muli %add3A_649, %mul3A_950 : i32
        %add3A_952 = arith.constant 3 : i32
        %add3A_953 = arith.addi %mul3A_951, %add3A_952 : i32
        %broadcast_in_dim3A_954 = vector.broadcast %add3A_953 : i32 to vector<16xi32>
        %gather3A_955 = arith.constant 1 : i32
        %gather3A_956 = arith.constant 3 : i32
        %gather3A_957 = arith.constant 0 : i32
        %gather3A_958 = arith.constant 0 : i32
        %gather3A_959 = arith.constant 0 : i32
        %gather3A_960 = tpu.memref_slice %arg6[%gather3A_955, %gather3A_957, %gather3A_958, %gather3A_959] : memref<6x4x32x128xf32, #tpu.memory_space<vmem>> -> memref<1x4x32x128xf32, #tpu.memory_space<vmem>>
        %gather3A_961 = tpu.memref_squeeze %gather3A_960 : memref<1x4x32x128xf32, #tpu.memory_space<vmem>> -> memref<4x32x128xf32, #tpu.memory_space<vmem>>
        %gather3A_962 = arith.constant 0 : i32
        %gather3A_963 = arith.constant 0 : i32
        %gather3A_964 = tpu.memref_slice %gather3A_961[%gather3A_956, %gather3A_962, %gather3A_963] : memref<4x32x128xf32, #tpu.memory_space<vmem>> -> memref<1x32x128xf32, #tpu.memory_space<vmem>>
        %gather3A_965 = tpu.memref_squeeze %gather3A_964 : memref<1x32x128xf32, #tpu.memory_space<vmem>> -> memref<32x128xf32, #tpu.memory_space<vmem>>
        %gather3A_966 = tpu.vector_load_idx %gather3A_965[%iota3A, %broadcast_in_dim3A_949] : memref<32x128xf32, #tpu.memory_space<vmem>>[vector<16xi32>, vector<16xi32>], vector<16xf32>,
        %add3A_967 = arith.constant 16 : i32
        %add3A_968 = vector.broadcast %add3A_967 : i32 to vector<16xi32>
        %add3A_969 = arith.addi %iota3A, %add3A_968 : vector<16xi32>
        %gather3A_970 = arith.constant 1 : i32
        %gather3A_971 = arith.constant 3 : i32
        %gather3A_972 = arith.constant 0 : i32
        %gather3A_973 = arith.constant 0 : i32
        %gather3A_974 = arith.constant 0 : i32
        %gather3A_975 = tpu.memref_slice %arg6[%gather3A_970, %gather3A_972, %gather3A_973, %gather3A_974] : memref<6x4x32x128xf32, #tpu.memory_space<vmem>> -> memref<1x4x32x128xf32, #tpu.memory_space<vmem>>
        %gather3A_976 = tpu.memref_squeeze %gather3A_975 : memref<1x4x32x128xf32, #tpu.memory_space<vmem>> -> memref<4x32x128xf32, #tpu.memory_space<vmem>>
        %gather3A_977 = arith.constant 0 : i32
        %gather3A_978 = arith.constant 0 : i32
        %gather3A_979 = tpu.memref_slice %gather3A_976[%gather3A_971, %gather3A_977, %gather3A_978] : memref<4x32x128xf32, #tpu.memory_space<vmem>> -> memref<1x32x128xf32, #tpu.memory_space<vmem>>
        %gather3A_980 = tpu.memref_squeeze %gather3A_979 : memref<1x32x128xf32, #tpu.memory_space<vmem>> -> memref<32x128xf32, #tpu.memory_space<vmem>>
        %gather3A_981 = tpu.vector_load_idx %gather3A_980[%add3A_969, %broadcast_in_dim3A_949] : memref<32x128xf32, #tpu.memory_space<vmem>>[vector<16xi32>, vector<16xi32>], vector<16xf32>,
        tpu.vector_store_idx %arg7[%iota3A, %broadcast_in_dim3A_954], %gather3A_966 : memref<32x512xf32, #tpu.memory_space<vmem>>[vector<16xi32>, vector<16xi32>], vector<16xf32>,
        %add3A_982 = arith.constant 16 : i32
        %add3A_983 = vector.broadcast %add3A_982 : i32 to vector<16xi32>
        %add3A_984 = arith.addi %iota3A, %add3A_983 : vector<16xi32>
        tpu.vector_store_idx %arg7[%add3A_984, %broadcast_in_dim3A_954], %gather3A_981 : memref<32x512xf32, #tpu.memory_space<vmem>>[vector<16xi32>, vector<16xi32>], vector<16xf32>,
      } else {
      }
      %mul3A_662 = arith.constant 6 : i32
      %mul3A_663 = arith.muli %scan3A_632, %mul3A_662 : i32
      %add3A_664 = arith.constant 2 : i32
      %add3A_665 = arith.addi %mul3A_663, %add3A_664 : i32
      %add3A_666 = arith.constant 5 : i32
      %add3A_667 = arith.addi %add3A_665, %add3A_666 : i32
      %lt3A_668 = arith.constant 128 : i32
      %lt3A_669 = arith.cmpi slt, %add3A_667, %lt3A_668 : i32
      %convert_element_type3A_670 = arith.extui %lt3A_669 : i1 to i32
      %cond3A_671 = arith.constant 0 : i32
      %cond3A_672 = arith.cmpi ne, %convert_element_type3A_670, %cond3A_671 : i32
      scf.if %cond3A_672 {
        %add3A_726 = arith.constant 5 : i32
        %add3A_727 = arith.addi %add3A_665, %add3A_726 : i32
        %mul3A_728 = arith.constant 4 : i32
        %mul3A_729 = arith.muli %add3A_727, %mul3A_728 : i32
        %get3A_730 = arith.index_cast %mul3A_729 : i32 to index
        %get3A_731 = tpu.vector_load %arg5[%get3A_730] {strides = array<i32>} : memref<528xi32, #tpu.memory_space<vmem>>, vector<16xi32>,
        %slice3A_732 = vector.extract_strided_slice %get3A_731 {offsets = [0], sizes = [1], strides = [1]} : vector<16xi32> to vector<1xi32>
        %squeeze3A_733 = vector.extract %slice3A_732[0] : i32 from vector<1xi32>
        %shift_right_logical3A_734 = arith.constant 7 : i32
        %shift_right_logical3A_735 = arith.shrui %squeeze3A_733, %shift_right_logical3A_734 : i32
        %shift_left3A_736 = arith.constant 7 : i32
        %shift_left3A_737 = arith.shli %shift_right_logical3A_735, %shift_left3A_736 : i32
        %multiple_of3A_738 = tpu.assume_multiple %shift_left3A_737, 128 : i32
        %dma_start3A_739 = arith.constant 1 : i32
        %dma_start3A_740 = arith.constant 0 : i32
        %dma_start3A_741 = arith.constant 0 : i32
        %dma_start3A_742 = arith.constant 0 : i32
        %dma_start3A_743 = arith.constant 0 : i32
        %dma_start3A_744 = tpu.memref_slice %arg6[%dma_start3A_739, %dma_start3A_741, %dma_start3A_742, %dma_start3A_743] : memref<6x4x32x128xf32, #tpu.memory_space<vmem>> -> memref<1x4x32x128xf32, #tpu.memory_space<vmem>>
        %dma_start3A_745 = tpu.memref_squeeze %dma_start3A_744 : memref<1x4x32x128xf32, #tpu.memory_space<vmem>> -> memref<4x32x128xf32, #tpu.memory_space<vmem>>
        %dma_start3A_746 = arith.constant 0 : i32
        %dma_start3A_747 = arith.constant 0 : i32
        %dma_start3A_748 = tpu.memref_slice %dma_start3A_745[%dma_start3A_740, %dma_start3A_746, %dma_start3A_747] : memref<4x32x128xf32, #tpu.memory_space<vmem>> -> memref<1x32x128xf32, #tpu.memory_space<vmem>>
        %dma_start3A_749 = tpu.memref_squeeze %dma_start3A_748 : memref<1x32x128xf32, #tpu.memory_space<vmem>> -> memref<32x128xf32, #tpu.memory_space<vmem>>
        %dma_start3A_750 = arith.constant 0 : i32
        %dma_start3A_751 = tpu.memref_slice %arg3[%dma_start3A_750, %multiple_of3A_738] : memref<32x1000000xf32, #tpu.memory_space<hbm>> -> memref<32x128xf32, #tpu.memory_space<hbm>>
        %dma_start3A_752 = arith.constant 0 : i32
        %dma_start3A_753 = arith.constant 0 : i32
        %dma_start3A_754 = arith.constant 0 : i32
        %dma_start3A_755 = tpu.memref_slice %arg6[%dma_start3A_739, %dma_start3A_752, %dma_start3A_753, %dma_start3A_754] : memref<6x4x32x128xf32, #tpu.memory_space<vmem>> -> memref<1x4x32x128xf32, #tpu.memory_space<vmem>>
        %dma_start3A_756 = tpu.memref_squeeze %dma_start3A_755 : memref<1x4x32x128xf32, #tpu.memory_space<vmem>> -> memref<4x32x128xf32, #tpu.memory_space<vmem>>
        %dma_start3A_757 = arith.constant 0 : i32
        %dma_start3A_758 = arith.constant 0 : i32
        %dma_start3A_759 = tpu.memref_slice %dma_start3A_756[%dma_start3A_740, %dma_start3A_757, %dma_start3A_758] : memref<4x32x128xf32, #tpu.memory_space<vmem>> -> memref<1x32x128xf32, #tpu.memory_space<vmem>>
        %dma_start3A_760 = tpu.memref_squeeze %dma_start3A_759 : memref<1x32x128xf32, #tpu.memory_space<vmem>> -> memref<32x128xf32, #tpu.memory_space<vmem>>
        %dma_start3A_761 = arith.constant 0 : i32
        %dma_start3A_762 = tpu.memref_slice %arg3[%dma_start3A_761, %multiple_of3A_738] : memref<32x1000000xf32, #tpu.memory_space<hbm>> -> memref<32x128xf32, #tpu.memory_space<hbm>>
        tpu.enqueue_dma source(%dma_start3A_762 : memref<32x128xf32, #tpu.memory_space<hbm>>) target(%dma_start3A_760 : memref<32x128xf32, #tpu.memory_space<vmem>>) target_semaphore(%arg9 : memref<!tpu.dma_semaphore, #tpu.memory_space<semaphore_mem>>)
        %slice3A_763 = vector.extract_strided_slice %get3A_731 {offsets = [1], sizes = [1], strides = [1]} : vector<16xi32> to vector<1xi32>
        %squeeze3A_764 = vector.extract %slice3A_763[0] : i32 from vector<1xi32>
        %shift_right_logical3A_765 = arith.constant 7 : i32
        %shift_right_logical3A_766 = arith.shrui %squeeze3A_764, %shift_right_logical3A_765 : i32
        %shift_left3A_767 = arith.constant 7 : i32
        %shift_left3A_768 = arith.shli %shift_right_logical3A_766, %shift_left3A_767 : i32
        %multiple_of3A_769 = tpu.assume_multiple %shift_left3A_768, 128 : i32
        %dma_start3A_770 = arith.constant 1 : i32
        %dma_start3A_771 = arith.constant 1 : i32
        %dma_start3A_772 = arith.constant 0 : i32
        %dma_start3A_773 = arith.constant 0 : i32
        %dma_start3A_774 = arith.constant 0 : i32
        %dma_start3A_775 = tpu.memref_slice %arg6[%dma_start3A_770, %dma_start3A_772, %dma_start3A_773, %dma_start3A_774] : memref<6x4x32x128xf32, #tpu.memory_space<vmem>> -> memref<1x4x32x128xf32, #tpu.memory_space<vmem>>
        %dma_start3A_776 = tpu.memref_squeeze %dma_start3A_775 : memref<1x4x32x128xf32, #tpu.memory_space<vmem>> -> memref<4x32x128xf32, #tpu.memory_space<vmem>>
        %dma_start3A_777 = arith.constant 0 : i32
        %dma_start3A_778 = arith.constant 0 : i32
        %dma_start3A_779 = tpu.memref_slice %dma_start3A_776[%dma_start3A_771, %dma_start3A_777, %dma_start3A_778] : memref<4x32x128xf32, #tpu.memory_space<vmem>> -> memref<1x32x128xf32, #tpu.memory_space<vmem>>
        %dma_start3A_780 = tpu.memref_squeeze %dma_start3A_779 : memref<1x32x128xf32, #tpu.memory_space<vmem>> -> memref<32x128xf32, #tpu.memory_space<vmem>>
        %dma_start3A_781 = arith.constant 0 : i32
        %dma_start3A_782 = tpu.memref_slice %arg3[%dma_start3A_781, %multiple_of3A_769] : memref<32x1000000xf32, #tpu.memory_space<hbm>> -> memref<32x128xf32, #tpu.memory_space<hbm>>
        %dma_start3A_783 = arith.constant 0 : i32
        %dma_start3A_784 = arith.constant 0 : i32
        %dma_start3A_785 = arith.constant 0 : i32
        %dma_start3A_786 = tpu.memref_slice %arg6[%dma_start3A_770, %dma_start3A_783, %dma_start3A_784, %dma_start3A_785] : memref<6x4x32x128xf32, #tpu.memory_space<vmem>> -> memref<1x4x32x128xf32, #tpu.memory_space<vmem>>
        %dma_start3A_787 = tpu.memref_squeeze %dma_start3A_786 : memref<1x4x32x128xf32, #tpu.memory_space<vmem>> -> memref<4x32x128xf32, #tpu.memory_space<vmem>>
        %dma_start3A_788 = arith.constant 0 : i32
        %dma_start3A_789 = arith.constant 0 : i32
        %dma_start3A_790 = tpu.memref_slice %dma_start3A_787[%dma_start3A_771, %dma_start3A_788, %dma_start3A_789] : memref<4x32x128xf32, #tpu.memory_space<vmem>> -> memref<1x32x128xf32, #tpu.memory_space<vmem>>
        %dma_start3A_791 = tpu.memref_squeeze %dma_start3A_790 : memref<1x32x128xf32, #tpu.memory_space<vmem>> -> memref<32x128xf32, #tpu.memory_space<vmem>>
        %dma_start3A_792 = arith.constant 0 : i32
        %dma_start3A_793 = tpu.memref_slice %arg3[%dma_start3A_792, %multiple_of3A_769] : memref<32x1000000xf32, #tpu.memory_space<hbm>> -> memref<32x128xf32, #tpu.memory_space<hbm>>
        tpu.enqueue_dma source(%dma_start3A_793 : memref<32x128xf32, #tpu.memory_space<hbm>>) target(%dma_start3A_791 : memref<32x128xf32, #tpu.memory_space<vmem>>) target_semaphore(%arg9 : memref<!tpu.dma_semaphore, #tpu.memory_space<semaphore_mem>>)
        %slice3A_794 = vector.extract_strided_slice %get3A_731 {offsets = [2], sizes = [1], strides = [1]} : vector<16xi32> to vector<1xi32>
        %squeeze3A_795 = vector.extract %slice3A_794[0] : i32 from vector<1xi32>
        %shift_right_logical3A_796 = arith.constant 7 : i32
        %shift_right_logical3A_797 = arith.shrui %squeeze3A_795, %shift_right_logical3A_796 : i32
        %shift_left3A_798 = arith.constant 7 : i32
        %shift_left3A_799 = arith.shli %shift_right_logical3A_797, %shift_left3A_798 : i32
        %multiple_of3A_800 = tpu.assume_multiple %shift_left3A_799, 128 : i32
        %dma_start3A_801 = arith.constant 1 : i32
        %dma_start3A_802 = arith.constant 2 : i32
        %dma_start3A_803 = arith.constant 0 : i32
        %dma_start3A_804 = arith.constant 0 : i32
        %dma_start3A_805 = arith.constant 0 : i32
        %dma_start3A_806 = tpu.memref_slice %arg6[%dma_start3A_801, %dma_start3A_803, %dma_start3A_804, %dma_start3A_805] : memref<6x4x32x128xf32, #tpu.memory_space<vmem>> -> memref<1x4x32x128xf32, #tpu.memory_space<vmem>>
        %dma_start3A_807 = tpu.memref_squeeze %dma_start3A_806 : memref<1x4x32x128xf32, #tpu.memory_space<vmem>> -> memref<4x32x128xf32, #tpu.memory_space<vmem>>
        %dma_start3A_808 = arith.constant 0 : i32
        %dma_start3A_809 = arith.constant 0 : i32
        %dma_start3A_810 = tpu.memref_slice %dma_start3A_807[%dma_start3A_802, %dma_start3A_808, %dma_start3A_809] : memref<4x32x128xf32, #tpu.memory_space<vmem>> -> memref<1x32x128xf32, #tpu.memory_space<vmem>>
        %dma_start3A_811 = tpu.memref_squeeze %dma_start3A_810 : memref<1x32x128xf32, #tpu.memory_space<vmem>> -> memref<32x128xf32, #tpu.memory_space<vmem>>
        %dma_start3A_812 = arith.constant 0 : i32
        %dma_start3A_813 = tpu.memref_slice %arg3[%dma_start3A_812, %multiple_of3A_800] : memref<32x1000000xf32, #tpu.memory_space<hbm>> -> memref<32x128xf32, #tpu.memory_space<hbm>>
        %dma_start3A_814 = arith.constant 0 : i32
        %dma_start3A_815 = arith.constant 0 : i32
        %dma_start3A_816 = arith.constant 0 : i32
        %dma_start3A_817 = tpu.memref_slice %arg6[%dma_start3A_801, %dma_start3A_814, %dma_start3A_815, %dma_start3A_816] : memref<6x4x32x128xf32, #tpu.memory_space<vmem>> -> memref<1x4x32x128xf32, #tpu.memory_space<vmem>>
        %dma_start3A_818 = tpu.memref_squeeze %dma_start3A_817 : memref<1x4x32x128xf32, #tpu.memory_space<vmem>> -> memref<4x32x128xf32, #tpu.memory_space<vmem>>
        %dma_start3A_819 = arith.constant 0 : i32
        %dma_start3A_820 = arith.constant 0 : i32
        %dma_start3A_821 = tpu.memref_slice %dma_start3A_818[%dma_start3A_802, %dma_start3A_819, %dma_start3A_820] : memref<4x32x128xf32, #tpu.memory_space<vmem>> -> memref<1x32x128xf32, #tpu.memory_space<vmem>>
        %dma_start3A_822 = tpu.memref_squeeze %dma_start3A_821 : memref<1x32x128xf32, #tpu.memory_space<vmem>> -> memref<32x128xf32, #tpu.memory_space<vmem>>
        %dma_start3A_823 = arith.constant 0 : i32
        %dma_start3A_824 = tpu.memref_slice %arg3[%dma_start3A_823, %multiple_of3A_800] : memref<32x1000000xf32, #tpu.memory_space<hbm>> -> memref<32x128xf32, #tpu.memory_space<hbm>>
        tpu.enqueue_dma source(%dma_start3A_824 : memref<32x128xf32, #tpu.memory_space<hbm>>) target(%dma_start3A_822 : memref<32x128xf32, #tpu.memory_space<vmem>>) target_semaphore(%arg9 : memref<!tpu.dma_semaphore, #tpu.memory_space<semaphore_mem>>)
        %slice3A_825 = vector.extract_strided_slice %get3A_731 {offsets = [3], sizes = [1], strides = [1]} : vector<16xi32> to vector<1xi32>
        %squeeze3A_826 = vector.extract %slice3A_825[0] : i32 from vector<1xi32>
        %shift_right_logical3A_827 = arith.constant 7 : i32
        %shift_right_logical3A_828 = arith.shrui %squeeze3A_826, %shift_right_logical3A_827 : i32
        %shift_left3A_829 = arith.constant 7 : i32
        %shift_left3A_830 = arith.shli %shift_right_logical3A_828, %shift_left3A_829 : i32
        %multiple_of3A_831 = tpu.assume_multiple %shift_left3A_830, 128 : i32
        %dma_start3A_832 = arith.constant 1 : i32
        %dma_start3A_833 = arith.constant 3 : i32
        %dma_start3A_834 = arith.constant 0 : i32
        %dma_start3A_835 = arith.constant 0 : i32
        %dma_start3A_836 = arith.constant 0 : i32
        %dma_start3A_837 = tpu.memref_slice %arg6[%dma_start3A_832, %dma_start3A_834, %dma_start3A_835, %dma_start3A_836] : memref<6x4x32x128xf32, #tpu.memory_space<vmem>> -> memref<1x4x32x128xf32, #tpu.memory_space<vmem>>
        %dma_start3A_838 = tpu.memref_squeeze %dma_start3A_837 : memref<1x4x32x128xf32, #tpu.memory_space<vmem>> -> memref<4x32x128xf32, #tpu.memory_space<vmem>>
        %dma_start3A_839 = arith.constant 0 : i32
        %dma_start3A_840 = arith.constant 0 : i32
        %dma_start3A_841 = tpu.memref_slice %dma_start3A_838[%dma_start3A_833, %dma_start3A_839, %dma_start3A_840] : memref<4x32x128xf32, #tpu.memory_space<vmem>> -> memref<1x32x128xf32, #tpu.memory_space<vmem>>
        %dma_start3A_842 = tpu.memref_squeeze %dma_start3A_841 : memref<1x32x128xf32, #tpu.memory_space<vmem>> -> memref<32x128xf32, #tpu.memory_space<vmem>>
        %dma_start3A_843 = arith.constant 0 : i32
        %dma_start3A_844 = tpu.memref_slice %arg3[%dma_start3A_843, %multiple_of3A_831] : memref<32x1000000xf32, #tpu.memory_space<hbm>> -> memref<32x128xf32, #tpu.memory_space<hbm>>
        %dma_start3A_845 = arith.constant 0 : i32
        %dma_start3A_846 = arith.constant 0 : i32
        %dma_start3A_847 = arith.constant 0 : i32
        %dma_start3A_848 = tpu.memref_slice %arg6[%dma_start3A_832, %dma_start3A_845, %dma_start3A_846, %dma_start3A_847] : memref<6x4x32x128xf32, #tpu.memory_space<vmem>> -> memref<1x4x32x128xf32, #tpu.memory_space<vmem>>
        %dma_start3A_849 = tpu.memref_squeeze %dma_start3A_848 : memref<1x4x32x128xf32, #tpu.memory_space<vmem>> -> memref<4x32x128xf32, #tpu.memory_space<vmem>>
        %dma_start3A_850 = arith.constant 0 : i32
        %dma_start3A_851 = arith.constant 0 : i32
        %dma_start3A_852 = tpu.memref_slice %dma_start3A_849[%dma_start3A_833, %dma_start3A_850, %dma_start3A_851] : memref<4x32x128xf32, #tpu.memory_space<vmem>> -> memref<1x32x128xf32, #tpu.memory_space<vmem>>
        %dma_start3A_853 = tpu.memref_squeeze %dma_start3A_852 : memref<1x32x128xf32, #tpu.memory_space<vmem>> -> memref<32x128xf32, #tpu.memory_space<vmem>>
        %dma_start3A_854 = arith.constant 0 : i32
        %dma_start3A_855 = tpu.memref_slice %arg3[%dma_start3A_854, %multiple_of3A_831] : memref<32x1000000xf32, #tpu.memory_space<hbm>> -> memref<32x128xf32, #tpu.memory_space<hbm>>
        tpu.enqueue_dma source(%dma_start3A_855 : memref<32x128xf32, #tpu.memory_space<hbm>>) target(%dma_start3A_853 : memref<32x128xf32, #tpu.memory_space<vmem>>) target_semaphore(%arg9 : memref<!tpu.dma_semaphore, #tpu.memory_space<semaphore_mem>>)
      } else {
      }
      %lt3A_673 = arith.constant 128 : i32
      %lt3A_674 = arith.cmpi slt, %add3A_665, %lt3A_673 : i32
      %convert_element_type3A_675 = arith.extui %lt3A_674 : i1 to i32
      %cond3A_676 = arith.constant 0 : i32
      %cond3A_677 = arith.cmpi ne, %convert_element_type3A_675, %cond3A_676 : i32
      scf.if %cond3A_677 {
        %mul3A_726 = arith.constant 4 : i32
        %mul3A_727 = arith.muli %add3A_665, %mul3A_726 : i32
        %get3A_728 = arith.index_cast %mul3A_727 : i32 to index
        %get3A_729 = tpu.vector_load %arg5[%get3A_728] {strides = array<i32>} : memref<528xi32, #tpu.memory_space<vmem>>, vector<16xi32>,
        %and3A = arith.constant 127 : i32
        %and3A_730 = vector.broadcast %and3A : i32 to vector<16xi32>
        %and3A_731 = arith.andi %get3A_729, %and3A_730 : vector<16xi32>
        %dma_wait3A = arith.constant 2 : i32
        %dma_wait3A_732 = arith.constant 0 : i32
        %dma_wait3A_733 = arith.constant 0 : i32
        %dma_wait3A_734 = arith.constant 0 : i32
        %dma_wait3A_735 = arith.constant 0 : i32
        %dma_wait3A_736 = tpu.memref_slice %arg6[%dma_wait3A, %dma_wait3A_733, %dma_wait3A_734, %dma_wait3A_735] : memref<6x4x32x128xf32, #tpu.memory_space<vmem>> -> memref<1x4x32x128xf32, #tpu.memory_space<vmem>>
        %dma_wait3A_737 = tpu.memref_squeeze %dma_wait3A_736 : memref<1x4x32x128xf32, #tpu.memory_space<vmem>> -> memref<4x32x128xf32, #tpu.memory_space<vmem>>
        %dma_wait3A_738 = arith.constant 0 : i32
        %dma_wait3A_739 = arith.constant 0 : i32
        %dma_wait3A_740 = tpu.memref_slice %dma_wait3A_737[%dma_wait3A_732, %dma_wait3A_738, %dma_wait3A_739] : memref<4x32x128xf32, #tpu.memory_space<vmem>> -> memref<1x32x128xf32, #tpu.memory_space<vmem>>
        %dma_wait3A_741 = tpu.memref_squeeze %dma_wait3A_740 : memref<1x32x128xf32, #tpu.memory_space<vmem>> -> memref<32x128xf32, #tpu.memory_space<vmem>>
        %dma_wait3A_742 = arith.constant 0 : i32
        %dma_wait3A_743 = arith.constant 0 : i32
        %dma_wait3A_744 = tpu.memref_slice %arg3[%dma_wait3A_742, %dma_wait3A_743] : memref<32x1000000xf32, #tpu.memory_space<hbm>> -> memref<32x128xf32, #tpu.memory_space<hbm>>
        %dma_wait3A_745 = arith.constant 0 : i32
        %dma_wait3A_746 = arith.constant 0 : i32
        %dma_wait3A_747 = arith.constant 0 : i32
        %dma_wait3A_748 = tpu.memref_slice %arg6[%dma_wait3A, %dma_wait3A_745, %dma_wait3A_746, %dma_wait3A_747] : memref<6x4x32x128xf32, #tpu.memory_space<vmem>> -> memref<1x4x32x128xf32, #tpu.memory_space<vmem>>
        %dma_wait3A_749 = tpu.memref_squeeze %dma_wait3A_748 : memref<1x4x32x128xf32, #tpu.memory_space<vmem>> -> memref<4x32x128xf32, #tpu.memory_space<vmem>>
        %dma_wait3A_750 = arith.constant 0 : i32
        %dma_wait3A_751 = arith.constant 0 : i32
        %dma_wait3A_752 = tpu.memref_slice %dma_wait3A_749[%dma_wait3A_732, %dma_wait3A_750, %dma_wait3A_751] : memref<4x32x128xf32, #tpu.memory_space<vmem>> -> memref<1x32x128xf32, #tpu.memory_space<vmem>>
        %dma_wait3A_753 = tpu.memref_squeeze %dma_wait3A_752 : memref<1x32x128xf32, #tpu.memory_space<vmem>> -> memref<32x128xf32, #tpu.memory_space<vmem>>
        %dma_wait3A_754 = arith.constant 0 : i32
        %dma_wait3A_755 = arith.constant 0 : i32
        %dma_wait3A_756 = tpu.memref_slice %arg3[%dma_wait3A_754, %dma_wait3A_755] : memref<32x1000000xf32, #tpu.memory_space<hbm>> -> memref<32x128xf32, #tpu.memory_space<hbm>>
        tpu.wait_dma2 semaphore(%arg10 : memref<!tpu.dma_semaphore, #tpu.memory_space<semaphore_mem>>) src(%dma_wait3A_756 : memref<32x128xf32, #tpu.memory_space<hbm>>) dst(%dma_wait3A_753 : memref<32x128xf32, #tpu.memory_space<vmem>>)
        %dma_wait3A_757 = arith.constant 2 : i32
        %dma_wait3A_758 = arith.constant 1 : i32
        %dma_wait3A_759 = arith.constant 0 : i32
        %dma_wait3A_760 = arith.constant 0 : i32
        %dma_wait3A_761 = arith.constant 0 : i32
        %dma_wait3A_762 = tpu.memref_slice %arg6[%dma_wait3A_757, %dma_wait3A_759, %dma_wait3A_760, %dma_wait3A_761] : memref<6x4x32x128xf32, #tpu.memory_space<vmem>> -> memref<1x4x32x128xf32, #tpu.memory_space<vmem>>
        %dma_wait3A_763 = tpu.memref_squeeze %dma_wait3A_762 : memref<1x4x32x128xf32, #tpu.memory_space<vmem>> -> memref<4x32x128xf32, #tpu.memory_space<vmem>>
        %dma_wait3A_764 = arith.constant 0 : i32
        %dma_wait3A_765 = arith.constant 0 : i32
        %dma_wait3A_766 = tpu.memref_slice %dma_wait3A_763[%dma_wait3A_758, %dma_wait3A_764, %dma_wait3A_765] : memref<4x32x128xf32, #tpu.memory_space<vmem>> -> memref<1x32x128xf32, #tpu.memory_space<vmem>>
        %dma_wait3A_767 = tpu.memref_squeeze %dma_wait3A_766 : memref<1x32x128xf32, #tpu.memory_space<vmem>> -> memref<32x128xf32, #tpu.memory_space<vmem>>
        %dma_wait3A_768 = arith.constant 0 : i32
        %dma_wait3A_769 = arith.constant 0 : i32
        %dma_wait3A_770 = tpu.memref_slice %arg3[%dma_wait3A_768, %dma_wait3A_769] : memref<32x1000000xf32, #tpu.memory_space<hbm>> -> memref<32x128xf32, #tpu.memory_space<hbm>>
        %dma_wait3A_771 = arith.constant 0 : i32
        %dma_wait3A_772 = arith.constant 0 : i32
        %dma_wait3A_773 = arith.constant 0 : i32
        %dma_wait3A_774 = tpu.memref_slice %arg6[%dma_wait3A_757, %dma_wait3A_771, %dma_wait3A_772, %dma_wait3A_773] : memref<6x4x32x128xf32, #tpu.memory_space<vmem>> -> memref<1x4x32x128xf32, #tpu.memory_space<vmem>>
        %dma_wait3A_775 = tpu.memref_squeeze %dma_wait3A_774 : memref<1x4x32x128xf32, #tpu.memory_space<vmem>> -> memref<4x32x128xf32, #tpu.memory_space<vmem>>
        %dma_wait3A_776 = arith.constant 0 : i32
        %dma_wait3A_777 = arith.constant 0 : i32
        %dma_wait3A_778 = tpu.memref_slice %dma_wait3A_775[%dma_wait3A_758, %dma_wait3A_776, %dma_wait3A_777] : memref<4x32x128xf32, #tpu.memory_space<vmem>> -> memref<1x32x128xf32, #tpu.memory_space<vmem>>
        %dma_wait3A_779 = tpu.memref_squeeze %dma_wait3A_778 : memref<1x32x128xf32, #tpu.memory_space<vmem>> -> memref<32x128xf32, #tpu.memory_space<vmem>>
        %dma_wait3A_780 = arith.constant 0 : i32
        %dma_wait3A_781 = arith.constant 0 : i32
        %dma_wait3A_782 = tpu.memref_slice %arg3[%dma_wait3A_780, %dma_wait3A_781] : memref<32x1000000xf32, #tpu.memory_space<hbm>> -> memref<32x128xf32, #tpu.memory_space<hbm>>
        tpu.wait_dma2 semaphore(%arg10 : memref<!tpu.dma_semaphore, #tpu.memory_space<semaphore_mem>>) src(%dma_wait3A_782 : memref<32x128xf32, #tpu.memory_space<hbm>>) dst(%dma_wait3A_779 : memref<32x128xf32, #tpu.memory_space<vmem>>)
        %dma_wait3A_783 = arith.constant 2 : i32
        %dma_wait3A_784 = arith.constant 2 : i32
        %dma_wait3A_785 = arith.constant 0 : i32
        %dma_wait3A_786 = arith.constant 0 : i32
        %dma_wait3A_787 = arith.constant 0 : i32
        %dma_wait3A_788 = tpu.memref_slice %arg6[%dma_wait3A_783, %dma_wait3A_785, %dma_wait3A_786, %dma_wait3A_787] : memref<6x4x32x128xf32, #tpu.memory_space<vmem>> -> memref<1x4x32x128xf32, #tpu.memory_space<vmem>>
        %dma_wait3A_789 = tpu.memref_squeeze %dma_wait3A_788 : memref<1x4x32x128xf32, #tpu.memory_space<vmem>> -> memref<4x32x128xf32, #tpu.memory_space<vmem>>
        %dma_wait3A_790 = arith.constant 0 : i32
        %dma_wait3A_791 = arith.constant 0 : i32
        %dma_wait3A_792 = tpu.memref_slice %dma_wait3A_789[%dma_wait3A_784, %dma_wait3A_790, %dma_wait3A_791] : memref<4x32x128xf32, #tpu.memory_space<vmem>> -> memref<1x32x128xf32, #tpu.memory_space<vmem>>
        %dma_wait3A_793 = tpu.memref_squeeze %dma_wait3A_792 : memref<1x32x128xf32, #tpu.memory_space<vmem>> -> memref<32x128xf32, #tpu.memory_space<vmem>>
        %dma_wait3A_794 = arith.constant 0 : i32
        %dma_wait3A_795 = arith.constant 0 : i32
        %dma_wait3A_796 = tpu.memref_slice %arg3[%dma_wait3A_794, %dma_wait3A_795] : memref<32x1000000xf32, #tpu.memory_space<hbm>> -> memref<32x128xf32, #tpu.memory_space<hbm>>
        %dma_wait3A_797 = arith.constant 0 : i32
        %dma_wait3A_798 = arith.constant 0 : i32
        %dma_wait3A_799 = arith.constant 0 : i32
        %dma_wait3A_800 = tpu.memref_slice %arg6[%dma_wait3A_783, %dma_wait3A_797, %dma_wait3A_798, %dma_wait3A_799] : memref<6x4x32x128xf32, #tpu.memory_space<vmem>> -> memref<1x4x32x128xf32, #tpu.memory_space<vmem>>
        %dma_wait3A_801 = tpu.memref_squeeze %dma_wait3A_800 : memref<1x4x32x128xf32, #tpu.memory_space<vmem>> -> memref<4x32x128xf32, #tpu.memory_space<vmem>>
        %dma_wait3A_802 = arith.constant 0 : i32
        %dma_wait3A_803 = arith.constant 0 : i32
        %dma_wait3A_804 = tpu.memref_slice %dma_wait3A_801[%dma_wait3A_784, %dma_wait3A_802, %dma_wait3A_803] : memref<4x32x128xf32, #tpu.memory_space<vmem>> -> memref<1x32x128xf32, #tpu.memory_space<vmem>>
        %dma_wait3A_805 = tpu.memref_squeeze %dma_wait3A_804 : memref<1x32x128xf32, #tpu.memory_space<vmem>> -> memref<32x128xf32, #tpu.memory_space<vmem>>
        %dma_wait3A_806 = arith.constant 0 : i32
        %dma_wait3A_807 = arith.constant 0 : i32
        %dma_wait3A_808 = tpu.memref_slice %arg3[%dma_wait3A_806, %dma_wait3A_807] : memref<32x1000000xf32, #tpu.memory_space<hbm>> -> memref<32x128xf32, #tpu.memory_space<hbm>>
        tpu.wait_dma2 semaphore(%arg10 : memref<!tpu.dma_semaphore, #tpu.memory_space<semaphore_mem>>) src(%dma_wait3A_808 : memref<32x128xf32, #tpu.memory_space<hbm>>) dst(%dma_wait3A_805 : memref<32x128xf32, #tpu.memory_space<vmem>>)
        %dma_wait3A_809 = arith.constant 2 : i32
        %dma_wait3A_810 = arith.constant 3 : i32
        %dma_wait3A_811 = arith.constant 0 : i32
        %dma_wait3A_812 = arith.constant 0 : i32
        %dma_wait3A_813 = arith.constant 0 : i32
        %dma_wait3A_814 = tpu.memref_slice %arg6[%dma_wait3A_809, %dma_wait3A_811, %dma_wait3A_812, %dma_wait3A_813] : memref<6x4x32x128xf32, #tpu.memory_space<vmem>> -> memref<1x4x32x128xf32, #tpu.memory_space<vmem>>
        %dma_wait3A_815 = tpu.memref_squeeze %dma_wait3A_814 : memref<1x4x32x128xf32, #tpu.memory_space<vmem>> -> memref<4x32x128xf32, #tpu.memory_space<vmem>>
        %dma_wait3A_816 = arith.constant 0 : i32
        %dma_wait3A_817 = arith.constant 0 : i32
        %dma_wait3A_818 = tpu.memref_slice %dma_wait3A_815[%dma_wait3A_810, %dma_wait3A_816, %dma_wait3A_817] : memref<4x32x128xf32, #tpu.memory_space<vmem>> -> memref<1x32x128xf32, #tpu.memory_space<vmem>>
        %dma_wait3A_819 = tpu.memref_squeeze %dma_wait3A_818 : memref<1x32x128xf32, #tpu.memory_space<vmem>> -> memref<32x128xf32, #tpu.memory_space<vmem>>
        %dma_wait3A_820 = arith.constant 0 : i32
        %dma_wait3A_821 = arith.constant 0 : i32
        %dma_wait3A_822 = tpu.memref_slice %arg3[%dma_wait3A_820, %dma_wait3A_821] : memref<32x1000000xf32, #tpu.memory_space<hbm>> -> memref<32x128xf32, #tpu.memory_space<hbm>>
        %dma_wait3A_823 = arith.constant 0 : i32
        %dma_wait3A_824 = arith.constant 0 : i32
        %dma_wait3A_825 = arith.constant 0 : i32
        %dma_wait3A_826 = tpu.memref_slice %arg6[%dma_wait3A_809, %dma_wait3A_823, %dma_wait3A_824, %dma_wait3A_825] : memref<6x4x32x128xf32, #tpu.memory_space<vmem>> -> memref<1x4x32x128xf32, #tpu.memory_space<vmem>>
        %dma_wait3A_827 = tpu.memref_squeeze %dma_wait3A_826 : memref<1x4x32x128xf32, #tpu.memory_space<vmem>> -> memref<4x32x128xf32, #tpu.memory_space<vmem>>
        %dma_wait3A_828 = arith.constant 0 : i32
        %dma_wait3A_829 = arith.constant 0 : i32
        %dma_wait3A_830 = tpu.memref_slice %dma_wait3A_827[%dma_wait3A_810, %dma_wait3A_828, %dma_wait3A_829] : memref<4x32x128xf32, #tpu.memory_space<vmem>> -> memref<1x32x128xf32, #tpu.memory_space<vmem>>
        %dma_wait3A_831 = tpu.memref_squeeze %dma_wait3A_830 : memref<1x32x128xf32, #tpu.memory_space<vmem>> -> memref<32x128xf32, #tpu.memory_space<vmem>>
        %dma_wait3A_832 = arith.constant 0 : i32
        %dma_wait3A_833 = arith.constant 0 : i32
        %dma_wait3A_834 = tpu.memref_slice %arg3[%dma_wait3A_832, %dma_wait3A_833] : memref<32x1000000xf32, #tpu.memory_space<hbm>> -> memref<32x128xf32, #tpu.memory_space<hbm>>
        tpu.wait_dma2 semaphore(%arg10 : memref<!tpu.dma_semaphore, #tpu.memory_space<semaphore_mem>>) src(%dma_wait3A_834 : memref<32x128xf32, #tpu.memory_space<hbm>>) dst(%dma_wait3A_831 : memref<32x128xf32, #tpu.memory_space<vmem>>)
        %slice3A_835 = vector.extract_strided_slice %and3A_731 {offsets = [0], sizes = [1], strides = [1]} : vector<16xi32> to vector<1xi32>
        %squeeze3A_836 = vector.extract %slice3A_835[0] : i32 from vector<1xi32>
        %broadcast_in_dim3A = vector.broadcast %squeeze3A_836 : i32 to vector<16xi32>
        %mul3A_837 = arith.constant 4 : i32
        %mul3A_838 = arith.muli %add3A_665, %mul3A_837 : i32
        %add3A_839 = arith.constant 0 : i32
        %add3A_840 = arith.addi %mul3A_838, %add3A_839 : i32
        %broadcast_in_dim3A_841 = vector.broadcast %add3A_840 : i32 to vector<16xi32>
        %gather3A = arith.constant 2 : i32
        %gather3A_842 = arith.constant 0 : i32
        %gather3A_843 = arith.constant 0 : i32
        %gather3A_844 = arith.constant 0 : i32
        %gather3A_845 = arith.constant 0 : i32
        %gather3A_846 = tpu.memref_slice %arg6[%gather3A, %gather3A_843, %gather3A_844, %gather3A_845] : memref<6x4x32x128xf32, #tpu.memory_space<vmem>> -> memref<1x4x32x128xf32, #tpu.memory_space<vmem>>
        %gather3A_847 = tpu.memref_squeeze %gather3A_846 : memref<1x4x32x128xf32, #tpu.memory_space<vmem>> -> memref<4x32x128xf32, #tpu.memory_space<vmem>>
        %gather3A_848 = arith.constant 0 : i32
        %gather3A_849 = arith.constant 0 : i32
        %gather3A_850 = tpu.memref_slice %gather3A_847[%gather3A_842, %gather3A_848, %gather3A_849] : memref<4x32x128xf32, #tpu.memory_space<vmem>> -> memref<1x32x128xf32, #tpu.memory_space<vmem>>
        %gather3A_851 = tpu.memref_squeeze %gather3A_850 : memref<1x32x128xf32, #tpu.memory_space<vmem>> -> memref<32x128xf32, #tpu.memory_space<vmem>>
        %gather3A_852 = tpu.vector_load_idx %gather3A_851[%iota3A, %broadcast_in_dim3A] : memref<32x128xf32, #tpu.memory_space<vmem>>[vector<16xi32>, vector<16xi32>], vector<16xf32>,
        %add3A_853 = arith.constant 16 : i32
        %add3A_854 = vector.broadcast %add3A_853 : i32 to vector<16xi32>
        %add3A_855 = arith.addi %iota3A, %add3A_854 : vector<16xi32>
        %gather3A_856 = arith.constant 2 : i32
        %gather3A_857 = arith.constant 0 : i32
        %gather3A_858 = arith.constant 0 : i32
        %gather3A_859 = arith.constant 0 : i32
        %gather3A_860 = arith.constant 0 : i32
        %gather3A_861 = tpu.memref_slice %arg6[%gather3A_856, %gather3A_858, %gather3A_859, %gather3A_860] : memref<6x4x32x128xf32, #tpu.memory_space<vmem>> -> memref<1x4x32x128xf32, #tpu.memory_space<vmem>>
        %gather3A_862 = tpu.memref_squeeze %gather3A_861 : memref<1x4x32x128xf32, #tpu.memory_space<vmem>> -> memref<4x32x128xf32, #tpu.memory_space<vmem>>
        %gather3A_863 = arith.constant 0 : i32
        %gather3A_864 = arith.constant 0 : i32
        %gather3A_865 = tpu.memref_slice %gather3A_862[%gather3A_857, %gather3A_863, %gather3A_864] : memref<4x32x128xf32, #tpu.memory_space<vmem>> -> memref<1x32x128xf32, #tpu.memory_space<vmem>>
        %gather3A_866 = tpu.memref_squeeze %gather3A_865 : memref<1x32x128xf32, #tpu.memory_space<vmem>> -> memref<32x128xf32, #tpu.memory_space<vmem>>
        %gather3A_867 = tpu.vector_load_idx %gather3A_866[%add3A_855, %broadcast_in_dim3A] : memref<32x128xf32, #tpu.memory_space<vmem>>[vector<16xi32>, vector<16xi32>], vector<16xf32>,
        tpu.vector_store_idx %arg7[%iota3A, %broadcast_in_dim3A_841], %gather3A_852 : memref<32x512xf32, #tpu.memory_space<vmem>>[vector<16xi32>, vector<16xi32>], vector<16xf32>,
        %add3A_868 = arith.constant 16 : i32
        %add3A_869 = vector.broadcast %add3A_868 : i32 to vector<16xi32>
        %add3A_870 = arith.addi %iota3A, %add3A_869 : vector<16xi32>
        tpu.vector_store_idx %arg7[%add3A_870, %broadcast_in_dim3A_841], %gather3A_867 : memref<32x512xf32, #tpu.memory_space<vmem>>[vector<16xi32>, vector<16xi32>], vector<16xf32>,
        %slice3A_871 = vector.extract_strided_slice %and3A_731 {offsets = [1], sizes = [1], strides = [1]} : vector<16xi32> to vector<1xi32>
        %squeeze3A_872 = vector.extract %slice3A_871[0] : i32 from vector<1xi32>
        %broadcast_in_dim3A_873 = vector.broadcast %squeeze3A_872 : i32 to vector<16xi32>
        %mul3A_874 = arith.constant 4 : i32
        %mul3A_875 = arith.muli %add3A_665, %mul3A_874 : i32
        %add3A_876 = arith.constant 1 : i32
        %add3A_877 = arith.addi %mul3A_875, %add3A_876 : i32
        %broadcast_in_dim3A_878 = vector.broadcast %add3A_877 : i32 to vector<16xi32>
        %gather3A_879 = arith.constant 2 : i32
        %gather3A_880 = arith.constant 1 : i32
        %gather3A_881 = arith.constant 0 : i32
        %gather3A_882 = arith.constant 0 : i32
        %gather3A_883 = arith.constant 0 : i32
        %gather3A_884 = tpu.memref_slice %arg6[%gather3A_879, %gather3A_881, %gather3A_882, %gather3A_883] : memref<6x4x32x128xf32, #tpu.memory_space<vmem>> -> memref<1x4x32x128xf32, #tpu.memory_space<vmem>>
        %gather3A_885 = tpu.memref_squeeze %gather3A_884 : memref<1x4x32x128xf32, #tpu.memory_space<vmem>> -> memref<4x32x128xf32, #tpu.memory_space<vmem>>
        %gather3A_886 = arith.constant 0 : i32
        %gather3A_887 = arith.constant 0 : i32
        %gather3A_888 = tpu.memref_slice %gather3A_885[%gather3A_880, %gather3A_886, %gather3A_887] : memref<4x32x128xf32, #tpu.memory_space<vmem>> -> memref<1x32x128xf32, #tpu.memory_space<vmem>>
        %gather3A_889 = tpu.memref_squeeze %gather3A_888 : memref<1x32x128xf32, #tpu.memory_space<vmem>> -> memref<32x128xf32, #tpu.memory_space<vmem>>
        %gather3A_890 = tpu.vector_load_idx %gather3A_889[%iota3A, %broadcast_in_dim3A_873] : memref<32x128xf32, #tpu.memory_space<vmem>>[vector<16xi32>, vector<16xi32>], vector<16xf32>,
        %add3A_891 = arith.constant 16 : i32
        %add3A_892 = vector.broadcast %add3A_891 : i32 to vector<16xi32>
        %add3A_893 = arith.addi %iota3A, %add3A_892 : vector<16xi32>
        %gather3A_894 = arith.constant 2 : i32
        %gather3A_895 = arith.constant 1 : i32
        %gather3A_896 = arith.constant 0 : i32
        %gather3A_897 = arith.constant 0 : i32
        %gather3A_898 = arith.constant 0 : i32
        %gather3A_899 = tpu.memref_slice %arg6[%gather3A_894, %gather3A_896, %gather3A_897, %gather3A_898] : memref<6x4x32x128xf32, #tpu.memory_space<vmem>> -> memref<1x4x32x128xf32, #tpu.memory_space<vmem>>
        %gather3A_900 = tpu.memref_squeeze %gather3A_899 : memref<1x4x32x128xf32, #tpu.memory_space<vmem>> -> memref<4x32x128xf32, #tpu.memory_space<vmem>>
        %gather3A_901 = arith.constant 0 : i32
        %gather3A_902 = arith.constant 0 : i32
        %gather3A_903 = tpu.memref_slice %gather3A_900[%gather3A_895, %gather3A_901, %gather3A_902] : memref<4x32x128xf32, #tpu.memory_space<vmem>> -> memref<1x32x128xf32, #tpu.memory_space<vmem>>
        %gather3A_904 = tpu.memref_squeeze %gather3A_903 : memref<1x32x128xf32, #tpu.memory_space<vmem>> -> memref<32x128xf32, #tpu.memory_space<vmem>>
        %gather3A_905 = tpu.vector_load_idx %gather3A_904[%add3A_893, %broadcast_in_dim3A_873] : memref<32x128xf32, #tpu.memory_space<vmem>>[vector<16xi32>, vector<16xi32>], vector<16xf32>,
        tpu.vector_store_idx %arg7[%iota3A, %broadcast_in_dim3A_878], %gather3A_890 : memref<32x512xf32, #tpu.memory_space<vmem>>[vector<16xi32>, vector<16xi32>], vector<16xf32>,
        %add3A_906 = arith.constant 16 : i32
        %add3A_907 = vector.broadcast %add3A_906 : i32 to vector<16xi32>
        %add3A_908 = arith.addi %iota3A, %add3A_907 : vector<16xi32>
        tpu.vector_store_idx %arg7[%add3A_908, %broadcast_in_dim3A_878], %gather3A_905 : memref<32x512xf32, #tpu.memory_space<vmem>>[vector<16xi32>, vector<16xi32>], vector<16xf32>,
        %slice3A_909 = vector.extract_strided_slice %and3A_731 {offsets = [2], sizes = [1], strides = [1]} : vector<16xi32> to vector<1xi32>
        %squeeze3A_910 = vector.extract %slice3A_909[0] : i32 from vector<1xi32>
        %broadcast_in_dim3A_911 = vector.broadcast %squeeze3A_910 : i32 to vector<16xi32>
        %mul3A_912 = arith.constant 4 : i32
        %mul3A_913 = arith.muli %add3A_665, %mul3A_912 : i32
        %add3A_914 = arith.constant 2 : i32
        %add3A_915 = arith.addi %mul3A_913, %add3A_914 : i32
        %broadcast_in_dim3A_916 = vector.broadcast %add3A_915 : i32 to vector<16xi32>
        %gather3A_917 = arith.constant 2 : i32
        %gather3A_918 = arith.constant 2 : i32
        %gather3A_919 = arith.constant 0 : i32
        %gather3A_920 = arith.constant 0 : i32
        %gather3A_921 = arith.constant 0 : i32
        %gather3A_922 = tpu.memref_slice %arg6[%gather3A_917, %gather3A_919, %gather3A_920, %gather3A_921] : memref<6x4x32x128xf32, #tpu.memory_space<vmem>> -> memref<1x4x32x128xf32, #tpu.memory_space<vmem>>
        %gather3A_923 = tpu.memref_squeeze %gather3A_922 : memref<1x4x32x128xf32, #tpu.memory_space<vmem>> -> memref<4x32x128xf32, #tpu.memory_space<vmem>>
        %gather3A_924 = arith.constant 0 : i32
        %gather3A_925 = arith.constant 0 : i32
        %gather3A_926 = tpu.memref_slice %gather3A_923[%gather3A_918, %gather3A_924, %gather3A_925] : memref<4x32x128xf32, #tpu.memory_space<vmem>> -> memref<1x32x128xf32, #tpu.memory_space<vmem>>
        %gather3A_927 = tpu.memref_squeeze %gather3A_926 : memref<1x32x128xf32, #tpu.memory_space<vmem>> -> memref<32x128xf32, #tpu.memory_space<vmem>>
        %gather3A_928 = tpu.vector_load_idx %gather3A_927[%iota3A, %broadcast_in_dim3A_911] : memref<32x128xf32, #tpu.memory_space<vmem>>[vector<16xi32>, vector<16xi32>], vector<16xf32>,
        %add3A_929 = arith.constant 16 : i32
        %add3A_930 = vector.broadcast %add3A_929 : i32 to vector<16xi32>
        %add3A_931 = arith.addi %iota3A, %add3A_930 : vector<16xi32>
        %gather3A_932 = arith.constant 2 : i32
        %gather3A_933 = arith.constant 2 : i32
        %gather3A_934 = arith.constant 0 : i32
        %gather3A_935 = arith.constant 0 : i32
        %gather3A_936 = arith.constant 0 : i32
        %gather3A_937 = tpu.memref_slice %arg6[%gather3A_932, %gather3A_934, %gather3A_935, %gather3A_936] : memref<6x4x32x128xf32, #tpu.memory_space<vmem>> -> memref<1x4x32x128xf32, #tpu.memory_space<vmem>>
        %gather3A_938 = tpu.memref_squeeze %gather3A_937 : memref<1x4x32x128xf32, #tpu.memory_space<vmem>> -> memref<4x32x128xf32, #tpu.memory_space<vmem>>
        %gather3A_939 = arith.constant 0 : i32
        %gather3A_940 = arith.constant 0 : i32
        %gather3A_941 = tpu.memref_slice %gather3A_938[%gather3A_933, %gather3A_939, %gather3A_940] : memref<4x32x128xf32, #tpu.memory_space<vmem>> -> memref<1x32x128xf32, #tpu.memory_space<vmem>>
        %gather3A_942 = tpu.memref_squeeze %gather3A_941 : memref<1x32x128xf32, #tpu.memory_space<vmem>> -> memref<32x128xf32, #tpu.memory_space<vmem>>
        %gather3A_943 = tpu.vector_load_idx %gather3A_942[%add3A_931, %broadcast_in_dim3A_911] : memref<32x128xf32, #tpu.memory_space<vmem>>[vector<16xi32>, vector<16xi32>], vector<16xf32>,
        tpu.vector_store_idx %arg7[%iota3A, %broadcast_in_dim3A_916], %gather3A_928 : memref<32x512xf32, #tpu.memory_space<vmem>>[vector<16xi32>, vector<16xi32>], vector<16xf32>,
        %add3A_944 = arith.constant 16 : i32
        %add3A_945 = vector.broadcast %add3A_944 : i32 to vector<16xi32>
        %add3A_946 = arith.addi %iota3A, %add3A_945 : vector<16xi32>
        tpu.vector_store_idx %arg7[%add3A_946, %broadcast_in_dim3A_916], %gather3A_943 : memref<32x512xf32, #tpu.memory_space<vmem>>[vector<16xi32>, vector<16xi32>], vector<16xf32>,
        %slice3A_947 = vector.extract_strided_slice %and3A_731 {offsets = [3], sizes = [1], strides = [1]} : vector<16xi32> to vector<1xi32>
        %squeeze3A_948 = vector.extract %slice3A_947[0] : i32 from vector<1xi32>
        %broadcast_in_dim3A_949 = vector.broadcast %squeeze3A_948 : i32 to vector<16xi32>
        %mul3A_950 = arith.constant 4 : i32
        %mul3A_951 = arith.muli %add3A_665, %mul3A_950 : i32
        %add3A_952 = arith.constant 3 : i32
        %add3A_953 = arith.addi %mul3A_951, %add3A_952 : i32
        %broadcast_in_dim3A_954 = vector.broadcast %add3A_953 : i32 to vector<16xi32>
        %gather3A_955 = arith.constant 2 : i32
        %gather3A_956 = arith.constant 3 : i32
        %gather3A_957 = arith.constant 0 : i32
        %gather3A_958 = arith.constant 0 : i32
        %gather3A_959 = arith.constant 0 : i32
        %gather3A_960 = tpu.memref_slice %arg6[%gather3A_955, %gather3A_957, %gather3A_958, %gather3A_959] : memref<6x4x32x128xf32, #tpu.memory_space<vmem>> -> memref<1x4x32x128xf32, #tpu.memory_space<vmem>>
        %gather3A_961 = tpu.memref_squeeze %gather3A_960 : memref<1x4x32x128xf32, #tpu.memory_space<vmem>> -> memref<4x32x128xf32, #tpu.memory_space<vmem>>
        %gather3A_962 = arith.constant 0 : i32
        %gather3A_963 = arith.constant 0 : i32
        %gather3A_964 = tpu.memref_slice %gather3A_961[%gather3A_956, %gather3A_962, %gather3A_963] : memref<4x32x128xf32, #tpu.memory_space<vmem>> -> memref<1x32x128xf32, #tpu.memory_space<vmem>>
        %gather3A_965 = tpu.memref_squeeze %gather3A_964 : memref<1x32x128xf32, #tpu.memory_space<vmem>> -> memref<32x128xf32, #tpu.memory_space<vmem>>
        %gather3A_966 = tpu.vector_load_idx %gather3A_965[%iota3A, %broadcast_in_dim3A_949] : memref<32x128xf32, #tpu.memory_space<vmem>>[vector<16xi32>, vector<16xi32>], vector<16xf32>,
        %add3A_967 = arith.constant 16 : i32
        %add3A_968 = vector.broadcast %add3A_967 : i32 to vector<16xi32>
        %add3A_969 = arith.addi %iota3A, %add3A_968 : vector<16xi32>
        %gather3A_970 = arith.constant 2 : i32
        %gather3A_971 = arith.constant 3 : i32
        %gather3A_972 = arith.constant 0 : i32
        %gather3A_973 = arith.constant 0 : i32
        %gather3A_974 = arith.constant 0 : i32
        %gather3A_975 = tpu.memref_slice %arg6[%gather3A_970, %gather3A_972, %gather3A_973, %gather3A_974] : memref<6x4x32x128xf32, #tpu.memory_space<vmem>> -> memref<1x4x32x128xf32, #tpu.memory_space<vmem>>
        %gather3A_976 = tpu.memref_squeeze %gather3A_975 : memref<1x4x32x128xf32, #tpu.memory_space<vmem>> -> memref<4x32x128xf32, #tpu.memory_space<vmem>>
        %gather3A_977 = arith.constant 0 : i32
        %gather3A_978 = arith.constant 0 : i32
        %gather3A_979 = tpu.memref_slice %gather3A_976[%gather3A_971, %gather3A_977, %gather3A_978] : memref<4x32x128xf32, #tpu.memory_space<vmem>> -> memref<1x32x128xf32, #tpu.memory_space<vmem>>
        %gather3A_980 = tpu.memref_squeeze %gather3A_979 : memref<1x32x128xf32, #tpu.memory_space<vmem>> -> memref<32x128xf32, #tpu.memory_space<vmem>>
        %gather3A_981 = tpu.vector_load_idx %gather3A_980[%add3A_969, %broadcast_in_dim3A_949] : memref<32x128xf32, #tpu.memory_space<vmem>>[vector<16xi32>, vector<16xi32>], vector<16xf32>,
        tpu.vector_store_idx %arg7[%iota3A, %broadcast_in_dim3A_954], %gather3A_966 : memref<32x512xf32, #tpu.memory_space<vmem>>[vector<16xi32>, vector<16xi32>], vector<16xf32>,
        %add3A_982 = arith.constant 16 : i32
        %add3A_983 = vector.broadcast %add3A_982 : i32 to vector<16xi32>
        %add3A_984 = arith.addi %iota3A, %add3A_983 : vector<16xi32>
        tpu.vector_store_idx %arg7[%add3A_984, %broadcast_in_dim3A_954], %gather3A_981 : memref<32x512xf32, #tpu.memory_space<vmem>>[vector<16xi32>, vector<16xi32>], vector<16xf32>,
      } else {
      }
      %mul3A_678 = arith.constant 6 : i32
      %mul3A_679 = arith.muli %scan3A_632, %mul3A_678 : i32
      %add3A_680 = arith.constant 3 : i32
      %add3A_681 = arith.addi %mul3A_679, %add3A_680 : i32
      %add3A_682 = arith.constant 5 : i32
      %add3A_683 = arith.addi %add3A_681, %add3A_682 : i32
      %lt3A_684 = arith.constant 128 : i32
      %lt3A_685 = arith.cmpi slt, %add3A_683, %lt3A_684 : i32
      %convert_element_type3A_686 = arith.extui %lt3A_685 : i1 to i32
      %cond3A_687 = arith.constant 0 : i32
      %cond3A_688 = arith.cmpi ne, %convert_element_type3A_686, %cond3A_687 : i32
      scf.if %cond3A_688 {
        %add3A_726 = arith.constant 5 : i32
        %add3A_727 = arith.addi %add3A_681, %add3A_726 : i32
        %mul3A_728 = arith.constant 4 : i32
        %mul3A_729 = arith.muli %add3A_727, %mul3A_728 : i32
        %get3A_730 = arith.index_cast %mul3A_729 : i32 to index
        %get3A_731 = tpu.vector_load %arg5[%get3A_730] {strides = array<i32>} : memref<528xi32, #tpu.memory_space<vmem>>, vector<16xi32>,
        %slice3A_732 = vector.extract_strided_slice %get3A_731 {offsets = [0], sizes = [1], strides = [1]} : vector<16xi32> to vector<1xi32>
        %squeeze3A_733 = vector.extract %slice3A_732[0] : i32 from vector<1xi32>
        %shift_right_logical3A_734 = arith.constant 7 : i32
        %shift_right_logical3A_735 = arith.shrui %squeeze3A_733, %shift_right_logical3A_734 : i32
        %shift_left3A_736 = arith.constant 7 : i32
        %shift_left3A_737 = arith.shli %shift_right_logical3A_735, %shift_left3A_736 : i32
        %multiple_of3A_738 = tpu.assume_multiple %shift_left3A_737, 128 : i32
        %dma_start3A_739 = arith.constant 2 : i32
        %dma_start3A_740 = arith.constant 0 : i32
        %dma_start3A_741 = arith.constant 0 : i32
        %dma_start3A_742 = arith.constant 0 : i32
        %dma_start3A_743 = arith.constant 0 : i32
        %dma_start3A_744 = tpu.memref_slice %arg6[%dma_start3A_739, %dma_start3A_741, %dma_start3A_742, %dma_start3A_743] : memref<6x4x32x128xf32, #tpu.memory_space<vmem>> -> memref<1x4x32x128xf32, #tpu.memory_space<vmem>>
        %dma_start3A_745 = tpu.memref_squeeze %dma_start3A_744 : memref<1x4x32x128xf32, #tpu.memory_space<vmem>> -> memref<4x32x128xf32, #tpu.memory_space<vmem>>
        %dma_start3A_746 = arith.constant 0 : i32
        %dma_start3A_747 = arith.constant 0 : i32
        %dma_start3A_748 = tpu.memref_slice %dma_start3A_745[%dma_start3A_740, %dma_start3A_746, %dma_start3A_747] : memref<4x32x128xf32, #tpu.memory_space<vmem>> -> memref<1x32x128xf32, #tpu.memory_space<vmem>>
        %dma_start3A_749 = tpu.memref_squeeze %dma_start3A_748 : memref<1x32x128xf32, #tpu.memory_space<vmem>> -> memref<32x128xf32, #tpu.memory_space<vmem>>
        %dma_start3A_750 = arith.constant 0 : i32
        %dma_start3A_751 = tpu.memref_slice %arg3[%dma_start3A_750, %multiple_of3A_738] : memref<32x1000000xf32, #tpu.memory_space<hbm>> -> memref<32x128xf32, #tpu.memory_space<hbm>>
        %dma_start3A_752 = arith.constant 0 : i32
        %dma_start3A_753 = arith.constant 0 : i32
        %dma_start3A_754 = arith.constant 0 : i32
        %dma_start3A_755 = tpu.memref_slice %arg6[%dma_start3A_739, %dma_start3A_752, %dma_start3A_753, %dma_start3A_754] : memref<6x4x32x128xf32, #tpu.memory_space<vmem>> -> memref<1x4x32x128xf32, #tpu.memory_space<vmem>>
        %dma_start3A_756 = tpu.memref_squeeze %dma_start3A_755 : memref<1x4x32x128xf32, #tpu.memory_space<vmem>> -> memref<4x32x128xf32, #tpu.memory_space<vmem>>
        %dma_start3A_757 = arith.constant 0 : i32
        %dma_start3A_758 = arith.constant 0 : i32
        %dma_start3A_759 = tpu.memref_slice %dma_start3A_756[%dma_start3A_740, %dma_start3A_757, %dma_start3A_758] : memref<4x32x128xf32, #tpu.memory_space<vmem>> -> memref<1x32x128xf32, #tpu.memory_space<vmem>>
        %dma_start3A_760 = tpu.memref_squeeze %dma_start3A_759 : memref<1x32x128xf32, #tpu.memory_space<vmem>> -> memref<32x128xf32, #tpu.memory_space<vmem>>
        %dma_start3A_761 = arith.constant 0 : i32
        %dma_start3A_762 = tpu.memref_slice %arg3[%dma_start3A_761, %multiple_of3A_738] : memref<32x1000000xf32, #tpu.memory_space<hbm>> -> memref<32x128xf32, #tpu.memory_space<hbm>>
        tpu.enqueue_dma source(%dma_start3A_762 : memref<32x128xf32, #tpu.memory_space<hbm>>) target(%dma_start3A_760 : memref<32x128xf32, #tpu.memory_space<vmem>>) target_semaphore(%arg10 : memref<!tpu.dma_semaphore, #tpu.memory_space<semaphore_mem>>)
        %slice3A_763 = vector.extract_strided_slice %get3A_731 {offsets = [1], sizes = [1], strides = [1]} : vector<16xi32> to vector<1xi32>
        %squeeze3A_764 = vector.extract %slice3A_763[0] : i32 from vector<1xi32>
        %shift_right_logical3A_765 = arith.constant 7 : i32
        %shift_right_logical3A_766 = arith.shrui %squeeze3A_764, %shift_right_logical3A_765 : i32
        %shift_left3A_767 = arith.constant 7 : i32
        %shift_left3A_768 = arith.shli %shift_right_logical3A_766, %shift_left3A_767 : i32
        %multiple_of3A_769 = tpu.assume_multiple %shift_left3A_768, 128 : i32
        %dma_start3A_770 = arith.constant 2 : i32
        %dma_start3A_771 = arith.constant 1 : i32
        %dma_start3A_772 = arith.constant 0 : i32
        %dma_start3A_773 = arith.constant 0 : i32
        %dma_start3A_774 = arith.constant 0 : i32
        %dma_start3A_775 = tpu.memref_slice %arg6[%dma_start3A_770, %dma_start3A_772, %dma_start3A_773, %dma_start3A_774] : memref<6x4x32x128xf32, #tpu.memory_space<vmem>> -> memref<1x4x32x128xf32, #tpu.memory_space<vmem>>
        %dma_start3A_776 = tpu.memref_squeeze %dma_start3A_775 : memref<1x4x32x128xf32, #tpu.memory_space<vmem>> -> memref<4x32x128xf32, #tpu.memory_space<vmem>>
        %dma_start3A_777 = arith.constant 0 : i32
        %dma_start3A_778 = arith.constant 0 : i32
        %dma_start3A_779 = tpu.memref_slice %dma_start3A_776[%dma_start3A_771, %dma_start3A_777, %dma_start3A_778] : memref<4x32x128xf32, #tpu.memory_space<vmem>> -> memref<1x32x128xf32, #tpu.memory_space<vmem>>
        %dma_start3A_780 = tpu.memref_squeeze %dma_start3A_779 : memref<1x32x128xf32, #tpu.memory_space<vmem>> -> memref<32x128xf32, #tpu.memory_space<vmem>>
        %dma_start3A_781 = arith.constant 0 : i32
        %dma_start3A_782 = tpu.memref_slice %arg3[%dma_start3A_781, %multiple_of3A_769] : memref<32x1000000xf32, #tpu.memory_space<hbm>> -> memref<32x128xf32, #tpu.memory_space<hbm>>
        %dma_start3A_783 = arith.constant 0 : i32
        %dma_start3A_784 = arith.constant 0 : i32
        %dma_start3A_785 = arith.constant 0 : i32
        %dma_start3A_786 = tpu.memref_slice %arg6[%dma_start3A_770, %dma_start3A_783, %dma_start3A_784, %dma_start3A_785] : memref<6x4x32x128xf32, #tpu.memory_space<vmem>> -> memref<1x4x32x128xf32, #tpu.memory_space<vmem>>
        %dma_start3A_787 = tpu.memref_squeeze %dma_start3A_786 : memref<1x4x32x128xf32, #tpu.memory_space<vmem>> -> memref<4x32x128xf32, #tpu.memory_space<vmem>>
        %dma_start3A_788 = arith.constant 0 : i32
        %dma_start3A_789 = arith.constant 0 : i32
        %dma_start3A_790 = tpu.memref_slice %dma_start3A_787[%dma_start3A_771, %dma_start3A_788, %dma_start3A_789] : memref<4x32x128xf32, #tpu.memory_space<vmem>> -> memref<1x32x128xf32, #tpu.memory_space<vmem>>
        %dma_start3A_791 = tpu.memref_squeeze %dma_start3A_790 : memref<1x32x128xf32, #tpu.memory_space<vmem>> -> memref<32x128xf32, #tpu.memory_space<vmem>>
        %dma_start3A_792 = arith.constant 0 : i32
        %dma_start3A_793 = tpu.memref_slice %arg3[%dma_start3A_792, %multiple_of3A_769] : memref<32x1000000xf32, #tpu.memory_space<hbm>> -> memref<32x128xf32, #tpu.memory_space<hbm>>
        tpu.enqueue_dma source(%dma_start3A_793 : memref<32x128xf32, #tpu.memory_space<hbm>>) target(%dma_start3A_791 : memref<32x128xf32, #tpu.memory_space<vmem>>) target_semaphore(%arg10 : memref<!tpu.dma_semaphore, #tpu.memory_space<semaphore_mem>>)
        %slice3A_794 = vector.extract_strided_slice %get3A_731 {offsets = [2], sizes = [1], strides = [1]} : vector<16xi32> to vector<1xi32>
        %squeeze3A_795 = vector.extract %slice3A_794[0] : i32 from vector<1xi32>
        %shift_right_logical3A_796 = arith.constant 7 : i32
        %shift_right_logical3A_797 = arith.shrui %squeeze3A_795, %shift_right_logical3A_796 : i32
        %shift_left3A_798 = arith.constant 7 : i32
        %shift_left3A_799 = arith.shli %shift_right_logical3A_797, %shift_left3A_798 : i32
        %multiple_of3A_800 = tpu.assume_multiple %shift_left3A_799, 128 : i32
        %dma_start3A_801 = arith.constant 2 : i32
        %dma_start3A_802 = arith.constant 2 : i32
        %dma_start3A_803 = arith.constant 0 : i32
        %dma_start3A_804 = arith.constant 0 : i32
        %dma_start3A_805 = arith.constant 0 : i32
        %dma_start3A_806 = tpu.memref_slice %arg6[%dma_start3A_801, %dma_start3A_803, %dma_start3A_804, %dma_start3A_805] : memref<6x4x32x128xf32, #tpu.memory_space<vmem>> -> memref<1x4x32x128xf32, #tpu.memory_space<vmem>>
        %dma_start3A_807 = tpu.memref_squeeze %dma_start3A_806 : memref<1x4x32x128xf32, #tpu.memory_space<vmem>> -> memref<4x32x128xf32, #tpu.memory_space<vmem>>
        %dma_start3A_808 = arith.constant 0 : i32
        %dma_start3A_809 = arith.constant 0 : i32
        %dma_start3A_810 = tpu.memref_slice %dma_start3A_807[%dma_start3A_802, %dma_start3A_808, %dma_start3A_809] : memref<4x32x128xf32, #tpu.memory_space<vmem>> -> memref<1x32x128xf32, #tpu.memory_space<vmem>>
        %dma_start3A_811 = tpu.memref_squeeze %dma_start3A_810 : memref<1x32x128xf32, #tpu.memory_space<vmem>> -> memref<32x128xf32, #tpu.memory_space<vmem>>
        %dma_start3A_812 = arith.constant 0 : i32
        %dma_start3A_813 = tpu.memref_slice %arg3[%dma_start3A_812, %multiple_of3A_800] : memref<32x1000000xf32, #tpu.memory_space<hbm>> -> memref<32x128xf32, #tpu.memory_space<hbm>>
        %dma_start3A_814 = arith.constant 0 : i32
        %dma_start3A_815 = arith.constant 0 : i32
        %dma_start3A_816 = arith.constant 0 : i32
        %dma_start3A_817 = tpu.memref_slice %arg6[%dma_start3A_801, %dma_start3A_814, %dma_start3A_815, %dma_start3A_816] : memref<6x4x32x128xf32, #tpu.memory_space<vmem>> -> memref<1x4x32x128xf32, #tpu.memory_space<vmem>>
        %dma_start3A_818 = tpu.memref_squeeze %dma_start3A_817 : memref<1x4x32x128xf32, #tpu.memory_space<vmem>> -> memref<4x32x128xf32, #tpu.memory_space<vmem>>
        %dma_start3A_819 = arith.constant 0 : i32
        %dma_start3A_820 = arith.constant 0 : i32
        %dma_start3A_821 = tpu.memref_slice %dma_start3A_818[%dma_start3A_802, %dma_start3A_819, %dma_start3A_820] : memref<4x32x128xf32, #tpu.memory_space<vmem>> -> memref<1x32x128xf32, #tpu.memory_space<vmem>>
        %dma_start3A_822 = tpu.memref_squeeze %dma_start3A_821 : memref<1x32x128xf32, #tpu.memory_space<vmem>> -> memref<32x128xf32, #tpu.memory_space<vmem>>
        %dma_start3A_823 = arith.constant 0 : i32
        %dma_start3A_824 = tpu.memref_slice %arg3[%dma_start3A_823, %multiple_of3A_800] : memref<32x1000000xf32, #tpu.memory_space<hbm>> -> memref<32x128xf32, #tpu.memory_space<hbm>>
        tpu.enqueue_dma source(%dma_start3A_824 : memref<32x128xf32, #tpu.memory_space<hbm>>) target(%dma_start3A_822 : memref<32x128xf32, #tpu.memory_space<vmem>>) target_semaphore(%arg10 : memref<!tpu.dma_semaphore, #tpu.memory_space<semaphore_mem>>)
        %slice3A_825 = vector.extract_strided_slice %get3A_731 {offsets = [3], sizes = [1], strides = [1]} : vector<16xi32> to vector<1xi32>
        %squeeze3A_826 = vector.extract %slice3A_825[0] : i32 from vector<1xi32>
        %shift_right_logical3A_827 = arith.constant 7 : i32
        %shift_right_logical3A_828 = arith.shrui %squeeze3A_826, %shift_right_logical3A_827 : i32
        %shift_left3A_829 = arith.constant 7 : i32
        %shift_left3A_830 = arith.shli %shift_right_logical3A_828, %shift_left3A_829 : i32
        %multiple_of3A_831 = tpu.assume_multiple %shift_left3A_830, 128 : i32
        %dma_start3A_832 = arith.constant 2 : i32
        %dma_start3A_833 = arith.constant 3 : i32
        %dma_start3A_834 = arith.constant 0 : i32
        %dma_start3A_835 = arith.constant 0 : i32
        %dma_start3A_836 = arith.constant 0 : i32
        %dma_start3A_837 = tpu.memref_slice %arg6[%dma_start3A_832, %dma_start3A_834, %dma_start3A_835, %dma_start3A_836] : memref<6x4x32x128xf32, #tpu.memory_space<vmem>> -> memref<1x4x32x128xf32, #tpu.memory_space<vmem>>
        %dma_start3A_838 = tpu.memref_squeeze %dma_start3A_837 : memref<1x4x32x128xf32, #tpu.memory_space<vmem>> -> memref<4x32x128xf32, #tpu.memory_space<vmem>>
        %dma_start3A_839 = arith.constant 0 : i32
        %dma_start3A_840 = arith.constant 0 : i32
        %dma_start3A_841 = tpu.memref_slice %dma_start3A_838[%dma_start3A_833, %dma_start3A_839, %dma_start3A_840] : memref<4x32x128xf32, #tpu.memory_space<vmem>> -> memref<1x32x128xf32, #tpu.memory_space<vmem>>
        %dma_start3A_842 = tpu.memref_squeeze %dma_start3A_841 : memref<1x32x128xf32, #tpu.memory_space<vmem>> -> memref<32x128xf32, #tpu.memory_space<vmem>>
        %dma_start3A_843 = arith.constant 0 : i32
        %dma_start3A_844 = tpu.memref_slice %arg3[%dma_start3A_843, %multiple_of3A_831] : memref<32x1000000xf32, #tpu.memory_space<hbm>> -> memref<32x128xf32, #tpu.memory_space<hbm>>
        %dma_start3A_845 = arith.constant 0 : i32
        %dma_start3A_846 = arith.constant 0 : i32
        %dma_start3A_847 = arith.constant 0 : i32
        %dma_start3A_848 = tpu.memref_slice %arg6[%dma_start3A_832, %dma_start3A_845, %dma_start3A_846, %dma_start3A_847] : memref<6x4x32x128xf32, #tpu.memory_space<vmem>> -> memref<1x4x32x128xf32, #tpu.memory_space<vmem>>
        %dma_start3A_849 = tpu.memref_squeeze %dma_start3A_848 : memref<1x4x32x128xf32, #tpu.memory_space<vmem>> -> memref<4x32x128xf32, #tpu.memory_space<vmem>>
        %dma_start3A_850 = arith.constant 0 : i32
        %dma_start3A_851 = arith.constant 0 : i32
        %dma_start3A_852 = tpu.memref_slice %dma_start3A_849[%dma_start3A_833, %dma_start3A_850, %dma_start3A_851] : memref<4x32x128xf32, #tpu.memory_space<vmem>> -> memref<1x32x128xf32, #tpu.memory_space<vmem>>
        %dma_start3A_853 = tpu.memref_squeeze %dma_start3A_852 : memref<1x32x128xf32, #tpu.memory_space<vmem>> -> memref<32x128xf32, #tpu.memory_space<vmem>>
        %dma_start3A_854 = arith.constant 0 : i32
        %dma_start3A_855 = tpu.memref_slice %arg3[%dma_start3A_854, %multiple_of3A_831] : memref<32x1000000xf32, #tpu.memory_space<hbm>> -> memref<32x128xf32, #tpu.memory_space<hbm>>
        tpu.enqueue_dma source(%dma_start3A_855 : memref<32x128xf32, #tpu.memory_space<hbm>>) target(%dma_start3A_853 : memref<32x128xf32, #tpu.memory_space<vmem>>) target_semaphore(%arg10 : memref<!tpu.dma_semaphore, #tpu.memory_space<semaphore_mem>>)
      } else {
      }
      %lt3A_689 = arith.constant 128 : i32
      %lt3A_690 = arith.cmpi slt, %add3A_681, %lt3A_689 : i32
      %convert_element_type3A_691 = arith.extui %lt3A_690 : i1 to i32
      %cond3A_692 = arith.constant 0 : i32
      %cond3A_693 = arith.cmpi ne, %convert_element_type3A_691, %cond3A_692 : i32
      scf.if %cond3A_693 {
        %mul3A_726 = arith.constant 4 : i32
        %mul3A_727 = arith.muli %add3A_681, %mul3A_726 : i32
        %get3A_728 = arith.index_cast %mul3A_727 : i32 to index
        %get3A_729 = tpu.vector_load %arg5[%get3A_728] {strides = array<i32>} : memref<528xi32, #tpu.memory_space<vmem>>, vector<16xi32>,
        %and3A = arith.constant 127 : i32
        %and3A_730 = vector.broadcast %and3A : i32 to vector<16xi32>
        %and3A_731 = arith.andi %get3A_729, %and3A_730 : vector<16xi32>
        %dma_wait3A = arith.constant 3 : i32
        %dma_wait3A_732 = arith.constant 0 : i32
        %dma_wait3A_733 = arith.constant 0 : i32
        %dma_wait3A_734 = arith.constant 0 : i32
        %dma_wait3A_735 = arith.constant 0 : i32
        %dma_wait3A_736 = tpu.memref_slice %arg6[%dma_wait3A, %dma_wait3A_733, %dma_wait3A_734, %dma_wait3A_735] : memref<6x4x32x128xf32, #tpu.memory_space<vmem>> -> memref<1x4x32x128xf32, #tpu.memory_space<vmem>>
        %dma_wait3A_737 = tpu.memref_squeeze %dma_wait3A_736 : memref<1x4x32x128xf32, #tpu.memory_space<vmem>> -> memref<4x32x128xf32, #tpu.memory_space<vmem>>
        %dma_wait3A_738 = arith.constant 0 : i32
        %dma_wait3A_739 = arith.constant 0 : i32
        %dma_wait3A_740 = tpu.memref_slice %dma_wait3A_737[%dma_wait3A_732, %dma_wait3A_738, %dma_wait3A_739] : memref<4x32x128xf32, #tpu.memory_space<vmem>> -> memref<1x32x128xf32, #tpu.memory_space<vmem>>
        %dma_wait3A_741 = tpu.memref_squeeze %dma_wait3A_740 : memref<1x32x128xf32, #tpu.memory_space<vmem>> -> memref<32x128xf32, #tpu.memory_space<vmem>>
        %dma_wait3A_742 = arith.constant 0 : i32
        %dma_wait3A_743 = arith.constant 0 : i32
        %dma_wait3A_744 = tpu.memref_slice %arg3[%dma_wait3A_742, %dma_wait3A_743] : memref<32x1000000xf32, #tpu.memory_space<hbm>> -> memref<32x128xf32, #tpu.memory_space<hbm>>
        %dma_wait3A_745 = arith.constant 0 : i32
        %dma_wait3A_746 = arith.constant 0 : i32
        %dma_wait3A_747 = arith.constant 0 : i32
        %dma_wait3A_748 = tpu.memref_slice %arg6[%dma_wait3A, %dma_wait3A_745, %dma_wait3A_746, %dma_wait3A_747] : memref<6x4x32x128xf32, #tpu.memory_space<vmem>> -> memref<1x4x32x128xf32, #tpu.memory_space<vmem>>
        %dma_wait3A_749 = tpu.memref_squeeze %dma_wait3A_748 : memref<1x4x32x128xf32, #tpu.memory_space<vmem>> -> memref<4x32x128xf32, #tpu.memory_space<vmem>>
        %dma_wait3A_750 = arith.constant 0 : i32
        %dma_wait3A_751 = arith.constant 0 : i32
        %dma_wait3A_752 = tpu.memref_slice %dma_wait3A_749[%dma_wait3A_732, %dma_wait3A_750, %dma_wait3A_751] : memref<4x32x128xf32, #tpu.memory_space<vmem>> -> memref<1x32x128xf32, #tpu.memory_space<vmem>>
        %dma_wait3A_753 = tpu.memref_squeeze %dma_wait3A_752 : memref<1x32x128xf32, #tpu.memory_space<vmem>> -> memref<32x128xf32, #tpu.memory_space<vmem>>
        %dma_wait3A_754 = arith.constant 0 : i32
        %dma_wait3A_755 = arith.constant 0 : i32
        %dma_wait3A_756 = tpu.memref_slice %arg3[%dma_wait3A_754, %dma_wait3A_755] : memref<32x1000000xf32, #tpu.memory_space<hbm>> -> memref<32x128xf32, #tpu.memory_space<hbm>>
        tpu.wait_dma2 semaphore(%arg11 : memref<!tpu.dma_semaphore, #tpu.memory_space<semaphore_mem>>) src(%dma_wait3A_756 : memref<32x128xf32, #tpu.memory_space<hbm>>) dst(%dma_wait3A_753 : memref<32x128xf32, #tpu.memory_space<vmem>>)
        %dma_wait3A_757 = arith.constant 3 : i32
        %dma_wait3A_758 = arith.constant 1 : i32
        %dma_wait3A_759 = arith.constant 0 : i32
        %dma_wait3A_760 = arith.constant 0 : i32
        %dma_wait3A_761 = arith.constant 0 : i32
        %dma_wait3A_762 = tpu.memref_slice %arg6[%dma_wait3A_757, %dma_wait3A_759, %dma_wait3A_760, %dma_wait3A_761] : memref<6x4x32x128xf32, #tpu.memory_space<vmem>> -> memref<1x4x32x128xf32, #tpu.memory_space<vmem>>
        %dma_wait3A_763 = tpu.memref_squeeze %dma_wait3A_762 : memref<1x4x32x128xf32, #tpu.memory_space<vmem>> -> memref<4x32x128xf32, #tpu.memory_space<vmem>>
        %dma_wait3A_764 = arith.constant 0 : i32
        %dma_wait3A_765 = arith.constant 0 : i32
        %dma_wait3A_766 = tpu.memref_slice %dma_wait3A_763[%dma_wait3A_758, %dma_wait3A_764, %dma_wait3A_765] : memref<4x32x128xf32, #tpu.memory_space<vmem>> -> memref<1x32x128xf32, #tpu.memory_space<vmem>>
        %dma_wait3A_767 = tpu.memref_squeeze %dma_wait3A_766 : memref<1x32x128xf32, #tpu.memory_space<vmem>> -> memref<32x128xf32, #tpu.memory_space<vmem>>
        %dma_wait3A_768 = arith.constant 0 : i32
        %dma_wait3A_769 = arith.constant 0 : i32
        %dma_wait3A_770 = tpu.memref_slice %arg3[%dma_wait3A_768, %dma_wait3A_769] : memref<32x1000000xf32, #tpu.memory_space<hbm>> -> memref<32x128xf32, #tpu.memory_space<hbm>>
        %dma_wait3A_771 = arith.constant 0 : i32
        %dma_wait3A_772 = arith.constant 0 : i32
        %dma_wait3A_773 = arith.constant 0 : i32
        %dma_wait3A_774 = tpu.memref_slice %arg6[%dma_wait3A_757, %dma_wait3A_771, %dma_wait3A_772, %dma_wait3A_773] : memref<6x4x32x128xf32, #tpu.memory_space<vmem>> -> memref<1x4x32x128xf32, #tpu.memory_space<vmem>>
        %dma_wait3A_775 = tpu.memref_squeeze %dma_wait3A_774 : memref<1x4x32x128xf32, #tpu.memory_space<vmem>> -> memref<4x32x128xf32, #tpu.memory_space<vmem>>
        %dma_wait3A_776 = arith.constant 0 : i32
        %dma_wait3A_777 = arith.constant 0 : i32
        %dma_wait3A_778 = tpu.memref_slice %dma_wait3A_775[%dma_wait3A_758, %dma_wait3A_776, %dma_wait3A_777] : memref<4x32x128xf32, #tpu.memory_space<vmem>> -> memref<1x32x128xf32, #tpu.memory_space<vmem>>
        %dma_wait3A_779 = tpu.memref_squeeze %dma_wait3A_778 : memref<1x32x128xf32, #tpu.memory_space<vmem>> -> memref<32x128xf32, #tpu.memory_space<vmem>>
        %dma_wait3A_780 = arith.constant 0 : i32
        %dma_wait3A_781 = arith.constant 0 : i32
        %dma_wait3A_782 = tpu.memref_slice %arg3[%dma_wait3A_780, %dma_wait3A_781] : memref<32x1000000xf32, #tpu.memory_space<hbm>> -> memref<32x128xf32, #tpu.memory_space<hbm>>
        tpu.wait_dma2 semaphore(%arg11 : memref<!tpu.dma_semaphore, #tpu.memory_space<semaphore_mem>>) src(%dma_wait3A_782 : memref<32x128xf32, #tpu.memory_space<hbm>>) dst(%dma_wait3A_779 : memref<32x128xf32, #tpu.memory_space<vmem>>)
        %dma_wait3A_783 = arith.constant 3 : i32
        %dma_wait3A_784 = arith.constant 2 : i32
        %dma_wait3A_785 = arith.constant 0 : i32
        %dma_wait3A_786 = arith.constant 0 : i32
        %dma_wait3A_787 = arith.constant 0 : i32
        %dma_wait3A_788 = tpu.memref_slice %arg6[%dma_wait3A_783, %dma_wait3A_785, %dma_wait3A_786, %dma_wait3A_787] : memref<6x4x32x128xf32, #tpu.memory_space<vmem>> -> memref<1x4x32x128xf32, #tpu.memory_space<vmem>>
        %dma_wait3A_789 = tpu.memref_squeeze %dma_wait3A_788 : memref<1x4x32x128xf32, #tpu.memory_space<vmem>> -> memref<4x32x128xf32, #tpu.memory_space<vmem>>
        %dma_wait3A_790 = arith.constant 0 : i32
        %dma_wait3A_791 = arith.constant 0 : i32
        %dma_wait3A_792 = tpu.memref_slice %dma_wait3A_789[%dma_wait3A_784, %dma_wait3A_790, %dma_wait3A_791] : memref<4x32x128xf32, #tpu.memory_space<vmem>> -> memref<1x32x128xf32, #tpu.memory_space<vmem>>
        %dma_wait3A_793 = tpu.memref_squeeze %dma_wait3A_792 : memref<1x32x128xf32, #tpu.memory_space<vmem>> -> memref<32x128xf32, #tpu.memory_space<vmem>>
        %dma_wait3A_794 = arith.constant 0 : i32
        %dma_wait3A_795 = arith.constant 0 : i32
        %dma_wait3A_796 = tpu.memref_slice %arg3[%dma_wait3A_794, %dma_wait3A_795] : memref<32x1000000xf32, #tpu.memory_space<hbm>> -> memref<32x128xf32, #tpu.memory_space<hbm>>
        %dma_wait3A_797 = arith.constant 0 : i32
        %dma_wait3A_798 = arith.constant 0 : i32
        %dma_wait3A_799 = arith.constant 0 : i32
        %dma_wait3A_800 = tpu.memref_slice %arg6[%dma_wait3A_783, %dma_wait3A_797, %dma_wait3A_798, %dma_wait3A_799] : memref<6x4x32x128xf32, #tpu.memory_space<vmem>> -> memref<1x4x32x128xf32, #tpu.memory_space<vmem>>
        %dma_wait3A_801 = tpu.memref_squeeze %dma_wait3A_800 : memref<1x4x32x128xf32, #tpu.memory_space<vmem>> -> memref<4x32x128xf32, #tpu.memory_space<vmem>>
        %dma_wait3A_802 = arith.constant 0 : i32
        %dma_wait3A_803 = arith.constant 0 : i32
        %dma_wait3A_804 = tpu.memref_slice %dma_wait3A_801[%dma_wait3A_784, %dma_wait3A_802, %dma_wait3A_803] : memref<4x32x128xf32, #tpu.memory_space<vmem>> -> memref<1x32x128xf32, #tpu.memory_space<vmem>>
        %dma_wait3A_805 = tpu.memref_squeeze %dma_wait3A_804 : memref<1x32x128xf32, #tpu.memory_space<vmem>> -> memref<32x128xf32, #tpu.memory_space<vmem>>
        %dma_wait3A_806 = arith.constant 0 : i32
        %dma_wait3A_807 = arith.constant 0 : i32
        %dma_wait3A_808 = tpu.memref_slice %arg3[%dma_wait3A_806, %dma_wait3A_807] : memref<32x1000000xf32, #tpu.memory_space<hbm>> -> memref<32x128xf32, #tpu.memory_space<hbm>>
        tpu.wait_dma2 semaphore(%arg11 : memref<!tpu.dma_semaphore, #tpu.memory_space<semaphore_mem>>) src(%dma_wait3A_808 : memref<32x128xf32, #tpu.memory_space<hbm>>) dst(%dma_wait3A_805 : memref<32x128xf32, #tpu.memory_space<vmem>>)
        %dma_wait3A_809 = arith.constant 3 : i32
        %dma_wait3A_810 = arith.constant 3 : i32
        %dma_wait3A_811 = arith.constant 0 : i32
        %dma_wait3A_812 = arith.constant 0 : i32
        %dma_wait3A_813 = arith.constant 0 : i32
        %dma_wait3A_814 = tpu.memref_slice %arg6[%dma_wait3A_809, %dma_wait3A_811, %dma_wait3A_812, %dma_wait3A_813] : memref<6x4x32x128xf32, #tpu.memory_space<vmem>> -> memref<1x4x32x128xf32, #tpu.memory_space<vmem>>
        %dma_wait3A_815 = tpu.memref_squeeze %dma_wait3A_814 : memref<1x4x32x128xf32, #tpu.memory_space<vmem>> -> memref<4x32x128xf32, #tpu.memory_space<vmem>>
        %dma_wait3A_816 = arith.constant 0 : i32
        %dma_wait3A_817 = arith.constant 0 : i32
        %dma_wait3A_818 = tpu.memref_slice %dma_wait3A_815[%dma_wait3A_810, %dma_wait3A_816, %dma_wait3A_817] : memref<4x32x128xf32, #tpu.memory_space<vmem>> -> memref<1x32x128xf32, #tpu.memory_space<vmem>>
        %dma_wait3A_819 = tpu.memref_squeeze %dma_wait3A_818 : memref<1x32x128xf32, #tpu.memory_space<vmem>> -> memref<32x128xf32, #tpu.memory_space<vmem>>
        %dma_wait3A_820 = arith.constant 0 : i32
        %dma_wait3A_821 = arith.constant 0 : i32
        %dma_wait3A_822 = tpu.memref_slice %arg3[%dma_wait3A_820, %dma_wait3A_821] : memref<32x1000000xf32, #tpu.memory_space<hbm>> -> memref<32x128xf32, #tpu.memory_space<hbm>>
        %dma_wait3A_823 = arith.constant 0 : i32
        %dma_wait3A_824 = arith.constant 0 : i32
        %dma_wait3A_825 = arith.constant 0 : i32
        %dma_wait3A_826 = tpu.memref_slice %arg6[%dma_wait3A_809, %dma_wait3A_823, %dma_wait3A_824, %dma_wait3A_825] : memref<6x4x32x128xf32, #tpu.memory_space<vmem>> -> memref<1x4x32x128xf32, #tpu.memory_space<vmem>>
        %dma_wait3A_827 = tpu.memref_squeeze %dma_wait3A_826 : memref<1x4x32x128xf32, #tpu.memory_space<vmem>> -> memref<4x32x128xf32, #tpu.memory_space<vmem>>
        %dma_wait3A_828 = arith.constant 0 : i32
        %dma_wait3A_829 = arith.constant 0 : i32
        %dma_wait3A_830 = tpu.memref_slice %dma_wait3A_827[%dma_wait3A_810, %dma_wait3A_828, %dma_wait3A_829] : memref<4x32x128xf32, #tpu.memory_space<vmem>> -> memref<1x32x128xf32, #tpu.memory_space<vmem>>
        %dma_wait3A_831 = tpu.memref_squeeze %dma_wait3A_830 : memref<1x32x128xf32, #tpu.memory_space<vmem>> -> memref<32x128xf32, #tpu.memory_space<vmem>>
        %dma_wait3A_832 = arith.constant 0 : i32
        %dma_wait3A_833 = arith.constant 0 : i32
        %dma_wait3A_834 = tpu.memref_slice %arg3[%dma_wait3A_832, %dma_wait3A_833] : memref<32x1000000xf32, #tpu.memory_space<hbm>> -> memref<32x128xf32, #tpu.memory_space<hbm>>
        tpu.wait_dma2 semaphore(%arg11 : memref<!tpu.dma_semaphore, #tpu.memory_space<semaphore_mem>>) src(%dma_wait3A_834 : memref<32x128xf32, #tpu.memory_space<hbm>>) dst(%dma_wait3A_831 : memref<32x128xf32, #tpu.memory_space<vmem>>)
        %slice3A_835 = vector.extract_strided_slice %and3A_731 {offsets = [0], sizes = [1], strides = [1]} : vector<16xi32> to vector<1xi32>
        %squeeze3A_836 = vector.extract %slice3A_835[0] : i32 from vector<1xi32>
        %broadcast_in_dim3A = vector.broadcast %squeeze3A_836 : i32 to vector<16xi32>
        %mul3A_837 = arith.constant 4 : i32
        %mul3A_838 = arith.muli %add3A_681, %mul3A_837 : i32
        %add3A_839 = arith.constant 0 : i32
        %add3A_840 = arith.addi %mul3A_838, %add3A_839 : i32
        %broadcast_in_dim3A_841 = vector.broadcast %add3A_840 : i32 to vector<16xi32>
        %gather3A = arith.constant 3 : i32
        %gather3A_842 = arith.constant 0 : i32
        %gather3A_843 = arith.constant 0 : i32
        %gather3A_844 = arith.constant 0 : i32
        %gather3A_845 = arith.constant 0 : i32
        %gather3A_846 = tpu.memref_slice %arg6[%gather3A, %gather3A_843, %gather3A_844, %gather3A_845] : memref<6x4x32x128xf32, #tpu.memory_space<vmem>> -> memref<1x4x32x128xf32, #tpu.memory_space<vmem>>
        %gather3A_847 = tpu.memref_squeeze %gather3A_846 : memref<1x4x32x128xf32, #tpu.memory_space<vmem>> -> memref<4x32x128xf32, #tpu.memory_space<vmem>>
        %gather3A_848 = arith.constant 0 : i32
        %gather3A_849 = arith.constant 0 : i32
        %gather3A_850 = tpu.memref_slice %gather3A_847[%gather3A_842, %gather3A_848, %gather3A_849] : memref<4x32x128xf32, #tpu.memory_space<vmem>> -> memref<1x32x128xf32, #tpu.memory_space<vmem>>
        %gather3A_851 = tpu.memref_squeeze %gather3A_850 : memref<1x32x128xf32, #tpu.memory_space<vmem>> -> memref<32x128xf32, #tpu.memory_space<vmem>>
        %gather3A_852 = tpu.vector_load_idx %gather3A_851[%iota3A, %broadcast_in_dim3A] : memref<32x128xf32, #tpu.memory_space<vmem>>[vector<16xi32>, vector<16xi32>], vector<16xf32>,
        %add3A_853 = arith.constant 16 : i32
        %add3A_854 = vector.broadcast %add3A_853 : i32 to vector<16xi32>
        %add3A_855 = arith.addi %iota3A, %add3A_854 : vector<16xi32>
        %gather3A_856 = arith.constant 3 : i32
        %gather3A_857 = arith.constant 0 : i32
        %gather3A_858 = arith.constant 0 : i32
        %gather3A_859 = arith.constant 0 : i32
        %gather3A_860 = arith.constant 0 : i32
        %gather3A_861 = tpu.memref_slice %arg6[%gather3A_856, %gather3A_858, %gather3A_859, %gather3A_860] : memref<6x4x32x128xf32, #tpu.memory_space<vmem>> -> memref<1x4x32x128xf32, #tpu.memory_space<vmem>>
        %gather3A_862 = tpu.memref_squeeze %gather3A_861 : memref<1x4x32x128xf32, #tpu.memory_space<vmem>> -> memref<4x32x128xf32, #tpu.memory_space<vmem>>
        %gather3A_863 = arith.constant 0 : i32
        %gather3A_864 = arith.constant 0 : i32
        %gather3A_865 = tpu.memref_slice %gather3A_862[%gather3A_857, %gather3A_863, %gather3A_864] : memref<4x32x128xf32, #tpu.memory_space<vmem>> -> memref<1x32x128xf32, #tpu.memory_space<vmem>>
        %gather3A_866 = tpu.memref_squeeze %gather3A_865 : memref<1x32x128xf32, #tpu.memory_space<vmem>> -> memref<32x128xf32, #tpu.memory_space<vmem>>
        %gather3A_867 = tpu.vector_load_idx %gather3A_866[%add3A_855, %broadcast_in_dim3A] : memref<32x128xf32, #tpu.memory_space<vmem>>[vector<16xi32>, vector<16xi32>], vector<16xf32>,
        tpu.vector_store_idx %arg7[%iota3A, %broadcast_in_dim3A_841], %gather3A_852 : memref<32x512xf32, #tpu.memory_space<vmem>>[vector<16xi32>, vector<16xi32>], vector<16xf32>,
        %add3A_868 = arith.constant 16 : i32
        %add3A_869 = vector.broadcast %add3A_868 : i32 to vector<16xi32>
        %add3A_870 = arith.addi %iota3A, %add3A_869 : vector<16xi32>
        tpu.vector_store_idx %arg7[%add3A_870, %broadcast_in_dim3A_841], %gather3A_867 : memref<32x512xf32, #tpu.memory_space<vmem>>[vector<16xi32>, vector<16xi32>], vector<16xf32>,
        %slice3A_871 = vector.extract_strided_slice %and3A_731 {offsets = [1], sizes = [1], strides = [1]} : vector<16xi32> to vector<1xi32>
        %squeeze3A_872 = vector.extract %slice3A_871[0] : i32 from vector<1xi32>
        %broadcast_in_dim3A_873 = vector.broadcast %squeeze3A_872 : i32 to vector<16xi32>
        %mul3A_874 = arith.constant 4 : i32
        %mul3A_875 = arith.muli %add3A_681, %mul3A_874 : i32
        %add3A_876 = arith.constant 1 : i32
        %add3A_877 = arith.addi %mul3A_875, %add3A_876 : i32
        %broadcast_in_dim3A_878 = vector.broadcast %add3A_877 : i32 to vector<16xi32>
        %gather3A_879 = arith.constant 3 : i32
        %gather3A_880 = arith.constant 1 : i32
        %gather3A_881 = arith.constant 0 : i32
        %gather3A_882 = arith.constant 0 : i32
        %gather3A_883 = arith.constant 0 : i32
        %gather3A_884 = tpu.memref_slice %arg6[%gather3A_879, %gather3A_881, %gather3A_882, %gather3A_883] : memref<6x4x32x128xf32, #tpu.memory_space<vmem>> -> memref<1x4x32x128xf32, #tpu.memory_space<vmem>>
        %gather3A_885 = tpu.memref_squeeze %gather3A_884 : memref<1x4x32x128xf32, #tpu.memory_space<vmem>> -> memref<4x32x128xf32, #tpu.memory_space<vmem>>
        %gather3A_886 = arith.constant 0 : i32
        %gather3A_887 = arith.constant 0 : i32
        %gather3A_888 = tpu.memref_slice %gather3A_885[%gather3A_880, %gather3A_886, %gather3A_887] : memref<4x32x128xf32, #tpu.memory_space<vmem>> -> memref<1x32x128xf32, #tpu.memory_space<vmem>>
        %gather3A_889 = tpu.memref_squeeze %gather3A_888 : memref<1x32x128xf32, #tpu.memory_space<vmem>> -> memref<32x128xf32, #tpu.memory_space<vmem>>
        %gather3A_890 = tpu.vector_load_idx %gather3A_889[%iota3A, %broadcast_in_dim3A_873] : memref<32x128xf32, #tpu.memory_space<vmem>>[vector<16xi32>, vector<16xi32>], vector<16xf32>,
        %add3A_891 = arith.constant 16 : i32
        %add3A_892 = vector.broadcast %add3A_891 : i32 to vector<16xi32>
        %add3A_893 = arith.addi %iota3A, %add3A_892 : vector<16xi32>
        %gather3A_894 = arith.constant 3 : i32
        %gather3A_895 = arith.constant 1 : i32
        %gather3A_896 = arith.constant 0 : i32
        %gather3A_897 = arith.constant 0 : i32
        %gather3A_898 = arith.constant 0 : i32
        %gather3A_899 = tpu.memref_slice %arg6[%gather3A_894, %gather3A_896, %gather3A_897, %gather3A_898] : memref<6x4x32x128xf32, #tpu.memory_space<vmem>> -> memref<1x4x32x128xf32, #tpu.memory_space<vmem>>
        %gather3A_900 = tpu.memref_squeeze %gather3A_899 : memref<1x4x32x128xf32, #tpu.memory_space<vmem>> -> memref<4x32x128xf32, #tpu.memory_space<vmem>>
        %gather3A_901 = arith.constant 0 : i32
        %gather3A_902 = arith.constant 0 : i32
        %gather3A_903 = tpu.memref_slice %gather3A_900[%gather3A_895, %gather3A_901, %gather3A_902] : memref<4x32x128xf32, #tpu.memory_space<vmem>> -> memref<1x32x128xf32, #tpu.memory_space<vmem>>
        %gather3A_904 = tpu.memref_squeeze %gather3A_903 : memref<1x32x128xf32, #tpu.memory_space<vmem>> -> memref<32x128xf32, #tpu.memory_space<vmem>>
        %gather3A_905 = tpu.vector_load_idx %gather3A_904[%add3A_893, %broadcast_in_dim3A_873] : memref<32x128xf32, #tpu.memory_space<vmem>>[vector<16xi32>, vector<16xi32>], vector<16xf32>,
        tpu.vector_store_idx %arg7[%iota3A, %broadcast_in_dim3A_878], %gather3A_890 : memref<32x512xf32, #tpu.memory_space<vmem>>[vector<16xi32>, vector<16xi32>], vector<16xf32>,
        %add3A_906 = arith.constant 16 : i32
        %add3A_907 = vector.broadcast %add3A_906 : i32 to vector<16xi32>
        %add3A_908 = arith.addi %iota3A, %add3A_907 : vector<16xi32>
        tpu.vector_store_idx %arg7[%add3A_908, %broadcast_in_dim3A_878], %gather3A_905 : memref<32x512xf32, #tpu.memory_space<vmem>>[vector<16xi32>, vector<16xi32>], vector<16xf32>,
        %slice3A_909 = vector.extract_strided_slice %and3A_731 {offsets = [2], sizes = [1], strides = [1]} : vector<16xi32> to vector<1xi32>
        %squeeze3A_910 = vector.extract %slice3A_909[0] : i32 from vector<1xi32>
        %broadcast_in_dim3A_911 = vector.broadcast %squeeze3A_910 : i32 to vector<16xi32>
        %mul3A_912 = arith.constant 4 : i32
        %mul3A_913 = arith.muli %add3A_681, %mul3A_912 : i32
        %add3A_914 = arith.constant 2 : i32
        %add3A_915 = arith.addi %mul3A_913, %add3A_914 : i32
        %broadcast_in_dim3A_916 = vector.broadcast %add3A_915 : i32 to vector<16xi32>
        %gather3A_917 = arith.constant 3 : i32
        %gather3A_918 = arith.constant 2 : i32
        %gather3A_919 = arith.constant 0 : i32
        %gather3A_920 = arith.constant 0 : i32
        %gather3A_921 = arith.constant 0 : i32
        %gather3A_922 = tpu.memref_slice %arg6[%gather3A_917, %gather3A_919, %gather3A_920, %gather3A_921] : memref<6x4x32x128xf32, #tpu.memory_space<vmem>> -> memref<1x4x32x128xf32, #tpu.memory_space<vmem>>
        %gather3A_923 = tpu.memref_squeeze %gather3A_922 : memref<1x4x32x128xf32, #tpu.memory_space<vmem>> -> memref<4x32x128xf32, #tpu.memory_space<vmem>>
        %gather3A_924 = arith.constant 0 : i32
        %gather3A_925 = arith.constant 0 : i32
        %gather3A_926 = tpu.memref_slice %gather3A_923[%gather3A_918, %gather3A_924, %gather3A_925] : memref<4x32x128xf32, #tpu.memory_space<vmem>> -> memref<1x32x128xf32, #tpu.memory_space<vmem>>
        %gather3A_927 = tpu.memref_squeeze %gather3A_926 : memref<1x32x128xf32, #tpu.memory_space<vmem>> -> memref<32x128xf32, #tpu.memory_space<vmem>>
        %gather3A_928 = tpu.vector_load_idx %gather3A_927[%iota3A, %broadcast_in_dim3A_911] : memref<32x128xf32, #tpu.memory_space<vmem>>[vector<16xi32>, vector<16xi32>], vector<16xf32>,
        %add3A_929 = arith.constant 16 : i32
        %add3A_930 = vector.broadcast %add3A_929 : i32 to vector<16xi32>
        %add3A_931 = arith.addi %iota3A, %add3A_930 : vector<16xi32>
        %gather3A_932 = arith.constant 3 : i32
        %gather3A_933 = arith.constant 2 : i32
        %gather3A_934 = arith.constant 0 : i32
        %gather3A_935 = arith.constant 0 : i32
        %gather3A_936 = arith.constant 0 : i32
        %gather3A_937 = tpu.memref_slice %arg6[%gather3A_932, %gather3A_934, %gather3A_935, %gather3A_936] : memref<6x4x32x128xf32, #tpu.memory_space<vmem>> -> memref<1x4x32x128xf32, #tpu.memory_space<vmem>>
        %gather3A_938 = tpu.memref_squeeze %gather3A_937 : memref<1x4x32x128xf32, #tpu.memory_space<vmem>> -> memref<4x32x128xf32, #tpu.memory_space<vmem>>
        %gather3A_939 = arith.constant 0 : i32
        %gather3A_940 = arith.constant 0 : i32
        %gather3A_941 = tpu.memref_slice %gather3A_938[%gather3A_933, %gather3A_939, %gather3A_940] : memref<4x32x128xf32, #tpu.memory_space<vmem>> -> memref<1x32x128xf32, #tpu.memory_space<vmem>>
        %gather3A_942 = tpu.memref_squeeze %gather3A_941 : memref<1x32x128xf32, #tpu.memory_space<vmem>> -> memref<32x128xf32, #tpu.memory_space<vmem>>
        %gather3A_943 = tpu.vector_load_idx %gather3A_942[%add3A_931, %broadcast_in_dim3A_911] : memref<32x128xf32, #tpu.memory_space<vmem>>[vector<16xi32>, vector<16xi32>], vector<16xf32>,
        tpu.vector_store_idx %arg7[%iota3A, %broadcast_in_dim3A_916], %gather3A_928 : memref<32x512xf32, #tpu.memory_space<vmem>>[vector<16xi32>, vector<16xi32>], vector<16xf32>,
        %add3A_944 = arith.constant 16 : i32
        %add3A_945 = vector.broadcast %add3A_944 : i32 to vector<16xi32>
        %add3A_946 = arith.addi %iota3A, %add3A_945 : vector<16xi32>
        tpu.vector_store_idx %arg7[%add3A_946, %broadcast_in_dim3A_916], %gather3A_943 : memref<32x512xf32, #tpu.memory_space<vmem>>[vector<16xi32>, vector<16xi32>], vector<16xf32>,
        %slice3A_947 = vector.extract_strided_slice %and3A_731 {offsets = [3], sizes = [1], strides = [1]} : vector<16xi32> to vector<1xi32>
        %squeeze3A_948 = vector.extract %slice3A_947[0] : i32 from vector<1xi32>
        %broadcast_in_dim3A_949 = vector.broadcast %squeeze3A_948 : i32 to vector<16xi32>
        %mul3A_950 = arith.constant 4 : i32
        %mul3A_951 = arith.muli %add3A_681, %mul3A_950 : i32
        %add3A_952 = arith.constant 3 : i32
        %add3A_953 = arith.addi %mul3A_951, %add3A_952 : i32
        %broadcast_in_dim3A_954 = vector.broadcast %add3A_953 : i32 to vector<16xi32>
        %gather3A_955 = arith.constant 3 : i32
        %gather3A_956 = arith.constant 3 : i32
        %gather3A_957 = arith.constant 0 : i32
        %gather3A_958 = arith.constant 0 : i32
        %gather3A_959 = arith.constant 0 : i32
        %gather3A_960 = tpu.memref_slice %arg6[%gather3A_955, %gather3A_957, %gather3A_958, %gather3A_959] : memref<6x4x32x128xf32, #tpu.memory_space<vmem>> -> memref<1x4x32x128xf32, #tpu.memory_space<vmem>>
        %gather3A_961 = tpu.memref_squeeze %gather3A_960 : memref<1x4x32x128xf32, #tpu.memory_space<vmem>> -> memref<4x32x128xf32, #tpu.memory_space<vmem>>
        %gather3A_962 = arith.constant 0 : i32
        %gather3A_963 = arith.constant 0 : i32
        %gather3A_964 = tpu.memref_slice %gather3A_961[%gather3A_956, %gather3A_962, %gather3A_963] : memref<4x32x128xf32, #tpu.memory_space<vmem>> -> memref<1x32x128xf32, #tpu.memory_space<vmem>>
        %gather3A_965 = tpu.memref_squeeze %gather3A_964 : memref<1x32x128xf32, #tpu.memory_space<vmem>> -> memref<32x128xf32, #tpu.memory_space<vmem>>
        %gather3A_966 = tpu.vector_load_idx %gather3A_965[%iota3A, %broadcast_in_dim3A_949] : memref<32x128xf32, #tpu.memory_space<vmem>>[vector<16xi32>, vector<16xi32>], vector<16xf32>,
        %add3A_967 = arith.constant 16 : i32
        %add3A_968 = vector.broadcast %add3A_967 : i32 to vector<16xi32>
        %add3A_969 = arith.addi %iota3A, %add3A_968 : vector<16xi32>
        %gather3A_970 = arith.constant 3 : i32
        %gather3A_971 = arith.constant 3 : i32
        %gather3A_972 = arith.constant 0 : i32
        %gather3A_973 = arith.constant 0 : i32
        %gather3A_974 = arith.constant 0 : i32
        %gather3A_975 = tpu.memref_slice %arg6[%gather3A_970, %gather3A_972, %gather3A_973, %gather3A_974] : memref<6x4x32x128xf32, #tpu.memory_space<vmem>> -> memref<1x4x32x128xf32, #tpu.memory_space<vmem>>
        %gather3A_976 = tpu.memref_squeeze %gather3A_975 : memref<1x4x32x128xf32, #tpu.memory_space<vmem>> -> memref<4x32x128xf32, #tpu.memory_space<vmem>>
        %gather3A_977 = arith.constant 0 : i32
        %gather3A_978 = arith.constant 0 : i32
        %gather3A_979 = tpu.memref_slice %gather3A_976[%gather3A_971, %gather3A_977, %gather3A_978] : memref<4x32x128xf32, #tpu.memory_space<vmem>> -> memref<1x32x128xf32, #tpu.memory_space<vmem>>
        %gather3A_980 = tpu.memref_squeeze %gather3A_979 : memref<1x32x128xf32, #tpu.memory_space<vmem>> -> memref<32x128xf32, #tpu.memory_space<vmem>>
        %gather3A_981 = tpu.vector_load_idx %gather3A_980[%add3A_969, %broadcast_in_dim3A_949] : memref<32x128xf32, #tpu.memory_space<vmem>>[vector<16xi32>, vector<16xi32>], vector<16xf32>,
        tpu.vector_store_idx %arg7[%iota3A, %broadcast_in_dim3A_954], %gather3A_966 : memref<32x512xf32, #tpu.memory_space<vmem>>[vector<16xi32>, vector<16xi32>], vector<16xf32>,
        %add3A_982 = arith.constant 16 : i32
        %add3A_983 = vector.broadcast %add3A_982 : i32 to vector<16xi32>
        %add3A_984 = arith.addi %iota3A, %add3A_983 : vector<16xi32>
        tpu.vector_store_idx %arg7[%add3A_984, %broadcast_in_dim3A_954], %gather3A_981 : memref<32x512xf32, #tpu.memory_space<vmem>>[vector<16xi32>, vector<16xi32>], vector<16xf32>,
      } else {
      }
      %mul3A_694 = arith.constant 6 : i32
      %mul3A_695 = arith.muli %scan3A_632, %mul3A_694 : i32
      %add3A_696 = arith.constant 4 : i32
      %add3A_697 = arith.addi %mul3A_695, %add3A_696 : i32
      %add3A_698 = arith.constant 5 : i32
      %add3A_699 = arith.addi %add3A_697, %add3A_698 : i32
      %lt3A_700 = arith.constant 128 : i32
      %lt3A_701 = arith.cmpi slt, %add3A_699, %lt3A_700 : i32
      %convert_element_type3A_702 = arith.extui %lt3A_701 : i1 to i32
      %cond3A_703 = arith.constant 0 : i32
      %cond3A_704 = arith.cmpi ne, %convert_element_type3A_702, %cond3A_703 : i32
      scf.if %cond3A_704 {
        %add3A_726 = arith.constant 5 : i32
        %add3A_727 = arith.addi %add3A_697, %add3A_726 : i32
        %mul3A_728 = arith.constant 4 : i32
        %mul3A_729 = arith.muli %add3A_727, %mul3A_728 : i32
        %get3A_730 = arith.index_cast %mul3A_729 : i32 to index
        %get3A_731 = tpu.vector_load %arg5[%get3A_730] {strides = array<i32>} : memref<528xi32, #tpu.memory_space<vmem>>, vector<16xi32>,
        %slice3A_732 = vector.extract_strided_slice %get3A_731 {offsets = [0], sizes = [1], strides = [1]} : vector<16xi32> to vector<1xi32>
        %squeeze3A_733 = vector.extract %slice3A_732[0] : i32 from vector<1xi32>
        %shift_right_logical3A_734 = arith.constant 7 : i32
        %shift_right_logical3A_735 = arith.shrui %squeeze3A_733, %shift_right_logical3A_734 : i32
        %shift_left3A_736 = arith.constant 7 : i32
        %shift_left3A_737 = arith.shli %shift_right_logical3A_735, %shift_left3A_736 : i32
        %multiple_of3A_738 = tpu.assume_multiple %shift_left3A_737, 128 : i32
        %dma_start3A_739 = arith.constant 3 : i32
        %dma_start3A_740 = arith.constant 0 : i32
        %dma_start3A_741 = arith.constant 0 : i32
        %dma_start3A_742 = arith.constant 0 : i32
        %dma_start3A_743 = arith.constant 0 : i32
        %dma_start3A_744 = tpu.memref_slice %arg6[%dma_start3A_739, %dma_start3A_741, %dma_start3A_742, %dma_start3A_743] : memref<6x4x32x128xf32, #tpu.memory_space<vmem>> -> memref<1x4x32x128xf32, #tpu.memory_space<vmem>>
        %dma_start3A_745 = tpu.memref_squeeze %dma_start3A_744 : memref<1x4x32x128xf32, #tpu.memory_space<vmem>> -> memref<4x32x128xf32, #tpu.memory_space<vmem>>
        %dma_start3A_746 = arith.constant 0 : i32
        %dma_start3A_747 = arith.constant 0 : i32
        %dma_start3A_748 = tpu.memref_slice %dma_start3A_745[%dma_start3A_740, %dma_start3A_746, %dma_start3A_747] : memref<4x32x128xf32, #tpu.memory_space<vmem>> -> memref<1x32x128xf32, #tpu.memory_space<vmem>>
        %dma_start3A_749 = tpu.memref_squeeze %dma_start3A_748 : memref<1x32x128xf32, #tpu.memory_space<vmem>> -> memref<32x128xf32, #tpu.memory_space<vmem>>
        %dma_start3A_750 = arith.constant 0 : i32
        %dma_start3A_751 = tpu.memref_slice %arg3[%dma_start3A_750, %multiple_of3A_738] : memref<32x1000000xf32, #tpu.memory_space<hbm>> -> memref<32x128xf32, #tpu.memory_space<hbm>>
        %dma_start3A_752 = arith.constant 0 : i32
        %dma_start3A_753 = arith.constant 0 : i32
        %dma_start3A_754 = arith.constant 0 : i32
        %dma_start3A_755 = tpu.memref_slice %arg6[%dma_start3A_739, %dma_start3A_752, %dma_start3A_753, %dma_start3A_754] : memref<6x4x32x128xf32, #tpu.memory_space<vmem>> -> memref<1x4x32x128xf32, #tpu.memory_space<vmem>>
        %dma_start3A_756 = tpu.memref_squeeze %dma_start3A_755 : memref<1x4x32x128xf32, #tpu.memory_space<vmem>> -> memref<4x32x128xf32, #tpu.memory_space<vmem>>
        %dma_start3A_757 = arith.constant 0 : i32
        %dma_start3A_758 = arith.constant 0 : i32
        %dma_start3A_759 = tpu.memref_slice %dma_start3A_756[%dma_start3A_740, %dma_start3A_757, %dma_start3A_758] : memref<4x32x128xf32, #tpu.memory_space<vmem>> -> memref<1x32x128xf32, #tpu.memory_space<vmem>>
        %dma_start3A_760 = tpu.memref_squeeze %dma_start3A_759 : memref<1x32x128xf32, #tpu.memory_space<vmem>> -> memref<32x128xf32, #tpu.memory_space<vmem>>
        %dma_start3A_761 = arith.constant 0 : i32
        %dma_start3A_762 = tpu.memref_slice %arg3[%dma_start3A_761, %multiple_of3A_738] : memref<32x1000000xf32, #tpu.memory_space<hbm>> -> memref<32x128xf32, #tpu.memory_space<hbm>>
        tpu.enqueue_dma source(%dma_start3A_762 : memref<32x128xf32, #tpu.memory_space<hbm>>) target(%dma_start3A_760 : memref<32x128xf32, #tpu.memory_space<vmem>>) target_semaphore(%arg11 : memref<!tpu.dma_semaphore, #tpu.memory_space<semaphore_mem>>)
        %slice3A_763 = vector.extract_strided_slice %get3A_731 {offsets = [1], sizes = [1], strides = [1]} : vector<16xi32> to vector<1xi32>
        %squeeze3A_764 = vector.extract %slice3A_763[0] : i32 from vector<1xi32>
        %shift_right_logical3A_765 = arith.constant 7 : i32
        %shift_right_logical3A_766 = arith.shrui %squeeze3A_764, %shift_right_logical3A_765 : i32
        %shift_left3A_767 = arith.constant 7 : i32
        %shift_left3A_768 = arith.shli %shift_right_logical3A_766, %shift_left3A_767 : i32
        %multiple_of3A_769 = tpu.assume_multiple %shift_left3A_768, 128 : i32
        %dma_start3A_770 = arith.constant 3 : i32
        %dma_start3A_771 = arith.constant 1 : i32
        %dma_start3A_772 = arith.constant 0 : i32
        %dma_start3A_773 = arith.constant 0 : i32
        %dma_start3A_774 = arith.constant 0 : i32
        %dma_start3A_775 = tpu.memref_slice %arg6[%dma_start3A_770, %dma_start3A_772, %dma_start3A_773, %dma_start3A_774] : memref<6x4x32x128xf32, #tpu.memory_space<vmem>> -> memref<1x4x32x128xf32, #tpu.memory_space<vmem>>
        %dma_start3A_776 = tpu.memref_squeeze %dma_start3A_775 : memref<1x4x32x128xf32, #tpu.memory_space<vmem>> -> memref<4x32x128xf32, #tpu.memory_space<vmem>>
        %dma_start3A_777 = arith.constant 0 : i32
        %dma_start3A_778 = arith.constant 0 : i32
        %dma_start3A_779 = tpu.memref_slice %dma_start3A_776[%dma_start3A_771, %dma_start3A_777, %dma_start3A_778] : memref<4x32x128xf32, #tpu.memory_space<vmem>> -> memref<1x32x128xf32, #tpu.memory_space<vmem>>
        %dma_start3A_780 = tpu.memref_squeeze %dma_start3A_779 : memref<1x32x128xf32, #tpu.memory_space<vmem>> -> memref<32x128xf32, #tpu.memory_space<vmem>>
        %dma_start3A_781 = arith.constant 0 : i32
        %dma_start3A_782 = tpu.memref_slice %arg3[%dma_start3A_781, %multiple_of3A_769] : memref<32x1000000xf32, #tpu.memory_space<hbm>> -> memref<32x128xf32, #tpu.memory_space<hbm>>
        %dma_start3A_783 = arith.constant 0 : i32
        %dma_start3A_784 = arith.constant 0 : i32
        %dma_start3A_785 = arith.constant 0 : i32
        %dma_start3A_786 = tpu.memref_slice %arg6[%dma_start3A_770, %dma_start3A_783, %dma_start3A_784, %dma_start3A_785] : memref<6x4x32x128xf32, #tpu.memory_space<vmem>> -> memref<1x4x32x128xf32, #tpu.memory_space<vmem>>
        %dma_start3A_787 = tpu.memref_squeeze %dma_start3A_786 : memref<1x4x32x128xf32, #tpu.memory_space<vmem>> -> memref<4x32x128xf32, #tpu.memory_space<vmem>>
        %dma_start3A_788 = arith.constant 0 : i32
        %dma_start3A_789 = arith.constant 0 : i32
        %dma_start3A_790 = tpu.memref_slice %dma_start3A_787[%dma_start3A_771, %dma_start3A_788, %dma_start3A_789] : memref<4x32x128xf32, #tpu.memory_space<vmem>> -> memref<1x32x128xf32, #tpu.memory_space<vmem>>
        %dma_start3A_791 = tpu.memref_squeeze %dma_start3A_790 : memref<1x32x128xf32, #tpu.memory_space<vmem>> -> memref<32x128xf32, #tpu.memory_space<vmem>>
        %dma_start3A_792 = arith.constant 0 : i32
        %dma_start3A_793 = tpu.memref_slice %arg3[%dma_start3A_792, %multiple_of3A_769] : memref<32x1000000xf32, #tpu.memory_space<hbm>> -> memref<32x128xf32, #tpu.memory_space<hbm>>
        tpu.enqueue_dma source(%dma_start3A_793 : memref<32x128xf32, #tpu.memory_space<hbm>>) target(%dma_start3A_791 : memref<32x128xf32, #tpu.memory_space<vmem>>) target_semaphore(%arg11 : memref<!tpu.dma_semaphore, #tpu.memory_space<semaphore_mem>>)
        %slice3A_794 = vector.extract_strided_slice %get3A_731 {offsets = [2], sizes = [1], strides = [1]} : vector<16xi32> to vector<1xi32>
        %squeeze3A_795 = vector.extract %slice3A_794[0] : i32 from vector<1xi32>
        %shift_right_logical3A_796 = arith.constant 7 : i32
        %shift_right_logical3A_797 = arith.shrui %squeeze3A_795, %shift_right_logical3A_796 : i32
        %shift_left3A_798 = arith.constant 7 : i32
        %shift_left3A_799 = arith.shli %shift_right_logical3A_797, %shift_left3A_798 : i32
        %multiple_of3A_800 = tpu.assume_multiple %shift_left3A_799, 128 : i32
        %dma_start3A_801 = arith.constant 3 : i32
        %dma_start3A_802 = arith.constant 2 : i32
        %dma_start3A_803 = arith.constant 0 : i32
        %dma_start3A_804 = arith.constant 0 : i32
        %dma_start3A_805 = arith.constant 0 : i32
        %dma_start3A_806 = tpu.memref_slice %arg6[%dma_start3A_801, %dma_start3A_803, %dma_start3A_804, %dma_start3A_805] : memref<6x4x32x128xf32, #tpu.memory_space<vmem>> -> memref<1x4x32x128xf32, #tpu.memory_space<vmem>>
        %dma_start3A_807 = tpu.memref_squeeze %dma_start3A_806 : memref<1x4x32x128xf32, #tpu.memory_space<vmem>> -> memref<4x32x128xf32, #tpu.memory_space<vmem>>
        %dma_start3A_808 = arith.constant 0 : i32
        %dma_start3A_809 = arith.constant 0 : i32
        %dma_start3A_810 = tpu.memref_slice %dma_start3A_807[%dma_start3A_802, %dma_start3A_808, %dma_start3A_809] : memref<4x32x128xf32, #tpu.memory_space<vmem>> -> memref<1x32x128xf32, #tpu.memory_space<vmem>>
        %dma_start3A_811 = tpu.memref_squeeze %dma_start3A_810 : memref<1x32x128xf32, #tpu.memory_space<vmem>> -> memref<32x128xf32, #tpu.memory_space<vmem>>
        %dma_start3A_812 = arith.constant 0 : i32
        %dma_start3A_813 = tpu.memref_slice %arg3[%dma_start3A_812, %multiple_of3A_800] : memref<32x1000000xf32, #tpu.memory_space<hbm>> -> memref<32x128xf32, #tpu.memory_space<hbm>>
        %dma_start3A_814 = arith.constant 0 : i32
        %dma_start3A_815 = arith.constant 0 : i32
        %dma_start3A_816 = arith.constant 0 : i32
        %dma_start3A_817 = tpu.memref_slice %arg6[%dma_start3A_801, %dma_start3A_814, %dma_start3A_815, %dma_start3A_816] : memref<6x4x32x128xf32, #tpu.memory_space<vmem>> -> memref<1x4x32x128xf32, #tpu.memory_space<vmem>>
        %dma_start3A_818 = tpu.memref_squeeze %dma_start3A_817 : memref<1x4x32x128xf32, #tpu.memory_space<vmem>> -> memref<4x32x128xf32, #tpu.memory_space<vmem>>
        %dma_start3A_819 = arith.constant 0 : i32
        %dma_start3A_820 = arith.constant 0 : i32
        %dma_start3A_821 = tpu.memref_slice %dma_start3A_818[%dma_start3A_802, %dma_start3A_819, %dma_start3A_820] : memref<4x32x128xf32, #tpu.memory_space<vmem>> -> memref<1x32x128xf32, #tpu.memory_space<vmem>>
        %dma_start3A_822 = tpu.memref_squeeze %dma_start3A_821 : memref<1x32x128xf32, #tpu.memory_space<vmem>> -> memref<32x128xf32, #tpu.memory_space<vmem>>
        %dma_start3A_823 = arith.constant 0 : i32
        %dma_start3A_824 = tpu.memref_slice %arg3[%dma_start3A_823, %multiple_of3A_800] : memref<32x1000000xf32, #tpu.memory_space<hbm>> -> memref<32x128xf32, #tpu.memory_space<hbm>>
        tpu.enqueue_dma source(%dma_start3A_824 : memref<32x128xf32, #tpu.memory_space<hbm>>) target(%dma_start3A_822 : memref<32x128xf32, #tpu.memory_space<vmem>>) target_semaphore(%arg11 : memref<!tpu.dma_semaphore, #tpu.memory_space<semaphore_mem>>)
        %slice3A_825 = vector.extract_strided_slice %get3A_731 {offsets = [3], sizes = [1], strides = [1]} : vector<16xi32> to vector<1xi32>
        %squeeze3A_826 = vector.extract %slice3A_825[0] : i32 from vector<1xi32>
        %shift_right_logical3A_827 = arith.constant 7 : i32
        %shift_right_logical3A_828 = arith.shrui %squeeze3A_826, %shift_right_logical3A_827 : i32
        %shift_left3A_829 = arith.constant 7 : i32
        %shift_left3A_830 = arith.shli %shift_right_logical3A_828, %shift_left3A_829 : i32
        %multiple_of3A_831 = tpu.assume_multiple %shift_left3A_830, 128 : i32
        %dma_start3A_832 = arith.constant 3 : i32
        %dma_start3A_833 = arith.constant 3 : i32
        %dma_start3A_834 = arith.constant 0 : i32
        %dma_start3A_835 = arith.constant 0 : i32
        %dma_start3A_836 = arith.constant 0 : i32
        %dma_start3A_837 = tpu.memref_slice %arg6[%dma_start3A_832, %dma_start3A_834, %dma_start3A_835, %dma_start3A_836] : memref<6x4x32x128xf32, #tpu.memory_space<vmem>> -> memref<1x4x32x128xf32, #tpu.memory_space<vmem>>
        %dma_start3A_838 = tpu.memref_squeeze %dma_start3A_837 : memref<1x4x32x128xf32, #tpu.memory_space<vmem>> -> memref<4x32x128xf32, #tpu.memory_space<vmem>>
        %dma_start3A_839 = arith.constant 0 : i32
        %dma_start3A_840 = arith.constant 0 : i32
        %dma_start3A_841 = tpu.memref_slice %dma_start3A_838[%dma_start3A_833, %dma_start3A_839, %dma_start3A_840] : memref<4x32x128xf32, #tpu.memory_space<vmem>> -> memref<1x32x128xf32, #tpu.memory_space<vmem>>
        %dma_start3A_842 = tpu.memref_squeeze %dma_start3A_841 : memref<1x32x128xf32, #tpu.memory_space<vmem>> -> memref<32x128xf32, #tpu.memory_space<vmem>>
        %dma_start3A_843 = arith.constant 0 : i32
        %dma_start3A_844 = tpu.memref_slice %arg3[%dma_start3A_843, %multiple_of3A_831] : memref<32x1000000xf32, #tpu.memory_space<hbm>> -> memref<32x128xf32, #tpu.memory_space<hbm>>
        %dma_start3A_845 = arith.constant 0 : i32
        %dma_start3A_846 = arith.constant 0 : i32
        %dma_start3A_847 = arith.constant 0 : i32
        %dma_start3A_848 = tpu.memref_slice %arg6[%dma_start3A_832, %dma_start3A_845, %dma_start3A_846, %dma_start3A_847] : memref<6x4x32x128xf32, #tpu.memory_space<vmem>> -> memref<1x4x32x128xf32, #tpu.memory_space<vmem>>
        %dma_start3A_849 = tpu.memref_squeeze %dma_start3A_848 : memref<1x4x32x128xf32, #tpu.memory_space<vmem>> -> memref<4x32x128xf32, #tpu.memory_space<vmem>>
        %dma_start3A_850 = arith.constant 0 : i32
        %dma_start3A_851 = arith.constant 0 : i32
        %dma_start3A_852 = tpu.memref_slice %dma_start3A_849[%dma_start3A_833, %dma_start3A_850, %dma_start3A_851] : memref<4x32x128xf32, #tpu.memory_space<vmem>> -> memref<1x32x128xf32, #tpu.memory_space<vmem>>
        %dma_start3A_853 = tpu.memref_squeeze %dma_start3A_852 : memref<1x32x128xf32, #tpu.memory_space<vmem>> -> memref<32x128xf32, #tpu.memory_space<vmem>>
        %dma_start3A_854 = arith.constant 0 : i32
        %dma_start3A_855 = tpu.memref_slice %arg3[%dma_start3A_854, %multiple_of3A_831] : memref<32x1000000xf32, #tpu.memory_space<hbm>> -> memref<32x128xf32, #tpu.memory_space<hbm>>
        tpu.enqueue_dma source(%dma_start3A_855 : memref<32x128xf32, #tpu.memory_space<hbm>>) target(%dma_start3A_853 : memref<32x128xf32, #tpu.memory_space<vmem>>) target_semaphore(%arg11 : memref<!tpu.dma_semaphore, #tpu.memory_space<semaphore_mem>>)
      } else {
      }
      %lt3A_705 = arith.constant 128 : i32
      %lt3A_706 = arith.cmpi slt, %add3A_697, %lt3A_705 : i32
      %convert_element_type3A_707 = arith.extui %lt3A_706 : i1 to i32
      %cond3A_708 = arith.constant 0 : i32
      %cond3A_709 = arith.cmpi ne, %convert_element_type3A_707, %cond3A_708 : i32
      scf.if %cond3A_709 {
        %mul3A_726 = arith.constant 4 : i32
        %mul3A_727 = arith.muli %add3A_697, %mul3A_726 : i32
        %get3A_728 = arith.index_cast %mul3A_727 : i32 to index
        %get3A_729 = tpu.vector_load %arg5[%get3A_728] {strides = array<i32>} : memref<528xi32, #tpu.memory_space<vmem>>, vector<16xi32>,
        %and3A = arith.constant 127 : i32
        %and3A_730 = vector.broadcast %and3A : i32 to vector<16xi32>
        %and3A_731 = arith.andi %get3A_729, %and3A_730 : vector<16xi32>
        %dma_wait3A = arith.constant 4 : i32
        %dma_wait3A_732 = arith.constant 0 : i32
        %dma_wait3A_733 = arith.constant 0 : i32
        %dma_wait3A_734 = arith.constant 0 : i32
        %dma_wait3A_735 = arith.constant 0 : i32
        %dma_wait3A_736 = tpu.memref_slice %arg6[%dma_wait3A, %dma_wait3A_733, %dma_wait3A_734, %dma_wait3A_735] : memref<6x4x32x128xf32, #tpu.memory_space<vmem>> -> memref<1x4x32x128xf32, #tpu.memory_space<vmem>>
        %dma_wait3A_737 = tpu.memref_squeeze %dma_wait3A_736 : memref<1x4x32x128xf32, #tpu.memory_space<vmem>> -> memref<4x32x128xf32, #tpu.memory_space<vmem>>
        %dma_wait3A_738 = arith.constant 0 : i32
        %dma_wait3A_739 = arith.constant 0 : i32
        %dma_wait3A_740 = tpu.memref_slice %dma_wait3A_737[%dma_wait3A_732, %dma_wait3A_738, %dma_wait3A_739] : memref<4x32x128xf32, #tpu.memory_space<vmem>> -> memref<1x32x128xf32, #tpu.memory_space<vmem>>
        %dma_wait3A_741 = tpu.memref_squeeze %dma_wait3A_740 : memref<1x32x128xf32, #tpu.memory_space<vmem>> -> memref<32x128xf32, #tpu.memory_space<vmem>>
        %dma_wait3A_742 = arith.constant 0 : i32
        %dma_wait3A_743 = arith.constant 0 : i32
        %dma_wait3A_744 = tpu.memref_slice %arg3[%dma_wait3A_742, %dma_wait3A_743] : memref<32x1000000xf32, #tpu.memory_space<hbm>> -> memref<32x128xf32, #tpu.memory_space<hbm>>
        %dma_wait3A_745 = arith.constant 0 : i32
        %dma_wait3A_746 = arith.constant 0 : i32
        %dma_wait3A_747 = arith.constant 0 : i32
        %dma_wait3A_748 = tpu.memref_slice %arg6[%dma_wait3A, %dma_wait3A_745, %dma_wait3A_746, %dma_wait3A_747] : memref<6x4x32x128xf32, #tpu.memory_space<vmem>> -> memref<1x4x32x128xf32, #tpu.memory_space<vmem>>
        %dma_wait3A_749 = tpu.memref_squeeze %dma_wait3A_748 : memref<1x4x32x128xf32, #tpu.memory_space<vmem>> -> memref<4x32x128xf32, #tpu.memory_space<vmem>>
        %dma_wait3A_750 = arith.constant 0 : i32
        %dma_wait3A_751 = arith.constant 0 : i32
        %dma_wait3A_752 = tpu.memref_slice %dma_wait3A_749[%dma_wait3A_732, %dma_wait3A_750, %dma_wait3A_751] : memref<4x32x128xf32, #tpu.memory_space<vmem>> -> memref<1x32x128xf32, #tpu.memory_space<vmem>>
        %dma_wait3A_753 = tpu.memref_squeeze %dma_wait3A_752 : memref<1x32x128xf32, #tpu.memory_space<vmem>> -> memref<32x128xf32, #tpu.memory_space<vmem>>
        %dma_wait3A_754 = arith.constant 0 : i32
        %dma_wait3A_755 = arith.constant 0 : i32
        %dma_wait3A_756 = tpu.memref_slice %arg3[%dma_wait3A_754, %dma_wait3A_755] : memref<32x1000000xf32, #tpu.memory_space<hbm>> -> memref<32x128xf32, #tpu.memory_space<hbm>>
        tpu.wait_dma2 semaphore(%arg12 : memref<!tpu.dma_semaphore, #tpu.memory_space<semaphore_mem>>) src(%dma_wait3A_756 : memref<32x128xf32, #tpu.memory_space<hbm>>) dst(%dma_wait3A_753 : memref<32x128xf32, #tpu.memory_space<vmem>>)
        %dma_wait3A_757 = arith.constant 4 : i32
        %dma_wait3A_758 = arith.constant 1 : i32
        %dma_wait3A_759 = arith.constant 0 : i32
        %dma_wait3A_760 = arith.constant 0 : i32
        %dma_wait3A_761 = arith.constant 0 : i32
        %dma_wait3A_762 = tpu.memref_slice %arg6[%dma_wait3A_757, %dma_wait3A_759, %dma_wait3A_760, %dma_wait3A_761] : memref<6x4x32x128xf32, #tpu.memory_space<vmem>> -> memref<1x4x32x128xf32, #tpu.memory_space<vmem>>
        %dma_wait3A_763 = tpu.memref_squeeze %dma_wait3A_762 : memref<1x4x32x128xf32, #tpu.memory_space<vmem>> -> memref<4x32x128xf32, #tpu.memory_space<vmem>>
        %dma_wait3A_764 = arith.constant 0 : i32
        %dma_wait3A_765 = arith.constant 0 : i32
        %dma_wait3A_766 = tpu.memref_slice %dma_wait3A_763[%dma_wait3A_758, %dma_wait3A_764, %dma_wait3A_765] : memref<4x32x128xf32, #tpu.memory_space<vmem>> -> memref<1x32x128xf32, #tpu.memory_space<vmem>>
        %dma_wait3A_767 = tpu.memref_squeeze %dma_wait3A_766 : memref<1x32x128xf32, #tpu.memory_space<vmem>> -> memref<32x128xf32, #tpu.memory_space<vmem>>
        %dma_wait3A_768 = arith.constant 0 : i32
        %dma_wait3A_769 = arith.constant 0 : i32
        %dma_wait3A_770 = tpu.memref_slice %arg3[%dma_wait3A_768, %dma_wait3A_769] : memref<32x1000000xf32, #tpu.memory_space<hbm>> -> memref<32x128xf32, #tpu.memory_space<hbm>>
        %dma_wait3A_771 = arith.constant 0 : i32
        %dma_wait3A_772 = arith.constant 0 : i32
        %dma_wait3A_773 = arith.constant 0 : i32
        %dma_wait3A_774 = tpu.memref_slice %arg6[%dma_wait3A_757, %dma_wait3A_771, %dma_wait3A_772, %dma_wait3A_773] : memref<6x4x32x128xf32, #tpu.memory_space<vmem>> -> memref<1x4x32x128xf32, #tpu.memory_space<vmem>>
        %dma_wait3A_775 = tpu.memref_squeeze %dma_wait3A_774 : memref<1x4x32x128xf32, #tpu.memory_space<vmem>> -> memref<4x32x128xf32, #tpu.memory_space<vmem>>
        %dma_wait3A_776 = arith.constant 0 : i32
        %dma_wait3A_777 = arith.constant 0 : i32
        %dma_wait3A_778 = tpu.memref_slice %dma_wait3A_775[%dma_wait3A_758, %dma_wait3A_776, %dma_wait3A_777] : memref<4x32x128xf32, #tpu.memory_space<vmem>> -> memref<1x32x128xf32, #tpu.memory_space<vmem>>
        %dma_wait3A_779 = tpu.memref_squeeze %dma_wait3A_778 : memref<1x32x128xf32, #tpu.memory_space<vmem>> -> memref<32x128xf32, #tpu.memory_space<vmem>>
        %dma_wait3A_780 = arith.constant 0 : i32
        %dma_wait3A_781 = arith.constant 0 : i32
        %dma_wait3A_782 = tpu.memref_slice %arg3[%dma_wait3A_780, %dma_wait3A_781] : memref<32x1000000xf32, #tpu.memory_space<hbm>> -> memref<32x128xf32, #tpu.memory_space<hbm>>
        tpu.wait_dma2 semaphore(%arg12 : memref<!tpu.dma_semaphore, #tpu.memory_space<semaphore_mem>>) src(%dma_wait3A_782 : memref<32x128xf32, #tpu.memory_space<hbm>>) dst(%dma_wait3A_779 : memref<32x128xf32, #tpu.memory_space<vmem>>)
        %dma_wait3A_783 = arith.constant 4 : i32
        %dma_wait3A_784 = arith.constant 2 : i32
        %dma_wait3A_785 = arith.constant 0 : i32
        %dma_wait3A_786 = arith.constant 0 : i32
        %dma_wait3A_787 = arith.constant 0 : i32
        %dma_wait3A_788 = tpu.memref_slice %arg6[%dma_wait3A_783, %dma_wait3A_785, %dma_wait3A_786, %dma_wait3A_787] : memref<6x4x32x128xf32, #tpu.memory_space<vmem>> -> memref<1x4x32x128xf32, #tpu.memory_space<vmem>>
        %dma_wait3A_789 = tpu.memref_squeeze %dma_wait3A_788 : memref<1x4x32x128xf32, #tpu.memory_space<vmem>> -> memref<4x32x128xf32, #tpu.memory_space<vmem>>
        %dma_wait3A_790 = arith.constant 0 : i32
        %dma_wait3A_791 = arith.constant 0 : i32
        %dma_wait3A_792 = tpu.memref_slice %dma_wait3A_789[%dma_wait3A_784, %dma_wait3A_790, %dma_wait3A_791] : memref<4x32x128xf32, #tpu.memory_space<vmem>> -> memref<1x32x128xf32, #tpu.memory_space<vmem>>
        %dma_wait3A_793 = tpu.memref_squeeze %dma_wait3A_792 : memref<1x32x128xf32, #tpu.memory_space<vmem>> -> memref<32x128xf32, #tpu.memory_space<vmem>>
        %dma_wait3A_794 = arith.constant 0 : i32
        %dma_wait3A_795 = arith.constant 0 : i32
        %dma_wait3A_796 = tpu.memref_slice %arg3[%dma_wait3A_794, %dma_wait3A_795] : memref<32x1000000xf32, #tpu.memory_space<hbm>> -> memref<32x128xf32, #tpu.memory_space<hbm>>
        %dma_wait3A_797 = arith.constant 0 : i32
        %dma_wait3A_798 = arith.constant 0 : i32
        %dma_wait3A_799 = arith.constant 0 : i32
        %dma_wait3A_800 = tpu.memref_slice %arg6[%dma_wait3A_783, %dma_wait3A_797, %dma_wait3A_798, %dma_wait3A_799] : memref<6x4x32x128xf32, #tpu.memory_space<vmem>> -> memref<1x4x32x128xf32, #tpu.memory_space<vmem>>
        %dma_wait3A_801 = tpu.memref_squeeze %dma_wait3A_800 : memref<1x4x32x128xf32, #tpu.memory_space<vmem>> -> memref<4x32x128xf32, #tpu.memory_space<vmem>>
        %dma_wait3A_802 = arith.constant 0 : i32
        %dma_wait3A_803 = arith.constant 0 : i32
        %dma_wait3A_804 = tpu.memref_slice %dma_wait3A_801[%dma_wait3A_784, %dma_wait3A_802, %dma_wait3A_803] : memref<4x32x128xf32, #tpu.memory_space<vmem>> -> memref<1x32x128xf32, #tpu.memory_space<vmem>>
        %dma_wait3A_805 = tpu.memref_squeeze %dma_wait3A_804 : memref<1x32x128xf32, #tpu.memory_space<vmem>> -> memref<32x128xf32, #tpu.memory_space<vmem>>
        %dma_wait3A_806 = arith.constant 0 : i32
        %dma_wait3A_807 = arith.constant 0 : i32
        %dma_wait3A_808 = tpu.memref_slice %arg3[%dma_wait3A_806, %dma_wait3A_807] : memref<32x1000000xf32, #tpu.memory_space<hbm>> -> memref<32x128xf32, #tpu.memory_space<hbm>>
        tpu.wait_dma2 semaphore(%arg12 : memref<!tpu.dma_semaphore, #tpu.memory_space<semaphore_mem>>) src(%dma_wait3A_808 : memref<32x128xf32, #tpu.memory_space<hbm>>) dst(%dma_wait3A_805 : memref<32x128xf32, #tpu.memory_space<vmem>>)
        %dma_wait3A_809 = arith.constant 4 : i32
        %dma_wait3A_810 = arith.constant 3 : i32
        %dma_wait3A_811 = arith.constant 0 : i32
        %dma_wait3A_812 = arith.constant 0 : i32
        %dma_wait3A_813 = arith.constant 0 : i32
        %dma_wait3A_814 = tpu.memref_slice %arg6[%dma_wait3A_809, %dma_wait3A_811, %dma_wait3A_812, %dma_wait3A_813] : memref<6x4x32x128xf32, #tpu.memory_space<vmem>> -> memref<1x4x32x128xf32, #tpu.memory_space<vmem>>
        %dma_wait3A_815 = tpu.memref_squeeze %dma_wait3A_814 : memref<1x4x32x128xf32, #tpu.memory_space<vmem>> -> memref<4x32x128xf32, #tpu.memory_space<vmem>>
        %dma_wait3A_816 = arith.constant 0 : i32
        %dma_wait3A_817 = arith.constant 0 : i32
        %dma_wait3A_818 = tpu.memref_slice %dma_wait3A_815[%dma_wait3A_810, %dma_wait3A_816, %dma_wait3A_817] : memref<4x32x128xf32, #tpu.memory_space<vmem>> -> memref<1x32x128xf32, #tpu.memory_space<vmem>>
        %dma_wait3A_819 = tpu.memref_squeeze %dma_wait3A_818 : memref<1x32x128xf32, #tpu.memory_space<vmem>> -> memref<32x128xf32, #tpu.memory_space<vmem>>
        %dma_wait3A_820 = arith.constant 0 : i32
        %dma_wait3A_821 = arith.constant 0 : i32
        %dma_wait3A_822 = tpu.memref_slice %arg3[%dma_wait3A_820, %dma_wait3A_821] : memref<32x1000000xf32, #tpu.memory_space<hbm>> -> memref<32x128xf32, #tpu.memory_space<hbm>>
        %dma_wait3A_823 = arith.constant 0 : i32
        %dma_wait3A_824 = arith.constant 0 : i32
        %dma_wait3A_825 = arith.constant 0 : i32
        %dma_wait3A_826 = tpu.memref_slice %arg6[%dma_wait3A_809, %dma_wait3A_823, %dma_wait3A_824, %dma_wait3A_825] : memref<6x4x32x128xf32, #tpu.memory_space<vmem>> -> memref<1x4x32x128xf32, #tpu.memory_space<vmem>>
        %dma_wait3A_827 = tpu.memref_squeeze %dma_wait3A_826 : memref<1x4x32x128xf32, #tpu.memory_space<vmem>> -> memref<4x32x128xf32, #tpu.memory_space<vmem>>
        %dma_wait3A_828 = arith.constant 0 : i32
        %dma_wait3A_829 = arith.constant 0 : i32
        %dma_wait3A_830 = tpu.memref_slice %dma_wait3A_827[%dma_wait3A_810, %dma_wait3A_828, %dma_wait3A_829] : memref<4x32x128xf32, #tpu.memory_space<vmem>> -> memref<1x32x128xf32, #tpu.memory_space<vmem>>
        %dma_wait3A_831 = tpu.memref_squeeze %dma_wait3A_830 : memref<1x32x128xf32, #tpu.memory_space<vmem>> -> memref<32x128xf32, #tpu.memory_space<vmem>>
        %dma_wait3A_832 = arith.constant 0 : i32
        %dma_wait3A_833 = arith.constant 0 : i32
        %dma_wait3A_834 = tpu.memref_slice %arg3[%dma_wait3A_832, %dma_wait3A_833] : memref<32x1000000xf32, #tpu.memory_space<hbm>> -> memref<32x128xf32, #tpu.memory_space<hbm>>
        tpu.wait_dma2 semaphore(%arg12 : memref<!tpu.dma_semaphore, #tpu.memory_space<semaphore_mem>>) src(%dma_wait3A_834 : memref<32x128xf32, #tpu.memory_space<hbm>>) dst(%dma_wait3A_831 : memref<32x128xf32, #tpu.memory_space<vmem>>)
        %slice3A_835 = vector.extract_strided_slice %and3A_731 {offsets = [0], sizes = [1], strides = [1]} : vector<16xi32> to vector<1xi32>
        %squeeze3A_836 = vector.extract %slice3A_835[0] : i32 from vector<1xi32>
        %broadcast_in_dim3A = vector.broadcast %squeeze3A_836 : i32 to vector<16xi32>
        %mul3A_837 = arith.constant 4 : i32
        %mul3A_838 = arith.muli %add3A_697, %mul3A_837 : i32
        %add3A_839 = arith.constant 0 : i32
        %add3A_840 = arith.addi %mul3A_838, %add3A_839 : i32
        %broadcast_in_dim3A_841 = vector.broadcast %add3A_840 : i32 to vector<16xi32>
        %gather3A = arith.constant 4 : i32
        %gather3A_842 = arith.constant 0 : i32
        %gather3A_843 = arith.constant 0 : i32
        %gather3A_844 = arith.constant 0 : i32
        %gather3A_845 = arith.constant 0 : i32
        %gather3A_846 = tpu.memref_slice %arg6[%gather3A, %gather3A_843, %gather3A_844, %gather3A_845] : memref<6x4x32x128xf32, #tpu.memory_space<vmem>> -> memref<1x4x32x128xf32, #tpu.memory_space<vmem>>
        %gather3A_847 = tpu.memref_squeeze %gather3A_846 : memref<1x4x32x128xf32, #tpu.memory_space<vmem>> -> memref<4x32x128xf32, #tpu.memory_space<vmem>>
        %gather3A_848 = arith.constant 0 : i32
        %gather3A_849 = arith.constant 0 : i32
        %gather3A_850 = tpu.memref_slice %gather3A_847[%gather3A_842, %gather3A_848, %gather3A_849] : memref<4x32x128xf32, #tpu.memory_space<vmem>> -> memref<1x32x128xf32, #tpu.memory_space<vmem>>
        %gather3A_851 = tpu.memref_squeeze %gather3A_850 : memref<1x32x128xf32, #tpu.memory_space<vmem>> -> memref<32x128xf32, #tpu.memory_space<vmem>>
        %gather3A_852 = tpu.vector_load_idx %gather3A_851[%iota3A, %broadcast_in_dim3A] : memref<32x128xf32, #tpu.memory_space<vmem>>[vector<16xi32>, vector<16xi32>], vector<16xf32>,
        %add3A_853 = arith.constant 16 : i32
        %add3A_854 = vector.broadcast %add3A_853 : i32 to vector<16xi32>
        %add3A_855 = arith.addi %iota3A, %add3A_854 : vector<16xi32>
        %gather3A_856 = arith.constant 4 : i32
        %gather3A_857 = arith.constant 0 : i32
        %gather3A_858 = arith.constant 0 : i32
        %gather3A_859 = arith.constant 0 : i32
        %gather3A_860 = arith.constant 0 : i32
        %gather3A_861 = tpu.memref_slice %arg6[%gather3A_856, %gather3A_858, %gather3A_859, %gather3A_860] : memref<6x4x32x128xf32, #tpu.memory_space<vmem>> -> memref<1x4x32x128xf32, #tpu.memory_space<vmem>>
        %gather3A_862 = tpu.memref_squeeze %gather3A_861 : memref<1x4x32x128xf32, #tpu.memory_space<vmem>> -> memref<4x32x128xf32, #tpu.memory_space<vmem>>
        %gather3A_863 = arith.constant 0 : i32
        %gather3A_864 = arith.constant 0 : i32
        %gather3A_865 = tpu.memref_slice %gather3A_862[%gather3A_857, %gather3A_863, %gather3A_864] : memref<4x32x128xf32, #tpu.memory_space<vmem>> -> memref<1x32x128xf32, #tpu.memory_space<vmem>>
        %gather3A_866 = tpu.memref_squeeze %gather3A_865 : memref<1x32x128xf32, #tpu.memory_space<vmem>> -> memref<32x128xf32, #tpu.memory_space<vmem>>
        %gather3A_867 = tpu.vector_load_idx %gather3A_866[%add3A_855, %broadcast_in_dim3A] : memref<32x128xf32, #tpu.memory_space<vmem>>[vector<16xi32>, vector<16xi32>], vector<16xf32>,
        tpu.vector_store_idx %arg7[%iota3A, %broadcast_in_dim3A_841], %gather3A_852 : memref<32x512xf32, #tpu.memory_space<vmem>>[vector<16xi32>, vector<16xi32>], vector<16xf32>,
        %add3A_868 = arith.constant 16 : i32
        %add3A_869 = vector.broadcast %add3A_868 : i32 to vector<16xi32>
        %add3A_870 = arith.addi %iota3A, %add3A_869 : vector<16xi32>
        tpu.vector_store_idx %arg7[%add3A_870, %broadcast_in_dim3A_841], %gather3A_867 : memref<32x512xf32, #tpu.memory_space<vmem>>[vector<16xi32>, vector<16xi32>], vector<16xf32>,
        %slice3A_871 = vector.extract_strided_slice %and3A_731 {offsets = [1], sizes = [1], strides = [1]} : vector<16xi32> to vector<1xi32>
        %squeeze3A_872 = vector.extract %slice3A_871[0] : i32 from vector<1xi32>
        %broadcast_in_dim3A_873 = vector.broadcast %squeeze3A_872 : i32 to vector<16xi32>
        %mul3A_874 = arith.constant 4 : i32
        %mul3A_875 = arith.muli %add3A_697, %mul3A_874 : i32
        %add3A_876 = arith.constant 1 : i32
        %add3A_877 = arith.addi %mul3A_875, %add3A_876 : i32
        %broadcast_in_dim3A_878 = vector.broadcast %add3A_877 : i32 to vector<16xi32>
        %gather3A_879 = arith.constant 4 : i32
        %gather3A_880 = arith.constant 1 : i32
        %gather3A_881 = arith.constant 0 : i32
        %gather3A_882 = arith.constant 0 : i32
        %gather3A_883 = arith.constant 0 : i32
        %gather3A_884 = tpu.memref_slice %arg6[%gather3A_879, %gather3A_881, %gather3A_882, %gather3A_883] : memref<6x4x32x128xf32, #tpu.memory_space<vmem>> -> memref<1x4x32x128xf32, #tpu.memory_space<vmem>>
        %gather3A_885 = tpu.memref_squeeze %gather3A_884 : memref<1x4x32x128xf32, #tpu.memory_space<vmem>> -> memref<4x32x128xf32, #tpu.memory_space<vmem>>
        %gather3A_886 = arith.constant 0 : i32
        %gather3A_887 = arith.constant 0 : i32
        %gather3A_888 = tpu.memref_slice %gather3A_885[%gather3A_880, %gather3A_886, %gather3A_887] : memref<4x32x128xf32, #tpu.memory_space<vmem>> -> memref<1x32x128xf32, #tpu.memory_space<vmem>>
        %gather3A_889 = tpu.memref_squeeze %gather3A_888 : memref<1x32x128xf32, #tpu.memory_space<vmem>> -> memref<32x128xf32, #tpu.memory_space<vmem>>
        %gather3A_890 = tpu.vector_load_idx %gather3A_889[%iota3A, %broadcast_in_dim3A_873] : memref<32x128xf32, #tpu.memory_space<vmem>>[vector<16xi32>, vector<16xi32>], vector<16xf32>,
        %add3A_891 = arith.constant 16 : i32
        %add3A_892 = vector.broadcast %add3A_891 : i32 to vector<16xi32>
        %add3A_893 = arith.addi %iota3A, %add3A_892 : vector<16xi32>
        %gather3A_894 = arith.constant 4 : i32
        %gather3A_895 = arith.constant 1 : i32
        %gather3A_896 = arith.constant 0 : i32
        %gather3A_897 = arith.constant 0 : i32
        %gather3A_898 = arith.constant 0 : i32
        %gather3A_899 = tpu.memref_slice %arg6[%gather3A_894, %gather3A_896, %gather3A_897, %gather3A_898] : memref<6x4x32x128xf32, #tpu.memory_space<vmem>> -> memref<1x4x32x128xf32, #tpu.memory_space<vmem>>
        %gather3A_900 = tpu.memref_squeeze %gather3A_899 : memref<1x4x32x128xf32, #tpu.memory_space<vmem>> -> memref<4x32x128xf32, #tpu.memory_space<vmem>>
        %gather3A_901 = arith.constant 0 : i32
        %gather3A_902 = arith.constant 0 : i32
        %gather3A_903 = tpu.memref_slice %gather3A_900[%gather3A_895, %gather3A_901, %gather3A_902] : memref<4x32x128xf32, #tpu.memory_space<vmem>> -> memref<1x32x128xf32, #tpu.memory_space<vmem>>
        %gather3A_904 = tpu.memref_squeeze %gather3A_903 : memref<1x32x128xf32, #tpu.memory_space<vmem>> -> memref<32x128xf32, #tpu.memory_space<vmem>>
        %gather3A_905 = tpu.vector_load_idx %gather3A_904[%add3A_893, %broadcast_in_dim3A_873] : memref<32x128xf32, #tpu.memory_space<vmem>>[vector<16xi32>, vector<16xi32>], vector<16xf32>,
        tpu.vector_store_idx %arg7[%iota3A, %broadcast_in_dim3A_878], %gather3A_890 : memref<32x512xf32, #tpu.memory_space<vmem>>[vector<16xi32>, vector<16xi32>], vector<16xf32>,
        %add3A_906 = arith.constant 16 : i32
        %add3A_907 = vector.broadcast %add3A_906 : i32 to vector<16xi32>
        %add3A_908 = arith.addi %iota3A, %add3A_907 : vector<16xi32>
        tpu.vector_store_idx %arg7[%add3A_908, %broadcast_in_dim3A_878], %gather3A_905 : memref<32x512xf32, #tpu.memory_space<vmem>>[vector<16xi32>, vector<16xi32>], vector<16xf32>,
        %slice3A_909 = vector.extract_strided_slice %and3A_731 {offsets = [2], sizes = [1], strides = [1]} : vector<16xi32> to vector<1xi32>
        %squeeze3A_910 = vector.extract %slice3A_909[0] : i32 from vector<1xi32>
        %broadcast_in_dim3A_911 = vector.broadcast %squeeze3A_910 : i32 to vector<16xi32>
        %mul3A_912 = arith.constant 4 : i32
        %mul3A_913 = arith.muli %add3A_697, %mul3A_912 : i32
        %add3A_914 = arith.constant 2 : i32
        %add3A_915 = arith.addi %mul3A_913, %add3A_914 : i32
        %broadcast_in_dim3A_916 = vector.broadcast %add3A_915 : i32 to vector<16xi32>
        %gather3A_917 = arith.constant 4 : i32
        %gather3A_918 = arith.constant 2 : i32
        %gather3A_919 = arith.constant 0 : i32
        %gather3A_920 = arith.constant 0 : i32
        %gather3A_921 = arith.constant 0 : i32
        %gather3A_922 = tpu.memref_slice %arg6[%gather3A_917, %gather3A_919, %gather3A_920, %gather3A_921] : memref<6x4x32x128xf32, #tpu.memory_space<vmem>> -> memref<1x4x32x128xf32, #tpu.memory_space<vmem>>
        %gather3A_923 = tpu.memref_squeeze %gather3A_922 : memref<1x4x32x128xf32, #tpu.memory_space<vmem>> -> memref<4x32x128xf32, #tpu.memory_space<vmem>>
        %gather3A_924 = arith.constant 0 : i32
        %gather3A_925 = arith.constant 0 : i32
        %gather3A_926 = tpu.memref_slice %gather3A_923[%gather3A_918, %gather3A_924, %gather3A_925] : memref<4x32x128xf32, #tpu.memory_space<vmem>> -> memref<1x32x128xf32, #tpu.memory_space<vmem>>
        %gather3A_927 = tpu.memref_squeeze %gather3A_926 : memref<1x32x128xf32, #tpu.memory_space<vmem>> -> memref<32x128xf32, #tpu.memory_space<vmem>>
        %gather3A_928 = tpu.vector_load_idx %gather3A_927[%iota3A, %broadcast_in_dim3A_911] : memref<32x128xf32, #tpu.memory_space<vmem>>[vector<16xi32>, vector<16xi32>], vector<16xf32>,
        %add3A_929 = arith.constant 16 : i32
        %add3A_930 = vector.broadcast %add3A_929 : i32 to vector<16xi32>
        %add3A_931 = arith.addi %iota3A, %add3A_930 : vector<16xi32>
        %gather3A_932 = arith.constant 4 : i32
        %gather3A_933 = arith.constant 2 : i32
        %gather3A_934 = arith.constant 0 : i32
        %gather3A_935 = arith.constant 0 : i32
        %gather3A_936 = arith.constant 0 : i32
        %gather3A_937 = tpu.memref_slice %arg6[%gather3A_932, %gather3A_934, %gather3A_935, %gather3A_936] : memref<6x4x32x128xf32, #tpu.memory_space<vmem>> -> memref<1x4x32x128xf32, #tpu.memory_space<vmem>>
        %gather3A_938 = tpu.memref_squeeze %gather3A_937 : memref<1x4x32x128xf32, #tpu.memory_space<vmem>> -> memref<4x32x128xf32, #tpu.memory_space<vmem>>
        %gather3A_939 = arith.constant 0 : i32
        %gather3A_940 = arith.constant 0 : i32
        %gather3A_941 = tpu.memref_slice %gather3A_938[%gather3A_933, %gather3A_939, %gather3A_940] : memref<4x32x128xf32, #tpu.memory_space<vmem>> -> memref<1x32x128xf32, #tpu.memory_space<vmem>>
        %gather3A_942 = tpu.memref_squeeze %gather3A_941 : memref<1x32x128xf32, #tpu.memory_space<vmem>> -> memref<32x128xf32, #tpu.memory_space<vmem>>
        %gather3A_943 = tpu.vector_load_idx %gather3A_942[%add3A_931, %broadcast_in_dim3A_911] : memref<32x128xf32, #tpu.memory_space<vmem>>[vector<16xi32>, vector<16xi32>], vector<16xf32>,
        tpu.vector_store_idx %arg7[%iota3A, %broadcast_in_dim3A_916], %gather3A_928 : memref<32x512xf32, #tpu.memory_space<vmem>>[vector<16xi32>, vector<16xi32>], vector<16xf32>,
        %add3A_944 = arith.constant 16 : i32
        %add3A_945 = vector.broadcast %add3A_944 : i32 to vector<16xi32>
        %add3A_946 = arith.addi %iota3A, %add3A_945 : vector<16xi32>
        tpu.vector_store_idx %arg7[%add3A_946, %broadcast_in_dim3A_916], %gather3A_943 : memref<32x512xf32, #tpu.memory_space<vmem>>[vector<16xi32>, vector<16xi32>], vector<16xf32>,
        %slice3A_947 = vector.extract_strided_slice %and3A_731 {offsets = [3], sizes = [1], strides = [1]} : vector<16xi32> to vector<1xi32>
        %squeeze3A_948 = vector.extract %slice3A_947[0] : i32 from vector<1xi32>
        %broadcast_in_dim3A_949 = vector.broadcast %squeeze3A_948 : i32 to vector<16xi32>
        %mul3A_950 = arith.constant 4 : i32
        %mul3A_951 = arith.muli %add3A_697, %mul3A_950 : i32
        %add3A_952 = arith.constant 3 : i32
        %add3A_953 = arith.addi %mul3A_951, %add3A_952 : i32
        %broadcast_in_dim3A_954 = vector.broadcast %add3A_953 : i32 to vector<16xi32>
        %gather3A_955 = arith.constant 4 : i32
        %gather3A_956 = arith.constant 3 : i32
        %gather3A_957 = arith.constant 0 : i32
        %gather3A_958 = arith.constant 0 : i32
        %gather3A_959 = arith.constant 0 : i32
        %gather3A_960 = tpu.memref_slice %arg6[%gather3A_955, %gather3A_957, %gather3A_958, %gather3A_959] : memref<6x4x32x128xf32, #tpu.memory_space<vmem>> -> memref<1x4x32x128xf32, #tpu.memory_space<vmem>>
        %gather3A_961 = tpu.memref_squeeze %gather3A_960 : memref<1x4x32x128xf32, #tpu.memory_space<vmem>> -> memref<4x32x128xf32, #tpu.memory_space<vmem>>
        %gather3A_962 = arith.constant 0 : i32
        %gather3A_963 = arith.constant 0 : i32
        %gather3A_964 = tpu.memref_slice %gather3A_961[%gather3A_956, %gather3A_962, %gather3A_963] : memref<4x32x128xf32, #tpu.memory_space<vmem>> -> memref<1x32x128xf32, #tpu.memory_space<vmem>>
        %gather3A_965 = tpu.memref_squeeze %gather3A_964 : memref<1x32x128xf32, #tpu.memory_space<vmem>> -> memref<32x128xf32, #tpu.memory_space<vmem>>
        %gather3A_966 = tpu.vector_load_idx %gather3A_965[%iota3A, %broadcast_in_dim3A_949] : memref<32x128xf32, #tpu.memory_space<vmem>>[vector<16xi32>, vector<16xi32>], vector<16xf32>,
        %add3A_967 = arith.constant 16 : i32
        %add3A_968 = vector.broadcast %add3A_967 : i32 to vector<16xi32>
        %add3A_969 = arith.addi %iota3A, %add3A_968 : vector<16xi32>
        %gather3A_970 = arith.constant 4 : i32
        %gather3A_971 = arith.constant 3 : i32
        %gather3A_972 = arith.constant 0 : i32
        %gather3A_973 = arith.constant 0 : i32
        %gather3A_974 = arith.constant 0 : i32
        %gather3A_975 = tpu.memref_slice %arg6[%gather3A_970, %gather3A_972, %gather3A_973, %gather3A_974] : memref<6x4x32x128xf32, #tpu.memory_space<vmem>> -> memref<1x4x32x128xf32, #tpu.memory_space<vmem>>
        %gather3A_976 = tpu.memref_squeeze %gather3A_975 : memref<1x4x32x128xf32, #tpu.memory_space<vmem>> -> memref<4x32x128xf32, #tpu.memory_space<vmem>>
        %gather3A_977 = arith.constant 0 : i32
        %gather3A_978 = arith.constant 0 : i32
        %gather3A_979 = tpu.memref_slice %gather3A_976[%gather3A_971, %gather3A_977, %gather3A_978] : memref<4x32x128xf32, #tpu.memory_space<vmem>> -> memref<1x32x128xf32, #tpu.memory_space<vmem>>
        %gather3A_980 = tpu.memref_squeeze %gather3A_979 : memref<1x32x128xf32, #tpu.memory_space<vmem>> -> memref<32x128xf32, #tpu.memory_space<vmem>>
        %gather3A_981 = tpu.vector_load_idx %gather3A_980[%add3A_969, %broadcast_in_dim3A_949] : memref<32x128xf32, #tpu.memory_space<vmem>>[vector<16xi32>, vector<16xi32>], vector<16xf32>,
        tpu.vector_store_idx %arg7[%iota3A, %broadcast_in_dim3A_954], %gather3A_966 : memref<32x512xf32, #tpu.memory_space<vmem>>[vector<16xi32>, vector<16xi32>], vector<16xf32>,
        %add3A_982 = arith.constant 16 : i32
        %add3A_983 = vector.broadcast %add3A_982 : i32 to vector<16xi32>
        %add3A_984 = arith.addi %iota3A, %add3A_983 : vector<16xi32>
        tpu.vector_store_idx %arg7[%add3A_984, %broadcast_in_dim3A_954], %gather3A_981 : memref<32x512xf32, #tpu.memory_space<vmem>>[vector<16xi32>, vector<16xi32>], vector<16xf32>,
      } else {
      }
      %mul3A_710 = arith.constant 6 : i32
      %mul3A_711 = arith.muli %scan3A_632, %mul3A_710 : i32
      %add3A_712 = arith.constant 5 : i32
      %add3A_713 = arith.addi %mul3A_711, %add3A_712 : i32
      %add3A_714 = arith.constant 5 : i32
      %add3A_715 = arith.addi %add3A_713, %add3A_714 : i32
      %lt3A_716 = arith.constant 128 : i32
      %lt3A_717 = arith.cmpi slt, %add3A_715, %lt3A_716 : i32
      %convert_element_type3A_718 = arith.extui %lt3A_717 : i1 to i32
      %cond3A_719 = arith.constant 0 : i32
      %cond3A_720 = arith.cmpi ne, %convert_element_type3A_718, %cond3A_719 : i32
      scf.if %cond3A_720 {
        %add3A_726 = arith.constant 5 : i32
        %add3A_727 = arith.addi %add3A_713, %add3A_726 : i32
        %mul3A_728 = arith.constant 4 : i32
        %mul3A_729 = arith.muli %add3A_727, %mul3A_728 : i32
        %get3A_730 = arith.index_cast %mul3A_729 : i32 to index
        %get3A_731 = tpu.vector_load %arg5[%get3A_730] {strides = array<i32>} : memref<528xi32, #tpu.memory_space<vmem>>, vector<16xi32>,
        %slice3A_732 = vector.extract_strided_slice %get3A_731 {offsets = [0], sizes = [1], strides = [1]} : vector<16xi32> to vector<1xi32>
        %squeeze3A_733 = vector.extract %slice3A_732[0] : i32 from vector<1xi32>
        %shift_right_logical3A_734 = arith.constant 7 : i32
        %shift_right_logical3A_735 = arith.shrui %squeeze3A_733, %shift_right_logical3A_734 : i32
        %shift_left3A_736 = arith.constant 7 : i32
        %shift_left3A_737 = arith.shli %shift_right_logical3A_735, %shift_left3A_736 : i32
        %multiple_of3A_738 = tpu.assume_multiple %shift_left3A_737, 128 : i32
        %dma_start3A_739 = arith.constant 4 : i32
        %dma_start3A_740 = arith.constant 0 : i32
        %dma_start3A_741 = arith.constant 0 : i32
        %dma_start3A_742 = arith.constant 0 : i32
        %dma_start3A_743 = arith.constant 0 : i32
        %dma_start3A_744 = tpu.memref_slice %arg6[%dma_start3A_739, %dma_start3A_741, %dma_start3A_742, %dma_start3A_743] : memref<6x4x32x128xf32, #tpu.memory_space<vmem>> -> memref<1x4x32x128xf32, #tpu.memory_space<vmem>>
        %dma_start3A_745 = tpu.memref_squeeze %dma_start3A_744 : memref<1x4x32x128xf32, #tpu.memory_space<vmem>> -> memref<4x32x128xf32, #tpu.memory_space<vmem>>
        %dma_start3A_746 = arith.constant 0 : i32
        %dma_start3A_747 = arith.constant 0 : i32
        %dma_start3A_748 = tpu.memref_slice %dma_start3A_745[%dma_start3A_740, %dma_start3A_746, %dma_start3A_747] : memref<4x32x128xf32, #tpu.memory_space<vmem>> -> memref<1x32x128xf32, #tpu.memory_space<vmem>>
        %dma_start3A_749 = tpu.memref_squeeze %dma_start3A_748 : memref<1x32x128xf32, #tpu.memory_space<vmem>> -> memref<32x128xf32, #tpu.memory_space<vmem>>
        %dma_start3A_750 = arith.constant 0 : i32
        %dma_start3A_751 = tpu.memref_slice %arg3[%dma_start3A_750, %multiple_of3A_738] : memref<32x1000000xf32, #tpu.memory_space<hbm>> -> memref<32x128xf32, #tpu.memory_space<hbm>>
        %dma_start3A_752 = arith.constant 0 : i32
        %dma_start3A_753 = arith.constant 0 : i32
        %dma_start3A_754 = arith.constant 0 : i32
        %dma_start3A_755 = tpu.memref_slice %arg6[%dma_start3A_739, %dma_start3A_752, %dma_start3A_753, %dma_start3A_754] : memref<6x4x32x128xf32, #tpu.memory_space<vmem>> -> memref<1x4x32x128xf32, #tpu.memory_space<vmem>>
        %dma_start3A_756 = tpu.memref_squeeze %dma_start3A_755 : memref<1x4x32x128xf32, #tpu.memory_space<vmem>> -> memref<4x32x128xf32, #tpu.memory_space<vmem>>
        %dma_start3A_757 = arith.constant 0 : i32
        %dma_start3A_758 = arith.constant 0 : i32
        %dma_start3A_759 = tpu.memref_slice %dma_start3A_756[%dma_start3A_740, %dma_start3A_757, %dma_start3A_758] : memref<4x32x128xf32, #tpu.memory_space<vmem>> -> memref<1x32x128xf32, #tpu.memory_space<vmem>>
        %dma_start3A_760 = tpu.memref_squeeze %dma_start3A_759 : memref<1x32x128xf32, #tpu.memory_space<vmem>> -> memref<32x128xf32, #tpu.memory_space<vmem>>
        %dma_start3A_761 = arith.constant 0 : i32
        %dma_start3A_762 = tpu.memref_slice %arg3[%dma_start3A_761, %multiple_of3A_738] : memref<32x1000000xf32, #tpu.memory_space<hbm>> -> memref<32x128xf32, #tpu.memory_space<hbm>>
        tpu.enqueue_dma source(%dma_start3A_762 : memref<32x128xf32, #tpu.memory_space<hbm>>) target(%dma_start3A_760 : memref<32x128xf32, #tpu.memory_space<vmem>>) target_semaphore(%arg12 : memref<!tpu.dma_semaphore, #tpu.memory_space<semaphore_mem>>)
        %slice3A_763 = vector.extract_strided_slice %get3A_731 {offsets = [1], sizes = [1], strides = [1]} : vector<16xi32> to vector<1xi32>
        %squeeze3A_764 = vector.extract %slice3A_763[0] : i32 from vector<1xi32>
        %shift_right_logical3A_765 = arith.constant 7 : i32
        %shift_right_logical3A_766 = arith.shrui %squeeze3A_764, %shift_right_logical3A_765 : i32
        %shift_left3A_767 = arith.constant 7 : i32
        %shift_left3A_768 = arith.shli %shift_right_logical3A_766, %shift_left3A_767 : i32
        %multiple_of3A_769 = tpu.assume_multiple %shift_left3A_768, 128 : i32
        %dma_start3A_770 = arith.constant 4 : i32
        %dma_start3A_771 = arith.constant 1 : i32
        %dma_start3A_772 = arith.constant 0 : i32
        %dma_start3A_773 = arith.constant 0 : i32
        %dma_start3A_774 = arith.constant 0 : i32
        %dma_start3A_775 = tpu.memref_slice %arg6[%dma_start3A_770, %dma_start3A_772, %dma_start3A_773, %dma_start3A_774] : memref<6x4x32x128xf32, #tpu.memory_space<vmem>> -> memref<1x4x32x128xf32, #tpu.memory_space<vmem>>
        %dma_start3A_776 = tpu.memref_squeeze %dma_start3A_775 : memref<1x4x32x128xf32, #tpu.memory_space<vmem>> -> memref<4x32x128xf32, #tpu.memory_space<vmem>>
        %dma_start3A_777 = arith.constant 0 : i32
        %dma_start3A_778 = arith.constant 0 : i32
        %dma_start3A_779 = tpu.memref_slice %dma_start3A_776[%dma_start3A_771, %dma_start3A_777, %dma_start3A_778] : memref<4x32x128xf32, #tpu.memory_space<vmem>> -> memref<1x32x128xf32, #tpu.memory_space<vmem>>
        %dma_start3A_780 = tpu.memref_squeeze %dma_start3A_779 : memref<1x32x128xf32, #tpu.memory_space<vmem>> -> memref<32x128xf32, #tpu.memory_space<vmem>>
        %dma_start3A_781 = arith.constant 0 : i32
        %dma_start3A_782 = tpu.memref_slice %arg3[%dma_start3A_781, %multiple_of3A_769] : memref<32x1000000xf32, #tpu.memory_space<hbm>> -> memref<32x128xf32, #tpu.memory_space<hbm>>
        %dma_start3A_783 = arith.constant 0 : i32
        %dma_start3A_784 = arith.constant 0 : i32
        %dma_start3A_785 = arith.constant 0 : i32
        %dma_start3A_786 = tpu.memref_slice %arg6[%dma_start3A_770, %dma_start3A_783, %dma_start3A_784, %dma_start3A_785] : memref<6x4x32x128xf32, #tpu.memory_space<vmem>> -> memref<1x4x32x128xf32, #tpu.memory_space<vmem>>
        %dma_start3A_787 = tpu.memref_squeeze %dma_start3A_786 : memref<1x4x32x128xf32, #tpu.memory_space<vmem>> -> memref<4x32x128xf32, #tpu.memory_space<vmem>>
        %dma_start3A_788 = arith.constant 0 : i32
        %dma_start3A_789 = arith.constant 0 : i32
        %dma_start3A_790 = tpu.memref_slice %dma_start3A_787[%dma_start3A_771, %dma_start3A_788, %dma_start3A_789] : memref<4x32x128xf32, #tpu.memory_space<vmem>> -> memref<1x32x128xf32, #tpu.memory_space<vmem>>
        %dma_start3A_791 = tpu.memref_squeeze %dma_start3A_790 : memref<1x32x128xf32, #tpu.memory_space<vmem>> -> memref<32x128xf32, #tpu.memory_space<vmem>>
        %dma_start3A_792 = arith.constant 0 : i32
        %dma_start3A_793 = tpu.memref_slice %arg3[%dma_start3A_792, %multiple_of3A_769] : memref<32x1000000xf32, #tpu.memory_space<hbm>> -> memref<32x128xf32, #tpu.memory_space<hbm>>
        tpu.enqueue_dma source(%dma_start3A_793 : memref<32x128xf32, #tpu.memory_space<hbm>>) target(%dma_start3A_791 : memref<32x128xf32, #tpu.memory_space<vmem>>) target_semaphore(%arg12 : memref<!tpu.dma_semaphore, #tpu.memory_space<semaphore_mem>>)
        %slice3A_794 = vector.extract_strided_slice %get3A_731 {offsets = [2], sizes = [1], strides = [1]} : vector<16xi32> to vector<1xi32>
        %squeeze3A_795 = vector.extract %slice3A_794[0] : i32 from vector<1xi32>
        %shift_right_logical3A_796 = arith.constant 7 : i32
        %shift_right_logical3A_797 = arith.shrui %squeeze3A_795, %shift_right_logical3A_796 : i32
        %shift_left3A_798 = arith.constant 7 : i32
        %shift_left3A_799 = arith.shli %shift_right_logical3A_797, %shift_left3A_798 : i32
        %multiple_of3A_800 = tpu.assume_multiple %shift_left3A_799, 128 : i32
        %dma_start3A_801 = arith.constant 4 : i32
        %dma_start3A_802 = arith.constant 2 : i32
        %dma_start3A_803 = arith.constant 0 : i32
        %dma_start3A_804 = arith.constant 0 : i32
        %dma_start3A_805 = arith.constant 0 : i32
        %dma_start3A_806 = tpu.memref_slice %arg6[%dma_start3A_801, %dma_start3A_803, %dma_start3A_804, %dma_start3A_805] : memref<6x4x32x128xf32, #tpu.memory_space<vmem>> -> memref<1x4x32x128xf32, #tpu.memory_space<vmem>>
        %dma_start3A_807 = tpu.memref_squeeze %dma_start3A_806 : memref<1x4x32x128xf32, #tpu.memory_space<vmem>> -> memref<4x32x128xf32, #tpu.memory_space<vmem>>
        %dma_start3A_808 = arith.constant 0 : i32
        %dma_start3A_809 = arith.constant 0 : i32
        %dma_start3A_810 = tpu.memref_slice %dma_start3A_807[%dma_start3A_802, %dma_start3A_808, %dma_start3A_809] : memref<4x32x128xf32, #tpu.memory_space<vmem>> -> memref<1x32x128xf32, #tpu.memory_space<vmem>>
        %dma_start3A_811 = tpu.memref_squeeze %dma_start3A_810 : memref<1x32x128xf32, #tpu.memory_space<vmem>> -> memref<32x128xf32, #tpu.memory_space<vmem>>
        %dma_start3A_812 = arith.constant 0 : i32
        %dma_start3A_813 = tpu.memref_slice %arg3[%dma_start3A_812, %multiple_of3A_800] : memref<32x1000000xf32, #tpu.memory_space<hbm>> -> memref<32x128xf32, #tpu.memory_space<hbm>>
        %dma_start3A_814 = arith.constant 0 : i32
        %dma_start3A_815 = arith.constant 0 : i32
        %dma_start3A_816 = arith.constant 0 : i32
        %dma_start3A_817 = tpu.memref_slice %arg6[%dma_start3A_801, %dma_start3A_814, %dma_start3A_815, %dma_start3A_816] : memref<6x4x32x128xf32, #tpu.memory_space<vmem>> -> memref<1x4x32x128xf32, #tpu.memory_space<vmem>>
        %dma_start3A_818 = tpu.memref_squeeze %dma_start3A_817 : memref<1x4x32x128xf32, #tpu.memory_space<vmem>> -> memref<4x32x128xf32, #tpu.memory_space<vmem>>
        %dma_start3A_819 = arith.constant 0 : i32
        %dma_start3A_820 = arith.constant 0 : i32
        %dma_start3A_821 = tpu.memref_slice %dma_start3A_818[%dma_start3A_802, %dma_start3A_819, %dma_start3A_820] : memref<4x32x128xf32, #tpu.memory_space<vmem>> -> memref<1x32x128xf32, #tpu.memory_space<vmem>>
        %dma_start3A_822 = tpu.memref_squeeze %dma_start3A_821 : memref<1x32x128xf32, #tpu.memory_space<vmem>> -> memref<32x128xf32, #tpu.memory_space<vmem>>
        %dma_start3A_823 = arith.constant 0 : i32
        %dma_start3A_824 = tpu.memref_slice %arg3[%dma_start3A_823, %multiple_of3A_800] : memref<32x1000000xf32, #tpu.memory_space<hbm>> -> memref<32x128xf32, #tpu.memory_space<hbm>>
        tpu.enqueue_dma source(%dma_start3A_824 : memref<32x128xf32, #tpu.memory_space<hbm>>) target(%dma_start3A_822 : memref<32x128xf32, #tpu.memory_space<vmem>>) target_semaphore(%arg12 : memref<!tpu.dma_semaphore, #tpu.memory_space<semaphore_mem>>)
        %slice3A_825 = vector.extract_strided_slice %get3A_731 {offsets = [3], sizes = [1], strides = [1]} : vector<16xi32> to vector<1xi32>
        %squeeze3A_826 = vector.extract %slice3A_825[0] : i32 from vector<1xi32>
        %shift_right_logical3A_827 = arith.constant 7 : i32
        %shift_right_logical3A_828 = arith.shrui %squeeze3A_826, %shift_right_logical3A_827 : i32
        %shift_left3A_829 = arith.constant 7 : i32
        %shift_left3A_830 = arith.shli %shift_right_logical3A_828, %shift_left3A_829 : i32
        %multiple_of3A_831 = tpu.assume_multiple %shift_left3A_830, 128 : i32
        %dma_start3A_832 = arith.constant 4 : i32
        %dma_start3A_833 = arith.constant 3 : i32
        %dma_start3A_834 = arith.constant 0 : i32
        %dma_start3A_835 = arith.constant 0 : i32
        %dma_start3A_836 = arith.constant 0 : i32
        %dma_start3A_837 = tpu.memref_slice %arg6[%dma_start3A_832, %dma_start3A_834, %dma_start3A_835, %dma_start3A_836] : memref<6x4x32x128xf32, #tpu.memory_space<vmem>> -> memref<1x4x32x128xf32, #tpu.memory_space<vmem>>
        %dma_start3A_838 = tpu.memref_squeeze %dma_start3A_837 : memref<1x4x32x128xf32, #tpu.memory_space<vmem>> -> memref<4x32x128xf32, #tpu.memory_space<vmem>>
        %dma_start3A_839 = arith.constant 0 : i32
        %dma_start3A_840 = arith.constant 0 : i32
        %dma_start3A_841 = tpu.memref_slice %dma_start3A_838[%dma_start3A_833, %dma_start3A_839, %dma_start3A_840] : memref<4x32x128xf32, #tpu.memory_space<vmem>> -> memref<1x32x128xf32, #tpu.memory_space<vmem>>
        %dma_start3A_842 = tpu.memref_squeeze %dma_start3A_841 : memref<1x32x128xf32, #tpu.memory_space<vmem>> -> memref<32x128xf32, #tpu.memory_space<vmem>>
        %dma_start3A_843 = arith.constant 0 : i32
        %dma_start3A_844 = tpu.memref_slice %arg3[%dma_start3A_843, %multiple_of3A_831] : memref<32x1000000xf32, #tpu.memory_space<hbm>> -> memref<32x128xf32, #tpu.memory_space<hbm>>
        %dma_start3A_845 = arith.constant 0 : i32
        %dma_start3A_846 = arith.constant 0 : i32
        %dma_start3A_847 = arith.constant 0 : i32
        %dma_start3A_848 = tpu.memref_slice %arg6[%dma_start3A_832, %dma_start3A_845, %dma_start3A_846, %dma_start3A_847] : memref<6x4x32x128xf32, #tpu.memory_space<vmem>> -> memref<1x4x32x128xf32, #tpu.memory_space<vmem>>
        %dma_start3A_849 = tpu.memref_squeeze %dma_start3A_848 : memref<1x4x32x128xf32, #tpu.memory_space<vmem>> -> memref<4x32x128xf32, #tpu.memory_space<vmem>>
        %dma_start3A_850 = arith.constant 0 : i32
        %dma_start3A_851 = arith.constant 0 : i32
        %dma_start3A_852 = tpu.memref_slice %dma_start3A_849[%dma_start3A_833, %dma_start3A_850, %dma_start3A_851] : memref<4x32x128xf32, #tpu.memory_space<vmem>> -> memref<1x32x128xf32, #tpu.memory_space<vmem>>
        %dma_start3A_853 = tpu.memref_squeeze %dma_start3A_852 : memref<1x32x128xf32, #tpu.memory_space<vmem>> -> memref<32x128xf32, #tpu.memory_space<vmem>>
        %dma_start3A_854 = arith.constant 0 : i32
        %dma_start3A_855 = tpu.memref_slice %arg3[%dma_start3A_854, %multiple_of3A_831] : memref<32x1000000xf32, #tpu.memory_space<hbm>> -> memref<32x128xf32, #tpu.memory_space<hbm>>
        tpu.enqueue_dma source(%dma_start3A_855 : memref<32x128xf32, #tpu.memory_space<hbm>>) target(%dma_start3A_853 : memref<32x128xf32, #tpu.memory_space<vmem>>) target_semaphore(%arg12 : memref<!tpu.dma_semaphore, #tpu.memory_space<semaphore_mem>>)
      } else {
      }
      %lt3A_721 = arith.constant 128 : i32
      %lt3A_722 = arith.cmpi slt, %add3A_713, %lt3A_721 : i32
      %convert_element_type3A_723 = arith.extui %lt3A_722 : i1 to i32
      %cond3A_724 = arith.constant 0 : i32
      %cond3A_725 = arith.cmpi ne, %convert_element_type3A_723, %cond3A_724 : i32
      scf.if %cond3A_725 {
        %mul3A_726 = arith.constant 4 : i32
        %mul3A_727 = arith.muli %add3A_713, %mul3A_726 : i32
        %get3A_728 = arith.index_cast %mul3A_727 : i32 to index
        %get3A_729 = tpu.vector_load %arg5[%get3A_728] {strides = array<i32>} : memref<528xi32, #tpu.memory_space<vmem>>, vector<16xi32>,
        %and3A = arith.constant 127 : i32
        %and3A_730 = vector.broadcast %and3A : i32 to vector<16xi32>
        %and3A_731 = arith.andi %get3A_729, %and3A_730 : vector<16xi32>
        %dma_wait3A = arith.constant 5 : i32
        %dma_wait3A_732 = arith.constant 0 : i32
        %dma_wait3A_733 = arith.constant 0 : i32
        %dma_wait3A_734 = arith.constant 0 : i32
        %dma_wait3A_735 = arith.constant 0 : i32
        %dma_wait3A_736 = tpu.memref_slice %arg6[%dma_wait3A, %dma_wait3A_733, %dma_wait3A_734, %dma_wait3A_735] : memref<6x4x32x128xf32, #tpu.memory_space<vmem>> -> memref<1x4x32x128xf32, #tpu.memory_space<vmem>>
        %dma_wait3A_737 = tpu.memref_squeeze %dma_wait3A_736 : memref<1x4x32x128xf32, #tpu.memory_space<vmem>> -> memref<4x32x128xf32, #tpu.memory_space<vmem>>
        %dma_wait3A_738 = arith.constant 0 : i32
        %dma_wait3A_739 = arith.constant 0 : i32
        %dma_wait3A_740 = tpu.memref_slice %dma_wait3A_737[%dma_wait3A_732, %dma_wait3A_738, %dma_wait3A_739] : memref<4x32x128xf32, #tpu.memory_space<vmem>> -> memref<1x32x128xf32, #tpu.memory_space<vmem>>
        %dma_wait3A_741 = tpu.memref_squeeze %dma_wait3A_740 : memref<1x32x128xf32, #tpu.memory_space<vmem>> -> memref<32x128xf32, #tpu.memory_space<vmem>>
        %dma_wait3A_742 = arith.constant 0 : i32
        %dma_wait3A_743 = arith.constant 0 : i32
        %dma_wait3A_744 = tpu.memref_slice %arg3[%dma_wait3A_742, %dma_wait3A_743] : memref<32x1000000xf32, #tpu.memory_space<hbm>> -> memref<32x128xf32, #tpu.memory_space<hbm>>
        %dma_wait3A_745 = arith.constant 0 : i32
        %dma_wait3A_746 = arith.constant 0 : i32
        %dma_wait3A_747 = arith.constant 0 : i32
        %dma_wait3A_748 = tpu.memref_slice %arg6[%dma_wait3A, %dma_wait3A_745, %dma_wait3A_746, %dma_wait3A_747] : memref<6x4x32x128xf32, #tpu.memory_space<vmem>> -> memref<1x4x32x128xf32, #tpu.memory_space<vmem>>
        %dma_wait3A_749 = tpu.memref_squeeze %dma_wait3A_748 : memref<1x4x32x128xf32, #tpu.memory_space<vmem>> -> memref<4x32x128xf32, #tpu.memory_space<vmem>>
        %dma_wait3A_750 = arith.constant 0 : i32
        %dma_wait3A_751 = arith.constant 0 : i32
        %dma_wait3A_752 = tpu.memref_slice %dma_wait3A_749[%dma_wait3A_732, %dma_wait3A_750, %dma_wait3A_751] : memref<4x32x128xf32, #tpu.memory_space<vmem>> -> memref<1x32x128xf32, #tpu.memory_space<vmem>>
        %dma_wait3A_753 = tpu.memref_squeeze %dma_wait3A_752 : memref<1x32x128xf32, #tpu.memory_space<vmem>> -> memref<32x128xf32, #tpu.memory_space<vmem>>
        %dma_wait3A_754 = arith.constant 0 : i32
        %dma_wait3A_755 = arith.constant 0 : i32
        %dma_wait3A_756 = tpu.memref_slice %arg3[%dma_wait3A_754, %dma_wait3A_755] : memref<32x1000000xf32, #tpu.memory_space<hbm>> -> memref<32x128xf32, #tpu.memory_space<hbm>>
        tpu.wait_dma2 semaphore(%arg13 : memref<!tpu.dma_semaphore, #tpu.memory_space<semaphore_mem>>) src(%dma_wait3A_756 : memref<32x128xf32, #tpu.memory_space<hbm>>) dst(%dma_wait3A_753 : memref<32x128xf32, #tpu.memory_space<vmem>>)
        %dma_wait3A_757 = arith.constant 5 : i32
        %dma_wait3A_758 = arith.constant 1 : i32
        %dma_wait3A_759 = arith.constant 0 : i32
        %dma_wait3A_760 = arith.constant 0 : i32
        %dma_wait3A_761 = arith.constant 0 : i32
        %dma_wait3A_762 = tpu.memref_slice %arg6[%dma_wait3A_757, %dma_wait3A_759, %dma_wait3A_760, %dma_wait3A_761] : memref<6x4x32x128xf32, #tpu.memory_space<vmem>> -> memref<1x4x32x128xf32, #tpu.memory_space<vmem>>
        %dma_wait3A_763 = tpu.memref_squeeze %dma_wait3A_762 : memref<1x4x32x128xf32, #tpu.memory_space<vmem>> -> memref<4x32x128xf32, #tpu.memory_space<vmem>>
        %dma_wait3A_764 = arith.constant 0 : i32
        %dma_wait3A_765 = arith.constant 0 : i32
        %dma_wait3A_766 = tpu.memref_slice %dma_wait3A_763[%dma_wait3A_758, %dma_wait3A_764, %dma_wait3A_765] : memref<4x32x128xf32, #tpu.memory_space<vmem>> -> memref<1x32x128xf32, #tpu.memory_space<vmem>>
        %dma_wait3A_767 = tpu.memref_squeeze %dma_wait3A_766 : memref<1x32x128xf32, #tpu.memory_space<vmem>> -> memref<32x128xf32, #tpu.memory_space<vmem>>
        %dma_wait3A_768 = arith.constant 0 : i32
        %dma_wait3A_769 = arith.constant 0 : i32
        %dma_wait3A_770 = tpu.memref_slice %arg3[%dma_wait3A_768, %dma_wait3A_769] : memref<32x1000000xf32, #tpu.memory_space<hbm>> -> memref<32x128xf32, #tpu.memory_space<hbm>>
        %dma_wait3A_771 = arith.constant 0 : i32
        %dma_wait3A_772 = arith.constant 0 : i32
        %dma_wait3A_773 = arith.constant 0 : i32
        %dma_wait3A_774 = tpu.memref_slice %arg6[%dma_wait3A_757, %dma_wait3A_771, %dma_wait3A_772, %dma_wait3A_773] : memref<6x4x32x128xf32, #tpu.memory_space<vmem>> -> memref<1x4x32x128xf32, #tpu.memory_space<vmem>>
        %dma_wait3A_775 = tpu.memref_squeeze %dma_wait3A_774 : memref<1x4x32x128xf32, #tpu.memory_space<vmem>> -> memref<4x32x128xf32, #tpu.memory_space<vmem>>
        %dma_wait3A_776 = arith.constant 0 : i32
        %dma_wait3A_777 = arith.constant 0 : i32
        %dma_wait3A_778 = tpu.memref_slice %dma_wait3A_775[%dma_wait3A_758, %dma_wait3A_776, %dma_wait3A_777] : memref<4x32x128xf32, #tpu.memory_space<vmem>> -> memref<1x32x128xf32, #tpu.memory_space<vmem>>
        %dma_wait3A_779 = tpu.memref_squeeze %dma_wait3A_778 : memref<1x32x128xf32, #tpu.memory_space<vmem>> -> memref<32x128xf32, #tpu.memory_space<vmem>>
        %dma_wait3A_780 = arith.constant 0 : i32
        %dma_wait3A_781 = arith.constant 0 : i32
        %dma_wait3A_782 = tpu.memref_slice %arg3[%dma_wait3A_780, %dma_wait3A_781] : memref<32x1000000xf32, #tpu.memory_space<hbm>> -> memref<32x128xf32, #tpu.memory_space<hbm>>
        tpu.wait_dma2 semaphore(%arg13 : memref<!tpu.dma_semaphore, #tpu.memory_space<semaphore_mem>>) src(%dma_wait3A_782 : memref<32x128xf32, #tpu.memory_space<hbm>>) dst(%dma_wait3A_779 : memref<32x128xf32, #tpu.memory_space<vmem>>)
        %dma_wait3A_783 = arith.constant 5 : i32
        %dma_wait3A_784 = arith.constant 2 : i32
        %dma_wait3A_785 = arith.constant 0 : i32
        %dma_wait3A_786 = arith.constant 0 : i32
        %dma_wait3A_787 = arith.constant 0 : i32
        %dma_wait3A_788 = tpu.memref_slice %arg6[%dma_wait3A_783, %dma_wait3A_785, %dma_wait3A_786, %dma_wait3A_787] : memref<6x4x32x128xf32, #tpu.memory_space<vmem>> -> memref<1x4x32x128xf32, #tpu.memory_space<vmem>>
        %dma_wait3A_789 = tpu.memref_squeeze %dma_wait3A_788 : memref<1x4x32x128xf32, #tpu.memory_space<vmem>> -> memref<4x32x128xf32, #tpu.memory_space<vmem>>
        %dma_wait3A_790 = arith.constant 0 : i32
        %dma_wait3A_791 = arith.constant 0 : i32
        %dma_wait3A_792 = tpu.memref_slice %dma_wait3A_789[%dma_wait3A_784, %dma_wait3A_790, %dma_wait3A_791] : memref<4x32x128xf32, #tpu.memory_space<vmem>> -> memref<1x32x128xf32, #tpu.memory_space<vmem>>
        %dma_wait3A_793 = tpu.memref_squeeze %dma_wait3A_792 : memref<1x32x128xf32, #tpu.memory_space<vmem>> -> memref<32x128xf32, #tpu.memory_space<vmem>>
        %dma_wait3A_794 = arith.constant 0 : i32
        %dma_wait3A_795 = arith.constant 0 : i32
        %dma_wait3A_796 = tpu.memref_slice %arg3[%dma_wait3A_794, %dma_wait3A_795] : memref<32x1000000xf32, #tpu.memory_space<hbm>> -> memref<32x128xf32, #tpu.memory_space<hbm>>
        %dma_wait3A_797 = arith.constant 0 : i32
        %dma_wait3A_798 = arith.constant 0 : i32
        %dma_wait3A_799 = arith.constant 0 : i32
        %dma_wait3A_800 = tpu.memref_slice %arg6[%dma_wait3A_783, %dma_wait3A_797, %dma_wait3A_798, %dma_wait3A_799] : memref<6x4x32x128xf32, #tpu.memory_space<vmem>> -> memref<1x4x32x128xf32, #tpu.memory_space<vmem>>
        %dma_wait3A_801 = tpu.memref_squeeze %dma_wait3A_800 : memref<1x4x32x128xf32, #tpu.memory_space<vmem>> -> memref<4x32x128xf32, #tpu.memory_space<vmem>>
        %dma_wait3A_802 = arith.constant 0 : i32
        %dma_wait3A_803 = arith.constant 0 : i32
        %dma_wait3A_804 = tpu.memref_slice %dma_wait3A_801[%dma_wait3A_784, %dma_wait3A_802, %dma_wait3A_803] : memref<4x32x128xf32, #tpu.memory_space<vmem>> -> memref<1x32x128xf32, #tpu.memory_space<vmem>>
        %dma_wait3A_805 = tpu.memref_squeeze %dma_wait3A_804 : memref<1x32x128xf32, #tpu.memory_space<vmem>> -> memref<32x128xf32, #tpu.memory_space<vmem>>
        %dma_wait3A_806 = arith.constant 0 : i32
        %dma_wait3A_807 = arith.constant 0 : i32
        %dma_wait3A_808 = tpu.memref_slice %arg3[%dma_wait3A_806, %dma_wait3A_807] : memref<32x1000000xf32, #tpu.memory_space<hbm>> -> memref<32x128xf32, #tpu.memory_space<hbm>>
        tpu.wait_dma2 semaphore(%arg13 : memref<!tpu.dma_semaphore, #tpu.memory_space<semaphore_mem>>) src(%dma_wait3A_808 : memref<32x128xf32, #tpu.memory_space<hbm>>) dst(%dma_wait3A_805 : memref<32x128xf32, #tpu.memory_space<vmem>>)
        %dma_wait3A_809 = arith.constant 5 : i32
        %dma_wait3A_810 = arith.constant 3 : i32
        %dma_wait3A_811 = arith.constant 0 : i32
        %dma_wait3A_812 = arith.constant 0 : i32
        %dma_wait3A_813 = arith.constant 0 : i32
        %dma_wait3A_814 = tpu.memref_slice %arg6[%dma_wait3A_809, %dma_wait3A_811, %dma_wait3A_812, %dma_wait3A_813] : memref<6x4x32x128xf32, #tpu.memory_space<vmem>> -> memref<1x4x32x128xf32, #tpu.memory_space<vmem>>
        %dma_wait3A_815 = tpu.memref_squeeze %dma_wait3A_814 : memref<1x4x32x128xf32, #tpu.memory_space<vmem>> -> memref<4x32x128xf32, #tpu.memory_space<vmem>>
        %dma_wait3A_816 = arith.constant 0 : i32
        %dma_wait3A_817 = arith.constant 0 : i32
        %dma_wait3A_818 = tpu.memref_slice %dma_wait3A_815[%dma_wait3A_810, %dma_wait3A_816, %dma_wait3A_817] : memref<4x32x128xf32, #tpu.memory_space<vmem>> -> memref<1x32x128xf32, #tpu.memory_space<vmem>>
        %dma_wait3A_819 = tpu.memref_squeeze %dma_wait3A_818 : memref<1x32x128xf32, #tpu.memory_space<vmem>> -> memref<32x128xf32, #tpu.memory_space<vmem>>
        %dma_wait3A_820 = arith.constant 0 : i32
        %dma_wait3A_821 = arith.constant 0 : i32
        %dma_wait3A_822 = tpu.memref_slice %arg3[%dma_wait3A_820, %dma_wait3A_821] : memref<32x1000000xf32, #tpu.memory_space<hbm>> -> memref<32x128xf32, #tpu.memory_space<hbm>>
        %dma_wait3A_823 = arith.constant 0 : i32
        %dma_wait3A_824 = arith.constant 0 : i32
        %dma_wait3A_825 = arith.constant 0 : i32
        %dma_wait3A_826 = tpu.memref_slice %arg6[%dma_wait3A_809, %dma_wait3A_823, %dma_wait3A_824, %dma_wait3A_825] : memref<6x4x32x128xf32, #tpu.memory_space<vmem>> -> memref<1x4x32x128xf32, #tpu.memory_space<vmem>>
        %dma_wait3A_827 = tpu.memref_squeeze %dma_wait3A_826 : memref<1x4x32x128xf32, #tpu.memory_space<vmem>> -> memref<4x32x128xf32, #tpu.memory_space<vmem>>
        %dma_wait3A_828 = arith.constant 0 : i32
        %dma_wait3A_829 = arith.constant 0 : i32
        %dma_wait3A_830 = tpu.memref_slice %dma_wait3A_827[%dma_wait3A_810, %dma_wait3A_828, %dma_wait3A_829] : memref<4x32x128xf32, #tpu.memory_space<vmem>> -> memref<1x32x128xf32, #tpu.memory_space<vmem>>
        %dma_wait3A_831 = tpu.memref_squeeze %dma_wait3A_830 : memref<1x32x128xf32, #tpu.memory_space<vmem>> -> memref<32x128xf32, #tpu.memory_space<vmem>>
        %dma_wait3A_832 = arith.constant 0 : i32
        %dma_wait3A_833 = arith.constant 0 : i32
        %dma_wait3A_834 = tpu.memref_slice %arg3[%dma_wait3A_832, %dma_wait3A_833] : memref<32x1000000xf32, #tpu.memory_space<hbm>> -> memref<32x128xf32, #tpu.memory_space<hbm>>
        tpu.wait_dma2 semaphore(%arg13 : memref<!tpu.dma_semaphore, #tpu.memory_space<semaphore_mem>>) src(%dma_wait3A_834 : memref<32x128xf32, #tpu.memory_space<hbm>>) dst(%dma_wait3A_831 : memref<32x128xf32, #tpu.memory_space<vmem>>)
        %slice3A_835 = vector.extract_strided_slice %and3A_731 {offsets = [0], sizes = [1], strides = [1]} : vector<16xi32> to vector<1xi32>
        %squeeze3A_836 = vector.extract %slice3A_835[0] : i32 from vector<1xi32>
        %broadcast_in_dim3A = vector.broadcast %squeeze3A_836 : i32 to vector<16xi32>
        %mul3A_837 = arith.constant 4 : i32
        %mul3A_838 = arith.muli %add3A_713, %mul3A_837 : i32
        %add3A_839 = arith.constant 0 : i32
        %add3A_840 = arith.addi %mul3A_838, %add3A_839 : i32
        %broadcast_in_dim3A_841 = vector.broadcast %add3A_840 : i32 to vector<16xi32>
        %gather3A = arith.constant 5 : i32
        %gather3A_842 = arith.constant 0 : i32
        %gather3A_843 = arith.constant 0 : i32
        %gather3A_844 = arith.constant 0 : i32
        %gather3A_845 = arith.constant 0 : i32
        %gather3A_846 = tpu.memref_slice %arg6[%gather3A, %gather3A_843, %gather3A_844, %gather3A_845] : memref<6x4x32x128xf32, #tpu.memory_space<vmem>> -> memref<1x4x32x128xf32, #tpu.memory_space<vmem>>
        %gather3A_847 = tpu.memref_squeeze %gather3A_846 : memref<1x4x32x128xf32, #tpu.memory_space<vmem>> -> memref<4x32x128xf32, #tpu.memory_space<vmem>>
        %gather3A_848 = arith.constant 0 : i32
        %gather3A_849 = arith.constant 0 : i32
        %gather3A_850 = tpu.memref_slice %gather3A_847[%gather3A_842, %gather3A_848, %gather3A_849] : memref<4x32x128xf32, #tpu.memory_space<vmem>> -> memref<1x32x128xf32, #tpu.memory_space<vmem>>
        %gather3A_851 = tpu.memref_squeeze %gather3A_850 : memref<1x32x128xf32, #tpu.memory_space<vmem>> -> memref<32x128xf32, #tpu.memory_space<vmem>>
        %gather3A_852 = tpu.vector_load_idx %gather3A_851[%iota3A, %broadcast_in_dim3A] : memref<32x128xf32, #tpu.memory_space<vmem>>[vector<16xi32>, vector<16xi32>], vector<16xf32>,
        %add3A_853 = arith.constant 16 : i32
        %add3A_854 = vector.broadcast %add3A_853 : i32 to vector<16xi32>
        %add3A_855 = arith.addi %iota3A, %add3A_854 : vector<16xi32>
        %gather3A_856 = arith.constant 5 : i32
        %gather3A_857 = arith.constant 0 : i32
        %gather3A_858 = arith.constant 0 : i32
        %gather3A_859 = arith.constant 0 : i32
        %gather3A_860 = arith.constant 0 : i32
        %gather3A_861 = tpu.memref_slice %arg6[%gather3A_856, %gather3A_858, %gather3A_859, %gather3A_860] : memref<6x4x32x128xf32, #tpu.memory_space<vmem>> -> memref<1x4x32x128xf32, #tpu.memory_space<vmem>>
        %gather3A_862 = tpu.memref_squeeze %gather3A_861 : memref<1x4x32x128xf32, #tpu.memory_space<vmem>> -> memref<4x32x128xf32, #tpu.memory_space<vmem>>
        %gather3A_863 = arith.constant 0 : i32
        %gather3A_864 = arith.constant 0 : i32
        %gather3A_865 = tpu.memref_slice %gather3A_862[%gather3A_857, %gather3A_863, %gather3A_864] : memref<4x32x128xf32, #tpu.memory_space<vmem>> -> memref<1x32x128xf32, #tpu.memory_space<vmem>>
        %gather3A_866 = tpu.memref_squeeze %gather3A_865 : memref<1x32x128xf32, #tpu.memory_space<vmem>> -> memref<32x128xf32, #tpu.memory_space<vmem>>
        %gather3A_867 = tpu.vector_load_idx %gather3A_866[%add3A_855, %broadcast_in_dim3A] : memref<32x128xf32, #tpu.memory_space<vmem>>[vector<16xi32>, vector<16xi32>], vector<16xf32>,
        tpu.vector_store_idx %arg7[%iota3A, %broadcast_in_dim3A_841], %gather3A_852 : memref<32x512xf32, #tpu.memory_space<vmem>>[vector<16xi32>, vector<16xi32>], vector<16xf32>,
        %add3A_868 = arith.constant 16 : i32
        %add3A_869 = vector.broadcast %add3A_868 : i32 to vector<16xi32>
        %add3A_870 = arith.addi %iota3A, %add3A_869 : vector<16xi32>
        tpu.vector_store_idx %arg7[%add3A_870, %broadcast_in_dim3A_841], %gather3A_867 : memref<32x512xf32, #tpu.memory_space<vmem>>[vector<16xi32>, vector<16xi32>], vector<16xf32>,
        %slice3A_871 = vector.extract_strided_slice %and3A_731 {offsets = [1], sizes = [1], strides = [1]} : vector<16xi32> to vector<1xi32>
        %squeeze3A_872 = vector.extract %slice3A_871[0] : i32 from vector<1xi32>
        %broadcast_in_dim3A_873 = vector.broadcast %squeeze3A_872 : i32 to vector<16xi32>
        %mul3A_874 = arith.constant 4 : i32
        %mul3A_875 = arith.muli %add3A_713, %mul3A_874 : i32
        %add3A_876 = arith.constant 1 : i32
        %add3A_877 = arith.addi %mul3A_875, %add3A_876 : i32
        %broadcast_in_dim3A_878 = vector.broadcast %add3A_877 : i32 to vector<16xi32>
        %gather3A_879 = arith.constant 5 : i32
        %gather3A_880 = arith.constant 1 : i32
        %gather3A_881 = arith.constant 0 : i32
        %gather3A_882 = arith.constant 0 : i32
        %gather3A_883 = arith.constant 0 : i32
        %gather3A_884 = tpu.memref_slice %arg6[%gather3A_879, %gather3A_881, %gather3A_882, %gather3A_883] : memref<6x4x32x128xf32, #tpu.memory_space<vmem>> -> memref<1x4x32x128xf32, #tpu.memory_space<vmem>>
        %gather3A_885 = tpu.memref_squeeze %gather3A_884 : memref<1x4x32x128xf32, #tpu.memory_space<vmem>> -> memref<4x32x128xf32, #tpu.memory_space<vmem>>
        %gather3A_886 = arith.constant 0 : i32
        %gather3A_887 = arith.constant 0 : i32
        %gather3A_888 = tpu.memref_slice %gather3A_885[%gather3A_880, %gather3A_886, %gather3A_887] : memref<4x32x128xf32, #tpu.memory_space<vmem>> -> memref<1x32x128xf32, #tpu.memory_space<vmem>>
        %gather3A_889 = tpu.memref_squeeze %gather3A_888 : memref<1x32x128xf32, #tpu.memory_space<vmem>> -> memref<32x128xf32, #tpu.memory_space<vmem>>
        %gather3A_890 = tpu.vector_load_idx %gather3A_889[%iota3A, %broadcast_in_dim3A_873] : memref<32x128xf32, #tpu.memory_space<vmem>>[vector<16xi32>, vector<16xi32>], vector<16xf32>,
        %add3A_891 = arith.constant 16 : i32
        %add3A_892 = vector.broadcast %add3A_891 : i32 to vector<16xi32>
        %add3A_893 = arith.addi %iota3A, %add3A_892 : vector<16xi32>
        %gather3A_894 = arith.constant 5 : i32
        %gather3A_895 = arith.constant 1 : i32
        %gather3A_896 = arith.constant 0 : i32
        %gather3A_897 = arith.constant 0 : i32
        %gather3A_898 = arith.constant 0 : i32
        %gather3A_899 = tpu.memref_slice %arg6[%gather3A_894, %gather3A_896, %gather3A_897, %gather3A_898] : memref<6x4x32x128xf32, #tpu.memory_space<vmem>> -> memref<1x4x32x128xf32, #tpu.memory_space<vmem>>
        %gather3A_900 = tpu.memref_squeeze %gather3A_899 : memref<1x4x32x128xf32, #tpu.memory_space<vmem>> -> memref<4x32x128xf32, #tpu.memory_space<vmem>>
        %gather3A_901 = arith.constant 0 : i32
        %gather3A_902 = arith.constant 0 : i32
        %gather3A_903 = tpu.memref_slice %gather3A_900[%gather3A_895, %gather3A_901, %gather3A_902] : memref<4x32x128xf32, #tpu.memory_space<vmem>> -> memref<1x32x128xf32, #tpu.memory_space<vmem>>
        %gather3A_904 = tpu.memref_squeeze %gather3A_903 : memref<1x32x128xf32, #tpu.memory_space<vmem>> -> memref<32x128xf32, #tpu.memory_space<vmem>>
        %gather3A_905 = tpu.vector_load_idx %gather3A_904[%add3A_893, %broadcast_in_dim3A_873] : memref<32x128xf32, #tpu.memory_space<vmem>>[vector<16xi32>, vector<16xi32>], vector<16xf32>,
        tpu.vector_store_idx %arg7[%iota3A, %broadcast_in_dim3A_878], %gather3A_890 : memref<32x512xf32, #tpu.memory_space<vmem>>[vector<16xi32>, vector<16xi32>], vector<16xf32>,
        %add3A_906 = arith.constant 16 : i32
        %add3A_907 = vector.broadcast %add3A_906 : i32 to vector<16xi32>
        %add3A_908 = arith.addi %iota3A, %add3A_907 : vector<16xi32>
        tpu.vector_store_idx %arg7[%add3A_908, %broadcast_in_dim3A_878], %gather3A_905 : memref<32x512xf32, #tpu.memory_space<vmem>>[vector<16xi32>, vector<16xi32>], vector<16xf32>,
        %slice3A_909 = vector.extract_strided_slice %and3A_731 {offsets = [2], sizes = [1], strides = [1]} : vector<16xi32> to vector<1xi32>
        %squeeze3A_910 = vector.extract %slice3A_909[0] : i32 from vector<1xi32>
        %broadcast_in_dim3A_911 = vector.broadcast %squeeze3A_910 : i32 to vector<16xi32>
        %mul3A_912 = arith.constant 4 : i32
        %mul3A_913 = arith.muli %add3A_713, %mul3A_912 : i32
        %add3A_914 = arith.constant 2 : i32
        %add3A_915 = arith.addi %mul3A_913, %add3A_914 : i32
        %broadcast_in_dim3A_916 = vector.broadcast %add3A_915 : i32 to vector<16xi32>
        %gather3A_917 = arith.constant 5 : i32
        %gather3A_918 = arith.constant 2 : i32
        %gather3A_919 = arith.constant 0 : i32
        %gather3A_920 = arith.constant 0 : i32
        %gather3A_921 = arith.constant 0 : i32
        %gather3A_922 = tpu.memref_slice %arg6[%gather3A_917, %gather3A_919, %gather3A_920, %gather3A_921] : memref<6x4x32x128xf32, #tpu.memory_space<vmem>> -> memref<1x4x32x128xf32, #tpu.memory_space<vmem>>
        %gather3A_923 = tpu.memref_squeeze %gather3A_922 : memref<1x4x32x128xf32, #tpu.memory_space<vmem>> -> memref<4x32x128xf32, #tpu.memory_space<vmem>>
        %gather3A_924 = arith.constant 0 : i32
        %gather3A_925 = arith.constant 0 : i32
        %gather3A_926 = tpu.memref_slice %gather3A_923[%gather3A_918, %gather3A_924, %gather3A_925] : memref<4x32x128xf32, #tpu.memory_space<vmem>> -> memref<1x32x128xf32, #tpu.memory_space<vmem>>
        %gather3A_927 = tpu.memref_squeeze %gather3A_926 : memref<1x32x128xf32, #tpu.memory_space<vmem>> -> memref<32x128xf32, #tpu.memory_space<vmem>>
        %gather3A_928 = tpu.vector_load_idx %gather3A_927[%iota3A, %broadcast_in_dim3A_911] : memref<32x128xf32, #tpu.memory_space<vmem>>[vector<16xi32>, vector<16xi32>], vector<16xf32>,
        %add3A_929 = arith.constant 16 : i32
        %add3A_930 = vector.broadcast %add3A_929 : i32 to vector<16xi32>
        %add3A_931 = arith.addi %iota3A, %add3A_930 : vector<16xi32>
        %gather3A_932 = arith.constant 5 : i32
        %gather3A_933 = arith.constant 2 : i32
        %gather3A_934 = arith.constant 0 : i32
        %gather3A_935 = arith.constant 0 : i32
        %gather3A_936 = arith.constant 0 : i32
        %gather3A_937 = tpu.memref_slice %arg6[%gather3A_932, %gather3A_934, %gather3A_935, %gather3A_936] : memref<6x4x32x128xf32, #tpu.memory_space<vmem>> -> memref<1x4x32x128xf32, #tpu.memory_space<vmem>>
        %gather3A_938 = tpu.memref_squeeze %gather3A_937 : memref<1x4x32x128xf32, #tpu.memory_space<vmem>> -> memref<4x32x128xf32, #tpu.memory_space<vmem>>
        %gather3A_939 = arith.constant 0 : i32
        %gather3A_940 = arith.constant 0 : i32
        %gather3A_941 = tpu.memref_slice %gather3A_938[%gather3A_933, %gather3A_939, %gather3A_940] : memref<4x32x128xf32, #tpu.memory_space<vmem>> -> memref<1x32x128xf32, #tpu.memory_space<vmem>>
        %gather3A_942 = tpu.memref_squeeze %gather3A_941 : memref<1x32x128xf32, #tpu.memory_space<vmem>> -> memref<32x128xf32, #tpu.memory_space<vmem>>
        %gather3A_943 = tpu.vector_load_idx %gather3A_942[%add3A_931, %broadcast_in_dim3A_911] : memref<32x128xf32, #tpu.memory_space<vmem>>[vector<16xi32>, vector<16xi32>], vector<16xf32>,
        tpu.vector_store_idx %arg7[%iota3A, %broadcast_in_dim3A_916], %gather3A_928 : memref<32x512xf32, #tpu.memory_space<vmem>>[vector<16xi32>, vector<16xi32>], vector<16xf32>,
        %add3A_944 = arith.constant 16 : i32
        %add3A_945 = vector.broadcast %add3A_944 : i32 to vector<16xi32>
        %add3A_946 = arith.addi %iota3A, %add3A_945 : vector<16xi32>
        tpu.vector_store_idx %arg7[%add3A_946, %broadcast_in_dim3A_916], %gather3A_943 : memref<32x512xf32, #tpu.memory_space<vmem>>[vector<16xi32>, vector<16xi32>], vector<16xf32>,
        %slice3A_947 = vector.extract_strided_slice %and3A_731 {offsets = [3], sizes = [1], strides = [1]} : vector<16xi32> to vector<1xi32>
        %squeeze3A_948 = vector.extract %slice3A_947[0] : i32 from vector<1xi32>
        %broadcast_in_dim3A_949 = vector.broadcast %squeeze3A_948 : i32 to vector<16xi32>
        %mul3A_950 = arith.constant 4 : i32
        %mul3A_951 = arith.muli %add3A_713, %mul3A_950 : i32
        %add3A_952 = arith.constant 3 : i32
        %add3A_953 = arith.addi %mul3A_951, %add3A_952 : i32
        %broadcast_in_dim3A_954 = vector.broadcast %add3A_953 : i32 to vector<16xi32>
        %gather3A_955 = arith.constant 5 : i32
        %gather3A_956 = arith.constant 3 : i32
        %gather3A_957 = arith.constant 0 : i32
        %gather3A_958 = arith.constant 0 : i32
        %gather3A_959 = arith.constant 0 : i32
        %gather3A_960 = tpu.memref_slice %arg6[%gather3A_955, %gather3A_957, %gather3A_958, %gather3A_959] : memref<6x4x32x128xf32, #tpu.memory_space<vmem>> -> memref<1x4x32x128xf32, #tpu.memory_space<vmem>>
        %gather3A_961 = tpu.memref_squeeze %gather3A_960 : memref<1x4x32x128xf32, #tpu.memory_space<vmem>> -> memref<4x32x128xf32, #tpu.memory_space<vmem>>
        %gather3A_962 = arith.constant 0 : i32
        %gather3A_963 = arith.constant 0 : i32
        %gather3A_964 = tpu.memref_slice %gather3A_961[%gather3A_956, %gather3A_962, %gather3A_963] : memref<4x32x128xf32, #tpu.memory_space<vmem>> -> memref<1x32x128xf32, #tpu.memory_space<vmem>>
        %gather3A_965 = tpu.memref_squeeze %gather3A_964 : memref<1x32x128xf32, #tpu.memory_space<vmem>> -> memref<32x128xf32, #tpu.memory_space<vmem>>
        %gather3A_966 = tpu.vector_load_idx %gather3A_965[%iota3A, %broadcast_in_dim3A_949] : memref<32x128xf32, #tpu.memory_space<vmem>>[vector<16xi32>, vector<16xi32>], vector<16xf32>,
        %add3A_967 = arith.constant 16 : i32
        %add3A_968 = vector.broadcast %add3A_967 : i32 to vector<16xi32>
        %add3A_969 = arith.addi %iota3A, %add3A_968 : vector<16xi32>
        %gather3A_970 = arith.constant 5 : i32
        %gather3A_971 = arith.constant 3 : i32
        %gather3A_972 = arith.constant 0 : i32
        %gather3A_973 = arith.constant 0 : i32
        %gather3A_974 = arith.constant 0 : i32
        %gather3A_975 = tpu.memref_slice %arg6[%gather3A_970, %gather3A_972, %gather3A_973, %gather3A_974] : memref<6x4x32x128xf32, #tpu.memory_space<vmem>> -> memref<1x4x32x128xf32, #tpu.memory_space<vmem>>
        %gather3A_976 = tpu.memref_squeeze %gather3A_975 : memref<1x4x32x128xf32, #tpu.memory_space<vmem>> -> memref<4x32x128xf32, #tpu.memory_space<vmem>>
        %gather3A_977 = arith.constant 0 : i32
        %gather3A_978 = arith.constant 0 : i32
        %gather3A_979 = tpu.memref_slice %gather3A_976[%gather3A_971, %gather3A_977, %gather3A_978] : memref<4x32x128xf32, #tpu.memory_space<vmem>> -> memref<1x32x128xf32, #tpu.memory_space<vmem>>
        %gather3A_980 = tpu.memref_squeeze %gather3A_979 : memref<1x32x128xf32, #tpu.memory_space<vmem>> -> memref<32x128xf32, #tpu.memory_space<vmem>>
        %gather3A_981 = tpu.vector_load_idx %gather3A_980[%add3A_969, %broadcast_in_dim3A_949] : memref<32x128xf32, #tpu.memory_space<vmem>>[vector<16xi32>, vector<16xi32>], vector<16xf32>,
        tpu.vector_store_idx %arg7[%iota3A, %broadcast_in_dim3A_954], %gather3A_966 : memref<32x512xf32, #tpu.memory_space<vmem>>[vector<16xi32>, vector<16xi32>], vector<16xf32>,
        %add3A_982 = arith.constant 16 : i32
        %add3A_983 = vector.broadcast %add3A_982 : i32 to vector<16xi32>
        %add3A_984 = arith.addi %iota3A, %add3A_983 : vector<16xi32>
        tpu.vector_store_idx %arg7[%add3A_984, %broadcast_in_dim3A_954], %gather3A_981 : memref<32x512xf32, #tpu.memory_space<vmem>>[vector<16xi32>, vector<16xi32>], vector<16xf32>,
      } else {
      }
    }
    %scan3A_631 = arith.constant 22 : i32
    "tpu.region"() ({
      %run_scoped3A = tpu.sem_alloc : memref<!tpu.dma_semaphore, #tpu.memory_space<semaphore_mem>>
      %dma_start3A_632 = arith.constant 0 : i32
      %dma_start3A_633 = tpu.memref_slice %arg4[%dma_start3A_632, %multiple_of3A] : memref<32x16384xf32, #tpu.memory_space<hbm>> -> memref<32x512xf32, #tpu.memory_space<hbm>>
      %dma_start3A_634 = arith.constant 0 : i32
      %dma_start3A_635 = tpu.memref_slice %arg4[%dma_start3A_634, %multiple_of3A] : memref<32x16384xf32, #tpu.memory_space<hbm>> -> memref<32x512xf32, #tpu.memory_space<hbm>>
      tpu.enqueue_dma source(%arg7 : memref<32x512xf32, #tpu.memory_space<vmem>>) target(%dma_start3A_635 : memref<32x512xf32, #tpu.memory_space<hbm>>) target_semaphore(%run_scoped3A : memref<!tpu.dma_semaphore, #tpu.memory_space<semaphore_mem>>)
      %dma_wait3A = arith.constant 0 : i32
      %dma_wait3A_636 = tpu.memref_slice %arg4[%dma_wait3A, %multiple_of3A] : memref<32x16384xf32, #tpu.memory_space<hbm>> -> memref<32x512xf32, #tpu.memory_space<hbm>>
      %dma_wait3A_637 = arith.constant 0 : i32
      %dma_wait3A_638 = tpu.memref_slice %arg4[%dma_wait3A_637, %multiple_of3A] : memref<32x16384xf32, #tpu.memory_space<hbm>> -> memref<32x512xf32, #tpu.memory_space<hbm>>
      tpu.wait_dma2 semaphore(%run_scoped3A : memref<!tpu.dma_semaphore, #tpu.memory_space<semaphore_mem>>) src(%arg7 : memref<32x512xf32, #tpu.memory_space<vmem>>) dst(%dma_wait3A_638 : memref<32x512xf32, #tpu.memory_space<hbm>>)
      tpu.yield
    }) : () -> ()
    return
  }
}

</mosaic_0001>

<sc_bundles>
// kernel: kernel.3.cloned.1.call-start
scs
__scs_entry_jumppad:
0x0: {  	(pc) =	sbr.rel $0x88, $3  }
0x1: {  	(tag) =	ssettag $0x0;
	lr =	simm.s32 $0x1  }
0x2: {  	[smem:$0x3F9F] =	sst lr;
	_ =	strace $0xD0000000  }
0x3: {  	_ = 	snop  }
0x4: {  	_ = 	snop  }
0x5: {  	_ = 	snop  }
0x6: {  	_ = 	snop  }
0x7: {  	_ = 	snop  }
__scs_overlays_trampoline_lowered:
0x8: {  	[smem:$0x3FAE] =	sst s0  }
0x9: {  	[smem:$0x3FAF] =	sst s1  }
0xa: {  	[smem:$0x3FB0] =	sst s2  }
0xb: {  	[smem:$0x3FB1] =	sst s3  }
0xc: {  	[smem:$0x3FB2] =	sst s4  }
0xd: {  	[smem:$0x3FB3] =	sst s5  }
0xe: {  	[smem:$0x3FB4] =	sst s6  }
0xf: {  	[smem:$0x3FB5] =	sst s7  }
0x10: {  	[smem:$0x3FB6] =	sst s8  }
0x11: {  	[smem:$0x3FB7] =	sst s9;
	s0 =	simm.s32 @!p0 $0x0  }
0x12: {  	s1 =	sld [smem:$0x3F9D];
	s0 =	simm.s32 @p0 $0x1  }
0x13: {  	[smem:$0x3FB8] =	sst s0;
	s0 =	simm.s32 @!p1 $0x0  }
0x14: {  	s2 =	sld [smem:$0x3F9C];
	s0 =	simm.s32 @p1 $0x1  }
0x15: {  	[smem:$0x3FB9] =	sst s0;
	s0 =	simm.s32 @!p2 $0x0  }
0x16: {  	s3 =	sld [smem:$0x3FDB];
	s0 =	simm.s32 @p2 $0x1  }
0x17: {  	s4 =	simm.s32 $0x1BF5;
	[smem:$0x3FBB] =	sst s0  }
0x18: {  	s0 =	sld [smem:$0x3F9E];
	_ =	swait.ge [sflag:s4], $0x0  }
0x19: {  	s7 =	sld [smem:$0x3F9F]  }
0x1a: {  	s8 =	sadd.s32 $0xFFFFE003, lr  }
0x1b: {  	s9 =	sadd.s32 $0xFFFFFEF7, lr;
	s5 =	simm.s32 $0xFFFFFFFF;
	p2 =	slt.u32 s8, $0xFFFFF086  }
0x1c: {  	p1 =	slt.u32 s9, $0xF7A;
	s5 =	simm.s32 @!p2 $0x0  }
0x1d: {  	s5 =	simm.s32 @p1 $0x1;
	p0 =	seq.s32 s7, s2  }
0x1e: {  	s7 =	smul.u32 @!p0 $0xF7A, s2;
	p2 =	seq.s32 @!p0 s5, $0x0  }
0x1f: {  	s9 =	smul.u32 $0xF7A, s1;
	s8 =	simm.s32 @!p0 $0x1BF5;
	p2 =	por !p2, p0  }
0x20: {  	[sflag:s8] =	ssyncset.s32 @!p0 $0xFFFFF086;
	s6 =	sadd.s32 @!p0 s3, s7;
	s7 =	simm.s32 @!p0 $0x108  }
0x21: {  	s3 =	sadd.s32 s3, s9;
	s6 =	sadd.s32 @!p0 $0x88, s6;
	s7 =	simm.s32 @p2 $0x1082  }
0x22: {  	[simem:s7], [sflag:s8] =	dma.local @!p0 [hbm:s6], $0xF7A  }
0x23: {  	s9 =	sor.u32 $0xD0000000, s2;
	s6 =	simm.s32 $0x108;
	_ =	swait.ge @!p0 [sflag:s8], $0x0  }
0x24: {  	s3 =	sadd.s32 $0x88, s3;
	s6 =	simm.s32 @!p1 $0x1082;
	[sflag:s4] =	ssyncset.s32 $0xFFFFF086  }
0x25: {  	[simem:s6], [sflag:s4] =	dma.local [hbm:s3], $0xF7A  }
0x26: {  	[smem:$0x3F9F] =	sst s1;
	(tag) =	ssettag s2;
	_ =	strace s9  }
0x27: {  	s1 =	sld [smem:$0x3FAF]  }
0x28: {  	s2 =	sld [smem:$0x3FB0]  }
0x29: {  	s4 =	sld [smem:$0x3FB2]  }
0x2a: {  	p0 =	seq.s32 s5, $0x0;
	s5 =	sld [smem:$0x3FB3]  }
0x2b: {  	s6 =	sld [smem:$0x3FB4]  }
0x2c: {  	s7 =	sld [smem:$0x3FB5]  }
0x2d: {  	s3 =	simm.s32 $0x108;
	s8 =	sld [smem:$0x3FB6]  }
0x2e: {  	s3 =	simm.s32 @!p0 $0x1082;
	s9 =	sld [smem:$0x3FB7]  }
0x2f: {  	lr =	sadd.s32 s0, s3;
	s0 =	sld [smem:$0x3FAE]  }
0x30: {  	s3 =	sld [smem:$0x3FB1]  }
0x31: {  	[smem:$0x3FBA] =	sst s10  }
0x32: {  	s10 =	sld [smem:$0x3FB8];
	_ =	sdelay $0x3  }
0x33: {  	p0 =	seq.s32 s10, $0x1;
	s10 =	sld [smem:$0x3FBA];
	_ =	sdelay $0x3  }
0x34: {  	[smem:$0x3FBA] =	sst s10  }
0x35: {  	s10 =	sld [smem:$0x3FB9];
	_ =	sdelay $0x3  }
0x36: {  	p1 =	seq.s32 s10, $0x1;
	s10 =	sld [smem:$0x3FBA];
	_ =	sdelay $0x3  }
0x37: {  	[smem:$0x3FBA] =	sst s10  }
0x38: {  	s10 =	sld [smem:$0x3FBB]  }
0x39: {  	_ = 	snop;
	(pc) =	sbr.ind lr, $3  }
0x3a: {  	_ = 	snop  }
0x3b: {  	_ = 	snop  }
0x3c: {  	p2 =	seq.s32 s10, $0x1;
	s10 =	sld [smem:$0x3FBA]  }
0x3d: {  	_ =	shalt  }
0x3e: {  	_ =	shalt  }
0x3f: {  	_ =	shalt  }
0x40: {  	_ =	shalt  }
0x41: {  	_ =	shalt  }
0x42: {  	_ =	shalt  }
0x43: {  	_ =	shalt  }
0x44: {  	_ =	shalt  }
0x45: {  	_ =	shalt  }
0x46: {  	_ =	shalt  }
0x47: {  	_ =	shalt  }
0x48: {  	_ =	shalt  }
0x49: {  	_ =	shalt  }
0x4a: {  	_ =	shalt  }
0x4b: {  	_ =	shalt  }
0x4c: {  	_ =	shalt  }
0x4d: {  	_ =	shalt  }
0x4e: {  	_ =	shalt  }
0x4f: {  	_ =	shalt  }
0x50: {  	_ =	shalt  }
0x51: {  	_ =	shalt  }
0x52: {  	_ =	shalt  }
0x53: {  	_ =	shalt  }
0x54: {  	_ =	shalt  }
0x55: {  	_ =	shalt  }
0x56: {  	_ =	shalt  }
0x57: {  	_ =	shalt  }
0x58: {  	_ =	shalt  }
0x59: {  	_ =	shalt  }
0x5a: {  	_ =	shalt  }
0x5b: {  	_ =	shalt  }
0x5c: {  	_ =	shalt  }
0x5d: {  	_ =	shalt  }
0x5e: {  	_ =	shalt  }
0x5f: {  	_ =	shalt  }
0x60: {  	_ =	shalt  }
0x61: {  	_ =	shalt  }
0x62: {  	_ =	shalt  }
0x63: {  	_ =	shalt  }
0x64: {  	_ =	shalt  }
0x65: {  	_ =	shalt  }
0x66: {  	_ =	shalt  }
0x67: {  	_ =	shalt  }
0x68: {  	_ =	shalt  }
0x69: {  	_ =	shalt  }
0x6a: {  	_ =	shalt  }
0x6b: {  	_ =	shalt  }
0x6c: {  	_ =	shalt  }
0x6d: {  	_ =	shalt  }
0x6e: {  	_ =	shalt  }
0x6f: {  	_ =	shalt  }
0x70: {  	_ =	shalt  }
0x71: {  	_ =	shalt  }
0x72: {  	_ =	shalt  }
0x73: {  	_ =	shalt  }
0x74: {  	_ =	shalt  }
0x75: {  	_ =	shalt  }
0x76: {  	_ =	shalt  }
0x77: {  	_ =	shalt  }
0x78: {  	_ =	shalt  }
0x79: {  	_ =	shalt  }
0x7a: {  	_ =	shalt  }
0x7b: {  	_ =	shalt  }
0x7c: {  	_ =	shalt  }
0x7d: {  	_ =	shalt  }
0x7e: {  	_ =	shalt  }
0x7f: {  	_ =	shalt  }
0x80: {  	_ =	shalt  }
0x81: {  	_ =	shalt  }
0x82: {  	_ =	shalt  }
0x83: {  	_ =	shalt  }
0x84: {  	_ =	shalt  }
0x85: {  	_ =	shalt  }
0x86: {  	_ =	shalt  }
0x87: {  	_ =	shalt  }
.Lfunc_end0:
.L_simem_size_0:
called_computation_lowered:
.L_overlay_start_0:
0x88: {  	s2 =	sld [smem:$0x3FD9]  }
0x89: {  	s3 =	sld [smem:$0x3FFE];
	_ =	sdelay $0x1  }
0x8a: {  	s1 =	srdreg.scid  }
0x8b: {  	s0 =	sand.u32 $0x1, s1  }
0x8c: {  	s18 =	sshll.u32 s0, $0xA;
	s2 =	sadd.s32 s3, s2  }
0x8d: {  	s2 =	sadd.s32 s2, s18  }
0x8e: {  	[smem:$0x3FC6] =	sst s2  }
0x8f: {  	_ = 	snop  }
0x90: {  	s2 =	sld [smem:$0x3FC9]  }
0x91: {  	s19 =	sld [smem:$0x3FC8]  }
0x92: {  	s4 =	sld [smem:$0x3FD0];
	(tm) =	ssettm $0x1  }
0x93: {  	s5 =	sld [smem:$0x3FFB];
	_ =	sdelay $0x3  }
0x94: {  	_ =	strace s5  }
0x95: {  	s5 =	sld [smem:$0x3FFC];
	_ =	sdelay $0x3  }
0x96: {  	_ =	strace s5  }
0x97: {  	s5 =	sld [smem:$0x3FFD];
	_ =	sdelay $0x3  }
0x98: {  	_ =	strace s5  }
0x99: {  	_ =	strace $0x8FFFFFFF  }
0x9a: {  	s20 =	sld [smem:$0x3FDB];
	_ =	sdelay $0x1  }
0x9b: {  	s6 =	simm.s32 $_scs_section_size  }
0x9c: {  	s7 =	simm.s32 $_size__tile_overlayer_lowered;
	s8 =	simm.s32 $_tile_overlayer_lowered  }
0x9d: {  	s23 =	simm.s32 $0x1BFF;
	s22 =	sshll.u32 s8, $0x1;
	s5 =	sadd.s32 s6, s20  }
0x9e: {  	s9 =	simm.s32 $0x0;
	s21 =	sshll.u32 s7, $0x1;
	s7 =	sadd.s32 s22, s5  }
0x9f: {  	[timem:s9], [sflag:s23] =	dma.local [hbm:s7], s21  }
0xa0: {  	_ =	swait.ge [sflag:s23], s21  }
0xa1: {  	s6 =	ssub.s32 $0x0, s21;
	[sflag:s23] =	ssyncset.done $0x0  }
0xa2: {  	[sflag:s23] =	ssyncadd.s32 s6;
	_ =	sdelay $0x1  }
0xa3: {  	s24 =	simm.s32 $0x1B8B  }
0xa4: {  	_ =	swait.ge [sflag:s24], $0x1  }
0xa5: {  	[sflag:s24] =	ssyncset.done $0x0  }
0xa6: {  	s25 =	simm.s32 $0x1B8E;
	[sflag:s24] =	ssyncadd.s32 $0xFFFFFFFF  }
0xa7: {  	s26 =	simm.s32 $execute0_lowered;
	[smem:$0x3FD2] =	sst s25  }
0xa8: {  	s6 =	sshll.u32 s26, $0x1;
	_ =	strace $0x80000046;
	[dreg:$0x1] =	wrdreg $0xFFFFFFFF  }
0xa9: {  	s28 =	simm.s32 $_size_execute0_lowered;
	s5 =	sadd.s32 s5, s6;
	[dreg:$0x0] =	wrdreg $0x0  }
0xaa: {  	s6 =	sshll.u32 s28, $0x1;
	[dreg:$0x2] =	wrdreg s5  }
0xab: {  	[dreg:$0x3] =	wrdreg s6  }
0xac: {  	[dreg:$0x4] =	wrdreg $0xC0  }
0xad: {  	_ =	task [dreg:s9], $0x5FFFF  }
0xae: {  	[dreg:$0x1] =	wrdreg $0xFFFFFFFF  }
0xaf: {  	[dreg:$0x0] =	wrdreg $0x60  }
0xb0: {  	[dreg:$0x2] =	wrdreg s2  }
0xb1: {  	[dreg:$0x3] =	wrdreg s19  }
0xb2: {  	[dreg:$0x4] =	wrdreg s4  }
0xb3: {  	[dreg:$0x5] =	wrdreg $0x9  }
0xb4: {  	_ =	task.clear_ibuf [dreg:s9], $0x6FFFF;
	_ =	strace $0x90000046  }
0xb5: {  	s29 =	simm.s32 $0x9;
	_ =	strace $0x80000048  }
0xb6: {  	_ =	swait.ge [sflag:s29], $0x1  }
0xb7: {  	[sflag:s29] =	ssyncadd.s32 $0xFFFFFFFF  }
0xb8: {  	_ =	strace $0x90000048  }
0xb9: {  	_ =	sfence  }
0xba: {  	s30 =	sld [smem:$0x0];
	_ =	sdelay $0x2  }
0xbb: {  	s31 =	sshll.u32 s1, $0xD;
	s1 =	sshrl.u32 s1, $0x2  }
0xbc: {  	s3 =	sand.u32 $0x4000, s31;
	s1 =	sadd.s32 s1, s30  }
0xbd: {  	s0 =	sor.u32 s3, s0;
	s1 =	sshll.u32 s1, $0x11  }
0xbe: {  	s0 =	sor.u32 s1, s0  }
0xbf: {  	s0 =	sadd.s32 $0x8F2B, s0  }
0xc0: {  	[sflag:s0] =	ssyncadd.remote.s32 $0x1  }
0xc1: {  	_ =	sfence.sel $0xFFFF  }
0xc2: {  	[dreg:$0x0] =	wrdreg $0xFFFFFFFF;
	(pc) =	sbr.abs _section_cstart, $3  }
0xc3: {  	[dreg:$0x1] =	wrdreg $0xFFFFFFFF  }
0xc4: {  	_ =	task.clear_ibuf [dreg:s9], $0x2FFFF;
	_ =	strace $0x9FFFFFFF  }
0xc5: {  	(tm) =	ssettm $0x7FFFFFFF  }
tec
execute0_lowered:
.L_overlay_start_1:
0x0: {  	(tag) =	ssettag $0x1  }
0x1: {  	v0 =	vlaneseq.u32;
	v1 =	vimm.s32 $0x1380  }
0x2: {  	vm0 =	vcmask $0x300;
	v2 =	vimm.s32 $0x3380;
	vm1 =	vcmask $0x704  }
0x3: {  	vm15 =	vcmask $0xB08;
	v1 =	vsel vm0, $0x0, v1;
	v2 =	vsel vm0, $0x2000, v2  }
0x4: {  	vm4 =	vcmask $0xF0C;
	v1 =	vsel vm1, $0x80, v1;
	v2 =	vsel vm1, $0x2080, v2  }
0x5: {  	s1 =	rddreg [dreg:$0x0];
	vm5 =	vcmask $0x1310;
	v1 =	vsel vm15, $0x100, v1;
	v2 =	vsel vm15, $0x2100, v2  }
0x6: {  	s0 =	rddreg [dreg:$0x1];
	vm6 =	vcmask $0x1714;
	v1 =	vsel vm4, $0x180, v1;
	v2 =	vsel vm4, $0x2180, v2  }
0x7: {  	s2 =	rddreg [dreg:$0x2];
	s3 =	srdreg.scid;
	vm7 =	vcmask $0x1B18;
	v1 =	vsel vm5, $0x200, v1;
	v2 =	vsel vm5, $0x2200, v2  }
0x8: {  	s4 =	stileid.u32;
	s6 =	simm.s32 $0x0;
	s8 =	simm.s32 $0x7A1400;
	vm8 =	vcmask $0x1F1C;
	v1 =	vsel vm6, $0x280, v1;
	v2 =	vsel vm6, $0x2280, v2  }
0x9: {  	s7 =	simm.s32 $0x7;
	s9 =	simm.s32 $0x400;
	s10 =	simm.s32 $0x280;
	vm9 =	vcmask $0x2320;
	v1 =	vsel vm7, $0x300, v1;
	v2 =	vsel vm7, $0x2300, v2  }
0xa: {  	s11 =	simm.s32 $0x1280;
	s12 =	simm.s32 $0x2280;
	s13 =	simm.s32 $0x3280;
	vm10 =	vcmask $0x2724;
	v1 =	vsel vm8, $0x380, v1;
	v2 =	vsel vm8, $0x2380, v2  }
0xb: {  	s14 =	simm.s32 $0x4280;
	s15 =	simm.s32 $0x5280;
	s16 =	simm.s32 $0x6280;
	vm11 =	vcmask $0x2B28;
	v1 =	vsel vm9, $0x1000, v1;
	v2 =	vsel vm9, $0x3000, v2  }
0xc: {  	s17 =	simm.s32 $0x7280;
	vm12 =	vcmask $0x2F2C;
	s31 =	simm.s32 $0x1;
	s3 =	sand.u32 $0x1, s3;
	v1 =	vsel vm10, $0x1080, v1;
	v2 =	vsel vm10, $0x3080, v2  }
0xd: {  	vm13 =	vcmask $0x3330;
	s19 =	simm.s32 $0x0;
	s4 =	sshll.u32 s4, $0xA;
	s5 =	sshll.u32 s3, $0x9;
	v1 =	vsel vm11, $0x1100, v1;
	v2 =	vsel vm11, $0x3100, v2  }
0xe: {  	vm14 =	vcmask $0x3734;
	[smem:$0x7FF] =	sst s6;
	s3 =	ssub.s32 $0x2, s3;
	s5 =	sor.u32 s5, s4;
	v1 =	vsel vm12, $0x1180, v1;
	v2 =	vsel vm12, $0x3180, v2  }
0xf: {  	v0 =	vmul.u32 $0x80, v0;
	_ =	strace $0x80000047;
	s29 =	sshrl.u32 s3, $0x1;
	s30 =	sshrl.u32 s5, $0x3;
	v1 =	vsel vm13, $0x1200, v1;
	v2 =	vsel vm13, $0x3200, v2  }
0x10: {  	vm15 =	vcmask $0x3B38;
	s3 =	ssub.s32 s3, s29;
	s5 =	sadd.s32 s2, s5;
	s2 =	simm.s32 $0x2;
	v3 =	vsel vm14, $0x1280, v1;
	v4 =	vsel vm14, $0x3280, v2  }
0x11: {  	s4 =	sadd.s32 s1, s30;
	s6 =	smax.u32 s3, $0x1;
	s1 =	simm.s32 $0x18280;
	v1 =	vor.u32 $0x800, v0;
	v2 =	vsel vm15, $0x1300, v3;
	v3 =	vsel vm15, $0x3300, v4  }
.LBB2_1:
0x12: {  	s3 =	simm.s32 $0x0  }
0x13: {  	[tilespmem:s3], [sflag:$0x7] =	stream.linear.gather [hbm4b:s4+s3], $0x200, $0x38;
	[tilespmem:$0x1C280] =	vst v63  }
0x14: {  	_ =	swait.ge [sflag:s7], $0x200  }
0x15: {  	[sflag:s7] =	ssyncset.done $0x0  }
0x16: {  	[sflag:s7] =	ssyncadd.s32 $0xFFFFFE00  }
0x17: {  	v4 =	vld [tilespmem:$0x0];
	_ =	sdelay $0x4  }
0x18: {  	(v2sf) =	vpush v4, $0x0;
	_ =	sdelay $0x1  }
0x19: {  	(v2sf) =	vpush v4, $0x1;
	_ =	sdelay $0x2  }
0x1a: {  	(v2sf) =	vpush v4, $0x2;
	_ =	sdelay $0x2  }
0x1b: {  	(v2sf) =	vpush v4, $0x3;
	_ =	sdelay $0x6  }
0x1c: {  	s20 =	spop (v2sf)  }
0x1d: {  	s20 =	sand.u32 $0xFFFFF80, s20  }
0x1e: {  	s3 =	spop (v2sf);
	s20 =	sadd.s32 s0, s20  }
0x1f: {  	[tilespmem:s10], [sflag:$0x1] =	stream.strided.gather [hbm4b:s20+s9], $0x1000, s8, s9, $0x38;
	[tilespmem:$0x1C280] =	vst v63  }
0x20: {  	s20 =	sand.u32 $0xFFFFF80, s3  }
0x21: {  	s18 =	spop (v2sf);
	s20 =	sadd.s32 s0, s20  }
0x22: {  	[tilespmem:s11], [sflag:$0x1] =	stream.strided.gather [hbm4b:s20+s9], $0x1000, s8, s9, $0x38;
	[tilespmem:$0x1C280] =	vst v63  }
0x23: {  	s20 =	sand.u32 $0xFFFFF80, s18  }
0x24: {  	s21 =	spop (v2sf);
	s20 =	sadd.s32 s0, s20  }
0x25: {  	[tilespmem:s12], [sflag:$0x1] =	stream.strided.gather [hbm4b:s20+s9], $0x1000, s8, s9, $0x38;
	[tilespmem:$0x1C280] =	vst v63  }
0x26: {  	s20 =	sand.u32 $0xFFFFF80, s21  }
0x27: {  	s20 =	sadd.s32 s0, s20  }
0x28: {  	[tilespmem:s13], [sflag:$0x1] =	stream.strided.gather [hbm4b:s20+s9], $0x1000, s8, s9, $0x38;
	[tilespmem:$0x1C280] =	vst v63  }
0x29: {  	v4 =	vld [tilespmem:$0x4];
	_ =	sdelay $0x4  }
0x2a: {  	(v2sf) =	vpush v4, $0x0;
	_ =	sdelay $0x1  }
0x2b: {  	(v2sf) =	vpush v4, $0x1;
	_ =	sdelay $0x2  }
0x2c: {  	(v2sf) =	vpush v4, $0x2;
	_ =	sdelay $0x2  }
0x2d: {  	(v2sf) =	vpush v4, $0x3;
	_ =	sdelay $0x6  }
0x2e: {  	s22 =	spop (v2sf)  }
0x2f: {  	s20 =	sand.u32 $0xFFFFF80, s22  }
0x30: {  	s23 =	spop (v2sf);
	s20 =	sadd.s32 s0, s20  }
0x31: {  	[tilespmem:s14], [sflag:$0x2] =	stream.strided.gather [hbm4b:s20+s9], $0x1000, s8, s9, $0x38;
	[tilespmem:$0x1C280] =	vst v63  }
0x32: {  	s20 =	sand.u32 $0xFFFFF80, s23  }
0x33: {  	s24 =	spop (v2sf);
	s20 =	sadd.s32 s0, s20  }
0x34: {  	[tilespmem:s15], [sflag:$0x2] =	stream.strided.gather [hbm4b:s20+s9], $0x1000, s8, s9, $0x38;
	[tilespmem:$0x1C280] =	vst v63  }
0x35: {  	s20 =	sand.u32 $0xFFFFF80, s24  }
0x36: {  	s25 =	spop (v2sf);
	s20 =	sadd.s32 s0, s20  }
0x37: {  	[tilespmem:s16], [sflag:$0x2] =	stream.strided.gather [hbm4b:s20+s9], $0x1000, s8, s9, $0x38;
	[tilespmem:$0x1C280] =	vst v63  }
0x38: {  	s20 =	sand.u32 $0xFFFFF80, s25  }
0x39: {  	s20 =	sadd.s32 s0, s20  }
0x3a: {  	[tilespmem:s17], [sflag:$0x2] =	stream.strided.gather [hbm4b:s20+s9], $0x1000, s8, s9, $0x38;
	[tilespmem:$0x1C280] =	vst v63  }
0x3b: {  	v4 =	vld [tilespmem:$0x8];
	_ =	sdelay $0x4  }
0x3c: {  	(v2sf) =	vpush v4, $0x0;
	_ =	sdelay $0x1  }
0x3d: {  	(v2sf) =	vpush v4, $0x1;
	_ =	sdelay $0x2  }
0x3e: {  	(v2sf) =	vpush v4, $0x2;
	_ =	sdelay $0x2  }
0x3f: {  	(v2sf) =	vpush v4, $0x3;
	_ =	sdelay $0x6  }
0x40: {  	s26 =	spop (v2sf)  }
0x41: {  	s20 =	sand.u32 $0xFFFFF80, s26  }
0x42: {  	s28 =	simm.s32 $0x8280;
	s29 =	spop (v2sf);
	s20 =	sadd.s32 s0, s20  }
0x43: {  	[tilespmem:s28], [sflag:$0x3] =	stream.strided.gather [hbm4b:s20+s9], $0x1000, s8, s9, $0x38;
	[tilespmem:$0x1C280] =	vst v63  }
0x44: {  	s20 =	sand.u32 $0xFFFFF80, s29  }
0x45: {  	s30 =	simm.s32 $0x9280;
	s18 =	spop (v2sf);
	s20 =	sadd.s32 s0, s20  }
0x46: {  	[tilespmem:s30], [sflag:$0x3] =	stream.strided.gather [hbm4b:s20+s9], $0x1000, s8, s9, $0x38;
	[tilespmem:$0x1C280] =	vst v63  }
0x47: {  	s20 =	sand.u32 $0xFFFFF80, s18  }
0x48: {  	s21 =	simm.s32 $0xA280;
	s22 =	spop (v2sf);
	s20 =	sadd.s32 s0, s20  }
0x49: {  	[tilespmem:s21], [sflag:$0x3] =	stream.strided.gather [hbm4b:s20+s9], $0x1000, s8, s9, $0x38;
	[tilespmem:$0x1C280] =	vst v63  }
0x4a: {  	s20 =	sand.u32 $0xFFFFF80, s22  }
0x4b: {  	s23 =	simm.s32 $0xB280;
	s20 =	sadd.s32 s0, s20  }
0x4c: {  	[tilespmem:s23], [sflag:$0x3] =	stream.strided.gather [hbm4b:s20+s9], $0x1000, s8, s9, $0x38;
	[tilespmem:$0x1C280] =	vst v63  }
0x4d: {  	v4 =	vld [tilespmem:$0xC];
	_ =	sdelay $0x4  }
0x4e: {  	(v2sf) =	vpush v4, $0x0;
	_ =	sdelay $0x1  }
0x4f: {  	(v2sf) =	vpush v4, $0x1;
	_ =	sdelay $0x2  }
0x50: {  	(v2sf) =	vpush v4, $0x2;
	_ =	sdelay $0x2  }
0x51: {  	(v2sf) =	vpush v4, $0x3;
	_ =	sdelay $0x6  }
0x52: {  	s24 =	spop (v2sf)  }
0x53: {  	s20 =	sand.u32 $0xFFFFF80, s24  }
0x54: {  	s25 =	simm.s32 $0xC280;
	s26 =	spop (v2sf);
	s20 =	sadd.s32 s0, s20  }
0x55: {  	[tilespmem:s25], [sflag:$0x4] =	stream.strided.gather [hbm4b:s20+s9], $0x1000, s8, s9, $0x38;
	[tilespmem:$0x1C280] =	vst v63  }
0x56: {  	s20 =	sand.u32 $0xFFFFF80, s26  }
0x57: {  	s28 =	simm.s32 $0xD280;
	s29 =	spop (v2sf);
	s20 =	sadd.s32 s0, s20  }
0x58: {  	[tilespmem:s28], [sflag:$0x4] =	stream.strided.gather [hbm4b:s20+s9], $0x1000, s8, s9, $0x38;
	[tilespmem:$0x1C280] =	vst v63  }
0x59: {  	s20 =	sand.u32 $0xFFFFF80, s29  }
0x5a: {  	s30 =	simm.s32 $0xE280;
	s3 =	spop (v2sf);
	s20 =	sadd.s32 s0, s20  }
0x5b: {  	[tilespmem:s30], [sflag:$0x4] =	stream.strided.gather [hbm4b:s20+s9], $0x1000, s8, s9, $0x38;
	[tilespmem:$0x1C280] =	vst v63  }
0x5c: {  	s20 =	sand.u32 $0xFFFFF80, s3  }
0x5d: {  	s18 =	simm.s32 $0xF280;
	s20 =	sadd.s32 s0, s20  }
0x5e: {  	[tilespmem:s18], [sflag:$0x4] =	stream.strided.gather [hbm4b:s20+s9], $0x1000, s8, s9, $0x38;
	[tilespmem:$0x1C280] =	vst v63  }
0x5f: {  	v4 =	vld [tilespmem:$0x10];
	_ =	sdelay $0x4  }
0x60: {  	(v2sf) =	vpush v4, $0x0  }
0x61: {  	(v2sf) =	vpush v4, $0x1  }
0x62: {  	(v2sf) =	vpush v4, $0x2;
	_ =	sdelay $0x3  }
0x63: {  	(v2sf) =	vpush v4, $0x3;
	_ =	sdelay $0x8  }
0x64: {  	s21 =	spop (v2sf)  }
0x65: {  	s22 =	simm.s32 $0x10280;
	s20 =	sand.u32 $0xFFFFF80, s21;
	s21 =	spop (v2sf)  }
0x66: {  	s20 =	sadd.s32 s0, s20;
	s23 =	sand.u32 $0xFFFFF80, s21;
	s24 =	spop (v2sf)  }
0x67: {  	[tilespmem:s22], [sflag:$0x5] =	stream.strided.gather [hbm4b:s20+s9], $0x1000, s8, s9, $0x38;
	[tilespmem:$0x1C280] =	vst v63  }
0x68: {  	s25 =	simm.s32 $0x11280;
	s20 =	sadd.s32 s0, s23;
	s26 =	sand.u32 $0xFFFFF80, s24  }
0x69: {  	[tilespmem:s25], [sflag:$0x5] =	stream.strided.gather [hbm4b:s20+s9], $0x1000, s8, s9, $0x38;
	[tilespmem:$0x1C280] =	vst v63  }
0x6a: {  	s28 =	simm.s32 $0x12280;
	s29 =	spop (v2sf);
	s20 =	sadd.s32 s0, s26  }
0x6b: {  	[tilespmem:s28], [sflag:$0x5] =	stream.strided.gather [hbm4b:s20+s9], $0x1000, s8, s9, $0x38;
	[tilespmem:$0x1C280] =	vst v63  }
0x6c: {  	s20 =	sand.u32 $0xFFFFF80, s29  }
0x6d: {  	s30 =	simm.s32 $0x13280;
	s20 =	sadd.s32 s0, s20  }
0x6e: {  	[tilespmem:s30], [sflag:$0x5] =	stream.strided.gather [hbm4b:s20+s9], $0x1000, s8, s9, $0x38;
	[tilespmem:$0x1C280] =	vst v63  }
0x6f: {  	s21 =	simm.s32 $0x0;
	s22 =	simm.s32 $0x0;
	s20 =	simm.s32 $0x14  }
.LBB2_2:
0x70: {  	p0 =	seq.s32 s21, $0x1F8  }
0x71: {  	v4 =	vld @!p0 [tilespmem:s20+$0x0];
	_ =	sdelay $0x4  }
0x72: {  	(v2sf) =	vpush @!p0 v4, $0x0;
	_ =	sdelay $0x3  }
0x73: {  	(v2sf) =	vpush @!p0 v4, $0x1;
	_ =	sdelay $0x3  }
0x74: {  	(v2sf) =	vpush @!p0 v4, $0x2;
	_ =	sdelay $0x3  }
0x75: {  	(v2sf) =	vpush @!p0 v4, $0x3;
	_ =	sdelay $0x2  }
0x76: {  	s23 =	spop @!p0 (v2sf)  }
0x77: {  	s28 =	simm.s32 @!p0 $0x400;
	s23 =	sand.u32 @!p0 $0xFFFFF80, s23  }
0x78: {  	s29 =	simm.s32 @!p0 $0x7A1400;
	s26 =	simm.s32 @!p0 $0x14280;
	s23 =	sadd.s32 @!p0 s0, s23  }
0x79: {  	[tilespmem:s26], [sflag:$0x6] =	stream.strided.gather @!p0 [hbm4b:s23+s28], $0x1000, s29, s28, $0x38;
	[tilespmem:$0x1C280] =	vst v63  }
0x7a: {  	s23 =	spop @!p0 (v2sf)  }
0x7b: {  	s23 =	sand.u32 @!p0 $0xFFFFF80, s23  }
0x7c: {  	s25 =	simm.s32 @!p0 $0x15280;
	s23 =	sadd.s32 @!p0 s0, s23  }
0x7d: {  	[tilespmem:s25], [sflag:$0x6] =	stream.strided.gather @!p0 [hbm4b:s23+s28], $0x1000, s29, s28, $0x38;
	[tilespmem:$0x1C280] =	vst v63  }
0x7e: {  	s23 =	spop @!p0 (v2sf)  }
0x7f: {  	s23 =	sand.u32 @!p0 $0xFFFFF80, s23  }
0x80: {  	s24 =	simm.s32 @!p0 $0x16280;
	s23 =	sadd.s32 @!p0 s0, s23  }
0x81: {  	[tilespmem:s24], [sflag:$0x6] =	stream.strided.gather @!p0 [hbm4b:s23+s28], $0x1000, s29, s28, $0x38;
	[tilespmem:$0x1C280] =	vst v63  }
0x82: {  	s23 =	spop @!p0 (v2sf)  }
0x83: {  	s23 =	sand.u32 @!p0 $0xFFFFF80, s23  }
0x84: {  	s30 =	sadd.s32 @!p0 s0, s23;
	s23 =	simm.s32 @!p0 $0x17280  }
0x85: {  	[tilespmem:s23], [sflag:$0x6] =	stream.strided.gather @!p0 [hbm4b:s30+s28], $0x1000, s29, s28, $0x38;
	[tilespmem:$0x1C280] =	vst v63  }
0x86: {  	v4 =	vld [tilespmem:s20+$0xFFFFFFEC]  }
0x87: {  	_ =	swait.ge [sflag:s31], $0x1000  }
0x88: {  	[sflag:s31] =	ssyncset.done $0x0  }
0x89: {  	[sflag:s31] =	ssyncadd.s32 $0xFFFFF000  }
0x8a: {  	_ =	swait.ge [sflag:s31], $0x1000  }
0x8b: {  	[sflag:s31] =	ssyncset.done $0x0;
	v4 =	vand.u32 $0x7F, v4  }
0x8c: {  	[sflag:s31] =	ssyncadd.s32 $0xFFFFF000;
	v5 =	vbroadcast v4, $0x0  }
0x8d: {  	_ =	swait.ge [sflag:s31], $0x1000  }
0x8e: {  	[sflag:s31] =	ssyncset.done $0x0;
	v6 =	vor.u32 v0, v5  }
0x8f: {  	v7 =	vmov s21;
	[sflag:s31] =	ssyncadd.s32 $0xFFFFF000;
	v5 =	vor.u32 v1, v5  }
0x90: {  	v8 =	vshll.u32 v7, $0x3;
	_ =	swait.ge [sflag:s31], $0x1000  }
0x91: {  	v7 =	vand.u32 $0x78, v7;
	v8 =	vand.u32 $0x1C00, v8;
	[sflag:s31] =	ssyncset.done $0x0  }
0x92: {  	v7 =	vor.u32 v7, v8;
	[sflag:s31] =	ssyncadd.s32 $0xFFFFF000  }
0x93: {  	v8 =	vadd.s32 v2, v7;
	v9 =	vbroadcast v4, $0x1;
	v6 =	vld.idx.msk [tilespmem:v6+s10+$0x0], $0xffff  }
0x94: {  	v7 =	vadd.s32 v3, v7;
	v5 =	vld.idx.msk [tilespmem:v5+s10+$0x0], $0xffff  }
0x95: {  	s3 =	sadd.s32 $0x1, s21;
	v10 =	vor.u32 v0, v9  }
0x96: {  	v11 =	vmov s3;
	v9 =	vor.u32 v1, v9  }
0x97: {  	v12 =	vshll.u32 v11, $0x3  }
0x98: {  	v23 =	vand.u32 $0x79, v11;
	v24 =	vand.u32 $0x1C00, v12;
	[tilespmem:v8+s1+$0x0] =	vst.idx.msk $0xffff, v6  }
0x99: {  	[tilespmem:v7+s1+$0x0] =	vst.idx.msk $0xffff, v5;
	v5 =	vor.u32 v23, v24  }
0x9a: {  	v27 =	vbroadcast v4, $0x2;
	v25 =	vld.idx.msk [tilespmem:v10+s11+$0x0], $0xffff;
	v26 =	vadd.s32 v2, v5  }
0x9b: {  	v9 =	vld.idx.msk [tilespmem:v9+s11+$0x0], $0xffff;
	v5 =	vadd.s32 v3, v5  }
0x9c: {  	s18 =	sadd.s32 $0x2, s21;
	v28 =	vor.u32 v0, v27  }
0x9d: {  	v29 =	vmov s18;
	v8 =	vor.u32 v1, v27  }
0x9e: {  	v30 =	vshll.u32 v29, $0x3  }
0x9f: {  	v31 =	vand.u32 $0x7A, v29;
	v32 =	vand.u32 $0x1C00, v30;
	[tilespmem:v26+s1+$0x0] =	vst.idx.msk $0xffff, v25  }
0xa0: {  	[tilespmem:v5+s1+$0x0] =	vst.idx.msk $0xffff, v9;
	v5 =	vor.u32 v31, v32  }
0xa1: {  	v4 =	vbroadcast v4, $0x3;
	v33 =	vld.idx.msk [tilespmem:v28+s12+$0x0], $0xffff;
	v7 =	vadd.s32 v2, v5  }
0xa2: {  	v8 =	vld.idx.msk [tilespmem:v8+s12+$0x0], $0xffff;
	v5 =	vadd.s32 v3, v5  }
0xa3: {  	s3 =	sadd.s32 $0x3, s21;
	v34 =	vor.u32 v0, v4  }
0xa4: {  	v35 =	vmov s3;
	v4 =	vor.u32 v1, v4  }
0xa5: {  	v36 =	vshll.u32 v35, $0x3  }
0xa6: {  	v37 =	vand.u32 $0x7B, v35;
	v38 =	vand.u32 $0x1C00, v36;
	[tilespmem:v7+s1+$0x0] =	vst.idx.msk $0xffff, v33  }
0xa7: {  	[tilespmem:v5+s1+$0x0] =	vst.idx.msk $0xffff, v8;
	v5 =	vor.u32 v37, v38  }
0xa8: {  	v39 =	vld.idx.msk [tilespmem:v34+s13+$0x0], $0xffff;
	v7 =	vadd.s32 v2, v5  }
0xa9: {  	v4 =	vld.idx.msk [tilespmem:v4+s13+$0x0], $0xffff;
	v5 =	vadd.s32 v3, v5;
	_ =	sdelay $0x3  }
0xaa: {  	[tilespmem:v7+s1+$0x0] =	vst.idx.msk $0xffff, v39  }
0xab: {  	[tilespmem:v5+s1+$0x0] =	vst.idx.msk $0xffff, v4  }
0xac: {  	v4 =	vld @!p0 [tilespmem:s20+$0x4];
	_ =	sdelay $0x4  }
0xad: {  	(v2sf) =	vpush @!p0 v4, $0x0;
	_ =	sdelay $0x3  }
0xae: {  	(v2sf) =	vpush @!p0 v4, $0x1;
	_ =	sdelay $0x3  }
0xaf: {  	(v2sf) =	vpush @!p0 v4, $0x2;
	_ =	sdelay $0x3  }
0xb0: {  	(v2sf) =	vpush @!p0 v4, $0x3;
	_ =	sdelay $0x2  }
0xb1: {  	s30 =	spop @!p0 (v2sf)  }
0xb2: {  	s30 =	sand.u32 @!p0 $0xFFFFF80, s30  }
0xb3: {  	s3 =	simm.s32 @!p0 $0x280;
	s30 =	sadd.s32 @!p0 s0, s30  }
0xb4: {  	[tilespmem:s3], [sflag:$0x1] =	stream.strided.gather @!p0 [hbm4b:s30+s28], $0x1000, s29, s28, $0x38;
	[tilespmem:$0x1C280] =	vst v63  }
0xb5: {  	s3 =	spop @!p0 (v2sf)  }
0xb6: {  	s3 =	sand.u32 @!p0 $0xFFFFF80, s3  }
0xb7: {  	s30 =	simm.s32 @!p0 $0x1280;
	s3 =	sadd.s32 @!p0 s0, s3  }
0xb8: {  	[tilespmem:s30], [sflag:$0x1] =	stream.strided.gather @!p0 [hbm4b:s3+s28], $0x1000, s29, s28, $0x38;
	[tilespmem:$0x1C280] =	vst v63  }
0xb9: {  	s3 =	spop @!p0 (v2sf)  }
0xba: {  	s3 =	sand.u32 @!p0 $0xFFFFF80, s3  }
0xbb: {  	s30 =	simm.s32 @!p0 $0x2280;
	s3 =	sadd.s32 @!p0 s0, s3  }
0xbc: {  	[tilespmem:s30], [sflag:$0x1] =	stream.strided.gather @!p0 [hbm4b:s3+s28], $0x1000, s29, s28, $0x38;
	[tilespmem:$0x1C280] =	vst v63  }
0xbd: {  	s3 =	spop @!p0 (v2sf)  }
0xbe: {  	s3 =	sand.u32 @!p0 $0xFFFFF80, s3  }
0xbf: {  	s30 =	simm.s32 @!p0 $0x3280;
	s3 =	sadd.s32 @!p0 s0, s3  }
0xc0: {  	[tilespmem:s30], [sflag:$0x1] =	stream.strided.gather @!p0 [hbm4b:s3+s28], $0x1000, s29, s28, $0x38;
	[tilespmem:$0x1C280] =	vst v63  }
0xc1: {  	v4 =	vld [tilespmem:s20+$0xFFFFFFF0]  }
0xc2: {  	_ =	swait.ge [sflag:s2], $0x1000  }
0xc3: {  	[sflag:s2] =	ssyncset.done $0x0  }
0xc4: {  	[sflag:s2] =	ssyncadd.s32 $0xFFFFF000  }
0xc5: {  	_ =	swait.ge [sflag:s2], $0x1000  }
0xc6: {  	[sflag:s2] =	ssyncset.done $0x0;
	v4 =	vand.u32 $0x7F, v4  }
0xc7: {  	[sflag:s2] =	ssyncadd.s32 $0xFFFFF000;
	v5 =	vbroadcast v4, $0x0  }
0xc8: {  	_ =	swait.ge [sflag:s2], $0x1000  }
0xc9: {  	s18 =	sadd.s32 $0x4, s21;
	[sflag:s2] =	ssyncset.done $0x0;
	v40 =	vor.u32 v0, v5  }
0xca: {  	v41 =	vmov s18;
	[sflag:s2] =	ssyncadd.s32 $0xFFFFF000;
	v5 =	vor.u32 v1, v5  }
0xcb: {  	v42 =	vshll.u32 v41, $0x3;
	_ =	swait.ge [sflag:s2], $0x1000  }
0xcc: {  	v8 =	vand.u32 $0x1C00, v42;
	v7 =	vand.u32 $0x7C, v41;
	[sflag:s2] =	ssyncset.done $0x0  }
0xcd: {  	v7 =	vor.u32 v7, v8;
	[sflag:s2] =	ssyncadd.s32 $0xFFFFF000  }
0xce: {  	v8 =	vadd.s32 v2, v7;
	v43 =	vbroadcast v4, $0x1;
	v6 =	vld.idx.msk [tilespmem:v40+s14+$0x0], $0xffff  }
0xcf: {  	v7 =	vadd.s32 v3, v7;
	v5 =	vld.idx.msk [tilespmem:v5+s14+$0x0], $0xffff  }
0xd0: {  	s30 =	sadd.s32 $0x5, s21;
	v44 =	vor.u32 v0, v43  }
0xd1: {  	v45 =	vmov s30;
	v9 =	vor.u32 v1, v43  }
0xd2: {  	v46 =	vshll.u32 v45, $0x3  }
0xd3: {  	v47 =	vand.u32 $0x7D, v45;
	v48 =	vand.u32 $0x1C00, v46;
	[tilespmem:v8+s1+$0x0] =	vst.idx.msk $0xffff, v6  }
0xd4: {  	[tilespmem:v7+s1+$0x0] =	vst.idx.msk $0xffff, v5;
	v5 =	vor.u32 v47, v48  }
0xd5: {  	v51 =	vbroadcast v4, $0x2;
	v49 =	vld.idx.msk [tilespmem:v44+s15+$0x0], $0xffff;
	v50 =	vadd.s32 v2, v5  }
0xd6: {  	v9 =	vld.idx.msk [tilespmem:v9+s15+$0x0], $0xffff;
	v5 =	vadd.s32 v3, v5  }
0xd7: {  	s18 =	sadd.s32 $0x6, s21;
	v52 =	vor.u32 v0, v51  }
0xd8: {  	v53 =	vmov s18;
	v8 =	vor.u32 v1, v51  }
0xd9: {  	v54 =	vshll.u32 v53, $0x3  }
0xda: {  	v55 =	vand.u32 $0x7E, v53;
	v56 =	vand.u32 $0x1C00, v54;
	[tilespmem:v50+s1+$0x0] =	vst.idx.msk $0xffff, v49  }
0xdb: {  	[tilespmem:v5+s1+$0x0] =	vst.idx.msk $0xffff, v9;
	v5 =	vor.u32 v55, v56  }
0xdc: {  	v4 =	vbroadcast v4, $0x3;
	v57 =	vld.idx.msk [tilespmem:v52+s16+$0x0], $0xffff;
	v7 =	vadd.s32 v2, v5  }
0xdd: {  	v8 =	vld.idx.msk [tilespmem:v8+s16+$0x0], $0xffff;
	v5 =	vadd.s32 v3, v5  }
0xde: {  	s30 =	sadd.s32 $0x7, s21;
	v58 =	vor.u32 v0, v4  }
0xdf: {  	v59 =	vmov s30;
	v4 =	vor.u32 v1, v4  }
0xe0: {  	v60 =	vshll.u32 v59, $0x3  }
0xe1: {  	v61 =	vand.u32 $0x7F, v59;
	v62 =	vand.u32 $0x1C00, v60;
	[tilespmem:v7+s1+$0x0] =	vst.idx.msk $0xffff, v57  }
0xe2: {  	[tilespmem:v5+s1+$0x0] =	vst.idx.msk $0xffff, v8;
	v5 =	vor.u32 v61, v62  }
0xe3: {  	v63 =	vld.idx.msk [tilespmem:v58+s17+$0x0], $0xffff;
	v7 =	vadd.s32 v2, v5  }
0xe4: {  	v4 =	vld.idx.msk [tilespmem:v4+s17+$0x0], $0xffff;
	v5 =	vadd.s32 v3, v5;
	_ =	sdelay $0x3  }
0xe5: {  	[tilespmem:v7+s1+$0x0] =	vst.idx.msk $0xffff, v63  }
0xe6: {  	[tilespmem:v5+s1+$0x0] =	vst.idx.msk $0xffff, v4  }
0xe7: {  	v4 =	vld @!p0 [tilespmem:s20+$0x8];
	_ =	sdelay $0x4  }
0xe8: {  	(v2sf) =	vpush @!p0 v4, $0x0;
	_ =	sdelay $0x3  }
0xe9: {  	(v2sf) =	vpush @!p0 v4, $0x1;
	_ =	sdelay $0x3  }
0xea: {  	(v2sf) =	vpush @!p0 v4, $0x2;
	_ =	sdelay $0x3  }
0xeb: {  	(v2sf) =	vpush @!p0 v4, $0x3;
	_ =	sdelay $0x2  }
0xec: {  	s3 =	spop @!p0 (v2sf)  }
0xed: {  	s3 =	sand.u32 @!p0 $0xFFFFF80, s3  }
0xee: {  	s30 =	simm.s32 @!p0 $0x4280;
	s3 =	sadd.s32 @!p0 s0, s3  }
0xef: {  	[tilespmem:s30], [sflag:$0x2] =	stream.strided.gather @!p0 [hbm4b:s3+s28], $0x1000, s29, s28, $0x38;
	[tilespmem:$0x1C280] =	vst v63  }
0xf0: {  	s3 =	spop @!p0 (v2sf)  }
0xf1: {  	s3 =	sand.u32 @!p0 $0xFFFFF80, s3  }
0xf2: {  	s30 =	simm.s32 @!p0 $0x5280;
	s3 =	sadd.s32 @!p0 s0, s3  }
0xf3: {  	[tilespmem:s30], [sflag:$0x2] =	stream.strided.gather @!p0 [hbm4b:s3+s28], $0x1000, s29, s28, $0x38;
	[tilespmem:$0x1C280] =	vst v63  }
0xf4: {  	s3 =	spop @!p0 (v2sf)  }
0xf5: {  	s3 =	sand.u32 @!p0 $0xFFFFF80, s3  }
0xf6: {  	s30 =	simm.s32 @!p0 $0x6280;
	s3 =	sadd.s32 @!p0 s0, s3  }
0xf7: {  	[tilespmem:s30], [sflag:$0x2] =	stream.strided.gather @!p0 [hbm4b:s3+s28], $0x1000, s29, s28, $0x38;
	[tilespmem:$0x1C280] =	vst v63  }
0xf8: {  	s3 =	spop @!p0 (v2sf)  }
0xf9: {  	s3 =	sand.u32 @!p0 $0xFFFFF80, s3  }
0xfa: {  	s30 =	simm.s32 @!p0 $0x7280;
	s3 =	sadd.s32 @!p0 s0, s3  }
0xfb: {  	[tilespmem:s30], [sflag:$0x2] =	stream.strided.gather @!p0 [hbm4b:s3+s28], $0x1000, s29, s28, $0x38;
	[tilespmem:$0x1C280] =	vst v63  }
0xfc: {  	v4 =	vld @!p0 [tilespmem:s20+$0xFFFFFFF4];
	_ =	sdelay $0x4  }
0xfd: {  	v8 =	vand.u32 @!p0 $0x7F, v4;
	v4 =	vlaneseq.u32 @!p0  }
0xfe: {  	v4 =	vmul.u32 @!p0 $0x80, v4  }
0xff: {  	s3 =	sadd.s32 @!p0 $0x8, s21;
	v6 =	vbroadcast @!p0 v8, $0x0  }
0x100: {  	vm0 =	vcmask @!p0 $0x300;
	v7 =	vmov @!p0 s3;
	v5 =	vor.u32 @!p0 $0x800, v4  }
0x101: {  	v9 =	vor.u32 @!p0 v4, v6;
	v10 =	vor.u32 @!p0 v5, v6;
	v6 =	vshll.u32 @!p0 v7, $0x3  }
0x102: {  	v11 =	vand.u32 @!p0 $0x78, v7;
	v7 =	vand.u32 @!p0 $0x3C00, v6;
	v6 =	vimm.s32 @!p0 $0x1380  }
0x103: {  	vm1 =	vcmask @!p0 $0x704;
	v12 =	vimm.s32 @!p0 $0x3380;
	v6 =	vsel @!p0 vm0, $0x0, v6  }
0x104: {  	vm2 =	vcmask @!p0 $0xB08;
	v12 =	vsel @!p0 vm0, $0x2000, v12;
	v6 =	vsel @!p0 vm1, $0x80, v6  }
0x105: {  	v12 =	vsel @!p0 vm1, $0x2080, v12;
	s3 =	simm.s32 @!p0 $0x3;
	vm0 =	vcmask @!p0 $0xF0C;
	v6 =	vsel @!p0 vm2, $0x100, v6  }
0x106: {  	v12 =	vsel @!p0 vm2, $0x2100, v12;
	_ =	swait.ge @!p0 [sflag:s3], $0x1000;
	vm1 =	vcmask @!p0 $0x1310;
	v6 =	vsel @!p0 vm0, $0x180, v6  }
0x107: {  	[sflag:s3] =	ssyncset.done @!p0 $0x0;
	v12 =	vsel @!p0 vm0, $0x2180, v12;
	vm2 =	vcmask @!p0 $0x1714;
	v6 =	vsel @!p0 vm1, $0x200, v6  }
0x108: {  	[sflag:s3] =	ssyncadd.s32 @!p0 $0xFFFFF000;
	v12 =	vsel @!p0 vm1, $0x2200, v12;
	vm0 =	vcmask @!p0 $0x1B18;
	v6 =	vsel @!p0 vm2, $0x280, v6  }
0x109: {  	_ =	swait.ge @!p0 [sflag:s3], $0x1000;
	v12 =	vsel @!p0 vm2, $0x2280, v12;
	vm1 =	vcmask @!p0 $0x1F1C;
	v6 =	vsel @!p0 vm0, $0x300, v6  }
0x10a: {  	[sflag:s3] =	ssyncset.done @!p0 $0x0;
	v12 =	vsel @!p0 vm0, $0x2300, v12;
	vm2 =	vcmask @!p0 $0x2320;
	v6 =	vsel @!p0 vm1, $0x380, v6  }
0x10b: {  	[sflag:s3] =	ssyncadd.s32 @!p0 $0xFFFFF000;
	v12 =	vsel @!p0 vm1, $0x2380, v12;
	vm0 =	vcmask @!p0 $0x2724;
	v6 =	vsel @!p0 vm2, $0x1000, v6  }
0x10c: {  	_ =	swait.ge @!p0 [sflag:s3], $0x1000;
	v12 =	vsel @!p0 vm2, $0x3000, v12;
	vm1 =	vcmask @!p0 $0x2B28;
	v6 =	vsel @!p0 vm0, $0x1080, v6  }
0x10d: {  	[sflag:s3] =	ssyncset.done @!p0 $0x0;
	v12 =	vsel @!p0 vm0, $0x3080, v12;
	vm2 =	vcmask @!p0 $0x2F2C;
	v6 =	vsel @!p0 vm1, $0x1100, v6  }
0x10e: {  	[sflag:s3] =	ssyncadd.s32 @!p0 $0xFFFFF000;
	v12 =	vsel @!p0 vm1, $0x3100, v12;
	vm0 =	vcmask @!p0 $0x3330;
	v6 =	vsel @!p0 vm2, $0x1180, v6  }
0x10f: {  	_ =	swait.ge @!p0 [sflag:s3], $0x1000;
	v12 =	vsel @!p0 vm2, $0x3180, v12;
	vm1 =	vcmask @!p0 $0x3734;
	v6 =	vsel @!p0 vm0, $0x1200, v6  }
0x110: {  	[sflag:s3] =	ssyncset.done @!p0 $0x0;
	v12 =	vsel @!p0 vm0, $0x3200, v12;
	vm2 =	vcmask @!p0 $0x3B38;
	v6 =	vsel @!p0 vm1, $0x1280, v6  }
0x111: {  	v11 =	vor.u32 @!p0 v11, v7;
	[sflag:s3] =	ssyncadd.s32 @!p0 $0xFFFFF000;
	s3 =	simm.s32 @!p0 $0x8280;
	v7 =	vsel @!p0 vm1, $0x3280, v12;
	v6 =	vsel @!p0 vm2, $0x1300, v6  }
0x112: {  	v13 =	vbroadcast @!p0 v8, $0x1;
	v9 =	vld.idx.msk @!p0 [tilespmem:v9+s3+$0x0], $0xffff;
	v7 =	vsel @!p0 vm2, $0x3300, v7;
	v12 =	vadd.s32 @!p0 v6, v11  }
0x113: {  	v10 =	vld.idx.msk @!p0 [tilespmem:v10+s3+$0x0], $0xffff;
	v11 =	vadd.s32 @!p0 v7, v11  }
0x114: {  	v14 =	vor.u32 @!p0 v4, v13;
	s3 =	sadd.s32 @!p0 $0x9, s21  }
0x115: {  	v13 =	vor.u32 @!p0 v5, v13;
	v15 =	vmov @!p0 s3  }
0x116: {  	s28 =	simm.s32 @!p0 $0x18280;
	v16 =	vshll.u32 @!p0 v15, $0x3  }
0x117: {  	[tilespmem:v12+s28+$0x0] =	vst.idx.msk @!p0 $0xffff, v9;
	v9 =	vand.u32 @!p0 $0x79, v15;
	v12 =	vand.u32 @!p0 $0x7FFFFC00, v16  }
0x118: {  	s3 =	simm.s32 @!p0 $0x9280;
	[tilespmem:v11+s28+$0x0] =	vst.idx.msk @!p0 $0xffff, v10;
	v9 =	vor.u32 @!p0 v9, v12  }
0x119: {  	v12 =	vbroadcast @!p0 v8, $0x2;
	v10 =	vld.idx.msk @!p0 [tilespmem:v14+s3+$0x0], $0xffff;
	v11 =	vadd.s32 @!p0 v6, v9  }
0x11a: {  	v13 =	vld.idx.msk @!p0 [tilespmem:v13+s3+$0x0], $0xffff;
	v9 =	vadd.s32 @!p0 v7, v9  }
0x11b: {  	s3 =	sadd.s32 @!p0 $0xA, s21;
	v14 =	vor.u32 @!p0 v4, v12  }
0x11c: {  	v15 =	vmov @!p0 s3;
	v12 =	vor.u32 @!p0 v5, v12  }
0x11d: {  	v16 =	vshll.u32 @!p0 v15, $0x3  }
0x11e: {  	[tilespmem:v11+s28+$0x0] =	vst.idx.msk @!p0 $0xffff, v10;
	v10 =	vand.u32 @!p0 $0x7A, v15;
	v11 =	vand.u32 @!p0 $0x7FFFFC00, v16  }
0x11f: {  	s3 =	simm.s32 @!p0 $0xA280;
	[tilespmem:v9+s28+$0x0] =	vst.idx.msk @!p0 $0xffff, v13;
	v9 =	vor.u32 @!p0 v10, v11  }
0x120: {  	v8 =	vbroadcast @!p0 v8, $0x3;
	v10 =	vld.idx.msk @!p0 [tilespmem:v14+s3+$0x0], $0xffff;
	v11 =	vadd.s32 @!p0 v6, v9  }
0x121: {  	v12 =	vld.idx.msk @!p0 [tilespmem:v12+s3+$0x0], $0xffff;
	v9 =	vadd.s32 @!p0 v7, v9  }
0x122: {  	v13 =	vor.u32 @!p0 v4, v8;
	s3 =	sadd.s32 @!p0 $0xB, s21  }
0x123: {  	v8 =	vor.u32 @!p0 v5, v8;
	v14 =	vmov @!p0 s3  }
0x124: {  	v15 =	vshll.u32 @!p0 v14, $0x3  }
0x125: {  	[tilespmem:v11+s28+$0x0] =	vst.idx.msk @!p0 $0xffff, v10;
	v10 =	vand.u32 @!p0 $0x7B, v14;
	v11 =	vand.u32 @!p0 $0x7FFFFC00, v15  }
0x126: {  	s3 =	simm.s32 @!p0 $0xB280;
	[tilespmem:v9+s28+$0x0] =	vst.idx.msk @!p0 $0xffff, v12;
	v9 =	vor.u32 @!p0 v10, v11  }
0x127: {  	v10 =	vld.idx.msk @!p0 [tilespmem:v13+s3+$0x0], $0xffff;
	v11 =	vadd.s32 @!p0 v6, v9  }
0x128: {  	v8 =	vld.idx.msk @!p0 [tilespmem:v8+s3+$0x0], $0xffff;
	v9 =	vadd.s32 @!p0 v7, v9;
	_ =	sdelay $0x3  }
0x129: {  	p1 =	sgt.u32 @!p0 s22, $0x13;
	[tilespmem:v11+s28+$0x0] =	vst.idx.msk @!p0 $0xffff, v10  }
0x12a: {  	p1 =	por p1, p0;
	[tilespmem:v9+s28+$0x0] =	vst.idx.msk @!p0 $0xffff, v8  }
0x12b: {  	v8 =	vld @!p1 [tilespmem:s20+$0xC];
	_ =	sdelay $0x4  }
0x12c: {  	(v2sf) =	vpush @!p1 v8, $0x0;
	_ =	sdelay $0x3  }
0x12d: {  	(v2sf) =	vpush @!p1 v8, $0x1;
	_ =	sdelay $0x3  }
0x12e: {  	(v2sf) =	vpush @!p1 v8, $0x2;
	_ =	sdelay $0x3  }
0x12f: {  	(v2sf) =	vpush @!p1 v8, $0x3;
	_ =	sdelay $0x2  }
0x130: {  	s3 =	spop @!p1 (v2sf)  }
0x131: {  	s18 =	simm.s32 @!p1 $0x8280;
	s3 =	sand.u32 @!p1 $0xFFFFF80, s3  }
0x132: {  	s29 =	simm.s32 @!p1 $0x400;
	s30 =	simm.s32 @!p1 $0x7A1400;
	s3 =	sadd.s32 @!p1 s0, s3  }
0x133: {  	[tilespmem:s18], [sflag:$0x3] =	stream.strided.gather @!p1 [hbm4b:s3+s29], $0x1000, s30, s29, $0x38;
	[tilespmem:$0x1C280] =	vst v63  }
0x134: {  	s3 =	spop @!p1 (v2sf)  }
0x135: {  	s3 =	sand.u32 @!p1 $0xFFFFF80, s3  }
0x136: {  	s18 =	simm.s32 @!p1 $0x9280;
	s3 =	sadd.s32 @!p1 s0, s3  }
0x137: {  	[tilespmem:s18], [sflag:$0x3] =	stream.strided.gather @!p1 [hbm4b:s3+s29], $0x1000, s30, s29, $0x38;
	[tilespmem:$0x1C280] =	vst v63  }
0x138: {  	s3 =	spop @!p1 (v2sf)  }
0x139: {  	s3 =	sand.u32 @!p1 $0xFFFFF80, s3  }
0x13a: {  	s18 =	simm.s32 @!p1 $0xA280;
	s3 =	sadd.s32 @!p1 s0, s3  }
0x13b: {  	[tilespmem:s18], [sflag:$0x3] =	stream.strided.gather @!p1 [hbm4b:s3+s29], $0x1000, s30, s29, $0x38;
	[tilespmem:$0x1C280] =	vst v63  }
0x13c: {  	s3 =	spop @!p1 (v2sf)  }
0x13d: {  	s3 =	sand.u32 @!p1 $0xFFFFF80, s3  }
0x13e: {  	s18 =	simm.s32 @!p1 $0xB280;
	s3 =	sadd.s32 @!p1 s0, s3  }
0x13f: {  	[tilespmem:s18], [sflag:$0x3] =	stream.strided.gather @!p1 [hbm4b:s3+s29], $0x1000, s30, s29, $0x38;
	[tilespmem:$0x1C280] =	vst v63  }
0x140: {  	s3 =	simm.s32 @!p0 $0x4;
	v8 =	vld @!p0 [tilespmem:s20+$0xFFFFFFF8]  }
0x141: {  	_ =	swait.ge @!p0 [sflag:s3], $0x1000  }
0x142: {  	[sflag:s3] =	ssyncset.done @!p0 $0x0  }
0x143: {  	[sflag:s3] =	ssyncadd.s32 @!p0 $0xFFFFF000  }
0x144: {  	_ =	swait.ge @!p0 [sflag:s3], $0x1000  }
0x145: {  	[sflag:s3] =	ssyncset.done @!p0 $0x0;
	v8 =	vand.u32 @!p0 $0x7F, v8  }
0x146: {  	[sflag:s3] =	ssyncadd.s32 @!p0 $0xFFFFF000;
	v9 =	vbroadcast @!p0 v8, $0x0  }
0x147: {  	_ =	swait.ge @!p0 [sflag:s3], $0x1000  }
0x148: {  	s18 =	sadd.s32 @!p0 $0xC, s21;
	[sflag:s3] =	ssyncset.done @!p0 $0x0;
	v10 =	vor.u32 @!p0 v4, v9  }
0x149: {  	v11 =	vmov @!p0 s18;
	[sflag:s3] =	ssyncadd.s32 @!p0 $0xFFFFF000;
	v9 =	vor.u32 @!p0 v5, v9  }
0x14a: {  	v12 =	vshll.u32 @!p0 v11, $0x3;
	_ =	swait.ge @!p0 [sflag:s3], $0x1000  }
0x14b: {  	v11 =	vand.u32 @!p0 $0x7C, v11;
	v12 =	vand.u32 @!p0 $0x3C00, v12;
	[sflag:s3] =	ssyncset.done @!p0 $0x0  }
0x14c: {  	v11 =	vor.u32 @!p0 v11, v12;
	[sflag:s3] =	ssyncadd.s32 @!p0 $0xFFFFF000;
	s3 =	simm.s32 @!p0 $0xC280  }
0x14d: {  	v12 =	vadd.s32 @!p0 v6, v11;
	v13 =	vbroadcast @!p0 v8, $0x1;
	v10 =	vld.idx.msk @!p0 [tilespmem:v10+s3+$0x0], $0xffff  }
0x14e: {  	v11 =	vadd.s32 @!p0 v7, v11;
	v9 =	vld.idx.msk @!p0 [tilespmem:v9+s3+$0x0], $0xffff  }
0x14f: {  	v14 =	vor.u32 @!p0 v4, v13;
	s3 =	sadd.s32 @!p0 $0xD, s21  }
0x150: {  	v13 =	vor.u32 @!p0 v5, v13;
	v15 =	vmov @!p0 s3  }
0x151: {  	v16 =	vshll.u32 @!p0 v15, $0x3  }
0x152: {  	[tilespmem:v12+s28+$0x0] =	vst.idx.msk @!p0 $0xffff, v10;
	v10 =	vand.u32 @!p0 $0x7D, v15;
	v12 =	vand.u32 @!p0 $0x7FFFFC00, v16  }
0x153: {  	s3 =	simm.s32 @!p0 $0xD280;
	[tilespmem:v11+s28+$0x0] =	vst.idx.msk @!p0 $0xffff, v9;
	v9 =	vor.u32 @!p0 v10, v12  }
0x154: {  	v12 =	vbroadcast @!p0 v8, $0x2;
	v10 =	vld.idx.msk @!p0 [tilespmem:v14+s3+$0x0], $0xffff;
	v11 =	vadd.s32 @!p0 v6, v9  }
0x155: {  	v13 =	vld.idx.msk @!p0 [tilespmem:v13+s3+$0x0], $0xffff;
	v9 =	vadd.s32 @!p0 v7, v9  }
0x156: {  	s3 =	sadd.s32 @!p0 $0xE, s21;
	v14 =	vor.u32 @!p0 v4, v12  }
0x157: {  	v15 =	vmov @!p0 s3;
	v12 =	vor.u32 @!p0 v5, v12  }
0x158: {  	v16 =	vshll.u32 @!p0 v15, $0x3  }
0x159: {  	[tilespmem:v11+s28+$0x0] =	vst.idx.msk @!p0 $0xffff, v10;
	v10 =	vand.u32 @!p0 $0x7E, v15;
	v11 =	vand.u32 @!p0 $0x7FFFFC00, v16  }
0x15a: {  	s3 =	simm.s32 @!p0 $0xE280;
	[tilespmem:v9+s28+$0x0] =	vst.idx.msk @!p0 $0xffff, v13;
	v9 =	vor.u32 @!p0 v10, v11  }
0x15b: {  	v8 =	vbroadcast @!p0 v8, $0x3;
	v10 =	vld.idx.msk @!p0 [tilespmem:v14+s3+$0x0], $0xffff;
	v11 =	vadd.s32 @!p0 v6, v9  }
0x15c: {  	v12 =	vld.idx.msk @!p0 [tilespmem:v12+s3+$0x0], $0xffff;
	v9 =	vadd.s32 @!p0 v7, v9  }
0x15d: {  	v13 =	vor.u32 @!p0 v4, v8;
	s3 =	sadd.s32 @!p0 $0xF, s21  }
0x15e: {  	v8 =	vor.u32 @!p0 v5, v8;
	v14 =	vmov @!p0 s3  }
0x15f: {  	v15 =	vshll.u32 @!p0 v14, $0x3  }
0x160: {  	[tilespmem:v11+s28+$0x0] =	vst.idx.msk @!p0 $0xffff, v10;
	v10 =	vand.u32 @!p0 $0x7F, v14;
	v11 =	vand.u32 @!p0 $0x7FFFFC00, v15  }
0x161: {  	s3 =	simm.s32 @!p0 $0xF280;
	[tilespmem:v9+s28+$0x0] =	vst.idx.msk @!p0 $0xffff, v12;
	v9 =	vor.u32 @!p0 v10, v11  }
0x162: {  	v10 =	vld.idx.msk @!p0 [tilespmem:v13+s3+$0x0], $0xffff;
	v11 =	vadd.s32 @!p0 v6, v9  }
0x163: {  	v8 =	vld.idx.msk @!p0 [tilespmem:v8+s3+$0x0], $0xffff;
	v9 =	vadd.s32 @!p0 v7, v9;
	_ =	sdelay $0x3  }
0x164: {  	[tilespmem:v11+s28+$0x0] =	vst.idx.msk @!p0 $0xffff, v10  }
0x165: {  	[tilespmem:v9+s28+$0x0] =	vst.idx.msk @!p0 $0xffff, v8  }
0x166: {  	v8 =	vld @!p1 [tilespmem:s20+$0x10];
	_ =	sdelay $0x4  }
0x167: {  	(v2sf) =	vpush @!p1 v8, $0x0;
	_ =	sdelay $0x3  }
0x168: {  	(v2sf) =	vpush @!p1 v8, $0x1;
	_ =	sdelay $0x3  }
0x169: {  	(v2sf) =	vpush @!p1 v8, $0x2;
	_ =	sdelay $0x3  }
0x16a: {  	(v2sf) =	vpush @!p1 v8, $0x3;
	_ =	sdelay $0x2  }
0x16b: {  	s3 =	spop @!p1 (v2sf)  }
0x16c: {  	s3 =	sand.u32 @!p1 $0xFFFFF80, s3  }
0x16d: {  	s18 =	simm.s32 @!p1 $0xC280;
	s3 =	sadd.s32 @!p1 s0, s3  }
0x16e: {  	[tilespmem:s18], [sflag:$0x4] =	stream.strided.gather @!p1 [hbm4b:s3+s29], $0x1000, s30, s29, $0x38;
	[tilespmem:$0x1C280] =	vst v63  }
0x16f: {  	s3 =	spop @!p1 (v2sf)  }
0x170: {  	s3 =	sand.u32 @!p1 $0xFFFFF80, s3  }
0x171: {  	s18 =	simm.s32 @!p1 $0xD280;
	s3 =	sadd.s32 @!p1 s0, s3  }
0x172: {  	[tilespmem:s18], [sflag:$0x4] =	stream.strided.gather @!p1 [hbm4b:s3+s29], $0x1000, s30, s29, $0x38;
	[tilespmem:$0x1C280] =	vst v63  }
0x173: {  	s3 =	spop @!p1 (v2sf)  }
0x174: {  	s3 =	sand.u32 @!p1 $0xFFFFF80, s3  }
0x175: {  	s18 =	simm.s32 @!p1 $0xE280;
	s3 =	sadd.s32 @!p1 s0, s3  }
0x176: {  	[tilespmem:s18], [sflag:$0x4] =	stream.strided.gather @!p1 [hbm4b:s3+s29], $0x1000, s30, s29, $0x38;
	[tilespmem:$0x1C280] =	vst v63  }
0x177: {  	s3 =	spop @!p1 (v2sf)  }
0x178: {  	s3 =	sand.u32 @!p1 $0xFFFFF80, s3  }
0x179: {  	s18 =	simm.s32 @!p1 $0xF280;
	s3 =	sadd.s32 @!p1 s0, s3  }
0x17a: {  	[tilespmem:s18], [sflag:$0x4] =	stream.strided.gather @!p1 [hbm4b:s3+s29], $0x1000, s30, s29, $0x38;
	[tilespmem:$0x1C280] =	vst v63  }
0x17b: {  	s3 =	simm.s32 @!p0 $0x5;
	v8 =	vld @!p0 [tilespmem:s20+$0xFFFFFFFC]  }
0x17c: {  	_ =	swait.ge @!p0 [sflag:s3], $0x1000  }
0x17d: {  	[sflag:s3] =	ssyncset.done @!p0 $0x0  }
0x17e: {  	[sflag:s3] =	ssyncadd.s32 @!p0 $0xFFFFF000  }
0x17f: {  	_ =	swait.ge @!p0 [sflag:s3], $0x1000  }
0x180: {  	[sflag:s3] =	ssyncset.done @!p0 $0x0;
	v8 =	vand.u32 @!p0 $0x7F, v8  }
0x181: {  	[sflag:s3] =	ssyncadd.s32 @!p0 $0xFFFFF000;
	v9 =	vbroadcast @!p0 v8, $0x0  }
0x182: {  	_ =	swait.ge @!p0 [sflag:s3], $0x1000  }
0x183: {  	s18 =	sadd.s32 @!p0 $0x10, s21;
	[sflag:s3] =	ssyncset.done @!p0 $0x0;
	v10 =	vor.u32 @!p0 v4, v9  }
0x184: {  	v11 =	vmov @!p0 s18;
	[sflag:s3] =	ssyncadd.s32 @!p0 $0xFFFFF000;
	v9 =	vor.u32 @!p0 v5, v9  }
0x185: {  	v12 =	vshll.u32 @!p0 v11, $0x3;
	_ =	swait.ge @!p0 [sflag:s3], $0x1000  }
0x186: {  	v11 =	vand.u32 @!p0 $0x78, v11;
	v12 =	vand.u32 @!p0 $0x3C00, v12;
	[sflag:s3] =	ssyncset.done @!p0 $0x0  }
0x187: {  	v11 =	vor.u32 @!p0 v11, v12;
	[sflag:s3] =	ssyncadd.s32 @!p0 $0xFFFFF000;
	s3 =	simm.s32 @!p0 $0x10280  }
0x188: {  	v12 =	vadd.s32 @!p0 v6, v11;
	v13 =	vbroadcast @!p0 v8, $0x1;
	v10 =	vld.idx.msk @!p0 [tilespmem:v10+s3+$0x0], $0xffff  }
0x189: {  	v11 =	vadd.s32 @!p0 v7, v11;
	v9 =	vld.idx.msk @!p0 [tilespmem:v9+s3+$0x0], $0xffff  }
0x18a: {  	v14 =	vor.u32 @!p0 v4, v13;
	s3 =	sadd.s32 @!p0 $0x11, s21  }
0x18b: {  	v13 =	vor.u32 @!p0 v5, v13;
	v15 =	vmov @!p0 s3  }
0x18c: {  	v16 =	vshll.u32 @!p0 v15, $0x3  }
0x18d: {  	[tilespmem:v12+s28+$0x0] =	vst.idx.msk @!p0 $0xffff, v10;
	v10 =	vand.u32 @!p0 $0x79, v15;
	v12 =	vand.u32 @!p0 $0x7FFFFC00, v16  }
0x18e: {  	s3 =	simm.s32 @!p0 $0x11280;
	[tilespmem:v11+s28+$0x0] =	vst.idx.msk @!p0 $0xffff, v9;
	v9 =	vor.u32 @!p0 v10, v12  }
0x18f: {  	v12 =	vbroadcast @!p0 v8, $0x2;
	v10 =	vld.idx.msk @!p0 [tilespmem:v14+s3+$0x0], $0xffff;
	v11 =	vadd.s32 @!p0 v6, v9  }
0x190: {  	v13 =	vld.idx.msk @!p0 [tilespmem:v13+s3+$0x0], $0xffff;
	v9 =	vadd.s32 @!p0 v7, v9  }
0x191: {  	s3 =	sadd.s32 @!p0 $0x12, s21;
	v14 =	vor.u32 @!p0 v4, v12  }
0x192: {  	v15 =	vmov @!p0 s3;
	v12 =	vor.u32 @!p0 v5, v12  }
0x193: {  	v16 =	vshll.u32 @!p0 v15, $0x3  }
0x194: {  	[tilespmem:v11+s28+$0x0] =	vst.idx.msk @!p0 $0xffff, v10;
	v10 =	vand.u32 @!p0 $0x7A, v15;
	v11 =	vand.u32 @!p0 $0x7FFFFC00, v16  }
0x195: {  	s3 =	simm.s32 @!p0 $0x12280;
	[tilespmem:v9+s28+$0x0] =	vst.idx.msk @!p0 $0xffff, v13;
	v9 =	vor.u32 @!p0 v10, v11  }
0x196: {  	v8 =	vbroadcast @!p0 v8, $0x3;
	v10 =	vld.idx.msk @!p0 [tilespmem:v14+s3+$0x0], $0xffff;
	v11 =	vadd.s32 @!p0 v6, v9  }
0x197: {  	v12 =	vld.idx.msk @!p0 [tilespmem:v12+s3+$0x0], $0xffff;
	v9 =	vadd.s32 @!p0 v7, v9  }
0x198: {  	v13 =	vor.u32 @!p0 v4, v8;
	s3 =	sadd.s32 @!p0 $0x13, s21  }
0x199: {  	v8 =	vor.u32 @!p0 v5, v8;
	v14 =	vmov @!p0 s3  }
0x19a: {  	v15 =	vshll.u32 @!p0 v14, $0x3  }
0x19b: {  	[tilespmem:v11+s28+$0x0] =	vst.idx.msk @!p0 $0xffff, v10;
	v10 =	vand.u32 @!p0 $0x7B, v14;
	v11 =	vand.u32 @!p0 $0x7FFFFC00, v15  }
0x19c: {  	s3 =	simm.s32 @!p0 $0x13280;
	[tilespmem:v9+s28+$0x0] =	vst.idx.msk @!p0 $0xffff, v12;
	v9 =	vor.u32 @!p0 v10, v11  }
0x19d: {  	v10 =	vld.idx.msk @!p0 [tilespmem:v13+s3+$0x0], $0xffff;
	v11 =	vadd.s32 @!p0 v6, v9  }
0x19e: {  	v8 =	vld.idx.msk @!p0 [tilespmem:v8+s3+$0x0], $0xffff;
	v9 =	vadd.s32 @!p0 v7, v9;
	_ =	sdelay $0x3  }
0x19f: {  	[tilespmem:v11+s28+$0x0] =	vst.idx.msk @!p0 $0xffff, v10  }
0x1a0: {  	[tilespmem:v9+s28+$0x0] =	vst.idx.msk @!p0 $0xffff, v8  }
0x1a1: {  	v8 =	vld @!p1 [tilespmem:s20+$0x14];
	_ =	sdelay $0x4  }
0x1a2: {  	(v2sf) =	vpush @!p1 v8, $0x0;
	_ =	sdelay $0x3  }
0x1a3: {  	(v2sf) =	vpush @!p1 v8, $0x1;
	_ =	sdelay $0x3  }
0x1a4: {  	(v2sf) =	vpush @!p1 v8, $0x2;
	_ =	sdelay $0x3  }
0x1a5: {  	(v2sf) =	vpush @!p1 v8, $0x3;
	_ =	sdelay $0x2  }
0x1a6: {  	s3 =	spop @!p1 (v2sf)  }
0x1a7: {  	s3 =	sand.u32 @!p1 $0xFFFFF80, s3  }
0x1a8: {  	s18 =	simm.s32 @!p1 $0x10280;
	s3 =	sadd.s32 @!p1 s0, s3  }
0x1a9: {  	[tilespmem:s18], [sflag:$0x5] =	stream.strided.gather @!p1 [hbm4b:s3+s29], $0x1000, s30, s29, $0x38;
	[tilespmem:$0x1C280] =	vst v63  }
0x1aa: {  	s3 =	spop @!p1 (v2sf)  }
0x1ab: {  	s3 =	sand.u32 @!p1 $0xFFFFF80, s3  }
0x1ac: {  	s18 =	simm.s32 @!p1 $0x11280;
	s3 =	sadd.s32 @!p1 s0, s3  }
0x1ad: {  	[tilespmem:s18], [sflag:$0x5] =	stream.strided.gather @!p1 [hbm4b:s3+s29], $0x1000, s30, s29, $0x38;
	[tilespmem:$0x1C280] =	vst v63  }
0x1ae: {  	s3 =	spop @!p1 (v2sf)  }
0x1af: {  	s3 =	sand.u32 @!p1 $0xFFFFF80, s3  }
0x1b0: {  	s18 =	simm.s32 @!p1 $0x12280;
	s3 =	sadd.s32 @!p1 s0, s3  }
0x1b1: {  	[tilespmem:s18], [sflag:$0x5] =	stream.strided.gather @!p1 [hbm4b:s3+s29], $0x1000, s30, s29, $0x38;
	[tilespmem:$0x1C280] =	vst v63  }
0x1b2: {  	s3 =	spop @!p1 (v2sf)  }
0x1b3: {  	s3 =	sand.u32 @!p1 $0xFFFFF80, s3  }
0x1b4: {  	s18 =	simm.s32 @!p1 $0x13280;
	s3 =	sadd.s32 @!p1 s0, s3  }
0x1b5: {  	[tilespmem:s18], [sflag:$0x5] =	stream.strided.gather @!p1 [hbm4b:s3+s29], $0x1000, s30, s29, $0x38;
	[tilespmem:$0x1C280] =	vst v63  }
0x1b6: {  	s3 =	simm.s32 @!p0 $0x6;
	v8 =	vld @!p0 [tilespmem:s20+$0x0]  }
0x1b7: {  	_ =	swait.ge @!p0 [sflag:s3], $0x1000  }
0x1b8: {  	[sflag:s3] =	ssyncset.done @!p0 $0x0  }
0x1b9: {  	[sflag:s3] =	ssyncadd.s32 @!p0 $0xFFFFF000  }
0x1ba: {  	_ =	swait.ge @!p0 [sflag:s3], $0x1000  }
0x1bb: {  	[sflag:s3] =	ssyncset.done @!p0 $0x0;
	v8 =	vand.u32 @!p0 $0x7F, v8  }
0x1bc: {  	[sflag:s3] =	ssyncadd.s32 @!p0 $0xFFFFF000;
	v9 =	vbroadcast @!p0 v8, $0x0  }
0x1bd: {  	_ =	swait.ge @!p0 [sflag:s3], $0x1000  }
0x1be: {  	s18 =	sadd.s32 @!p0 $0x14, s21;
	[sflag:s3] =	ssyncset.done @!p0 $0x0;
	v10 =	vor.u32 @!p0 v4, v9  }
0x1bf: {  	v11 =	vmov @!p0 s18;
	[sflag:s3] =	ssyncadd.s32 @!p0 $0xFFFFF000;
	v9 =	vor.u32 @!p0 v5, v9  }
0x1c0: {  	v12 =	vshll.u32 @!p0 v11, $0x3;
	_ =	swait.ge @!p0 [sflag:s3], $0x1000  }
0x1c1: {  	v11 =	vand.u32 @!p0 $0x7C, v11;
	v12 =	vand.u32 @!p0 $0x7FFFFC00, v12;
	[sflag:s3] =	ssyncset.done @!p0 $0x0  }
0x1c2: {  	v11 =	vor.u32 @!p0 v11, v12;
	[sflag:s3] =	ssyncadd.s32 @!p0 $0xFFFFF000  }
0x1c3: {  	v12 =	vadd.s32 @!p0 v6, v11;
	v13 =	vbroadcast @!p0 v8, $0x1;
	v10 =	vld.idx.msk @!p0 [tilespmem:v10+s26+$0x0], $0xffff  }
0x1c4: {  	v11 =	vadd.s32 @!p0 v7, v11;
	v9 =	vld.idx.msk @!p0 [tilespmem:v9+s26+$0x0], $0xffff  }
0x1c5: {  	v14 =	vor.u32 @!p0 v4, v13;
	s3 =	sadd.s32 @!p0 $0x15, s21  }
0x1c6: {  	v13 =	vor.u32 @!p0 v5, v13;
	v15 =	vmov @!p0 s3  }
0x1c7: {  	v16 =	vshll.u32 @!p0 v15, $0x3  }
0x1c8: {  	[tilespmem:v12+s28+$0x0] =	vst.idx.msk @!p0 $0xffff, v10;
	v10 =	vand.u32 @!p0 $0x7D, v15;
	v12 =	vand.u32 @!p0 $0x7FFFFC00, v16  }
0x1c9: {  	[tilespmem:v11+s28+$0x0] =	vst.idx.msk @!p0 $0xffff, v9;
	v9 =	vor.u32 @!p0 v10, v12  }
0x1ca: {  	v12 =	vbroadcast @!p0 v8, $0x2;
	v10 =	vld.idx.msk @!p0 [tilespmem:v14+s25+$0x0], $0xffff;
	v11 =	vadd.s32 @!p0 v6, v9  }
0x1cb: {  	v13 =	vld.idx.msk @!p0 [tilespmem:v13+s25+$0x0], $0xffff;
	v9 =	vadd.s32 @!p0 v7, v9  }
0x1cc: {  	s3 =	sadd.s32 @!p0 $0x16, s21;
	v14 =	vor.u32 @!p0 v4, v12  }
0x1cd: {  	v15 =	vmov @!p0 s3;
	v12 =	vor.u32 @!p0 v5, v12  }
0x1ce: {  	v16 =	vshll.u32 @!p0 v15, $0x3  }
0x1cf: {  	[tilespmem:v11+s28+$0x0] =	vst.idx.msk @!p0 $0xffff, v10;
	v10 =	vand.u32 @!p0 $0x7E, v15;
	v11 =	vand.u32 @!p0 $0x7FFFFC00, v16  }
0x1d0: {  	[tilespmem:v9+s28+$0x0] =	vst.idx.msk @!p0 $0xffff, v13;
	v9 =	vor.u32 @!p0 v10, v11  }
0x1d1: {  	v8 =	vbroadcast @!p0 v8, $0x3;
	v10 =	vld.idx.msk @!p0 [tilespmem:v14+s24+$0x0], $0xffff;
	v11 =	vadd.s32 @!p0 v6, v9  }
0x1d2: {  	v12 =	vld.idx.msk @!p0 [tilespmem:v12+s24+$0x0], $0xffff;
	v9 =	vadd.s32 @!p0 v7, v9  }
0x1d3: {  	s3 =	sadd.s32 @!p0 $0x17, s21;
	v4 =	vor.u32 @!p0 v4, v8  }
0x1d4: {  	v5 =	vor.u32 @!p0 v5, v8;
	v13 =	vmov @!p0 s3  }
0x1d5: {  	v8 =	vshll.u32 @!p0 v13, $0x3  }
0x1d6: {  	v8 =	vand.u32 @!p0 $0x7FFFFC00, v8;
	[tilespmem:v11+s28+$0x0] =	vst.idx.msk @!p0 $0xffff, v10;
	v10 =	vand.u32 @!p0 $0x7F, v13  }
0x1d7: {  	s21 =	sadd.s32 @!p0 $0x18, s21;
	[tilespmem:v9+s28+$0x0] =	vst.idx.msk @!p0 $0xffff, v12;
	v8 =	vor.u32 @!p0 v10, v8  }
0x1d8: {  	p1 =	sne.s32 @!p0 s21, $0x210;
	v4 =	vld.idx.msk @!p0 [tilespmem:v4+s23+$0x0], $0xffff;
	v6 =	vadd.s32 @!p0 v6, v8  }
0x1d9: {  	p1 =	por p0, !p1;
	v5 =	vld.idx.msk @!p0 [tilespmem:v5+s23+$0x0], $0xffff;
	v7 =	vadd.s32 @!p0 v7, v8  }
.Ltmp0:
0x1da: {  	_ = 	snop;
	(pc) =	sbr.rel @!p1 .LBB2_2-.Ltmp0, $3  }
0x1db: {  	_ =	sdelay $0x1  }
0x1dc: {  	[tilespmem:v6+s28+$0x0] =	vst.idx.msk @!p0 $0xffff, v4  }
0x1dd: {  	s22 =	sadd.s32 @!p0 $0x1, s22;
	s20 =	sadd.s32 @!p0 $0x18, s20;
	[tilespmem:v7+s28+$0x0] =	vst.idx.msk @!p0 $0xffff, v5  }
0x1de: {  	s19 =	sadd.s32 $0x1, s19  }
0x1df: {  	p0 =	sne.s32 s19, s6  }
.Ltmp1:
0x1e0: {  	s3 =	simm.s32 $0x1000;
	s18 =	simm.s32 $0x20000;
	(pc) =	sbr.rel @p0 .LBB2_1-.Ltmp1, $4  }
0x1e1: {  	[hbm4b:s5+s3] =	stream.strided.scatter [tilespmem:s1], [sflag:$0x7], $0x4000, s18, s3, $0x38;
	[tilespmem:$0x1C280] =	vst v63  }
0x1e2: {  	_ =	swait.ge [sflag:s7], $0x4000  }
0x1e3: {  	[sflag:s7] =	ssyncset.done $0x0  }
0x1e4: {  	[sflag:s7] =	ssyncadd.s32 $0xFFFFC000  }
0x1e5: {  	_ =	sfence.sel $0x180000  }
0x1e6: {  	[bflag:$0x0] =	sbarrier.arrive $0xFFFF  }
0x1e7: {  	_ =	strace $0x90000047  }
0x1e8: {  	s0 =	stileid.u32;
	[bflag:$0x2] =	sbarrier.arrive $0xFFFF  }
0x1e9: {  	p0 =	sne.s32 s0, $0x0;
	s0 =	rddreg [dreg:$0x3]  }
0x1ea: {  	s0 =	sadd.s32 @!p0 $0x100000, s0  }
0x1eb: {  	[sflag:s0] =	ssyncadd.tile.s32 @!p0 $0x1;
	_ =	shalt  }
.Lfunc_end2:
_tile_overlayer_lowered:
.L_overlay_start_2:
0x1ec: {  	(tag) =	ssettag $0x2  }
0x1ed: {  	s0 =	rddreg [dreg:$0x0];
	s2 =	stileid.u32  }
0x1ee: {  	s1 =	rddreg [dreg:$0x1];
	p0 =	sne.s32 s2, $0x0  }
0x1ef: {  	s3 =	rddreg [dreg:$0x2];
	[bflag:$0x3] =	sbarrier.arrive $0xFFFF;
	s2 =	simm.s32 @!p0 $0x1C07  }
0x1f0: {  	[timem:s3], [sflag:s2] =	dma.local @!p0 [hbm:s0], s1  }
0x1f1: {  	s0 =	simm.s32 @!p0 $0x7  }
0x1f2: {  	_ =	swait.ge @!p0 [sflag:s0], s1  }
0x1f3: {  	s1 =	ssub.s32 @!p0 $0x0, s1;
	[sflag:s0] =	ssyncset.done @!p0 $0x0  }
0x1f4: {  	[sflag:s0] =	ssyncadd.s32 @!p0 s1  }
0x1f5: {  	[bflag:$0x3] =	sbarrier.arrive $0xFFFF  }
0x1f6: {  	_ =	shalt  }

</sc_bundles>
